<compile_context>
chip_gen: v7x
topology: tpu7x:2x2x1
jax: 0.10.2.dev20260603
libtpu: 0.0.44.dev20260713+nightly
codegen_flags: <defaults>
</compile_context>

<pallas_src>
import functools

import jax
import jax.numpy as jnp
from jax import lax
from jax.experimental import pallas as pl
from jax.experimental.pallas import tpu as pltpu
from jax.experimental.pallas import tpu_sc as plsc

EPS = 1e-6
OUT_SIZE = 4096
IN_SIZE = 4096
B, K, C = 4, 8192, 4
RANK = 2
GADD, RADD = 2, 2
RR = 128.0

BK = B * K
L = (2 ** RANK + GADD + RADD) * C
N = BK * L

BLK = 2048
GRID = BK // BLK
LOG2E = 1.4426950408889634

NW = 32
NROWS = N // 128
ROWS_PER_TILE = NROWS // NW
CHUNK_ROWS = 64
NCHUNK = ROWS_PER_TILE // CHUNK_ROWS
ACC_ROWS = B * OUT_SIZE // 128


def _sample_consts_math():
    skey = jax.random.key(12345)
    s1, s2 = jax.random.split(skey)
    rng = jnp.array([float(OUT_SIZE), float(IN_SIZE)], dtype=jnp.float32)
    samp = jax.random.uniform(s1, (B, K, C, GADD, RANK), dtype=jnp.float32) * (1.0 - EPS)
    sampled = jnp.floor(samp * rng)
    rr = jax.random.uniform(s2, (B, K, C, RADD, RANK), dtype=jnp.float32) * (1.0 - EPS)
    rrs = rr * jnp.float32(RR)
    smp_rows = jnp.transpose(sampled.reshape(BK, C * GADD * RANK))
    rrs_rows = jnp.transpose(rrs.reshape(BK, C * RADD * RANK))
    return smp_rows, rrs_rows


def _precompute_sample_consts():
    import numpy as np
    try:
        try:
            dev = jax.local_devices(backend="cpu")[0]
        except RuntimeError:
            dev = None
        if dev is not None:
            with jax.default_device(dev):
                a, b = _sample_consts_math()
                return np.asarray(a), np.asarray(b)
        a, b = _sample_consts_math()
        return np.asarray(a), np.asarray(b)
    except Exception:
        return None


_SAMPLE_CONSTS = _precompute_sample_consts()


def _sample_consts():
    if _SAMPLE_CONSTS is not None:
        return jnp.asarray(_SAMPLE_CONSTS[0]), jnp.asarray(_SAMPLE_CONSTS[1])
    return _sample_consts_math()


def _dense_body(m_ref, s_ref, v_ref, smp_ref, rrs_ref,
                val_ref, pk_ref, props_ref):
    m = [m_ref[i, :] for i in range(2 * C)]
    inv = [jnp.float32(-0.5 * LOG2E) / (EPS + s_ref[i, :]) for i in range(2 * C)]

    pts = []
    for c in range(C):
        m0, m1 = m[2 * c], m[2 * c + 1]
        f0, c0 = jnp.floor(m0), jnp.ceil(m0)
        f1, c1 = jnp.floor(m1), jnp.ceil(m1)
        pts += [(f0, f1), (f0, c1), (c0, f1), (c0, c1)]
        for g in range(GADD):
            r0 = (c * GADD + g) * RANK
            pts.append((smp_ref[r0, :], smp_ref[r0 + 1, :]))
        rnd0, rnd1 = jnp.round(m0), jnp.round(m1)
        half = jnp.float32(RR * 0.5)
        fs = jnp.float32(float(OUT_SIZE))
        lo0 = jnp.maximum(rnd0 - half, 0.0)
        lo0 = jnp.where(rnd0 + half > fs, fs - jnp.float32(RR), lo0)
        lo1 = jnp.maximum(rnd1 - half, 0.0)
        lo1 = jnp.where(rnd1 + half > fs, fs - jnp.float32(RR), lo1)
        for a in range(RADD):
            r0 = (c * RADD + a) * RANK
            pts.append((jnp.floor(rrs_ref[r0, :] + lo0),
                        jnp.floor(rrs_ref[r0 + 1, :] + lo1)))

    denom = [None] * C
    for l, (p0, p1) in enumerate(pts):
        for c2 in range(C):
            d0 = p0 - m[2 * c2]
            d1 = p1 - m[2 * c2 + 1]
            pr = jnp.exp2(d0 * d0 * inv[2 * c2] + d1 * d1 * inv[2 * c2 + 1])
            props_ref[l * C + c2, :] = pr
            denom[c2] = pr if l == 0 else denom[c2] + pr
    w = [v_ref[c2, :] / denom[c2] for c2 in range(C)]

    for l, (p0, p1) in enumerate(pts):
        acc = props_ref[l * C + 0, :] * w[0]
        for c2 in range(1, C):
            acc = acc + props_ref[l * C + c2, :] * w[c2]
        val_ref[l, :] = acc
        oi = jnp.clip(p0.astype(jnp.int32), 0, OUT_SIZE - 1)
        ii = jnp.clip(p1.astype(jnp.int32), 0, IN_SIZE - 1)
        pk_ref[l, :] = lax.bitwise_or(lax.shift_left(oi, 12), ii)


def _dense_stage(means, sigmas, values):
    smp_rows, rrs_rows = _sample_consts()
    m_rows = jnp.transpose(means.reshape(BK, 2 * C))
    s_rows = jnp.transpose(sigmas.reshape(BK, 2 * C))
    v_rows = jnp.transpose(values.reshape(BK, C))
    spec = lambda q: pl.BlockSpec((q, BLK), lambda j: (0, j))
    val, pk = pl.pallas_call(
        _dense_body,
        grid=(GRID,),
        in_specs=[spec(2 * C), spec(2 * C), spec(C),
                  spec(C * GADD * RANK), spec(C * RADD * RANK)],
        out_specs=[spec(L), spec(L)],
        out_shape=[
            jax.ShapeDtypeStruct((L, BK), jnp.float32),
            jax.ShapeDtypeStruct((L, BK), jnp.int32),
        ],
        scratch_shapes=[pltpu.VMEM((L * C, BLK), jnp.float32)],
    )(m_rows, s_rows, v_rows, smp_rows, rrs_rows)
    return val, pk


def _sc_body(inp_hbm, pk_hbm, val_hbm, zeros_hbm, part_hbm,
             inp_v, acc_v, pk_v, val_v, rowidx_v, acc_sh, sem):
    cid = lax.axis_index("c")
    sid = lax.axis_index("s")
    wid = cid * 16 + sid
    b = wid // 8
    l0 = (wid % 8) * 4

    cps = [pltpu.async_copy(inp_hbm.at[b], inp_v, sem),
           pltpu.async_copy(zeros_hbm, acc_v, sem)]
    for q in range(4):
        cps.append(pltpu.async_copy(
            pk_hbm.at[l0 + q, pl.ds(b * K, K)],
            pk_v.at[pl.ds(q * K, K)], sem))
        cps.append(pltpu.async_copy(
            val_hbm.at[l0 + q, pl.ds(b * K, K)],
            val_v.at[pl.ds(q * K, K)], sem))
    for q in range(2):
        rowidx_v[pl.ds(q * 16, 16)] = lax.iota(jnp.int32, 16) + (b * 32 + q * 16)

    for t in range(4):
        @pl.when(sid == t)
        def _init(_t=t):
            pltpu.sync_copy(zeros_hbm, acc_sh.at[pl.ds(_t * 32, 32)])

    for cp in cps:
        cp.wait()

    plsc.subcore_barrier()

    def body(i, carry):
        b0 = i * 64
        pks = [pk_v[pl.ds(b0 + g * 16, 16)] for g in range(4)]
        vvs = [val_v[pl.ds(b0 + g * 16, 16)] for g in range(4)]
        gs = [plsc.load_gather(inp_v, [lax.bitwise_and(pks[g], 4095)])
              for g in range(4)]
        for g in range(4):
            oi = lax.shift_right_logical(pks[g], 12)
            plsc.addupdate_scatter(
                acc_v, [lax.shift_right_logical(oi, 7),
                        lax.bitwise_and(oi, 127)], gs[g] * vvs[g])
        return carry

    lax.fori_loop(0, BK // 64, body, 0)

    pltpu.sync_copy(acc_v, acc_sh.at[rowidx_v], add=True)

    plsc.subcore_barrier()

    @pl.when(sid == 0)
    def _flush():
        pltpu.sync_copy(acc_sh, part_hbm.at[cid])


def _sparse_stage(inp2d, pk, val):
    mesh = plsc.VectorSubcoreMesh(core_axis_name="c", subcore_axis_name="s")
    zeros = jnp.zeros((32, 128), jnp.float32)
    run = pl.kernel(
        _sc_body,
        out_type=jax.ShapeDtypeStruct((2, ACC_ROWS, 128), jnp.float32),
        mesh=mesh,
        compiler_params=pltpu.CompilerParams(needs_layout_passes=False),
        scratch_types=[
            pltpu.VMEM((IN_SIZE,), jnp.float32),
            pltpu.VMEM((32, 128), jnp.float32),
            pltpu.VMEM((BK,), jnp.int32),
            pltpu.VMEM((BK,), jnp.float32),
            pltpu.VMEM((32,), jnp.int32),
            pltpu.VMEM_SHARED((ACC_ROWS, 128), jnp.float32),
            pltpu.SemaphoreType.DMA,
        ],
    )
    return run(inp2d, pk, val, zeros)


def kernel(input, means, sigmas, values, bias):
    val, pk = _dense_stage(means, sigmas, values)
    part = _sparse_stage(input, pk, val)
    y = (part[0] + part[1]).reshape(B, OUT_SIZE)
    return y + bias[None, :]

# --- scband reference (transcript-rebuilt; emitter-appended) ---
"""Pipeline reference for scband-sparse-layer-56281251447203 (READ-ONLY COPY).

The authoritative reference and input builder live on the scoring server;
editing this copy changes nothing except your own understanding.
"""

import jax, jax.numpy as jnp
import numpy as np
import itertools

EPSILON = 1e-6
OUT_SIZE = 4096
IN_SIZE = 4096
B, K, C = 4, 8192, 4
RANK = 2
GADD, RADD = 2, 2
RRANGE = (128.0, 128.0)


def setup_inputs(seed: int = 0):
    key = jax.random.key(seed)
    k1, k2, k3, k4, k5 = jax.random.split(key, 5)
    inp = jax.random.normal(k1, (B, IN_SIZE), dtype=jnp.float32)
    rng = jnp.array([OUT_SIZE - 1, IN_SIZE - 1], dtype=jnp.float32)
    # learned continuous index tuples (means), diagonal covariances (sigmas), values, dense bias
    means = jax.random.uniform(k2, (B, K, C, RANK), dtype=jnp.float32) * rng
    sigmas = jax.random.uniform(k3, (B, K, C, RANK), dtype=jnp.float32) * 1.5 + 0.5
    values = jax.random.normal(k4, (B, K, C), dtype=jnp.float32) * 0.1
    bias = jax.random.normal(k5, (OUT_SIZE,), dtype=jnp.float32) * 0.01
    return {"input": inp, "means": means, "sigmas": sigmas, "values": values, "bias": bias}


def _generate_integer_tuples(means):
    # faithful port of SparseLayer.generate_integer_tuples (fixed sampling key for determinism)
    b, k, c, rank = means.shape
    rng = jnp.array([float(OUT_SIZE), float(IN_SIZE)], dtype=jnp.float32)
    # floor mask: all 2^rank floor/ceil combinations
    fm = jnp.array([[bool(x) for x in t] for t in itertools.product([True, False], repeat=rank)])
    m = means[:, :, :, None, :]  # (b,k,c,1,rank)
    neighbor_ints = jnp.where(fm[None, None, None, :, :], jnp.floor(m), jnp.ceil(m)).astype(jnp.int32)  # (b,k,c,2^rank,rank)
    skey = jax.random.key(12345)
    s1, s2 = jax.random.split(skey)
    # global uniform samples over the whole tensor
    samp = jax.random.uniform(s1, (b, k, c, GADD, rank), dtype=jnp.float32) * (1.0 - EPSILON)
    sampled_ints = jnp.floor(samp * rng).astype(jnp.int32)
    # local samples in a small region around each tuple
    rr = jax.random.uniform(s2, (b, k, c, RADD, rank), dtype=jnp.float32) * (1.0 - EPSILON)
    rrng = jnp.array(RRANGE, dtype=jnp.float32)
    mns = jnp.round(means)[:, :, :, None, :]
    lower = mns - rrng * 0.5
    upper = mns + rrng * 0.5
    lower = jnp.where(lower < 0.0, 0.0, lower)
    lower = jnp.where(upper > rng, rng - rrng, lower)
    rr_ints = jnp.floor(rr * rrng + lower).astype(jnp.int32)
    allints = jnp.concatenate([neighbor_ints, jnp.broadcast_to(sampled_ints, sampled_ints.shape), rr_ints], axis=3)
    return allints.reshape(b, k, -1, rank)


def _densities(points, means, sigmas):
    # points: (b,k,l,rank); means, sigmas: (b,k,c,rank) -> (b,k,l,c)
    p = points[:, :, :, None, :]
    m = means[:, :, None, :, :]
    s = sigmas[:, :, None, :, :]
    s_sq = jnp.sqrt(1.0 / (EPSILON + s))
    diff = (p - m) * s_sq
    products = jnp.sum(diff * diff, axis=-1)
    return jnp.exp(-0.5 * products)


def reference(input, means, sigmas, values, bias):
    b, k, c, rank = means.shape
    indices = _generate_integer_tuples(means)  # (b,k,l,rank) int
    indfl = indices.astype(jnp.float32)
    props = _densities(indfl, means, sigmas)  # (b,k,l,c)
    props = props / jnp.sum(props, axis=2, keepdims=True)
    vals = jnp.sum(props * values[:, :, None, :], axis=3)  # (b,k,l)
    l = indices.shape[2]
    flat_idx = indices.reshape(b, k * l, rank)
    flat_vals = vals.reshape(b, k * l)
    out_idx = jnp.clip(flat_idx[:, :, 0], 0, OUT_SIZE - 1)
    in_idx = jnp.clip(flat_idx[:, :, 1], 0, IN_SIZE - 1)
    gathered = jnp.take_along_axis(input, in_idx, axis=1)  # gather from input
    contrib = flat_vals * gathered
    batch_ix = jnp.arange(b)[:, None]
    y = jnp.zeros((b, OUT_SIZE), dtype=input.dtype).at[batch_ix, out_idx].add(contrib)  # scatter-add
    return y + bias[None, :]

if __name__ == "__main__":
    import jax
    _d = setup_inputs()
    print(jax.jit(kernel)(*tuple(_d.values())))

</pallas_src>

<mosaic_0001>
#map = affine_map<(d0, d1) -> (0, 0)>
#map1 = affine_map<(d0, d1) -> (0, 0, 0)>
module attributes {stable_mosaic.version = 14 : i64} {
  func.func @_sc_body(%arg0: i32, %arg1: i32, %arg2: memref<4x4096xf32, #tpu.memory_space<hbm>>, %arg3: memref<32x32768xi32, #tpu.memory_space<hbm>>, %arg4: memref<32x32768xf32, #tpu.memory_space<hbm>>, %arg5: memref<32x128xf32, #tpu.memory_space<hbm>>, %arg6: memref<2x128x128xf32, #tpu.memory_space<hbm>>, %arg7: memref<4096xf32, #tpu.memory_space<vmem>>, %arg8: memref<32x128xf32, #tpu.memory_space<vmem>>, %arg9: memref<32768xi32, #tpu.memory_space<vmem>>, %arg10: memref<32768xf32, #tpu.memory_space<vmem>>, %arg11: memref<32xi32, #tpu.memory_space<vmem>>, %arg12: memref<128x128xf32, #tpu.memory_space<vmem_shared>>, %arg13: memref<!tpu.dma_semaphore, #tpu.memory_space<semaphore_mem>>) attributes {dimension_semantics = [#tpu.dimension_semantics<core_parallel>, #tpu.dimension_semantics<subcore_parallel>], iteration_bounds = array<i64: 2, 16>, scalar_prefetch = 0 : i64, scratch_operands = 7 : i64, tpu.core_type = #tpu.core_type<sc_vector_subcore>, window_params = [{transform_indices = #map}, {transform_indices = #map}, {transform_indices = #map}, {transform_indices = #map}, {transform_indices = #map1}]} {
    %mul3A = arith.constant 16 : i32
    %mul3A_0 = arith.muli %arg0, %mul3A : i32
    %add3A = arith.addi %mul3A_0, %arg1 : i32
    %jit3A = arith.constant 8 : i32
    %div3A = arith.divsi %add3A, %jit3A : i32
    %sign3A = arith.constant 0 : i32
    %sign3A_1 = arith.cmpi sgt, %add3A, %sign3A : i32
    %sign3A_2 = arith.extui %sign3A_1 : i1 to i32
    %sign3A_3 = arith.constant 0 : i32
    %sign3A_4 = arith.cmpi slt, %add3A, %sign3A_3 : i32
    %sign3A_5 = arith.extui %sign3A_4 : i1 to i32
    %sign3A_6 = arith.subi %sign3A_2, %sign3A_5 : i32
    %sign3A_7 = arith.constant 0 : i32
    %sign3A_8 = arith.cmpi sgt, %jit3A, %sign3A_7 : i32
    %sign3A_9 = arith.extui %sign3A_8 : i1 to i32
    %sign3A_10 = arith.constant 0 : i32
    %sign3A_11 = arith.cmpi slt, %jit3A, %sign3A_10 : i32
    %sign3A_12 = arith.extui %sign3A_11 : i1 to i32
    %sign3A_13 = arith.subi %sign3A_9, %sign3A_12 : i32
    %ne3A = arith.cmpi ne, %sign3A_6, %sign3A_13 : i32
    %rem3A = arith.remsi %add3A, %jit3A : i32
    %ne3A_14 = arith.constant 0 : i32
    %ne3A_15 = arith.cmpi ne, %rem3A, %ne3A_14 : i32
    %and3A = arith.andi %ne3A, %ne3A_15 : i1
    %sub3A = arith.constant 1 : i32
    %sub3A_16 = arith.subi %div3A, %sub3A : i32
    %select_n3A = arith.select %and3A, %sub3A_16, %div3A : i32
    %jit3A_17 = arith.constant 8 : i32
    %eq3A = arith.constant 0 : i32
    %eq3A_18 = arith.cmpi eq, %jit3A_17, %eq3A : i32
    %jit3A_19 = arith.constant 1 : i32
    %select_n3A_20 = arith.select %eq3A_18, %jit3A_19, %jit3A_17 : i32
    %rem3A_21 = arith.remsi %add3A, %select_n3A_20 : i32
    %ne3A_22 = arith.constant 0 : i32
    %ne3A_23 = arith.cmpi ne, %rem3A_21, %ne3A_22 : i32
    %lt3A = arith.constant 0 : i32
    %lt3A_24 = arith.cmpi slt, %rem3A_21, %lt3A : i32
    %lt3A_25 = arith.constant 0 : i32
    %lt3A_26 = arith.cmpi slt, %select_n3A_20, %lt3A_25 : i32
    %ne3A_27 = arith.xori %lt3A_24, %lt3A_26 : i1
    %and3A_28 = arith.andi %ne3A_27, %ne3A_23 : i1
    %add3A_29 = arith.addi %rem3A_21, %select_n3A_20 : i32
    %select_n3A_30 = arith.select %and3A_28, %add3A_29, %rem3A_21 : i32
    %mul3A_31 = arith.constant 4 : i32
    %mul3A_32 = arith.muli %select_n3A_30, %mul3A_31 : i32
    %dma_start3A = arith.constant 0 : i32
    %dma_start3A_33 = tpu.memref_slice %arg2[%select_n3A, %dma_start3A] : memref<4x4096xf32, #tpu.memory_space<hbm>> -> memref<1x4096xf32, #tpu.memory_space<hbm>>
    %dma_start3A_34 = tpu.memref_squeeze %dma_start3A_33 : memref<1x4096xf32, #tpu.memory_space<hbm>> -> memref<4096xf32, #tpu.memory_space<hbm>>
    %dma_start3A_35 = arith.constant 0 : i32
    %dma_start3A_36 = tpu.memref_slice %arg2[%select_n3A, %dma_start3A_35] : memref<4x4096xf32, #tpu.memory_space<hbm>> -> memref<1x4096xf32, #tpu.memory_space<hbm>>
    %dma_start3A_37 = tpu.memref_squeeze %dma_start3A_36 : memref<1x4096xf32, #tpu.memory_space<hbm>> -> memref<4096xf32, #tpu.memory_space<hbm>>
    tpu.enqueue_dma source(%dma_start3A_37 : memref<4096xf32, #tpu.memory_space<hbm>>) target(%arg7 : memref<4096xf32, #tpu.memory_space<vmem>>) target_semaphore(%arg13 : memref<!tpu.dma_semaphore, #tpu.memory_space<semaphore_mem>>)
    tpu.enqueue_dma source(%arg5 : memref<32x128xf32, #tpu.memory_space<hbm>>) target(%arg8 : memref<32x128xf32, #tpu.memory_space<vmem>>) target_semaphore(%arg13 : memref<!tpu.dma_semaphore, #tpu.memory_space<semaphore_mem>>)
    %add3A_38 = arith.constant 0 : i32
    %add3A_39 = arith.addi %mul3A_32, %add3A_38 : i32
    %mul3A_40 = arith.constant 8192 : i32
    %mul3A_41 = arith.muli %select_n3A, %mul3A_40 : i32
    %dma_start3A_42 = arith.constant 0 : i32
    %dma_start3A_43 = tpu.memref_slice %arg9[%dma_start3A_42] : memref<32768xi32, #tpu.memory_space<vmem>> -> memref<8192xi32, #tpu.memory_space<vmem>>
    %dma_start3A_44 = tpu.memref_slice %arg3[%add3A_39, %mul3A_41] : memref<32x32768xi32, #tpu.memory_space<hbm>> -> memref<1x8192xi32, #tpu.memory_space<hbm>>
    %dma_start3A_45 = tpu.memref_squeeze %dma_start3A_44 : memref<1x8192xi32, #tpu.memory_space<hbm>> -> memref<8192xi32, #tpu.memory_space<hbm>>
    %dma_start3A_46 = arith.constant 0 : i32
    %dma_start3A_47 = tpu.memref_slice %arg9[%dma_start3A_46] : memref<32768xi32, #tpu.memory_space<vmem>> -> memref<8192xi32, #tpu.memory_space<vmem>>
    %dma_start3A_48 = tpu.memref_slice %arg3[%add3A_39, %mul3A_41] : memref<32x32768xi32, #tpu.memory_space<hbm>> -> memref<1x8192xi32, #tpu.memory_space<hbm>>
    %dma_start3A_49 = tpu.memref_squeeze %dma_start3A_48 : memref<1x8192xi32, #tpu.memory_space<hbm>> -> memref<8192xi32, #tpu.memory_space<hbm>>
    tpu.enqueue_dma source(%dma_start3A_49 : memref<8192xi32, #tpu.memory_space<hbm>>) target(%dma_start3A_47 : memref<8192xi32, #tpu.memory_space<vmem>>) target_semaphore(%arg13 : memref<!tpu.dma_semaphore, #tpu.memory_space<semaphore_mem>>)
    %add3A_50 = arith.constant 0 : i32
    %add3A_51 = arith.addi %mul3A_32, %add3A_50 : i32
    %mul3A_52 = arith.constant 8192 : i32
    %mul3A_53 = arith.muli %select_n3A, %mul3A_52 : i32
    %dma_start3A_54 = arith.constant 0 : i32
    %dma_start3A_55 = tpu.memref_slice %arg10[%dma_start3A_54] : memref<32768xf32, #tpu.memory_space<vmem>> -> memref<8192xf32, #tpu.memory_space<vmem>>
    %dma_start3A_56 = tpu.memref_slice %arg4[%add3A_51, %mul3A_53] : memref<32x32768xf32, #tpu.memory_space<hbm>> -> memref<1x8192xf32, #tpu.memory_space<hbm>>
    %dma_start3A_57 = tpu.memref_squeeze %dma_start3A_56 : memref<1x8192xf32, #tpu.memory_space<hbm>> -> memref<8192xf32, #tpu.memory_space<hbm>>
    %dma_start3A_58 = arith.constant 0 : i32
    %dma_start3A_59 = tpu.memref_slice %arg10[%dma_start3A_58] : memref<32768xf32, #tpu.memory_space<vmem>> -> memref<8192xf32, #tpu.memory_space<vmem>>
    %dma_start3A_60 = tpu.memref_slice %arg4[%add3A_51, %mul3A_53] : memref<32x32768xf32, #tpu.memory_space<hbm>> -> memref<1x8192xf32, #tpu.memory_space<hbm>>
    %dma_start3A_61 = tpu.memref_squeeze %dma_start3A_60 : memref<1x8192xf32, #tpu.memory_space<hbm>> -> memref<8192xf32, #tpu.memory_space<hbm>>
    tpu.enqueue_dma source(%dma_start3A_61 : memref<8192xf32, #tpu.memory_space<hbm>>) target(%dma_start3A_59 : memref<8192xf32, #tpu.memory_space<vmem>>) target_semaphore(%arg13 : memref<!tpu.dma_semaphore, #tpu.memory_space<semaphore_mem>>)
    %add3A_62 = arith.constant 1 : i32
    %add3A_63 = arith.addi %mul3A_32, %add3A_62 : i32
    %mul3A_64 = arith.constant 8192 : i32
    %mul3A_65 = arith.muli %select_n3A, %mul3A_64 : i32
    %dma_start3A_66 = arith.constant 8192 : i32
    %dma_start3A_67 = tpu.memref_slice %arg9[%dma_start3A_66] : memref<32768xi32, #tpu.memory_space<vmem>> -> memref<8192xi32, #tpu.memory_space<vmem>>
    %dma_start3A_68 = tpu.memref_slice %arg3[%add3A_63, %mul3A_65] : memref<32x32768xi32, #tpu.memory_space<hbm>> -> memref<1x8192xi32, #tpu.memory_space<hbm>>
    %dma_start3A_69 = tpu.memref_squeeze %dma_start3A_68 : memref<1x8192xi32, #tpu.memory_space<hbm>> -> memref<8192xi32, #tpu.memory_space<hbm>>
    %dma_start3A_70 = arith.constant 8192 : i32
    %dma_start3A_71 = tpu.memref_slice %arg9[%dma_start3A_70] : memref<32768xi32, #tpu.memory_space<vmem>> -> memref<8192xi32, #tpu.memory_space<vmem>>
    %dma_start3A_72 = tpu.memref_slice %arg3[%add3A_63, %mul3A_65] : memref<32x32768xi32, #tpu.memory_space<hbm>> -> memref<1x8192xi32, #tpu.memory_space<hbm>>
    %dma_start3A_73 = tpu.memref_squeeze %dma_start3A_72 : memref<1x8192xi32, #tpu.memory_space<hbm>> -> memref<8192xi32, #tpu.memory_space<hbm>>
    tpu.enqueue_dma source(%dma_start3A_73 : memref<8192xi32, #tpu.memory_space<hbm>>) target(%dma_start3A_71 : memref<8192xi32, #tpu.memory_space<vmem>>) target_semaphore(%arg13 : memref<!tpu.dma_semaphore, #tpu.memory_space<semaphore_mem>>)
    %add3A_74 = arith.constant 1 : i32
    %add3A_75 = arith.addi %mul3A_32, %add3A_74 : i32
    %mul3A_76 = arith.constant 8192 : i32
    %mul3A_77 = arith.muli %select_n3A, %mul3A_76 : i32
    %dma_start3A_78 = arith.constant 8192 : i32
    %dma_start3A_79 = tpu.memref_slice %arg10[%dma_start3A_78] : memref<32768xf32, #tpu.memory_space<vmem>> -> memref<8192xf32, #tpu.memory_space<vmem>>
    %dma_start3A_80 = tpu.memref_slice %arg4[%add3A_75, %mul3A_77] : memref<32x32768xf32, #tpu.memory_space<hbm>> -> memref<1x8192xf32, #tpu.memory_space<hbm>>
    %dma_start3A_81 = tpu.memref_squeeze %dma_start3A_80 : memref<1x8192xf32, #tpu.memory_space<hbm>> -> memref<8192xf32, #tpu.memory_space<hbm>>
    %dma_start3A_82 = arith.constant 8192 : i32
    %dma_start3A_83 = tpu.memref_slice %arg10[%dma_start3A_82] : memref<32768xf32, #tpu.memory_space<vmem>> -> memref<8192xf32, #tpu.memory_space<vmem>>
    %dma_start3A_84 = tpu.memref_slice %arg4[%add3A_75, %mul3A_77] : memref<32x32768xf32, #tpu.memory_space<hbm>> -> memref<1x8192xf32, #tpu.memory_space<hbm>>
    %dma_start3A_85 = tpu.memref_squeeze %dma_start3A_84 : memref<1x8192xf32, #tpu.memory_space<hbm>> -> memref<8192xf32, #tpu.memory_space<hbm>>
    tpu.enqueue_dma source(%dma_start3A_85 : memref<8192xf32, #tpu.memory_space<hbm>>) target(%dma_start3A_83 : memref<8192xf32, #tpu.memory_space<vmem>>) target_semaphore(%arg13 : memref<!tpu.dma_semaphore, #tpu.memory_space<semaphore_mem>>)
    %add3A_86 = arith.constant 2 : i32
    %add3A_87 = arith.addi %mul3A_32, %add3A_86 : i32
    %mul3A_88 = arith.constant 8192 : i32
    %mul3A_89 = arith.muli %select_n3A, %mul3A_88 : i32
    %dma_start3A_90 = arith.constant 16384 : i32
    %dma_start3A_91 = tpu.memref_slice %arg9[%dma_start3A_90] : memref<32768xi32, #tpu.memory_space<vmem>> -> memref<8192xi32, #tpu.memory_space<vmem>>
    %dma_start3A_92 = tpu.memref_slice %arg3[%add3A_87, %mul3A_89] : memref<32x32768xi32, #tpu.memory_space<hbm>> -> memref<1x8192xi32, #tpu.memory_space<hbm>>
    %dma_start3A_93 = tpu.memref_squeeze %dma_start3A_92 : memref<1x8192xi32, #tpu.memory_space<hbm>> -> memref<8192xi32, #tpu.memory_space<hbm>>
    %dma_start3A_94 = arith.constant 16384 : i32
    %dma_start3A_95 = tpu.memref_slice %arg9[%dma_start3A_94] : memref<32768xi32, #tpu.memory_space<vmem>> -> memref<8192xi32, #tpu.memory_space<vmem>>
    %dma_start3A_96 = tpu.memref_slice %arg3[%add3A_87, %mul3A_89] : memref<32x32768xi32, #tpu.memory_space<hbm>> -> memref<1x8192xi32, #tpu.memory_space<hbm>>
    %dma_start3A_97 = tpu.memref_squeeze %dma_start3A_96 : memref<1x8192xi32, #tpu.memory_space<hbm>> -> memref<8192xi32, #tpu.memory_space<hbm>>
    tpu.enqueue_dma source(%dma_start3A_97 : memref<8192xi32, #tpu.memory_space<hbm>>) target(%dma_start3A_95 : memref<8192xi32, #tpu.memory_space<vmem>>) target_semaphore(%arg13 : memref<!tpu.dma_semaphore, #tpu.memory_space<semaphore_mem>>)
    %add3A_98 = arith.constant 2 : i32
    %add3A_99 = arith.addi %mul3A_32, %add3A_98 : i32
    %mul3A_100 = arith.constant 8192 : i32
    %mul3A_101 = arith.muli %select_n3A, %mul3A_100 : i32
    %dma_start3A_102 = arith.constant 16384 : i32
    %dma_start3A_103 = tpu.memref_slice %arg10[%dma_start3A_102] : memref<32768xf32, #tpu.memory_space<vmem>> -> memref<8192xf32, #tpu.memory_space<vmem>>
    %dma_start3A_104 = tpu.memref_slice %arg4[%add3A_99, %mul3A_101] : memref<32x32768xf32, #tpu.memory_space<hbm>> -> memref<1x8192xf32, #tpu.memory_space<hbm>>
    %dma_start3A_105 = tpu.memref_squeeze %dma_start3A_104 : memref<1x8192xf32, #tpu.memory_space<hbm>> -> memref<8192xf32, #tpu.memory_space<hbm>>
    %dma_start3A_106 = arith.constant 16384 : i32
    %dma_start3A_107 = tpu.memref_slice %arg10[%dma_start3A_106] : memref<32768xf32, #tpu.memory_space<vmem>> -> memref<8192xf32, #tpu.memory_space<vmem>>
    %dma_start3A_108 = tpu.memref_slice %arg4[%add3A_99, %mul3A_101] : memref<32x32768xf32, #tpu.memory_space<hbm>> -> memref<1x8192xf32, #tpu.memory_space<hbm>>
    %dma_start3A_109 = tpu.memref_squeeze %dma_start3A_108 : memref<1x8192xf32, #tpu.memory_space<hbm>> -> memref<8192xf32, #tpu.memory_space<hbm>>
    tpu.enqueue_dma source(%dma_start3A_109 : memref<8192xf32, #tpu.memory_space<hbm>>) target(%dma_start3A_107 : memref<8192xf32, #tpu.memory_space<vmem>>) target_semaphore(%arg13 : memref<!tpu.dma_semaphore, #tpu.memory_space<semaphore_mem>>)
    %add3A_110 = arith.constant 3 : i32
    %add3A_111 = arith.addi %mul3A_32, %add3A_110 : i32
    %mul3A_112 = arith.constant 8192 : i32
    %mul3A_113 = arith.muli %select_n3A, %mul3A_112 : i32
    %dma_start3A_114 = arith.constant 24576 : i32
    %dma_start3A_115 = tpu.memref_slice %arg9[%dma_start3A_114] : memref<32768xi32, #tpu.memory_space<vmem>> -> memref<8192xi32, #tpu.memory_space<vmem>>
    %dma_start3A_116 = tpu.memref_slice %arg3[%add3A_111, %mul3A_113] : memref<32x32768xi32, #tpu.memory_space<hbm>> -> memref<1x8192xi32, #tpu.memory_space<hbm>>
    %dma_start3A_117 = tpu.memref_squeeze %dma_start3A_116 : memref<1x8192xi32, #tpu.memory_space<hbm>> -> memref<8192xi32, #tpu.memory_space<hbm>>
    %dma_start3A_118 = arith.constant 24576 : i32
    %dma_start3A_119 = tpu.memref_slice %arg9[%dma_start3A_118] : memref<32768xi32, #tpu.memory_space<vmem>> -> memref<8192xi32, #tpu.memory_space<vmem>>
    %dma_start3A_120 = tpu.memref_slice %arg3[%add3A_111, %mul3A_113] : memref<32x32768xi32, #tpu.memory_space<hbm>> -> memref<1x8192xi32, #tpu.memory_space<hbm>>
    %dma_start3A_121 = tpu.memref_squeeze %dma_start3A_120 : memref<1x8192xi32, #tpu.memory_space<hbm>> -> memref<8192xi32, #tpu.memory_space<hbm>>
    tpu.enqueue_dma source(%dma_start3A_121 : memref<8192xi32, #tpu.memory_space<hbm>>) target(%dma_start3A_119 : memref<8192xi32, #tpu.memory_space<vmem>>) target_semaphore(%arg13 : memref<!tpu.dma_semaphore, #tpu.memory_space<semaphore_mem>>)
    %add3A_122 = arith.constant 3 : i32
    %add3A_123 = arith.addi %mul3A_32, %add3A_122 : i32
    %mul3A_124 = arith.constant 8192 : i32
    %mul3A_125 = arith.muli %select_n3A, %mul3A_124 : i32
    %dma_start3A_126 = arith.constant 24576 : i32
    %dma_start3A_127 = tpu.memref_slice %arg10[%dma_start3A_126] : memref<32768xf32, #tpu.memory_space<vmem>> -> memref<8192xf32, #tpu.memory_space<vmem>>
    %dma_start3A_128 = tpu.memref_slice %arg4[%add3A_123, %mul3A_125] : memref<32x32768xf32, #tpu.memory_space<hbm>> -> memref<1x8192xf32, #tpu.memory_space<hbm>>
    %dma_start3A_129 = tpu.memref_squeeze %dma_start3A_128 : memref<1x8192xf32, #tpu.memory_space<hbm>> -> memref<8192xf32, #tpu.memory_space<hbm>>
    %dma_start3A_130 = arith.constant 24576 : i32
    %dma_start3A_131 = tpu.memref_slice %arg10[%dma_start3A_130] : memref<32768xf32, #tpu.memory_space<vmem>> -> memref<8192xf32, #tpu.memory_space<vmem>>
    %dma_start3A_132 = tpu.memref_slice %arg4[%add3A_123, %mul3A_125] : memref<32x32768xf32, #tpu.memory_space<hbm>> -> memref<1x8192xf32, #tpu.memory_space<hbm>>
    %dma_start3A_133 = tpu.memref_squeeze %dma_start3A_132 : memref<1x8192xf32, #tpu.memory_space<hbm>> -> memref<8192xf32, #tpu.memory_space<hbm>>
    tpu.enqueue_dma source(%dma_start3A_133 : memref<8192xf32, #tpu.memory_space<hbm>>) target(%dma_start3A_131 : memref<8192xf32, #tpu.memory_space<vmem>>) target_semaphore(%arg13 : memref<!tpu.dma_semaphore, #tpu.memory_space<semaphore_mem>>)
    %iota3A = tpu.iota {dimensions = array<i32: 0>} : vector<16xi32>
    %mul3A_134 = arith.constant 32 : i32
    %mul3A_135 = arith.muli %select_n3A, %mul3A_134 : i32
    %add3A_136 = arith.constant 0 : i32
    %add3A_137 = arith.addi %mul3A_135, %add3A_136 : i32
    %add3A_138 = vector.broadcast %add3A_137 : i32 to vector<16xi32>
    %add3A_139 = arith.addi %iota3A, %add3A_138 : vector<16xi32>
    %swap3A = arith.constant 0 : index
    %swap3A_140 = tpu.vector_load %arg11[%swap3A] {strides = array<i32>} : memref<32xi32, #tpu.memory_space<vmem>>, vector<16xi32>,
    tpu.vector_store %arg11[%swap3A], %add3A_139 {strides = array<i32>} : memref<32xi32, #tpu.memory_space<vmem>>, vector<16xi32>,
    %iota3A_141 = tpu.iota {dimensions = array<i32: 0>} : vector<16xi32>
    %mul3A_142 = arith.constant 32 : i32
    %mul3A_143 = arith.muli %select_n3A, %mul3A_142 : i32
    %add3A_144 = arith.constant 16 : i32
    %add3A_145 = arith.addi %mul3A_143, %add3A_144 : i32
    %add3A_146 = vector.broadcast %add3A_145 : i32 to vector<16xi32>
    %add3A_147 = arith.addi %iota3A_141, %add3A_146 : vector<16xi32>
    %swap3A_148 = arith.constant 16 : index
    %swap3A_149 = tpu.vector_load %arg11[%swap3A_148] {strides = array<i32>} : memref<32xi32, #tpu.memory_space<vmem>>, vector<16xi32>,
    tpu.vector_store %arg11[%swap3A_148], %add3A_147 {strides = array<i32>} : memref<32xi32, #tpu.memory_space<vmem>>, vector<16xi32>,
    %eq3A_150 = arith.constant 0 : i32
    %eq3A_151 = arith.cmpi eq, %arg1, %eq3A_150 : i32
    %convert_element_type3A = arith.extui %eq3A_151 : i1 to i32
    %cond3A = arith.constant 0 : i32
    %cond3A_152 = arith.cmpi ne, %convert_element_type3A, %cond3A : i32
    scf.if %cond3A_152 {
      "tpu.region"() ({
        %run_scoped3A = tpu.sem_alloc : memref<!tpu.dma_semaphore, #tpu.memory_space<semaphore_mem>>
        %dma_start3A_248 = arith.constant 0 : i32
        %dma_start3A_249 = arith.constant 0 : i32
        %dma_start3A_250 = tpu.memref_slice %arg12[%dma_start3A_248, %dma_start3A_249] : memref<128x128xf32, #tpu.memory_space<vmem_shared>> -> memref<32x128xf32, #tpu.memory_space<vmem_shared>>
        tpu.enqueue_dma source(%arg5 : memref<32x128xf32, #tpu.memory_space<hbm>>) target(%dma_start3A_250 : memref<32x128xf32, #tpu.memory_space<vmem_shared>>) target_semaphore(%run_scoped3A : memref<!tpu.dma_semaphore, #tpu.memory_space<semaphore_mem>>)
        %dma_wait3A_251 = arith.constant 0 : i32
        %dma_wait3A_252 = arith.constant 0 : i32
        %dma_wait3A_253 = tpu.memref_slice %arg12[%dma_wait3A_251, %dma_wait3A_252] : memref<128x128xf32, #tpu.memory_space<vmem_shared>> -> memref<32x128xf32, #tpu.memory_space<vmem_shared>>
        tpu.wait_dma2 semaphore(%run_scoped3A : memref<!tpu.dma_semaphore, #tpu.memory_space<semaphore_mem>>) src(%arg5 : memref<32x128xf32, #tpu.memory_space<hbm>>) dst(%dma_wait3A_253 : memref<32x128xf32, #tpu.memory_space<vmem_shared>>)
        tpu.yield
      }) : () -> ()
    } else {
    }
    %eq3A_153 = arith.constant 1 : i32
    %eq3A_154 = arith.cmpi eq, %arg1, %eq3A_153 : i32
    %convert_element_type3A_155 = arith.extui %eq3A_154 : i1 to i32
    %cond3A_156 = arith.constant 0 : i32
    %cond3A_157 = arith.cmpi ne, %convert_element_type3A_155, %cond3A_156 : i32
    scf.if %cond3A_157 {
      "tpu.region"() ({
        %run_scoped3A = tpu.sem_alloc : memref<!tpu.dma_semaphore, #tpu.memory_space<semaphore_mem>>
        %dma_start3A_248 = arith.constant 32 : i32
        %dma_start3A_249 = arith.constant 0 : i32
        %dma_start3A_250 = tpu.memref_slice %arg12[%dma_start3A_248, %dma_start3A_249] : memref<128x128xf32, #tpu.memory_space<vmem_shared>> -> memref<32x128xf32, #tpu.memory_space<vmem_shared>>
        tpu.enqueue_dma source(%arg5 : memref<32x128xf32, #tpu.memory_space<hbm>>) target(%dma_start3A_250 : memref<32x128xf32, #tpu.memory_space<vmem_shared>>) target_semaphore(%run_scoped3A : memref<!tpu.dma_semaphore, #tpu.memory_space<semaphore_mem>>)
        %dma_wait3A_251 = arith.constant 32 : i32
        %dma_wait3A_252 = arith.constant 0 : i32
        %dma_wait3A_253 = tpu.memref_slice %arg12[%dma_wait3A_251, %dma_wait3A_252] : memref<128x128xf32, #tpu.memory_space<vmem_shared>> -> memref<32x128xf32, #tpu.memory_space<vmem_shared>>
        tpu.wait_dma2 semaphore(%run_scoped3A : memref<!tpu.dma_semaphore, #tpu.memory_space<semaphore_mem>>) src(%arg5 : memref<32x128xf32, #tpu.memory_space<hbm>>) dst(%dma_wait3A_253 : memref<32x128xf32, #tpu.memory_space<vmem_shared>>)
        tpu.yield
      }) : () -> ()
    } else {
    }
    %eq3A_158 = arith.constant 2 : i32
    %eq3A_159 = arith.cmpi eq, %arg1, %eq3A_158 : i32
    %convert_element_type3A_160 = arith.extui %eq3A_159 : i1 to i32
    %cond3A_161 = arith.constant 0 : i32
    %cond3A_162 = arith.cmpi ne, %convert_element_type3A_160, %cond3A_161 : i32
    scf.if %cond3A_162 {
      "tpu.region"() ({
        %run_scoped3A = tpu.sem_alloc : memref<!tpu.dma_semaphore, #tpu.memory_space<semaphore_mem>>
        %dma_start3A_248 = arith.constant 64 : i32
        %dma_start3A_249 = arith.constant 0 : i32
        %dma_start3A_250 = tpu.memref_slice %arg12[%dma_start3A_248, %dma_start3A_249] : memref<128x128xf32, #tpu.memory_space<vmem_shared>> -> memref<32x128xf32, #tpu.memory_space<vmem_shared>>
        tpu.enqueue_dma source(%arg5 : memref<32x128xf32, #tpu.memory_space<hbm>>) target(%dma_start3A_250 : memref<32x128xf32, #tpu.memory_space<vmem_shared>>) target_semaphore(%run_scoped3A : memref<!tpu.dma_semaphore, #tpu.memory_space<semaphore_mem>>)
        %dma_wait3A_251 = arith.constant 64 : i32
        %dma_wait3A_252 = arith.constant 0 : i32
        %dma_wait3A_253 = tpu.memref_slice %arg12[%dma_wait3A_251, %dma_wait3A_252] : memref<128x128xf32, #tpu.memory_space<vmem_shared>> -> memref<32x128xf32, #tpu.memory_space<vmem_shared>>
        tpu.wait_dma2 semaphore(%run_scoped3A : memref<!tpu.dma_semaphore, #tpu.memory_space<semaphore_mem>>) src(%arg5 : memref<32x128xf32, #tpu.memory_space<hbm>>) dst(%dma_wait3A_253 : memref<32x128xf32, #tpu.memory_space<vmem_shared>>)
        tpu.yield
      }) : () -> ()
    } else {
    }
    %eq3A_163 = arith.constant 3 : i32
    %eq3A_164 = arith.cmpi eq, %arg1, %eq3A_163 : i32
    %convert_element_type3A_165 = arith.extui %eq3A_164 : i1 to i32
    %cond3A_166 = arith.constant 0 : i32
    %cond3A_167 = arith.cmpi ne, %convert_element_type3A_165, %cond3A_166 : i32
    scf.if %cond3A_167 {
      "tpu.region"() ({
        %run_scoped3A = tpu.sem_alloc : memref<!tpu.dma_semaphore, #tpu.memory_space<semaphore_mem>>
        %dma_start3A_248 = arith.constant 96 : i32
        %dma_start3A_249 = arith.constant 0 : i32
        %dma_start3A_250 = tpu.memref_slice %arg12[%dma_start3A_248, %dma_start3A_249] : memref<128x128xf32, #tpu.memory_space<vmem_shared>> -> memref<32x128xf32, #tpu.memory_space<vmem_shared>>
        tpu.enqueue_dma source(%arg5 : memref<32x128xf32, #tpu.memory_space<hbm>>) target(%dma_start3A_250 : memref<32x128xf32, #tpu.memory_space<vmem_shared>>) target_semaphore(%run_scoped3A : memref<!tpu.dma_semaphore, #tpu.memory_space<semaphore_mem>>)
        %dma_wait3A_251 = arith.constant 96 : i32
        %dma_wait3A_252 = arith.constant 0 : i32
        %dma_wait3A_253 = tpu.memref_slice %arg12[%dma_wait3A_251, %dma_wait3A_252] : memref<128x128xf32, #tpu.memory_space<vmem_shared>> -> memref<32x128xf32, #tpu.memory_space<vmem_shared>>
        tpu.wait_dma2 semaphore(%run_scoped3A : memref<!tpu.dma_semaphore, #tpu.memory_space<semaphore_mem>>) src(%arg5 : memref<32x128xf32, #tpu.memory_space<hbm>>) dst(%dma_wait3A_253 : memref<32x128xf32, #tpu.memory_space<vmem_shared>>)
        tpu.yield
      }) : () -> ()
    } else {
    }
    %dma_wait3A = arith.constant 0 : i32
    %dma_wait3A_168 = tpu.memref_slice %arg2[%select_n3A, %dma_wait3A] : memref<4x4096xf32, #tpu.memory_space<hbm>> -> memref<1x4096xf32, #tpu.memory_space<hbm>>
    %dma_wait3A_169 = tpu.memref_squeeze %dma_wait3A_168 : memref<1x4096xf32, #tpu.memory_space<hbm>> -> memref<4096xf32, #tpu.memory_space<hbm>>
    %dma_wait3A_170 = arith.constant 0 : i32
    %dma_wait3A_171 = tpu.memref_slice %arg2[%select_n3A, %dma_wait3A_170] : memref<4x4096xf32, #tpu.memory_space<hbm>> -> memref<1x4096xf32, #tpu.memory_space<hbm>>
    %dma_wait3A_172 = tpu.memref_squeeze %dma_wait3A_171 : memref<1x4096xf32, #tpu.memory_space<hbm>> -> memref<4096xf32, #tpu.memory_space<hbm>>
    tpu.wait_dma2 semaphore(%arg13 : memref<!tpu.dma_semaphore, #tpu.memory_space<semaphore_mem>>) src(%dma_wait3A_172 : memref<4096xf32, #tpu.memory_space<hbm>>) dst(%arg7 : memref<4096xf32, #tpu.memory_space<vmem>>)
    tpu.wait_dma2 semaphore(%arg13 : memref<!tpu.dma_semaphore, #tpu.memory_space<semaphore_mem>>) src(%arg5 : memref<32x128xf32, #tpu.memory_space<hbm>>) dst(%arg8 : memref<32x128xf32, #tpu.memory_space<vmem>>)
    %dma_wait3A_173 = arith.constant 0 : i32
    %dma_wait3A_174 = tpu.memref_slice %arg9[%dma_wait3A_173] : memref<32768xi32, #tpu.memory_space<vmem>> -> memref<8192xi32, #tpu.memory_space<vmem>>
    %dma_wait3A_175 = tpu.memref_slice %arg3[%add3A_39, %mul3A_41] : memref<32x32768xi32, #tpu.memory_space<hbm>> -> memref<1x8192xi32, #tpu.memory_space<hbm>>
    %dma_wait3A_176 = tpu.memref_squeeze %dma_wait3A_175 : memref<1x8192xi32, #tpu.memory_space<hbm>> -> memref<8192xi32, #tpu.memory_space<hbm>>
    %dma_wait3A_177 = arith.constant 0 : i32
    %dma_wait3A_178 = tpu.memref_slice %arg9[%dma_wait3A_177] : memref<32768xi32, #tpu.memory_space<vmem>> -> memref<8192xi32, #tpu.memory_space<vmem>>
    %dma_wait3A_179 = tpu.memref_slice %arg3[%add3A_39, %mul3A_41] : memref<32x32768xi32, #tpu.memory_space<hbm>> -> memref<1x8192xi32, #tpu.memory_space<hbm>>
    %dma_wait3A_180 = tpu.memref_squeeze %dma_wait3A_179 : memref<1x8192xi32, #tpu.memory_space<hbm>> -> memref<8192xi32, #tpu.memory_space<hbm>>
    tpu.wait_dma2 semaphore(%arg13 : memref<!tpu.dma_semaphore, #tpu.memory_space<semaphore_mem>>) src(%dma_wait3A_180 : memref<8192xi32, #tpu.memory_space<hbm>>) dst(%dma_wait3A_178 : memref<8192xi32, #tpu.memory_space<vmem>>)
    %dma_wait3A_181 = arith.constant 0 : i32
    %dma_wait3A_182 = tpu.memref_slice %arg10[%dma_wait3A_181] : memref<32768xf32, #tpu.memory_space<vmem>> -> memref<8192xf32, #tpu.memory_space<vmem>>
    %dma_wait3A_183 = tpu.memref_slice %arg4[%add3A_51, %mul3A_53] : memref<32x32768xf32, #tpu.memory_space<hbm>> -> memref<1x8192xf32, #tpu.memory_space<hbm>>
    %dma_wait3A_184 = tpu.memref_squeeze %dma_wait3A_183 : memref<1x8192xf32, #tpu.memory_space<hbm>> -> memref<8192xf32, #tpu.memory_space<hbm>>
    %dma_wait3A_185 = arith.constant 0 : i32
    %dma_wait3A_186 = tpu.memref_slice %arg10[%dma_wait3A_185] : memref<32768xf32, #tpu.memory_space<vmem>> -> memref<8192xf32, #tpu.memory_space<vmem>>
    %dma_wait3A_187 = tpu.memref_slice %arg4[%add3A_51, %mul3A_53] : memref<32x32768xf32, #tpu.memory_space<hbm>> -> memref<1x8192xf32, #tpu.memory_space<hbm>>
    %dma_wait3A_188 = tpu.memref_squeeze %dma_wait3A_187 : memref<1x8192xf32, #tpu.memory_space<hbm>> -> memref<8192xf32, #tpu.memory_space<hbm>>
    tpu.wait_dma2 semaphore(%arg13 : memref<!tpu.dma_semaphore, #tpu.memory_space<semaphore_mem>>) src(%dma_wait3A_188 : memref<8192xf32, #tpu.memory_space<hbm>>) dst(%dma_wait3A_186 : memref<8192xf32, #tpu.memory_space<vmem>>)
    %dma_wait3A_189 = arith.constant 8192 : i32
    %dma_wait3A_190 = tpu.memref_slice %arg9[%dma_wait3A_189] : memref<32768xi32, #tpu.memory_space<vmem>> -> memref<8192xi32, #tpu.memory_space<vmem>>
    %dma_wait3A_191 = tpu.memref_slice %arg3[%add3A_63, %mul3A_65] : memref<32x32768xi32, #tpu.memory_space<hbm>> -> memref<1x8192xi32, #tpu.memory_space<hbm>>
    %dma_wait3A_192 = tpu.memref_squeeze %dma_wait3A_191 : memref<1x8192xi32, #tpu.memory_space<hbm>> -> memref<8192xi32, #tpu.memory_space<hbm>>
    %dma_wait3A_193 = arith.constant 8192 : i32
    %dma_wait3A_194 = tpu.memref_slice %arg9[%dma_wait3A_193] : memref<32768xi32, #tpu.memory_space<vmem>> -> memref<8192xi32, #tpu.memory_space<vmem>>
    %dma_wait3A_195 = tpu.memref_slice %arg3[%add3A_63, %mul3A_65] : memref<32x32768xi32, #tpu.memory_space<hbm>> -> memref<1x8192xi32, #tpu.memory_space<hbm>>
    %dma_wait3A_196 = tpu.memref_squeeze %dma_wait3A_195 : memref<1x8192xi32, #tpu.memory_space<hbm>> -> memref<8192xi32, #tpu.memory_space<hbm>>
    tpu.wait_dma2 semaphore(%arg13 : memref<!tpu.dma_semaphore, #tpu.memory_space<semaphore_mem>>) src(%dma_wait3A_196 : memref<8192xi32, #tpu.memory_space<hbm>>) dst(%dma_wait3A_194 : memref<8192xi32, #tpu.memory_space<vmem>>)
    %dma_wait3A_197 = arith.constant 8192 : i32
    %dma_wait3A_198 = tpu.memref_slice %arg10[%dma_wait3A_197] : memref<32768xf32, #tpu.memory_space<vmem>> -> memref<8192xf32, #tpu.memory_space<vmem>>
    %dma_wait3A_199 = tpu.memref_slice %arg4[%add3A_75, %mul3A_77] : memref<32x32768xf32, #tpu.memory_space<hbm>> -> memref<1x8192xf32, #tpu.memory_space<hbm>>
    %dma_wait3A_200 = tpu.memref_squeeze %dma_wait3A_199 : memref<1x8192xf32, #tpu.memory_space<hbm>> -> memref<8192xf32, #tpu.memory_space<hbm>>
    %dma_wait3A_201 = arith.constant 8192 : i32
    %dma_wait3A_202 = tpu.memref_slice %arg10[%dma_wait3A_201] : memref<32768xf32, #tpu.memory_space<vmem>> -> memref<8192xf32, #tpu.memory_space<vmem>>
    %dma_wait3A_203 = tpu.memref_slice %arg4[%add3A_75, %mul3A_77] : memref<32x32768xf32, #tpu.memory_space<hbm>> -> memref<1x8192xf32, #tpu.memory_space<hbm>>
    %dma_wait3A_204 = tpu.memref_squeeze %dma_wait3A_203 : memref<1x8192xf32, #tpu.memory_space<hbm>> -> memref<8192xf32, #tpu.memory_space<hbm>>
    tpu.wait_dma2 semaphore(%arg13 : memref<!tpu.dma_semaphore, #tpu.memory_space<semaphore_mem>>) src(%dma_wait3A_204 : memref<8192xf32, #tpu.memory_space<hbm>>) dst(%dma_wait3A_202 : memref<8192xf32, #tpu.memory_space<vmem>>)
    %dma_wait3A_205 = arith.constant 16384 : i32
    %dma_wait3A_206 = tpu.memref_slice %arg9[%dma_wait3A_205] : memref<32768xi32, #tpu.memory_space<vmem>> -> memref<8192xi32, #tpu.memory_space<vmem>>
    %dma_wait3A_207 = tpu.memref_slice %arg3[%add3A_87, %mul3A_89] : memref<32x32768xi32, #tpu.memory_space<hbm>> -> memref<1x8192xi32, #tpu.memory_space<hbm>>
    %dma_wait3A_208 = tpu.memref_squeeze %dma_wait3A_207 : memref<1x8192xi32, #tpu.memory_space<hbm>> -> memref<8192xi32, #tpu.memory_space<hbm>>
    %dma_wait3A_209 = arith.constant 16384 : i32
    %dma_wait3A_210 = tpu.memref_slice %arg9[%dma_wait3A_209] : memref<32768xi32, #tpu.memory_space<vmem>> -> memref<8192xi32, #tpu.memory_space<vmem>>
    %dma_wait3A_211 = tpu.memref_slice %arg3[%add3A_87, %mul3A_89] : memref<32x32768xi32, #tpu.memory_space<hbm>> -> memref<1x8192xi32, #tpu.memory_space<hbm>>
    %dma_wait3A_212 = tpu.memref_squeeze %dma_wait3A_211 : memref<1x8192xi32, #tpu.memory_space<hbm>> -> memref<8192xi32, #tpu.memory_space<hbm>>
    tpu.wait_dma2 semaphore(%arg13 : memref<!tpu.dma_semaphore, #tpu.memory_space<semaphore_mem>>) src(%dma_wait3A_212 : memref<8192xi32, #tpu.memory_space<hbm>>) dst(%dma_wait3A_210 : memref<8192xi32, #tpu.memory_space<vmem>>)
    %dma_wait3A_213 = arith.constant 16384 : i32
    %dma_wait3A_214 = tpu.memref_slice %arg10[%dma_wait3A_213] : memref<32768xf32, #tpu.memory_space<vmem>> -> memref<8192xf32, #tpu.memory_space<vmem>>
    %dma_wait3A_215 = tpu.memref_slice %arg4[%add3A_99, %mul3A_101] : memref<32x32768xf32, #tpu.memory_space<hbm>> -> memref<1x8192xf32, #tpu.memory_space<hbm>>
    %dma_wait3A_216 = tpu.memref_squeeze %dma_wait3A_215 : memref<1x8192xf32, #tpu.memory_space<hbm>> -> memref<8192xf32, #tpu.memory_space<hbm>>
    %dma_wait3A_217 = arith.constant 16384 : i32
    %dma_wait3A_218 = tpu.memref_slice %arg10[%dma_wait3A_217] : memref<32768xf32, #tpu.memory_space<vmem>> -> memref<8192xf32, #tpu.memory_space<vmem>>
    %dma_wait3A_219 = tpu.memref_slice %arg4[%add3A_99, %mul3A_101] : memref<32x32768xf32, #tpu.memory_space<hbm>> -> memref<1x8192xf32, #tpu.memory_space<hbm>>
    %dma_wait3A_220 = tpu.memref_squeeze %dma_wait3A_219 : memref<1x8192xf32, #tpu.memory_space<hbm>> -> memref<8192xf32, #tpu.memory_space<hbm>>
    tpu.wait_dma2 semaphore(%arg13 : memref<!tpu.dma_semaphore, #tpu.memory_space<semaphore_mem>>) src(%dma_wait3A_220 : memref<8192xf32, #tpu.memory_space<hbm>>) dst(%dma_wait3A_218 : memref<8192xf32, #tpu.memory_space<vmem>>)
    %dma_wait3A_221 = arith.constant 24576 : i32
    %dma_wait3A_222 = tpu.memref_slice %arg9[%dma_wait3A_221] : memref<32768xi32, #tpu.memory_space<vmem>> -> memref<8192xi32, #tpu.memory_space<vmem>>
    %dma_wait3A_223 = tpu.memref_slice %arg3[%add3A_111, %mul3A_113] : memref<32x32768xi32, #tpu.memory_space<hbm>> -> memref<1x8192xi32, #tpu.memory_space<hbm>>
    %dma_wait3A_224 = tpu.memref_squeeze %dma_wait3A_223 : memref<1x8192xi32, #tpu.memory_space<hbm>> -> memref<8192xi32, #tpu.memory_space<hbm>>
    %dma_wait3A_225 = arith.constant 24576 : i32
    %dma_wait3A_226 = tpu.memref_slice %arg9[%dma_wait3A_225] : memref<32768xi32, #tpu.memory_space<vmem>> -> memref<8192xi32, #tpu.memory_space<vmem>>
    %dma_wait3A_227 = tpu.memref_slice %arg3[%add3A_111, %mul3A_113] : memref<32x32768xi32, #tpu.memory_space<hbm>> -> memref<1x8192xi32, #tpu.memory_space<hbm>>
    %dma_wait3A_228 = tpu.memref_squeeze %dma_wait3A_227 : memref<1x8192xi32, #tpu.memory_space<hbm>> -> memref<8192xi32, #tpu.memory_space<hbm>>
    tpu.wait_dma2 semaphore(%arg13 : memref<!tpu.dma_semaphore, #tpu.memory_space<semaphore_mem>>) src(%dma_wait3A_228 : memref<8192xi32, #tpu.memory_space<hbm>>) dst(%dma_wait3A_226 : memref<8192xi32, #tpu.memory_space<vmem>>)
    %dma_wait3A_229 = arith.constant 24576 : i32
    %dma_wait3A_230 = tpu.memref_slice %arg10[%dma_wait3A_229] : memref<32768xf32, #tpu.memory_space<vmem>> -> memref<8192xf32, #tpu.memory_space<vmem>>
    %dma_wait3A_231 = tpu.memref_slice %arg4[%add3A_123, %mul3A_125] : memref<32x32768xf32, #tpu.memory_space<hbm>> -> memref<1x8192xf32, #tpu.memory_space<hbm>>
    %dma_wait3A_232 = tpu.memref_squeeze %dma_wait3A_231 : memref<1x8192xf32, #tpu.memory_space<hbm>> -> memref<8192xf32, #tpu.memory_space<hbm>>
    %dma_wait3A_233 = arith.constant 24576 : i32
    %dma_wait3A_234 = tpu.memref_slice %arg10[%dma_wait3A_233] : memref<32768xf32, #tpu.memory_space<vmem>> -> memref<8192xf32, #tpu.memory_space<vmem>>
    %dma_wait3A_235 = tpu.memref_slice %arg4[%add3A_123, %mul3A_125] : memref<32x32768xf32, #tpu.memory_space<hbm>> -> memref<1x8192xf32, #tpu.memory_space<hbm>>
    %dma_wait3A_236 = tpu.memref_squeeze %dma_wait3A_235 : memref<1x8192xf32, #tpu.memory_space<hbm>> -> memref<8192xf32, #tpu.memory_space<hbm>>
    tpu.wait_dma2 semaphore(%arg13 : memref<!tpu.dma_semaphore, #tpu.memory_space<semaphore_mem>>) src(%dma_wait3A_236 : memref<8192xf32, #tpu.memory_space<hbm>>) dst(%dma_wait3A_234 : memref<8192xf32, #tpu.memory_space<vmem>>)
    %barrier3A = arith.constant 0 : index
    tpu.barrier barrier_id(%barrier3A)
    %scan3A = arith.constant 0 : i32
    %scan3A_237 = arith.constant 0 : i32
    %scan3A_238 = arith.constant 512 : i32
    %scan3A_239 = arith.addi %scan3A_237, %scan3A_238 : i32
    %scan3A_240 = arith.constant 1 : i32
    scf.for %scan3A_248 = %scan3A_237 to %scan3A_239 step %scan3A_240  : i32 {
      %mul3A_249 = arith.constant 64 : i32
      %mul3A_250 = arith.muli %scan3A_248, %mul3A_249 : i32
      %add3A_251 = arith.constant 0 : i32
      %add3A_252 = arith.addi %mul3A_250, %add3A_251 : i32
      %get3A = arith.index_cast %add3A_252 : i32 to index
      %get3A_253 = tpu.vector_load %arg9[%get3A] {strides = array<i32>} : memref<32768xi32, #tpu.memory_space<vmem>>, vector<16xi32>,
      %add3A_254 = arith.constant 16 : i32
      %add3A_255 = arith.addi %mul3A_250, %add3A_254 : i32
      %get3A_256 = arith.index_cast %add3A_255 : i32 to index
      %get3A_257 = tpu.vector_load %arg9[%get3A_256] {strides = array<i32>} : memref<32768xi32, #tpu.memory_space<vmem>>, vector<16xi32>,
      %add3A_258 = arith.constant 32 : i32
      %add3A_259 = arith.addi %mul3A_250, %add3A_258 : i32
      %get3A_260 = arith.index_cast %add3A_259 : i32 to index
      %get3A_261 = tpu.vector_load %arg9[%get3A_260] {strides = array<i32>} : memref<32768xi32, #tpu.memory_space<vmem>>, vector<16xi32>,
      %add3A_262 = arith.constant 48 : i32
      %add3A_263 = arith.addi %mul3A_250, %add3A_262 : i32
      %get3A_264 = arith.index_cast %add3A_263 : i32 to index
      %get3A_265 = tpu.vector_load %arg9[%get3A_264] {strides = array<i32>} : memref<32768xi32, #tpu.memory_space<vmem>>, vector<16xi32>,
      %add3A_266 = arith.constant 0 : i32
      %add3A_267 = arith.addi %mul3A_250, %add3A_266 : i32
      %get3A_268 = arith.index_cast %add3A_267 : i32 to index
      %get3A_269 = tpu.vector_load %arg10[%get3A_268] {strides = array<i32>} : memref<32768xf32, #tpu.memory_space<vmem>>, vector<16xf32>,
      %add3A_270 = arith.constant 16 : i32
      %add3A_271 = arith.addi %mul3A_250, %add3A_270 : i32
      %get3A_272 = arith.index_cast %add3A_271 : i32 to index
      %get3A_273 = tpu.vector_load %arg10[%get3A_272] {strides = array<i32>} : memref<32768xf32, #tpu.memory_space<vmem>>, vector<16xf32>,
      %add3A_274 = arith.constant 32 : i32
      %add3A_275 = arith.addi %mul3A_250, %add3A_274 : i32
      %get3A_276 = arith.index_cast %add3A_275 : i32 to index
      %get3A_277 = tpu.vector_load %arg10[%get3A_276] {strides = array<i32>} : memref<32768xf32, #tpu.memory_space<vmem>>, vector<16xf32>,
      %add3A_278 = arith.constant 48 : i32
      %add3A_279 = arith.addi %mul3A_250, %add3A_278 : i32
      %get3A_280 = arith.index_cast %add3A_279 : i32 to index
      %get3A_281 = tpu.vector_load %arg10[%get3A_280] {strides = array<i32>} : memref<32768xf32, #tpu.memory_space<vmem>>, vector<16xf32>,
      %and3A_282 = arith.constant 4095 : i32
      %and3A_283 = vector.broadcast %and3A_282 : i32 to vector<16xi32>
      %and3A_284 = arith.andi %get3A_253, %and3A_283 : vector<16xi32>
      %gather3A = tpu.vector_load_idx %arg7[%and3A_284] : memref<4096xf32, #tpu.memory_space<vmem>>[vector<16xi32>], vector<16xf32>,
      %and3A_285 = arith.constant 4095 : i32
      %and3A_286 = vector.broadcast %and3A_285 : i32 to vector<16xi32>
      %and3A_287 = arith.andi %get3A_257, %and3A_286 : vector<16xi32>
      %gather3A_288 = tpu.vector_load_idx %arg7[%and3A_287] : memref<4096xf32, #tpu.memory_space<vmem>>[vector<16xi32>], vector<16xf32>,
      %and3A_289 = arith.constant 4095 : i32
      %and3A_290 = vector.broadcast %and3A_289 : i32 to vector<16xi32>
      %and3A_291 = arith.andi %get3A_261, %and3A_290 : vector<16xi32>
      %gather3A_292 = tpu.vector_load_idx %arg7[%and3A_291] : memref<4096xf32, #tpu.memory_space<vmem>>[vector<16xi32>], vector<16xf32>,
      %and3A_293 = arith.constant 4095 : i32
      %and3A_294 = vector.broadcast %and3A_293 : i32 to vector<16xi32>
      %and3A_295 = arith.andi %get3A_265, %and3A_294 : vector<16xi32>
      %gather3A_296 = tpu.vector_load_idx %arg7[%and3A_295] : memref<4096xf32, #tpu.memory_space<vmem>>[vector<16xi32>], vector<16xf32>,
      %shift_right_logical3A = arith.constant 12 : i32
      %shift_right_logical3A_297 = vector.broadcast %shift_right_logical3A : i32 to vector<16xi32>
      %shift_right_logical3A_298 = arith.shrui %get3A_253, %shift_right_logical3A_297 : vector<16xi32>
      %shift_right_logical3A_299 = arith.constant 7 : i32
      %shift_right_logical3A_300 = vector.broadcast %shift_right_logical3A_299 : i32 to vector<16xi32>
      %shift_right_logical3A_301 = arith.shrui %shift_right_logical3A_298, %shift_right_logical3A_300 : vector<16xi32>
      %and3A_302 = arith.constant 127 : i32
      %and3A_303 = vector.broadcast %and3A_302 : i32 to vector<16xi32>
      %and3A_304 = arith.andi %shift_right_logical3A_298, %and3A_303 : vector<16xi32>
      %mul3A_305 = arith.mulf %gather3A, %get3A_269 : vector<16xf32>
      tpu.vector_store_idx %arg8[%shift_right_logical3A_301, %and3A_304], %mul3A_305 {add = true} : memref<32x128xf32, #tpu.memory_space<vmem>>[vector<16xi32>, vector<16xi32>], vector<16xf32>,
      %shift_right_logical3A_306 = arith.constant 12 : i32
      %shift_right_logical3A_307 = vector.broadcast %shift_right_logical3A_306 : i32 to vector<16xi32>
      %shift_right_logical3A_308 = arith.shrui %get3A_257, %shift_right_logical3A_307 : vector<16xi32>
      %shift_right_logical3A_309 = arith.constant 7 : i32
      %shift_right_logical3A_310 = vector.broadcast %shift_right_logical3A_309 : i32 to vector<16xi32>
      %shift_right_logical3A_311 = arith.shrui %shift_right_logical3A_308, %shift_right_logical3A_310 : vector<16xi32>
      %and3A_312 = arith.constant 127 : i32
      %and3A_313 = vector.broadcast %and3A_312 : i32 to vector<16xi32>
      %and3A_314 = arith.andi %shift_right_logical3A_308, %and3A_313 : vector<16xi32>
      %mul3A_315 = arith.mulf %gather3A_288, %get3A_273 : vector<16xf32>
      tpu.vector_store_idx %arg8[%shift_right_logical3A_311, %and3A_314], %mul3A_315 {add = true} : memref<32x128xf32, #tpu.memory_space<vmem>>[vector<16xi32>, vector<16xi32>], vector<16xf32>,
      %shift_right_logical3A_316 = arith.constant 12 : i32
      %shift_right_logical3A_317 = vector.broadcast %shift_right_logical3A_316 : i32 to vector<16xi32>
      %shift_right_logical3A_318 = arith.shrui %get3A_261, %shift_right_logical3A_317 : vector<16xi32>
      %shift_right_logical3A_319 = arith.constant 7 : i32
      %shift_right_logical3A_320 = vector.broadcast %shift_right_logical3A_319 : i32 to vector<16xi32>
      %shift_right_logical3A_321 = arith.shrui %shift_right_logical3A_318, %shift_right_logical3A_320 : vector<16xi32>
      %and3A_322 = arith.constant 127 : i32
      %and3A_323 = vector.broadcast %and3A_322 : i32 to vector<16xi32>
      %and3A_324 = arith.andi %shift_right_logical3A_318, %and3A_323 : vector<16xi32>
      %mul3A_325 = arith.mulf %gather3A_292, %get3A_277 : vector<16xf32>
      tpu.vector_store_idx %arg8[%shift_right_logical3A_321, %and3A_324], %mul3A_325 {add = true} : memref<32x128xf32, #tpu.memory_space<vmem>>[vector<16xi32>, vector<16xi32>], vector<16xf32>,
      %shift_right_logical3A_326 = arith.constant 12 : i32
      %shift_right_logical3A_327 = vector.broadcast %shift_right_logical3A_326 : i32 to vector<16xi32>
      %shift_right_logical3A_328 = arith.shrui %get3A_265, %shift_right_logical3A_327 : vector<16xi32>
      %shift_right_logical3A_329 = arith.constant 7 : i32
      %shift_right_logical3A_330 = vector.broadcast %shift_right_logical3A_329 : i32 to vector<16xi32>
      %shift_right_logical3A_331 = arith.shrui %shift_right_logical3A_328, %shift_right_logical3A_330 : vector<16xi32>
      %and3A_332 = arith.constant 127 : i32
      %and3A_333 = vector.broadcast %and3A_332 : i32 to vector<16xi32>
      %and3A_334 = arith.andi %shift_right_logical3A_328, %and3A_333 : vector<16xi32>
      %mul3A_335 = arith.mulf %gather3A_296, %get3A_281 : vector<16xf32>
      tpu.vector_store_idx %arg8[%shift_right_logical3A_331, %and3A_334], %mul3A_335 {add = true} : memref<32x128xf32, #tpu.memory_space<vmem>>[vector<16xi32>, vector<16xi32>], vector<16xf32>,
    }
    %scan3A_241 = arith.constant 512 : i32
    "tpu.region"() ({
      %run_scoped3A = tpu.sem_alloc : memref<!tpu.dma_semaphore, #tpu.memory_space<semaphore_mem>>
      %dma_start3A_248 = arith.constant 0 : i32
      %dma_start3A_249 = arith.constant 0 : i32
      %dma_start3A_250 = tpu.memref_slice %arg12[%dma_start3A_248, %dma_start3A_249] : memref<128x128xf32, #tpu.memory_space<vmem_shared>> -> memref<128x128xf32, #tpu.memory_space<vmem_shared>>
      tpu.enqueue_indirect_dma source(%arg8 : memref<32x128xf32, #tpu.memory_space<vmem>>) target(%dma_start3A_250 : memref<128x128xf32, #tpu.memory_space<vmem_shared>>) offsets(%arg11 : memref<32xi32, #tpu.memory_space<vmem>>) semaphore(%run_scoped3A : memref<!tpu.dma_semaphore, #tpu.memory_space<semaphore_mem>>) {add = true}
      %dma_wait3A_251 = arith.constant 0 : i32
      %dma_wait3A_252 = arith.constant 0 : i32
      %dma_wait3A_253 = tpu.memref_slice %arg12[%dma_wait3A_251, %dma_wait3A_252] : memref<128x128xf32, #tpu.memory_space<vmem_shared>> -> memref<128x128xf32, #tpu.memory_space<vmem_shared>>
      tpu.wait_indirect_dma semaphore(%run_scoped3A : memref<!tpu.dma_semaphore, #tpu.memory_space<semaphore_mem>>) src(%arg8 : memref<32x128xf32, #tpu.memory_space<vmem>>) dst(%dma_wait3A_253 : memref<128x128xf32, #tpu.memory_space<vmem_shared>>)
      tpu.yield
    }) : () -> ()
    %barrier3A_242 = arith.constant 0 : index
    tpu.barrier barrier_id(%barrier3A_242)
    %eq3A_243 = arith.constant 0 : i32
    %eq3A_244 = arith.cmpi eq, %arg1, %eq3A_243 : i32
    %convert_element_type3A_245 = arith.extui %eq3A_244 : i1 to i32
    %cond3A_246 = arith.constant 0 : i32
    %cond3A_247 = arith.cmpi ne, %convert_element_type3A_245, %cond3A_246 : i32
    scf.if %cond3A_247 {
      "tpu.region"() ({
        %run_scoped3A = tpu.sem_alloc : memref<!tpu.dma_semaphore, #tpu.memory_space<semaphore_mem>>
        %dma_start3A_248 = arith.constant 0 : i32
        %dma_start3A_249 = arith.constant 0 : i32
        %dma_start3A_250 = tpu.memref_slice %arg6[%arg0, %dma_start3A_248, %dma_start3A_249] : memref<2x128x128xf32, #tpu.memory_space<hbm>> -> memref<1x128x128xf32, #tpu.memory_space<hbm>>
        %dma_start3A_251 = tpu.memref_squeeze %dma_start3A_250 : memref<1x128x128xf32, #tpu.memory_space<hbm>> -> memref<128x128xf32, #tpu.memory_space<hbm>>
        tpu.enqueue_dma source(%arg12 : memref<128x128xf32, #tpu.memory_space<vmem_shared>>) target(%dma_start3A_251 : memref<128x128xf32, #tpu.memory_space<hbm>>) target_semaphore(%run_scoped3A : memref<!tpu.dma_semaphore, #tpu.memory_space<semaphore_mem>>)
        %dma_wait3A_252 = arith.constant 0 : i32
        %dma_wait3A_253 = arith.constant 0 : i32
        %dma_wait3A_254 = tpu.memref_slice %arg6[%arg0, %dma_wait3A_252, %dma_wait3A_253] : memref<2x128x128xf32, #tpu.memory_space<hbm>> -> memref<1x128x128xf32, #tpu.memory_space<hbm>>
        %dma_wait3A_255 = tpu.memref_squeeze %dma_wait3A_254 : memref<1x128x128xf32, #tpu.memory_space<hbm>> -> memref<128x128xf32, #tpu.memory_space<hbm>>
        tpu.wait_dma2 semaphore(%run_scoped3A : memref<!tpu.dma_semaphore, #tpu.memory_space<semaphore_mem>>) src(%arg12 : memref<128x128xf32, #tpu.memory_space<vmem_shared>>) dst(%dma_wait3A_255 : memref<128x128xf32, #tpu.memory_space<hbm>>)
        tpu.yield
      }) : () -> ()
    } else {
    }
    return
  }
}

module attributes {stable_mosaic.version = 14 : i64} {
  func.func @_dense_body(%arg0: i32, %arg1: memref<8x2048xf32, #tpu.memory_space<vmem>>, %arg2: memref<8x2048xf32, #tpu.memory_space<vmem>>, %arg3: memref<4x2048xf32, #tpu.memory_space<vmem>>, %arg4: memref<16x2048xf32, #tpu.memory_space<vmem>>, %arg5: memref<16x2048xf32, #tpu.memory_space<vmem>>, %arg6: memref<32x2048xf32, #tpu.memory_space<vmem>>, %arg7: memref<32x2048xi32, #tpu.memory_space<vmem>>, %arg8: memref<128x2048xf32, #tpu.memory_space<vmem>>) attributes {dimension_semantics = [#tpu.dimension_semantics<arbitrary>], iteration_bounds = array<i64: 16>, scalar_prefetch = 0 : i64, scratch_operands = 1 : i64, tpu.core_type = #tpu.core_type<tc>, window_params = [{transform_indices = @transform_0, window_bounds = array<i64: 8, 2048>}, {transform_indices = @transform_1, window_bounds = array<i64: 8, 2048>}, {transform_indices = @transform_2, window_bounds = array<i64: 4, 2048>}, {transform_indices = @transform_3, window_bounds = array<i64: 16, 2048>}, {transform_indices = @transform_4, window_bounds = array<i64: 16, 2048>}, {transform_indices = @transform_5, window_bounds = array<i64: 32, 2048>}, {transform_indices = @transform_6, window_bounds = array<i64: 32, 2048>}]} {
    %get3A = arith.constant 0 : index
    %get3A_0 = arith.constant 0 : index
    %get3A_1 = vector.load %arg1[%get3A, %get3A_0] : memref<8x2048xf32, #tpu.memory_space<vmem>>, vector<1x2048xf32>
    %get3A_2 = vector.shape_cast %get3A_1 : vector<1x2048xf32> to vector<2048xf32>
    %get3A_3 = arith.constant 1 : index
    %get3A_4 = arith.constant 0 : index
    %get3A_5 = vector.load %arg1[%get3A_3, %get3A_4] : memref<8x2048xf32, #tpu.memory_space<vmem>>, vector<1x2048xf32>
    %get3A_6 = vector.shape_cast %get3A_5 : vector<1x2048xf32> to vector<2048xf32>
    %get3A_7 = arith.constant 2 : index
    %get3A_8 = arith.constant 0 : index
    %get3A_9 = vector.load %arg1[%get3A_7, %get3A_8] : memref<8x2048xf32, #tpu.memory_space<vmem>>, vector<1x2048xf32>
    %get3A_10 = vector.shape_cast %get3A_9 : vector<1x2048xf32> to vector<2048xf32>
    %get3A_11 = arith.constant 3 : index
    %get3A_12 = arith.constant 0 : index
    %get3A_13 = vector.load %arg1[%get3A_11, %get3A_12] : memref<8x2048xf32, #tpu.memory_space<vmem>>, vector<1x2048xf32>
    %get3A_14 = vector.shape_cast %get3A_13 : vector<1x2048xf32> to vector<2048xf32>
    %get3A_15 = arith.constant 4 : index
    %get3A_16 = arith.constant 0 : index
    %get3A_17 = vector.load %arg1[%get3A_15, %get3A_16] : memref<8x2048xf32, #tpu.memory_space<vmem>>, vector<1x2048xf32>
    %get3A_18 = vector.shape_cast %get3A_17 : vector<1x2048xf32> to vector<2048xf32>
    %get3A_19 = arith.constant 5 : index
    %get3A_20 = arith.constant 0 : index
    %get3A_21 = vector.load %arg1[%get3A_19, %get3A_20] : memref<8x2048xf32, #tpu.memory_space<vmem>>, vector<1x2048xf32>
    %get3A_22 = vector.shape_cast %get3A_21 : vector<1x2048xf32> to vector<2048xf32>
    %get3A_23 = arith.constant 6 : index
    %get3A_24 = arith.constant 0 : index
    %get3A_25 = vector.load %arg1[%get3A_23, %get3A_24] : memref<8x2048xf32, #tpu.memory_space<vmem>>, vector<1x2048xf32>
    %get3A_26 = vector.shape_cast %get3A_25 : vector<1x2048xf32> to vector<2048xf32>
    %get3A_27 = arith.constant 7 : index
    %get3A_28 = arith.constant 0 : index
    %get3A_29 = vector.load %arg1[%get3A_27, %get3A_28] : memref<8x2048xf32, #tpu.memory_space<vmem>>, vector<1x2048xf32>
    %get3A_30 = vector.shape_cast %get3A_29 : vector<1x2048xf32> to vector<2048xf32>
    %get3A_31 = arith.constant 0 : index
    %get3A_32 = arith.constant 0 : index
    %get3A_33 = vector.load %arg2[%get3A_31, %get3A_32] : memref<8x2048xf32, #tpu.memory_space<vmem>>, vector<1x2048xf32>
    %get3A_34 = vector.shape_cast %get3A_33 : vector<1x2048xf32> to vector<2048xf32>
    %add3A = arith.constant 9.99999997E-7 : f32
    %add3A_35 = vector.broadcast %add3A : f32 to vector<2048xf32>
    %add3A_36 = arith.addf %add3A_35, %get3A_34 : vector<2048xf32>
    %div3A = arith.constant -0.72134751 : f32
    %div3A_37 = vector.broadcast %div3A : f32 to vector<2048xf32>
    %div3A_38 = arith.divf %div3A_37, %add3A_36 : vector<2048xf32>
    %get3A_39 = arith.constant 1 : index
    %get3A_40 = arith.constant 0 : index
    %get3A_41 = vector.load %arg2[%get3A_39, %get3A_40] : memref<8x2048xf32, #tpu.memory_space<vmem>>, vector<1x2048xf32>
    %get3A_42 = vector.shape_cast %get3A_41 : vector<1x2048xf32> to vector<2048xf32>
    %add3A_43 = arith.constant 9.99999997E-7 : f32
    %add3A_44 = vector.broadcast %add3A_43 : f32 to vector<2048xf32>
    %add3A_45 = arith.addf %add3A_44, %get3A_42 : vector<2048xf32>
    %div3A_46 = arith.constant -0.72134751 : f32
    %div3A_47 = vector.broadcast %div3A_46 : f32 to vector<2048xf32>
    %div3A_48 = arith.divf %div3A_47, %add3A_45 : vector<2048xf32>
    %get3A_49 = arith.constant 2 : index
    %get3A_50 = arith.constant 0 : index
    %get3A_51 = vector.load %arg2[%get3A_49, %get3A_50] : memref<8x2048xf32, #tpu.memory_space<vmem>>, vector<1x2048xf32>
    %get3A_52 = vector.shape_cast %get3A_51 : vector<1x2048xf32> to vector<2048xf32>
    %add3A_53 = arith.constant 9.99999997E-7 : f32
    %add3A_54 = vector.broadcast %add3A_53 : f32 to vector<2048xf32>
    %add3A_55 = arith.addf %add3A_54, %get3A_52 : vector<2048xf32>
    %div3A_56 = arith.constant -0.72134751 : f32
    %div3A_57 = vector.broadcast %div3A_56 : f32 to vector<2048xf32>
    %div3A_58 = arith.divf %div3A_57, %add3A_55 : vector<2048xf32>
    %get3A_59 = arith.constant 3 : index
    %get3A_60 = arith.constant 0 : index
    %get3A_61 = vector.load %arg2[%get3A_59, %get3A_60] : memref<8x2048xf32, #tpu.memory_space<vmem>>, vector<1x2048xf32>
    %get3A_62 = vector.shape_cast %get3A_61 : vector<1x2048xf32> to vector<2048xf32>
    %add3A_63 = arith.constant 9.99999997E-7 : f32
    %add3A_64 = vector.broadcast %add3A_63 : f32 to vector<2048xf32>
    %add3A_65 = arith.addf %add3A_64, %get3A_62 : vector<2048xf32>
    %div3A_66 = arith.constant -0.72134751 : f32
    %div3A_67 = vector.broadcast %div3A_66 : f32 to vector<2048xf32>
    %div3A_68 = arith.divf %div3A_67, %add3A_65 : vector<2048xf32>
    %get3A_69 = arith.constant 4 : index
    %get3A_70 = arith.constant 0 : index
    %get3A_71 = vector.load %arg2[%get3A_69, %get3A_70] : memref<8x2048xf32, #tpu.memory_space<vmem>>, vector<1x2048xf32>
    %get3A_72 = vector.shape_cast %get3A_71 : vector<1x2048xf32> to vector<2048xf32>
    %add3A_73 = arith.constant 9.99999997E-7 : f32
    %add3A_74 = vector.broadcast %add3A_73 : f32 to vector<2048xf32>
    %add3A_75 = arith.addf %add3A_74, %get3A_72 : vector<2048xf32>
    %div3A_76 = arith.constant -0.72134751 : f32
    %div3A_77 = vector.broadcast %div3A_76 : f32 to vector<2048xf32>
    %div3A_78 = arith.divf %div3A_77, %add3A_75 : vector<2048xf32>
    %get3A_79 = arith.constant 5 : index
    %get3A_80 = arith.constant 0 : index
    %get3A_81 = vector.load %arg2[%get3A_79, %get3A_80] : memref<8x2048xf32, #tpu.memory_space<vmem>>, vector<1x2048xf32>
    %get3A_82 = vector.shape_cast %get3A_81 : vector<1x2048xf32> to vector<2048xf32>
    %add3A_83 = arith.constant 9.99999997E-7 : f32
    %add3A_84 = vector.broadcast %add3A_83 : f32 to vector<2048xf32>
    %add3A_85 = arith.addf %add3A_84, %get3A_82 : vector<2048xf32>
    %div3A_86 = arith.constant -0.72134751 : f32
    %div3A_87 = vector.broadcast %div3A_86 : f32 to vector<2048xf32>
    %div3A_88 = arith.divf %div3A_87, %add3A_85 : vector<2048xf32>
    %get3A_89 = arith.constant 6 : index
    %get3A_90 = arith.constant 0 : index
    %get3A_91 = vector.load %arg2[%get3A_89, %get3A_90] : memref<8x2048xf32, #tpu.memory_space<vmem>>, vector<1x2048xf32>
    %get3A_92 = vector.shape_cast %get3A_91 : vector<1x2048xf32> to vector<2048xf32>
    %add3A_93 = arith.constant 9.99999997E-7 : f32
    %add3A_94 = vector.broadcast %add3A_93 : f32 to vector<2048xf32>
    %add3A_95 = arith.addf %add3A_94, %get3A_92 : vector<2048xf32>
    %div3A_96 = arith.constant -0.72134751 : f32
    %div3A_97 = vector.broadcast %div3A_96 : f32 to vector<2048xf32>
    %div3A_98 = arith.divf %div3A_97, %add3A_95 : vector<2048xf32>
    %get3A_99 = arith.constant 7 : index
    %get3A_100 = arith.constant 0 : index
    %get3A_101 = vector.load %arg2[%get3A_99, %get3A_100] : memref<8x2048xf32, #tpu.memory_space<vmem>>, vector<1x2048xf32>
    %get3A_102 = vector.shape_cast %get3A_101 : vector<1x2048xf32> to vector<2048xf32>
    %add3A_103 = arith.constant 9.99999997E-7 : f32
    %add3A_104 = vector.broadcast %add3A_103 : f32 to vector<2048xf32>
    %add3A_105 = arith.addf %add3A_104, %get3A_102 : vector<2048xf32>
    %div3A_106 = arith.constant -0.72134751 : f32
    %div3A_107 = vector.broadcast %div3A_106 : f32 to vector<2048xf32>
    %div3A_108 = arith.divf %div3A_107, %add3A_105 : vector<2048xf32>
    %floor3A = math.floor %get3A_2 : vector<2048xf32>
    %ceil3A = math.ceil %get3A_2 : vector<2048xf32>
    %floor3A_109 = math.floor %get3A_6 : vector<2048xf32>
    %ceil3A_110 = math.ceil %get3A_6 : vector<2048xf32>
    %get3A_111 = arith.constant 0 : index
    %get3A_112 = arith.constant 0 : index
    %get3A_113 = vector.load %arg4[%get3A_111, %get3A_112] : memref<16x2048xf32, #tpu.memory_space<vmem>>, vector<1x2048xf32>
    %get3A_114 = vector.shape_cast %get3A_113 : vector<1x2048xf32> to vector<2048xf32>
    %get3A_115 = arith.constant 1 : index
    %get3A_116 = arith.constant 0 : index
    %get3A_117 = vector.load %arg4[%get3A_115, %get3A_116] : memref<16x2048xf32, #tpu.memory_space<vmem>>, vector<1x2048xf32>
    %get3A_118 = vector.shape_cast %get3A_117 : vector<1x2048xf32> to vector<2048xf32>
    %get3A_119 = arith.constant 2 : index
    %get3A_120 = arith.constant 0 : index
    %get3A_121 = vector.load %arg4[%get3A_119, %get3A_120] : memref<16x2048xf32, #tpu.memory_space<vmem>>, vector<1x2048xf32>
    %get3A_122 = vector.shape_cast %get3A_121 : vector<1x2048xf32> to vector<2048xf32>
    %get3A_123 = arith.constant 3 : index
    %get3A_124 = arith.constant 0 : index
    %get3A_125 = vector.load %arg4[%get3A_123, %get3A_124] : memref<16x2048xf32, #tpu.memory_space<vmem>>, vector<1x2048xf32>
    %get3A_126 = vector.shape_cast %get3A_125 : vector<1x2048xf32> to vector<2048xf32>
    %round3A = math.roundeven %get3A_2 : vector<2048xf32>
    %round3A_127 = math.roundeven %get3A_6 : vector<2048xf32>
    %sub3A = arith.constant 6.400000e+01 : f32
    %sub3A_128 = vector.broadcast %sub3A : f32 to vector<2048xf32>
    %sub3A_129 = arith.subf %round3A, %sub3A_128 : vector<2048xf32>
    %max3A = arith.constant 0.000000e+00 : f32
    %max3A_130 = vector.broadcast %max3A : f32 to vector<2048xf32>
    %max3A_131 = arith.maximumf %sub3A_129, %max3A_130 : vector<2048xf32>
    %add3A_132 = arith.constant 6.400000e+01 : f32
    %add3A_133 = vector.broadcast %add3A_132 : f32 to vector<2048xf32>
    %add3A_134 = arith.addf %round3A, %add3A_133 : vector<2048xf32>
    %gt3A = arith.constant 4.096000e+03 : f32
    %gt3A_135 = vector.broadcast %gt3A : f32 to vector<2048xf32>
    %gt3A_136 = arith.cmpf ogt, %add3A_134, %gt3A_135 : vector<2048xf32>
    %sub3A_137 = arith.constant 4.096000e+03 : f32
    %sub3A_138 = arith.constant 1.280000e+02 : f32
    %sub3A_139 = arith.subf %sub3A_137, %sub3A_138 : f32
    %broadcast_in_dim3A = vector.broadcast %sub3A_139 : f32 to vector<2048xf32>
    %select_n3A = arith.select %gt3A_136, %broadcast_in_dim3A, %max3A_131 : vector<2048xi1>, vector<2048xf32>
    %sub3A_140 = arith.constant 6.400000e+01 : f32
    %sub3A_141 = vector.broadcast %sub3A_140 : f32 to vector<2048xf32>
    %sub3A_142 = arith.subf %round3A_127, %sub3A_141 : vector<2048xf32>
    %max3A_143 = arith.constant 0.000000e+00 : f32
    %max3A_144 = vector.broadcast %max3A_143 : f32 to vector<2048xf32>
    %max3A_145 = arith.maximumf %sub3A_142, %max3A_144 : vector<2048xf32>
    %add3A_146 = arith.constant 6.400000e+01 : f32
    %add3A_147 = vector.broadcast %add3A_146 : f32 to vector<2048xf32>
    %add3A_148 = arith.addf %round3A_127, %add3A_147 : vector<2048xf32>
    %gt3A_149 = arith.constant 4.096000e+03 : f32
    %gt3A_150 = vector.broadcast %gt3A_149 : f32 to vector<2048xf32>
    %gt3A_151 = arith.cmpf ogt, %add3A_148, %gt3A_150 : vector<2048xf32>
    %sub3A_152 = arith.constant 4.096000e+03 : f32
    %sub3A_153 = arith.constant 1.280000e+02 : f32
    %sub3A_154 = arith.subf %sub3A_152, %sub3A_153 : f32
    %broadcast_in_dim3A_155 = vector.broadcast %sub3A_154 : f32 to vector<2048xf32>
    %select_n3A_156 = arith.select %gt3A_151, %broadcast_in_dim3A_155, %max3A_145 : vector<2048xi1>, vector<2048xf32>
    %get3A_157 = arith.constant 0 : index
    %get3A_158 = arith.constant 0 : index
    %get3A_159 = vector.load %arg5[%get3A_157, %get3A_158] : memref<16x2048xf32, #tpu.memory_space<vmem>>, vector<1x2048xf32>
    %get3A_160 = vector.shape_cast %get3A_159 : vector<1x2048xf32> to vector<2048xf32>
    %add3A_161 = arith.addf %get3A_160, %select_n3A : vector<2048xf32>
    %floor3A_162 = math.floor %add3A_161 : vector<2048xf32>
    %get3A_163 = arith.constant 1 : index
    %get3A_164 = arith.constant 0 : index
    %get3A_165 = vector.load %arg5[%get3A_163, %get3A_164] : memref<16x2048xf32, #tpu.memory_space<vmem>>, vector<1x2048xf32>
    %get3A_166 = vector.shape_cast %get3A_165 : vector<1x2048xf32> to vector<2048xf32>
    %add3A_167 = arith.addf %get3A_166, %select_n3A_156 : vector<2048xf32>
    %floor3A_168 = math.floor %add3A_167 : vector<2048xf32>
    %get3A_169 = arith.constant 2 : index
    %get3A_170 = arith.constant 0 : index
    %get3A_171 = vector.load %arg5[%get3A_169, %get3A_170] : memref<16x2048xf32, #tpu.memory_space<vmem>>, vector<1x2048xf32>
    %get3A_172 = vector.shape_cast %get3A_171 : vector<1x2048xf32> to vector<2048xf32>
    %add3A_173 = arith.addf %get3A_172, %select_n3A : vector<2048xf32>
    %floor3A_174 = math.floor %add3A_173 : vector<2048xf32>
    %get3A_175 = arith.constant 3 : index
    %get3A_176 = arith.constant 0 : index
    %get3A_177 = vector.load %arg5[%get3A_175, %get3A_176] : memref<16x2048xf32, #tpu.memory_space<vmem>>, vector<1x2048xf32>
    %get3A_178 = vector.shape_cast %get3A_177 : vector<1x2048xf32> to vector<2048xf32>
    %add3A_179 = arith.addf %get3A_178, %select_n3A_156 : vector<2048xf32>
    %floor3A_180 = math.floor %add3A_179 : vector<2048xf32>
    %floor3A_181 = math.floor %get3A_10 : vector<2048xf32>
    %ceil3A_182 = math.ceil %get3A_10 : vector<2048xf32>
    %floor3A_183 = math.floor %get3A_14 : vector<2048xf32>
    %ceil3A_184 = math.ceil %get3A_14 : vector<2048xf32>
    %get3A_185 = arith.constant 4 : index
    %get3A_186 = arith.constant 0 : index
    %get3A_187 = vector.load %arg4[%get3A_185, %get3A_186] : memref<16x2048xf32, #tpu.memory_space<vmem>>, vector<1x2048xf32>
    %get3A_188 = vector.shape_cast %get3A_187 : vector<1x2048xf32> to vector<2048xf32>
    %get3A_189 = arith.constant 5 : index
    %get3A_190 = arith.constant 0 : index
    %get3A_191 = vector.load %arg4[%get3A_189, %get3A_190] : memref<16x2048xf32, #tpu.memory_space<vmem>>, vector<1x2048xf32>
    %get3A_192 = vector.shape_cast %get3A_191 : vector<1x2048xf32> to vector<2048xf32>
    %get3A_193 = arith.constant 6 : index
    %get3A_194 = arith.constant 0 : index
    %get3A_195 = vector.load %arg4[%get3A_193, %get3A_194] : memref<16x2048xf32, #tpu.memory_space<vmem>>, vector<1x2048xf32>
    %get3A_196 = vector.shape_cast %get3A_195 : vector<1x2048xf32> to vector<2048xf32>
    %get3A_197 = arith.constant 7 : index
    %get3A_198 = arith.constant 0 : index
    %get3A_199 = vector.load %arg4[%get3A_197, %get3A_198] : memref<16x2048xf32, #tpu.memory_space<vmem>>, vector<1x2048xf32>
    %get3A_200 = vector.shape_cast %get3A_199 : vector<1x2048xf32> to vector<2048xf32>
    %round3A_201 = math.roundeven %get3A_10 : vector<2048xf32>
    %round3A_202 = math.roundeven %get3A_14 : vector<2048xf32>
    %sub3A_203 = arith.constant 6.400000e+01 : f32
    %sub3A_204 = vector.broadcast %sub3A_203 : f32 to vector<2048xf32>
    %sub3A_205 = arith.subf %round3A_201, %sub3A_204 : vector<2048xf32>
    %max3A_206 = arith.constant 0.000000e+00 : f32
    %max3A_207 = vector.broadcast %max3A_206 : f32 to vector<2048xf32>
    %max3A_208 = arith.maximumf %sub3A_205, %max3A_207 : vector<2048xf32>
    %add3A_209 = arith.constant 6.400000e+01 : f32
    %add3A_210 = vector.broadcast %add3A_209 : f32 to vector<2048xf32>
    %add3A_211 = arith.addf %round3A_201, %add3A_210 : vector<2048xf32>
    %gt3A_212 = arith.constant 4.096000e+03 : f32
    %gt3A_213 = vector.broadcast %gt3A_212 : f32 to vector<2048xf32>
    %gt3A_214 = arith.cmpf ogt, %add3A_211, %gt3A_213 : vector<2048xf32>
    %sub3A_215 = arith.constant 4.096000e+03 : f32
    %sub3A_216 = arith.constant 1.280000e+02 : f32
    %sub3A_217 = arith.subf %sub3A_215, %sub3A_216 : f32
    %broadcast_in_dim3A_218 = vector.broadcast %sub3A_217 : f32 to vector<2048xf32>
    %select_n3A_219 = arith.select %gt3A_214, %broadcast_in_dim3A_218, %max3A_208 : vector<2048xi1>, vector<2048xf32>
    %sub3A_220 = arith.constant 6.400000e+01 : f32
    %sub3A_221 = vector.broadcast %sub3A_220 : f32 to vector<2048xf32>
    %sub3A_222 = arith.subf %round3A_202, %sub3A_221 : vector<2048xf32>
    %max3A_223 = arith.constant 0.000000e+00 : f32
    %max3A_224 = vector.broadcast %max3A_223 : f32 to vector<2048xf32>
    %max3A_225 = arith.maximumf %sub3A_222, %max3A_224 : vector<2048xf32>
    %add3A_226 = arith.constant 6.400000e+01 : f32
    %add3A_227 = vector.broadcast %add3A_226 : f32 to vector<2048xf32>
    %add3A_228 = arith.addf %round3A_202, %add3A_227 : vector<2048xf32>
    %gt3A_229 = arith.constant 4.096000e+03 : f32
    %gt3A_230 = vector.broadcast %gt3A_229 : f32 to vector<2048xf32>
    %gt3A_231 = arith.cmpf ogt, %add3A_228, %gt3A_230 : vector<2048xf32>
    %sub3A_232 = arith.constant 4.096000e+03 : f32
    %sub3A_233 = arith.constant 1.280000e+02 : f32
    %sub3A_234 = arith.subf %sub3A_232, %sub3A_233 : f32
    %broadcast_in_dim3A_235 = vector.broadcast %sub3A_234 : f32 to vector<2048xf32>
    %select_n3A_236 = arith.select %gt3A_231, %broadcast_in_dim3A_235, %max3A_225 : vector<2048xi1>, vector<2048xf32>
    %get3A_237 = arith.constant 4 : index
    %get3A_238 = arith.constant 0 : index
    %get3A_239 = vector.load %arg5[%get3A_237, %get3A_238] : memref<16x2048xf32, #tpu.memory_space<vmem>>, vector<1x2048xf32>
    %get3A_240 = vector.shape_cast %get3A_239 : vector<1x2048xf32> to vector<2048xf32>
    %add3A_241 = arith.addf %get3A_240, %select_n3A_219 : vector<2048xf32>
    %floor3A_242 = math.floor %add3A_241 : vector<2048xf32>
    %get3A_243 = arith.constant 5 : index
    %get3A_244 = arith.constant 0 : index
    %get3A_245 = vector.load %arg5[%get3A_243, %get3A_244] : memref<16x2048xf32, #tpu.memory_space<vmem>>, vector<1x2048xf32>
    %get3A_246 = vector.shape_cast %get3A_245 : vector<1x2048xf32> to vector<2048xf32>
    %add3A_247 = arith.addf %get3A_246, %select_n3A_236 : vector<2048xf32>
    %floor3A_248 = math.floor %add3A_247 : vector<2048xf32>
    %get3A_249 = arith.constant 6 : index
    %get3A_250 = arith.constant 0 : index
    %get3A_251 = vector.load %arg5[%get3A_249, %get3A_250] : memref<16x2048xf32, #tpu.memory_space<vmem>>, vector<1x2048xf32>
    %get3A_252 = vector.shape_cast %get3A_251 : vector<1x2048xf32> to vector<2048xf32>
    %add3A_253 = arith.addf %get3A_252, %select_n3A_219 : vector<2048xf32>
    %floor3A_254 = math.floor %add3A_253 : vector<2048xf32>
    %get3A_255 = arith.constant 7 : index
    %get3A_256 = arith.constant 0 : index
    %get3A_257 = vector.load %arg5[%get3A_255, %get3A_256] : memref<16x2048xf32, #tpu.memory_space<vmem>>, vector<1x2048xf32>
    %get3A_258 = vector.shape_cast %get3A_257 : vector<1x2048xf32> to vector<2048xf32>
    %add3A_259 = arith.addf %get3A_258, %select_n3A_236 : vector<2048xf32>
    %floor3A_260 = math.floor %add3A_259 : vector<2048xf32>
    %floor3A_261 = math.floor %get3A_18 : vector<2048xf32>
    %ceil3A_262 = math.ceil %get3A_18 : vector<2048xf32>
    %floor3A_263 = math.floor %get3A_22 : vector<2048xf32>
    %ceil3A_264 = math.ceil %get3A_22 : vector<2048xf32>
    %get3A_265 = arith.constant 8 : index
    %get3A_266 = arith.constant 0 : index
    %get3A_267 = vector.load %arg4[%get3A_265, %get3A_266] : memref<16x2048xf32, #tpu.memory_space<vmem>>, vector<1x2048xf32>
    %get3A_268 = vector.shape_cast %get3A_267 : vector<1x2048xf32> to vector<2048xf32>
    %get3A_269 = arith.constant 9 : index
    %get3A_270 = arith.constant 0 : index
    %get3A_271 = vector.load %arg4[%get3A_269, %get3A_270] : memref<16x2048xf32, #tpu.memory_space<vmem>>, vector<1x2048xf32>
    %get3A_272 = vector.shape_cast %get3A_271 : vector<1x2048xf32> to vector<2048xf32>
    %get3A_273 = arith.constant 10 : index
    %get3A_274 = arith.constant 0 : index
    %get3A_275 = vector.load %arg4[%get3A_273, %get3A_274] : memref<16x2048xf32, #tpu.memory_space<vmem>>, vector<1x2048xf32>
    %get3A_276 = vector.shape_cast %get3A_275 : vector<1x2048xf32> to vector<2048xf32>
    %get3A_277 = arith.constant 11 : index
    %get3A_278 = arith.constant 0 : index
    %get3A_279 = vector.load %arg4[%get3A_277, %get3A_278] : memref<16x2048xf32, #tpu.memory_space<vmem>>, vector<1x2048xf32>
    %get3A_280 = vector.shape_cast %get3A_279 : vector<1x2048xf32> to vector<2048xf32>
    %round3A_281 = math.roundeven %get3A_18 : vector<2048xf32>
    %round3A_282 = math.roundeven %get3A_22 : vector<2048xf32>
    %sub3A_283 = arith.constant 6.400000e+01 : f32
    %sub3A_284 = vector.broadcast %sub3A_283 : f32 to vector<2048xf32>
    %sub3A_285 = arith.subf %round3A_281, %sub3A_284 : vector<2048xf32>
    %max3A_286 = arith.constant 0.000000e+00 : f32
    %max3A_287 = vector.broadcast %max3A_286 : f32 to vector<2048xf32>
    %max3A_288 = arith.maximumf %sub3A_285, %max3A_287 : vector<2048xf32>
    %add3A_289 = arith.constant 6.400000e+01 : f32
    %add3A_290 = vector.broadcast %add3A_289 : f32 to vector<2048xf32>
    %add3A_291 = arith.addf %round3A_281, %add3A_290 : vector<2048xf32>
    %gt3A_292 = arith.constant 4.096000e+03 : f32
    %gt3A_293 = vector.broadcast %gt3A_292 : f32 to vector<2048xf32>
    %gt3A_294 = arith.cmpf ogt, %add3A_291, %gt3A_293 : vector<2048xf32>
    %sub3A_295 = arith.constant 4.096000e+03 : f32
    %sub3A_296 = arith.constant 1.280000e+02 : f32
    %sub3A_297 = arith.subf %sub3A_295, %sub3A_296 : f32
    %broadcast_in_dim3A_298 = vector.broadcast %sub3A_297 : f32 to vector<2048xf32>
    %select_n3A_299 = arith.select %gt3A_294, %broadcast_in_dim3A_298, %max3A_288 : vector<2048xi1>, vector<2048xf32>
    %sub3A_300 = arith.constant 6.400000e+01 : f32
    %sub3A_301 = vector.broadcast %sub3A_300 : f32 to vector<2048xf32>
    %sub3A_302 = arith.subf %round3A_282, %sub3A_301 : vector<2048xf32>
    %max3A_303 = arith.constant 0.000000e+00 : f32
    %max3A_304 = vector.broadcast %max3A_303 : f32 to vector<2048xf32>
    %max3A_305 = arith.maximumf %sub3A_302, %max3A_304 : vector<2048xf32>
    %add3A_306 = arith.constant 6.400000e+01 : f32
    %add3A_307 = vector.broadcast %add3A_306 : f32 to vector<2048xf32>
    %add3A_308 = arith.addf %round3A_282, %add3A_307 : vector<2048xf32>
    %gt3A_309 = arith.constant 4.096000e+03 : f32
    %gt3A_310 = vector.broadcast %gt3A_309 : f32 to vector<2048xf32>
    %gt3A_311 = arith.cmpf ogt, %add3A_308, %gt3A_310 : vector<2048xf32>
    %sub3A_312 = arith.constant 4.096000e+03 : f32
    %sub3A_313 = arith.constant 1.280000e+02 : f32
    %sub3A_314 = arith.subf %sub3A_312, %sub3A_313 : f32
    %broadcast_in_dim3A_315 = vector.broadcast %sub3A_314 : f32 to vector<2048xf32>
    %select_n3A_316 = arith.select %gt3A_311, %broadcast_in_dim3A_315, %max3A_305 : vector<2048xi1>, vector<2048xf32>
    %get3A_317 = arith.constant 8 : index
    %get3A_318 = arith.constant 0 : index
    %get3A_319 = vector.load %arg5[%get3A_317, %get3A_318] : memref<16x2048xf32, #tpu.memory_space<vmem>>, vector<1x2048xf32>
    %get3A_320 = vector.shape_cast %get3A_319 : vector<1x2048xf32> to vector<2048xf32>
    %add3A_321 = arith.addf %get3A_320, %select_n3A_299 : vector<2048xf32>
    %floor3A_322 = math.floor %add3A_321 : vector<2048xf32>
    %get3A_323 = arith.constant 9 : index
    %get3A_324 = arith.constant 0 : index
    %get3A_325 = vector.load %arg5[%get3A_323, %get3A_324] : memref<16x2048xf32, #tpu.memory_space<vmem>>, vector<1x2048xf32>
    %get3A_326 = vector.shape_cast %get3A_325 : vector<1x2048xf32> to vector<2048xf32>
    %add3A_327 = arith.addf %get3A_326, %select_n3A_316 : vector<2048xf32>
    %floor3A_328 = math.floor %add3A_327 : vector<2048xf32>
    %get3A_329 = arith.constant 10 : index
    %get3A_330 = arith.constant 0 : index
    %get3A_331 = vector.load %arg5[%get3A_329, %get3A_330] : memref<16x2048xf32, #tpu.memory_space<vmem>>, vector<1x2048xf32>
    %get3A_332 = vector.shape_cast %get3A_331 : vector<1x2048xf32> to vector<2048xf32>
    %add3A_333 = arith.addf %get3A_332, %select_n3A_299 : vector<2048xf32>
    %floor3A_334 = math.floor %add3A_333 : vector<2048xf32>
    %get3A_335 = arith.constant 11 : index
    %get3A_336 = arith.constant 0 : index
    %get3A_337 = vector.load %arg5[%get3A_335, %get3A_336] : memref<16x2048xf32, #tpu.memory_space<vmem>>, vector<1x2048xf32>
    %get3A_338 = vector.shape_cast %get3A_337 : vector<1x2048xf32> to vector<2048xf32>
    %add3A_339 = arith.addf %get3A_338, %select_n3A_316 : vector<2048xf32>
    %floor3A_340 = math.floor %add3A_339 : vector<2048xf32>
    %floor3A_341 = math.floor %get3A_26 : vector<2048xf32>
    %ceil3A_342 = math.ceil %get3A_26 : vector<2048xf32>
    %floor3A_343 = math.floor %get3A_30 : vector<2048xf32>
    %ceil3A_344 = math.ceil %get3A_30 : vector<2048xf32>
    %get3A_345 = arith.constant 12 : index
    %get3A_346 = arith.constant 0 : index
    %get3A_347 = vector.load %arg4[%get3A_345, %get3A_346] : memref<16x2048xf32, #tpu.memory_space<vmem>>, vector<1x2048xf32>
    %get3A_348 = vector.shape_cast %get3A_347 : vector<1x2048xf32> to vector<2048xf32>
    %get3A_349 = arith.constant 13 : index
    %get3A_350 = arith.constant 0 : index
    %get3A_351 = vector.load %arg4[%get3A_349, %get3A_350] : memref<16x2048xf32, #tpu.memory_space<vmem>>, vector<1x2048xf32>
    %get3A_352 = vector.shape_cast %get3A_351 : vector<1x2048xf32> to vector<2048xf32>
    %get3A_353 = arith.constant 14 : index
    %get3A_354 = arith.constant 0 : index
    %get3A_355 = vector.load %arg4[%get3A_353, %get3A_354] : memref<16x2048xf32, #tpu.memory_space<vmem>>, vector<1x2048xf32>
    %get3A_356 = vector.shape_cast %get3A_355 : vector<1x2048xf32> to vector<2048xf32>
    %get3A_357 = arith.constant 15 : index
    %get3A_358 = arith.constant 0 : index
    %get3A_359 = vector.load %arg4[%get3A_357, %get3A_358] : memref<16x2048xf32, #tpu.memory_space<vmem>>, vector<1x2048xf32>
    %get3A_360 = vector.shape_cast %get3A_359 : vector<1x2048xf32> to vector<2048xf32>
    %round3A_361 = math.roundeven %get3A_26 : vector<2048xf32>
    %round3A_362 = math.roundeven %get3A_30 : vector<2048xf32>
    %sub3A_363 = arith.constant 6.400000e+01 : f32
    %sub3A_364 = vector.broadcast %sub3A_363 : f32 to vector<2048xf32>
    %sub3A_365 = arith.subf %round3A_361, %sub3A_364 : vector<2048xf32>
    %max3A_366 = arith.constant 0.000000e+00 : f32
    %max3A_367 = vector.broadcast %max3A_366 : f32 to vector<2048xf32>
    %max3A_368 = arith.maximumf %sub3A_365, %max3A_367 : vector<2048xf32>
    %add3A_369 = arith.constant 6.400000e+01 : f32
    %add3A_370 = vector.broadcast %add3A_369 : f32 to vector<2048xf32>
    %add3A_371 = arith.addf %round3A_361, %add3A_370 : vector<2048xf32>
    %gt3A_372 = arith.constant 4.096000e+03 : f32
    %gt3A_373 = vector.broadcast %gt3A_372 : f32 to vector<2048xf32>
    %gt3A_374 = arith.cmpf ogt, %add3A_371, %gt3A_373 : vector<2048xf32>
    %sub3A_375 = arith.constant 4.096000e+03 : f32
    %sub3A_376 = arith.constant 1.280000e+02 : f32
    %sub3A_377 = arith.subf %sub3A_375, %sub3A_376 : f32
    %broadcast_in_dim3A_378 = vector.broadcast %sub3A_377 : f32 to vector<2048xf32>
    %select_n3A_379 = arith.select %gt3A_374, %broadcast_in_dim3A_378, %max3A_368 : vector<2048xi1>, vector<2048xf32>
    %sub3A_380 = arith.constant 6.400000e+01 : f32
    %sub3A_381 = vector.broadcast %sub3A_380 : f32 to vector<2048xf32>
    %sub3A_382 = arith.subf %round3A_362, %sub3A_381 : vector<2048xf32>
    %max3A_383 = arith.constant 0.000000e+00 : f32
    %max3A_384 = vector.broadcast %max3A_383 : f32 to vector<2048xf32>
    %max3A_385 = arith.maximumf %sub3A_382, %max3A_384 : vector<2048xf32>
    %add3A_386 = arith.constant 6.400000e+01 : f32
    %add3A_387 = vector.broadcast %add3A_386 : f32 to vector<2048xf32>
    %add3A_388 = arith.addf %round3A_362, %add3A_387 : vector<2048xf32>
    %gt3A_389 = arith.constant 4.096000e+03 : f32
    %gt3A_390 = vector.broadcast %gt3A_389 : f32 to vector<2048xf32>
    %gt3A_391 = arith.cmpf ogt, %add3A_388, %gt3A_390 : vector<2048xf32>
    %sub3A_392 = arith.constant 4.096000e+03 : f32
    %sub3A_393 = arith.constant 1.280000e+02 : f32
    %sub3A_394 = arith.subf %sub3A_392, %sub3A_393 : f32
    %broadcast_in_dim3A_395 = vector.broadcast %sub3A_394 : f32 to vector<2048xf32>
    %select_n3A_396 = arith.select %gt3A_391, %broadcast_in_dim3A_395, %max3A_385 : vector<2048xi1>, vector<2048xf32>
    %get3A_397 = arith.constant 12 : index
    %get3A_398 = arith.constant 0 : index
    %get3A_399 = vector.load %arg5[%get3A_397, %get3A_398] : memref<16x2048xf32, #tpu.memory_space<vmem>>, vector<1x2048xf32>
    %get3A_400 = vector.shape_cast %get3A_399 : vector<1x2048xf32> to vector<2048xf32>
    %add3A_401 = arith.addf %get3A_400, %select_n3A_379 : vector<2048xf32>
    %floor3A_402 = math.floor %add3A_401 : vector<2048xf32>
    %get3A_403 = arith.constant 13 : index
    %get3A_404 = arith.constant 0 : index
    %get3A_405 = vector.load %arg5[%get3A_403, %get3A_404] : memref<16x2048xf32, #tpu.memory_space<vmem>>, vector<1x2048xf32>
    %get3A_406 = vector.shape_cast %get3A_405 : vector<1x2048xf32> to vector<2048xf32>
    %add3A_407 = arith.addf %get3A_406, %select_n3A_396 : vector<2048xf32>
    %floor3A_408 = math.floor %add3A_407 : vector<2048xf32>
    %get3A_409 = arith.constant 14 : index
    %get3A_410 = arith.constant 0 : index
    %get3A_411 = vector.load %arg5[%get3A_409, %get3A_410] : memref<16x2048xf32, #tpu.memory_space<vmem>>, vector<1x2048xf32>
    %get3A_412 = vector.shape_cast %get3A_411 : vector<1x2048xf32> to vector<2048xf32>
    %add3A_413 = arith.addf %get3A_412, %select_n3A_379 : vector<2048xf32>
    %floor3A_414 = math.floor %add3A_413 : vector<2048xf32>
    %get3A_415 = arith.constant 15 : index
    %get3A_416 = arith.constant 0 : index
    %get3A_417 = vector.load %arg5[%get3A_415, %get3A_416] : memref<16x2048xf32, #tpu.memory_space<vmem>>, vector<1x2048xf32>
    %get3A_418 = vector.shape_cast %get3A_417 : vector<1x2048xf32> to vector<2048xf32>
    %add3A_419 = arith.addf %get3A_418, %select_n3A_396 : vector<2048xf32>
    %floor3A_420 = math.floor %add3A_419 : vector<2048xf32>
    %sub3A_421 = arith.subf %floor3A, %get3A_2 : vector<2048xf32>
    %sub3A_422 = arith.subf %floor3A_109, %get3A_6 : vector<2048xf32>
    %mul3A = arith.mulf %sub3A_421, %sub3A_421 : vector<2048xf32>
    %mul3A_423 = arith.mulf %mul3A, %div3A_38 : vector<2048xf32>
    %mul3A_424 = arith.mulf %sub3A_422, %sub3A_422 : vector<2048xf32>
    %mul3A_425 = arith.mulf %mul3A_424, %div3A_48 : vector<2048xf32>
    %add3A_426 = arith.addf %mul3A_423, %mul3A_425 : vector<2048xf32>
    %exp23A = math.exp2 %add3A_426 : vector<2048xf32>
    %swap3A = arith.constant 0 : index
    %swap3A_427 = arith.constant 0 : index
    %swap3A_428 = vector.load %arg8[%swap3A, %swap3A_427] : memref<128x2048xf32, #tpu.memory_space<vmem>>, vector<1x2048xf32>
    %swap3A_429 = vector.shape_cast %swap3A_428 : vector<1x2048xf32> to vector<2048xf32>
    %swap3A_430 = vector.shape_cast %exp23A : vector<2048xf32> to vector<1x2048xf32>
    tpu.vector_store %arg8[%swap3A, %swap3A_427], %swap3A_430 {strides = array<i32>} : memref<128x2048xf32, #tpu.memory_space<vmem>>, vector<1x2048xf32>,
    %sub3A_431 = arith.subf %floor3A, %get3A_10 : vector<2048xf32>
    %sub3A_432 = arith.subf %floor3A_109, %get3A_14 : vector<2048xf32>
    %mul3A_433 = arith.mulf %sub3A_431, %sub3A_431 : vector<2048xf32>
    %mul3A_434 = arith.mulf %mul3A_433, %div3A_58 : vector<2048xf32>
    %mul3A_435 = arith.mulf %sub3A_432, %sub3A_432 : vector<2048xf32>
    %mul3A_436 = arith.mulf %mul3A_435, %div3A_68 : vector<2048xf32>
    %add3A_437 = arith.addf %mul3A_434, %mul3A_436 : vector<2048xf32>
    %exp23A_438 = math.exp2 %add3A_437 : vector<2048xf32>
    %swap3A_439 = arith.constant 1 : index
    %swap3A_440 = arith.constant 0 : index
    %swap3A_441 = vector.load %arg8[%swap3A_439, %swap3A_440] : memref<128x2048xf32, #tpu.memory_space<vmem>>, vector<1x2048xf32>
    %swap3A_442 = vector.shape_cast %swap3A_441 : vector<1x2048xf32> to vector<2048xf32>
    %swap3A_443 = vector.shape_cast %exp23A_438 : vector<2048xf32> to vector<1x2048xf32>
    tpu.vector_store %arg8[%swap3A_439, %swap3A_440], %swap3A_443 {strides = array<i32>} : memref<128x2048xf32, #tpu.memory_space<vmem>>, vector<1x2048xf32>,
    %sub3A_444 = arith.subf %floor3A, %get3A_18 : vector<2048xf32>
    %sub3A_445 = arith.subf %floor3A_109, %get3A_22 : vector<2048xf32>
    %mul3A_446 = arith.mulf %sub3A_444, %sub3A_444 : vector<2048xf32>
    %mul3A_447 = arith.mulf %mul3A_446, %div3A_78 : vector<2048xf32>
    %mul3A_448 = arith.mulf %sub3A_445, %sub3A_445 : vector<2048xf32>
    %mul3A_449 = arith.mulf %mul3A_448, %div3A_88 : vector<2048xf32>
    %add3A_450 = arith.addf %mul3A_447, %mul3A_449 : vector<2048xf32>
    %exp23A_451 = math.exp2 %add3A_450 : vector<2048xf32>
    %swap3A_452 = arith.constant 2 : index
    %swap3A_453 = arith.constant 0 : index
    %swap3A_454 = vector.load %arg8[%swap3A_452, %swap3A_453] : memref<128x2048xf32, #tpu.memory_space<vmem>>, vector<1x2048xf32>
    %swap3A_455 = vector.shape_cast %swap3A_454 : vector<1x2048xf32> to vector<2048xf32>
    %swap3A_456 = vector.shape_cast %exp23A_451 : vector<2048xf32> to vector<1x2048xf32>
    tpu.vector_store %arg8[%swap3A_452, %swap3A_453], %swap3A_456 {strides = array<i32>} : memref<128x2048xf32, #tpu.memory_space<vmem>>, vector<1x2048xf32>,
    %sub3A_457 = arith.subf %floor3A, %get3A_26 : vector<2048xf32>
    %sub3A_458 = arith.subf %floor3A_109, %get3A_30 : vector<2048xf32>
    %mul3A_459 = arith.mulf %sub3A_457, %sub3A_457 : vector<2048xf32>
    %mul3A_460 = arith.mulf %mul3A_459, %div3A_98 : vector<2048xf32>
    %mul3A_461 = arith.mulf %sub3A_458, %sub3A_458 : vector<2048xf32>
    %mul3A_462 = arith.mulf %mul3A_461, %div3A_108 : vector<2048xf32>
    %add3A_463 = arith.addf %mul3A_460, %mul3A_462 : vector<2048xf32>
    %exp23A_464 = math.exp2 %add3A_463 : vector<2048xf32>
    %swap3A_465 = arith.constant 3 : index
    %swap3A_466 = arith.constant 0 : index
    %swap3A_467 = vector.load %arg8[%swap3A_465, %swap3A_466] : memref<128x2048xf32, #tpu.memory_space<vmem>>, vector<1x2048xf32>
    %swap3A_468 = vector.shape_cast %swap3A_467 : vector<1x2048xf32> to vector<2048xf32>
    %swap3A_469 = vector.shape_cast %exp23A_464 : vector<2048xf32> to vector<1x2048xf32>
    tpu.vector_store %arg8[%swap3A_465, %swap3A_466], %swap3A_469 {strides = array<i32>} : memref<128x2048xf32, #tpu.memory_space<vmem>>, vector<1x2048xf32>,
    %sub3A_470 = arith.subf %floor3A, %get3A_2 : vector<2048xf32>
    %sub3A_471 = arith.subf %ceil3A_110, %get3A_6 : vector<2048xf32>
    %mul3A_472 = arith.mulf %sub3A_470, %sub3A_470 : vector<2048xf32>
    %mul3A_473 = arith.mulf %mul3A_472, %div3A_38 : vector<2048xf32>
    %mul3A_474 = arith.mulf %sub3A_471, %sub3A_471 : vector<2048xf32>
    %mul3A_475 = arith.mulf %mul3A_474, %div3A_48 : vector<2048xf32>
    %add3A_476 = arith.addf %mul3A_473, %mul3A_475 : vector<2048xf32>
    %exp23A_477 = math.exp2 %add3A_476 : vector<2048xf32>
    %swap3A_478 = arith.constant 4 : index
    %swap3A_479 = arith.constant 0 : index
    %swap3A_480 = vector.load %arg8[%swap3A_478, %swap3A_479] : memref<128x2048xf32, #tpu.memory_space<vmem>>, vector<1x2048xf32>
    %swap3A_481 = vector.shape_cast %swap3A_480 : vector<1x2048xf32> to vector<2048xf32>
    %swap3A_482 = vector.shape_cast %exp23A_477 : vector<2048xf32> to vector<1x2048xf32>
    tpu.vector_store %arg8[%swap3A_478, %swap3A_479], %swap3A_482 {strides = array<i32>} : memref<128x2048xf32, #tpu.memory_space<vmem>>, vector<1x2048xf32>,
    %add3A_483 = arith.addf %exp23A, %exp23A_477 : vector<2048xf32>
    %sub3A_484 = arith.subf %floor3A, %get3A_10 : vector<2048xf32>
    %sub3A_485 = arith.subf %ceil3A_110, %get3A_14 : vector<2048xf32>
    %mul3A_486 = arith.mulf %sub3A_484, %sub3A_484 : vector<2048xf32>
    %mul3A_487 = arith.mulf %mul3A_486, %div3A_58 : vector<2048xf32>
    %mul3A_488 = arith.mulf %sub3A_485, %sub3A_485 : vector<2048xf32>
    %mul3A_489 = arith.mulf %mul3A_488, %div3A_68 : vector<2048xf32>
    %add3A_490 = arith.addf %mul3A_487, %mul3A_489 : vector<2048xf32>
    %exp23A_491 = math.exp2 %add3A_490 : vector<2048xf32>
    %swap3A_492 = arith.constant 5 : index
    %swap3A_493 = arith.constant 0 : index
    %swap3A_494 = vector.load %arg8[%swap3A_492, %swap3A_493] : memref<128x2048xf32, #tpu.memory_space<vmem>>, vector<1x2048xf32>
    %swap3A_495 = vector.shape_cast %swap3A_494 : vector<1x2048xf32> to vector<2048xf32>
    %swap3A_496 = vector.shape_cast %exp23A_491 : vector<2048xf32> to vector<1x2048xf32>
    tpu.vector_store %arg8[%swap3A_492, %swap3A_493], %swap3A_496 {strides = array<i32>} : memref<128x2048xf32, #tpu.memory_space<vmem>>, vector<1x2048xf32>,
    %add3A_497 = arith.addf %exp23A_438, %exp23A_491 : vector<2048xf32>
    %sub3A_498 = arith.subf %floor3A, %get3A_18 : vector<2048xf32>
    %sub3A_499 = arith.subf %ceil3A_110, %get3A_22 : vector<2048xf32>
    %mul3A_500 = arith.mulf %sub3A_498, %sub3A_498 : vector<2048xf32>
    %mul3A_501 = arith.mulf %mul3A_500, %div3A_78 : vector<2048xf32>
    %mul3A_502 = arith.mulf %sub3A_499, %sub3A_499 : vector<2048xf32>
    %mul3A_503 = arith.mulf %mul3A_502, %div3A_88 : vector<2048xf32>
    %add3A_504 = arith.addf %mul3A_501, %mul3A_503 : vector<2048xf32>
    %exp23A_505 = math.exp2 %add3A_504 : vector<2048xf32>
    %swap3A_506 = arith.constant 6 : index
    %swap3A_507 = arith.constant 0 : index
    %swap3A_508 = vector.load %arg8[%swap3A_506, %swap3A_507] : memref<128x2048xf32, #tpu.memory_space<vmem>>, vector<1x2048xf32>
    %swap3A_509 = vector.shape_cast %swap3A_508 : vector<1x2048xf32> to vector<2048xf32>
    %swap3A_510 = vector.shape_cast %exp23A_505 : vector<2048xf32> to vector<1x2048xf32>
    tpu.vector_store %arg8[%swap3A_506, %swap3A_507], %swap3A_510 {strides = array<i32>} : memref<128x2048xf32, #tpu.memory_space<vmem>>, vector<1x2048xf32>,
    %add3A_511 = arith.addf %exp23A_451, %exp23A_505 : vector<2048xf32>
    %sub3A_512 = arith.subf %floor3A, %get3A_26 : vector<2048xf32>
    %sub3A_513 = arith.subf %ceil3A_110, %get3A_30 : vector<2048xf32>
    %mul3A_514 = arith.mulf %sub3A_512, %sub3A_512 : vector<2048xf32>
    %mul3A_515 = arith.mulf %mul3A_514, %div3A_98 : vector<2048xf32>
    %mul3A_516 = arith.mulf %sub3A_513, %sub3A_513 : vector<2048xf32>
    %mul3A_517 = arith.mulf %mul3A_516, %div3A_108 : vector<2048xf32>
    %add3A_518 = arith.addf %mul3A_515, %mul3A_517 : vector<2048xf32>
    %exp23A_519 = math.exp2 %add3A_518 : vector<2048xf32>
    %swap3A_520 = arith.constant 7 : index
    %swap3A_521 = arith.constant 0 : index
    %swap3A_522 = vector.load %arg8[%swap3A_520, %swap3A_521] : memref<128x2048xf32, #tpu.memory_space<vmem>>, vector<1x2048xf32>
    %swap3A_523 = vector.shape_cast %swap3A_522 : vector<1x2048xf32> to vector<2048xf32>
    %swap3A_524 = vector.shape_cast %exp23A_519 : vector<2048xf32> to vector<1x2048xf32>
    tpu.vector_store %arg8[%swap3A_520, %swap3A_521], %swap3A_524 {strides = array<i32>} : memref<128x2048xf32, #tpu.memory_space<vmem>>, vector<1x2048xf32>,
    %add3A_525 = arith.addf %exp23A_464, %exp23A_519 : vector<2048xf32>
    %sub3A_526 = arith.subf %ceil3A, %get3A_2 : vector<2048xf32>
    %sub3A_527 = arith.subf %floor3A_109, %get3A_6 : vector<2048xf32>
    %mul3A_528 = arith.mulf %sub3A_526, %sub3A_526 : vector<2048xf32>
    %mul3A_529 = arith.mulf %mul3A_528, %div3A_38 : vector<2048xf32>
    %mul3A_530 = arith.mulf %sub3A_527, %sub3A_527 : vector<2048xf32>
    %mul3A_531 = arith.mulf %mul3A_530, %div3A_48 : vector<2048xf32>
    %add3A_532 = arith.addf %mul3A_529, %mul3A_531 : vector<2048xf32>
    %exp23A_533 = math.exp2 %add3A_532 : vector<2048xf32>
    %swap3A_534 = arith.constant 8 : index
    %swap3A_535 = arith.constant 0 : index
    %swap3A_536 = vector.load %arg8[%swap3A_534, %swap3A_535] : memref<128x2048xf32, #tpu.memory_space<vmem>>, vector<1x2048xf32>
    %swap3A_537 = vector.shape_cast %swap3A_536 : vector<1x2048xf32> to vector<2048xf32>
    %swap3A_538 = vector.shape_cast %exp23A_533 : vector<2048xf32> to vector<1x2048xf32>
    tpu.vector_store %arg8[%swap3A_534, %swap3A_535], %swap3A_538 {strides = array<i32>} : memref<128x2048xf32, #tpu.memory_space<vmem>>, vector<1x2048xf32>,
    %add3A_539 = arith.addf %add3A_483, %exp23A_533 : vector<2048xf32>
    %sub3A_540 = arith.subf %ceil3A, %get3A_10 : vector<2048xf32>
    %sub3A_541 = arith.subf %floor3A_109, %get3A_14 : vector<2048xf32>
    %mul3A_542 = arith.mulf %sub3A_540, %sub3A_540 : vector<2048xf32>
    %mul3A_543 = arith.mulf %mul3A_542, %div3A_58 : vector<2048xf32>
    %mul3A_544 = arith.mulf %sub3A_541, %sub3A_541 : vector<2048xf32>
    %mul3A_545 = arith.mulf %mul3A_544, %div3A_68 : vector<2048xf32>
    %add3A_546 = arith.addf %mul3A_543, %mul3A_545 : vector<2048xf32>
    %exp23A_547 = math.exp2 %add3A_546 : vector<2048xf32>
    %swap3A_548 = arith.constant 9 : index
    %swap3A_549 = arith.constant 0 : index
    %swap3A_550 = vector.load %arg8[%swap3A_548, %swap3A_549] : memref<128x2048xf32, #tpu.memory_space<vmem>>, vector<1x2048xf32>
    %swap3A_551 = vector.shape_cast %swap3A_550 : vector<1x2048xf32> to vector<2048xf32>
    %swap3A_552 = vector.shape_cast %exp23A_547 : vector<2048xf32> to vector<1x2048xf32>
    tpu.vector_store %arg8[%swap3A_548, %swap3A_549], %swap3A_552 {strides = array<i32>} : memref<128x2048xf32, #tpu.memory_space<vmem>>, vector<1x2048xf32>,
    %add3A_553 = arith.addf %add3A_497, %exp23A_547 : vector<2048xf32>
    %sub3A_554 = arith.subf %ceil3A, %get3A_18 : vector<2048xf32>
    %sub3A_555 = arith.subf %floor3A_109, %get3A_22 : vector<2048xf32>
    %mul3A_556 = arith.mulf %sub3A_554, %sub3A_554 : vector<2048xf32>
    %mul3A_557 = arith.mulf %mul3A_556, %div3A_78 : vector<2048xf32>
    %mul3A_558 = arith.mulf %sub3A_555, %sub3A_555 : vector<2048xf32>
    %mul3A_559 = arith.mulf %mul3A_558, %div3A_88 : vector<2048xf32>
    %add3A_560 = arith.addf %mul3A_557, %mul3A_559 : vector<2048xf32>
    %exp23A_561 = math.exp2 %add3A_560 : vector<2048xf32>
    %swap3A_562 = arith.constant 10 : index
    %swap3A_563 = arith.constant 0 : index
    %swap3A_564 = vector.load %arg8[%swap3A_562, %swap3A_563] : memref<128x2048xf32, #tpu.memory_space<vmem>>, vector<1x2048xf32>
    %swap3A_565 = vector.shape_cast %swap3A_564 : vector<1x2048xf32> to vector<2048xf32>
    %swap3A_566 = vector.shape_cast %exp23A_561 : vector<2048xf32> to vector<1x2048xf32>
    tpu.vector_store %arg8[%swap3A_562, %swap3A_563], %swap3A_566 {strides = array<i32>} : memref<128x2048xf32, #tpu.memory_space<vmem>>, vector<1x2048xf32>,
    %add3A_567 = arith.addf %add3A_511, %exp23A_561 : vector<2048xf32>
    %sub3A_568 = arith.subf %ceil3A, %get3A_26 : vector<2048xf32>
    %sub3A_569 = arith.subf %floor3A_109, %get3A_30 : vector<2048xf32>
    %mul3A_570 = arith.mulf %sub3A_568, %sub3A_568 : vector<2048xf32>
    %mul3A_571 = arith.mulf %mul3A_570, %div3A_98 : vector<2048xf32>
    %mul3A_572 = arith.mulf %sub3A_569, %sub3A_569 : vector<2048xf32>
    %mul3A_573 = arith.mulf %mul3A_572, %div3A_108 : vector<2048xf32>
    %add3A_574 = arith.addf %mul3A_571, %mul3A_573 : vector<2048xf32>
    %exp23A_575 = math.exp2 %add3A_574 : vector<2048xf32>
    %swap3A_576 = arith.constant 11 : index
    %swap3A_577 = arith.constant 0 : index
    %swap3A_578 = vector.load %arg8[%swap3A_576, %swap3A_577] : memref<128x2048xf32, #tpu.memory_space<vmem>>, vector<1x2048xf32>
    %swap3A_579 = vector.shape_cast %swap3A_578 : vector<1x2048xf32> to vector<2048xf32>
    %swap3A_580 = vector.shape_cast %exp23A_575 : vector<2048xf32> to vector<1x2048xf32>
    tpu.vector_store %arg8[%swap3A_576, %swap3A_577], %swap3A_580 {strides = array<i32>} : memref<128x2048xf32, #tpu.memory_space<vmem>>, vector<1x2048xf32>,
    %add3A_581 = arith.addf %add3A_525, %exp23A_575 : vector<2048xf32>
    %sub3A_582 = arith.subf %ceil3A, %get3A_2 : vector<2048xf32>
    %sub3A_583 = arith.subf %ceil3A_110, %get3A_6 : vector<2048xf32>
    %mul3A_584 = arith.mulf %sub3A_582, %sub3A_582 : vector<2048xf32>
    %mul3A_585 = arith.mulf %mul3A_584, %div3A_38 : vector<2048xf32>
    %mul3A_586 = arith.mulf %sub3A_583, %sub3A_583 : vector<2048xf32>
    %mul3A_587 = arith.mulf %mul3A_586, %div3A_48 : vector<2048xf32>
    %add3A_588 = arith.addf %mul3A_585, %mul3A_587 : vector<2048xf32>
    %exp23A_589 = math.exp2 %add3A_588 : vector<2048xf32>
    %swap3A_590 = arith.constant 12 : index
    %swap3A_591 = arith.constant 0 : index
    %swap3A_592 = vector.load %arg8[%swap3A_590, %swap3A_591] : memref<128x2048xf32, #tpu.memory_space<vmem>>, vector<1x2048xf32>
    %swap3A_593 = vector.shape_cast %swap3A_592 : vector<1x2048xf32> to vector<2048xf32>
    %swap3A_594 = vector.shape_cast %exp23A_589 : vector<2048xf32> to vector<1x2048xf32>
    tpu.vector_store %arg8[%swap3A_590, %swap3A_591], %swap3A_594 {strides = array<i32>} : memref<128x2048xf32, #tpu.memory_space<vmem>>, vector<1x2048xf32>,
    %add3A_595 = arith.addf %add3A_539, %exp23A_589 : vector<2048xf32>
    %sub3A_596 = arith.subf %ceil3A, %get3A_10 : vector<2048xf32>
    %sub3A_597 = arith.subf %ceil3A_110, %get3A_14 : vector<2048xf32>
    %mul3A_598 = arith.mulf %sub3A_596, %sub3A_596 : vector<2048xf32>
    %mul3A_599 = arith.mulf %mul3A_598, %div3A_58 : vector<2048xf32>
    %mul3A_600 = arith.mulf %sub3A_597, %sub3A_597 : vector<2048xf32>
    %mul3A_601 = arith.mulf %mul3A_600, %div3A_68 : vector<2048xf32>
    %add3A_602 = arith.addf %mul3A_599, %mul3A_601 : vector<2048xf32>
    %exp23A_603 = math.exp2 %add3A_602 : vector<2048xf32>
    %swap3A_604 = arith.constant 13 : index
    %swap3A_605 = arith.constant 0 : index
    %swap3A_606 = vector.load %arg8[%swap3A_604, %swap3A_605] : memref<128x2048xf32, #tpu.memory_space<vmem>>, vector<1x2048xf32>
    %swap3A_607 = vector.shape_cast %swap3A_606 : vector<1x2048xf32> to vector<2048xf32>
    %swap3A_608 = vector.shape_cast %exp23A_603 : vector<2048xf32> to vector<1x2048xf32>
    tpu.vector_store %arg8[%swap3A_604, %swap3A_605], %swap3A_608 {strides = array<i32>} : memref<128x2048xf32, #tpu.memory_space<vmem>>, vector<1x2048xf32>,
    %add3A_609 = arith.addf %add3A_553, %exp23A_603 : vector<2048xf32>
    %sub3A_610 = arith.subf %ceil3A, %get3A_18 : vector<2048xf32>
    %sub3A_611 = arith.subf %ceil3A_110, %get3A_22 : vector<2048xf32>
    %mul3A_612 = arith.mulf %sub3A_610, %sub3A_610 : vector<2048xf32>
    %mul3A_613 = arith.mulf %mul3A_612, %div3A_78 : vector<2048xf32>
    %mul3A_614 = arith.mulf %sub3A_611, %sub3A_611 : vector<2048xf32>
    %mul3A_615 = arith.mulf %mul3A_614, %div3A_88 : vector<2048xf32>
    %add3A_616 = arith.addf %mul3A_613, %mul3A_615 : vector<2048xf32>
    %exp23A_617 = math.exp2 %add3A_616 : vector<2048xf32>
    %swap3A_618 = arith.constant 14 : index
    %swap3A_619 = arith.constant 0 : index
    %swap3A_620 = vector.load %arg8[%swap3A_618, %swap3A_619] : memref<128x2048xf32, #tpu.memory_space<vmem>>, vector<1x2048xf32>
    %swap3A_621 = vector.shape_cast %swap3A_620 : vector<1x2048xf32> to vector<2048xf32>
    %swap3A_622 = vector.shape_cast %exp23A_617 : vector<2048xf32> to vector<1x2048xf32>
    tpu.vector_store %arg8[%swap3A_618, %swap3A_619], %swap3A_622 {strides = array<i32>} : memref<128x2048xf32, #tpu.memory_space<vmem>>, vector<1x2048xf32>,
    %add3A_623 = arith.addf %add3A_567, %exp23A_617 : vector<2048xf32>
    %sub3A_624 = arith.subf %ceil3A, %get3A_26 : vector<2048xf32>
    %sub3A_625 = arith.subf %ceil3A_110, %get3A_30 : vector<2048xf32>
    %mul3A_626 = arith.mulf %sub3A_624, %sub3A_624 : vector<2048xf32>
    %mul3A_627 = arith.mulf %mul3A_626, %div3A_98 : vector<2048xf32>
    %mul3A_628 = arith.mulf %sub3A_625, %sub3A_625 : vector<2048xf32>
    %mul3A_629 = arith.mulf %mul3A_628, %div3A_108 : vector<2048xf32>
    %add3A_630 = arith.addf %mul3A_627, %mul3A_629 : vector<2048xf32>
    %exp23A_631 = math.exp2 %add3A_630 : vector<2048xf32>
    %swap3A_632 = arith.constant 15 : index
    %swap3A_633 = arith.constant 0 : index
    %swap3A_634 = vector.load %arg8[%swap3A_632, %swap3A_633] : memref<128x2048xf32, #tpu.memory_space<vmem>>, vector<1x2048xf32>
    %swap3A_635 = vector.shape_cast %swap3A_634 : vector<1x2048xf32> to vector<2048xf32>
    %swap3A_636 = vector.shape_cast %exp23A_631 : vector<2048xf32> to vector<1x2048xf32>
    tpu.vector_store %arg8[%swap3A_632, %swap3A_633], %swap3A_636 {strides = array<i32>} : memref<128x2048xf32, #tpu.memory_space<vmem>>, vector<1x2048xf32>,
    %add3A_637 = arith.addf %add3A_581, %exp23A_631 : vector<2048xf32>
    %sub3A_638 = arith.subf %get3A_114, %get3A_2 : vector<2048xf32>
    %sub3A_639 = arith.subf %get3A_118, %get3A_6 : vector<2048xf32>
    %mul3A_640 = arith.mulf %sub3A_638, %sub3A_638 : vector<2048xf32>
    %mul3A_641 = arith.mulf %mul3A_640, %div3A_38 : vector<2048xf32>
    %mul3A_642 = arith.mulf %sub3A_639, %sub3A_639 : vector<2048xf32>
    %mul3A_643 = arith.mulf %mul3A_642, %div3A_48 : vector<2048xf32>
    %add3A_644 = arith.addf %mul3A_641, %mul3A_643 : vector<2048xf32>
    %exp23A_645 = math.exp2 %add3A_644 : vector<2048xf32>
    %swap3A_646 = arith.constant 16 : index
    %swap3A_647 = arith.constant 0 : index
    %swap3A_648 = vector.load %arg8[%swap3A_646, %swap3A_647] : memref<128x2048xf32, #tpu.memory_space<vmem>>, vector<1x2048xf32>
    %swap3A_649 = vector.shape_cast %swap3A_648 : vector<1x2048xf32> to vector<2048xf32>
    %swap3A_650 = vector.shape_cast %exp23A_645 : vector<2048xf32> to vector<1x2048xf32>
    tpu.vector_store %arg8[%swap3A_646, %swap3A_647], %swap3A_650 {strides = array<i32>} : memref<128x2048xf32, #tpu.memory_space<vmem>>, vector<1x2048xf32>,
    %add3A_651 = arith.addf %add3A_595, %exp23A_645 : vector<2048xf32>
    %sub3A_652 = arith.subf %get3A_114, %get3A_10 : vector<2048xf32>
    %sub3A_653 = arith.subf %get3A_118, %get3A_14 : vector<2048xf32>
    %mul3A_654 = arith.mulf %sub3A_652, %sub3A_652 : vector<2048xf32>
    %mul3A_655 = arith.mulf %mul3A_654, %div3A_58 : vector<2048xf32>
    %mul3A_656 = arith.mulf %sub3A_653, %sub3A_653 : vector<2048xf32>
    %mul3A_657 = arith.mulf %mul3A_656, %div3A_68 : vector<2048xf32>
    %add3A_658 = arith.addf %mul3A_655, %mul3A_657 : vector<2048xf32>
    %exp23A_659 = math.exp2 %add3A_658 : vector<2048xf32>
    %swap3A_660 = arith.constant 17 : index
    %swap3A_661 = arith.constant 0 : index
    %swap3A_662 = vector.load %arg8[%swap3A_660, %swap3A_661] : memref<128x2048xf32, #tpu.memory_space<vmem>>, vector<1x2048xf32>
    %swap3A_663 = vector.shape_cast %swap3A_662 : vector<1x2048xf32> to vector<2048xf32>
    %swap3A_664 = vector.shape_cast %exp23A_659 : vector<2048xf32> to vector<1x2048xf32>
    tpu.vector_store %arg8[%swap3A_660, %swap3A_661], %swap3A_664 {strides = array<i32>} : memref<128x2048xf32, #tpu.memory_space<vmem>>, vector<1x2048xf32>,
    %add3A_665 = arith.addf %add3A_609, %exp23A_659 : vector<2048xf32>
    %sub3A_666 = arith.subf %get3A_114, %get3A_18 : vector<2048xf32>
    %sub3A_667 = arith.subf %get3A_118, %get3A_22 : vector<2048xf32>
    %mul3A_668 = arith.mulf %sub3A_666, %sub3A_666 : vector<2048xf32>
    %mul3A_669 = arith.mulf %mul3A_668, %div3A_78 : vector<2048xf32>
    %mul3A_670 = arith.mulf %sub3A_667, %sub3A_667 : vector<2048xf32>
    %mul3A_671 = arith.mulf %mul3A_670, %div3A_88 : vector<2048xf32>
    %add3A_672 = arith.addf %mul3A_669, %mul3A_671 : vector<2048xf32>
    %exp23A_673 = math.exp2 %add3A_672 : vector<2048xf32>
    %swap3A_674 = arith.constant 18 : index
    %swap3A_675 = arith.constant 0 : index
    %swap3A_676 = vector.load %arg8[%swap3A_674, %swap3A_675] : memref<128x2048xf32, #tpu.memory_space<vmem>>, vector<1x2048xf32>
    %swap3A_677 = vector.shape_cast %swap3A_676 : vector<1x2048xf32> to vector<2048xf32>
    %swap3A_678 = vector.shape_cast %exp23A_673 : vector<2048xf32> to vector<1x2048xf32>
    tpu.vector_store %arg8[%swap3A_674, %swap3A_675], %swap3A_678 {strides = array<i32>} : memref<128x2048xf32, #tpu.memory_space<vmem>>, vector<1x2048xf32>,
    %add3A_679 = arith.addf %add3A_623, %exp23A_673 : vector<2048xf32>
    %sub3A_680 = arith.subf %get3A_114, %get3A_26 : vector<2048xf32>
    %sub3A_681 = arith.subf %get3A_118, %get3A_30 : vector<2048xf32>
    %mul3A_682 = arith.mulf %sub3A_680, %sub3A_680 : vector<2048xf32>
    %mul3A_683 = arith.mulf %mul3A_682, %div3A_98 : vector<2048xf32>
    %mul3A_684 = arith.mulf %sub3A_681, %sub3A_681 : vector<2048xf32>
    %mul3A_685 = arith.mulf %mul3A_684, %div3A_108 : vector<2048xf32>
    %add3A_686 = arith.addf %mul3A_683, %mul3A_685 : vector<2048xf32>
    %exp23A_687 = math.exp2 %add3A_686 : vector<2048xf32>
    %swap3A_688 = arith.constant 19 : index
    %swap3A_689 = arith.constant 0 : index
    %swap3A_690 = vector.load %arg8[%swap3A_688, %swap3A_689] : memref<128x2048xf32, #tpu.memory_space<vmem>>, vector<1x2048xf32>
    %swap3A_691 = vector.shape_cast %swap3A_690 : vector<1x2048xf32> to vector<2048xf32>
    %swap3A_692 = vector.shape_cast %exp23A_687 : vector<2048xf32> to vector<1x2048xf32>
    tpu.vector_store %arg8[%swap3A_688, %swap3A_689], %swap3A_692 {strides = array<i32>} : memref<128x2048xf32, #tpu.memory_space<vmem>>, vector<1x2048xf32>,
    %add3A_693 = arith.addf %add3A_637, %exp23A_687 : vector<2048xf32>
    %sub3A_694 = arith.subf %get3A_122, %get3A_2 : vector<2048xf32>
    %sub3A_695 = arith.subf %get3A_126, %get3A_6 : vector<2048xf32>
    %mul3A_696 = arith.mulf %sub3A_694, %sub3A_694 : vector<2048xf32>
    %mul3A_697 = arith.mulf %mul3A_696, %div3A_38 : vector<2048xf32>
    %mul3A_698 = arith.mulf %sub3A_695, %sub3A_695 : vector<2048xf32>
    %mul3A_699 = arith.mulf %mul3A_698, %div3A_48 : vector<2048xf32>
    %add3A_700 = arith.addf %mul3A_697, %mul3A_699 : vector<2048xf32>
    %exp23A_701 = math.exp2 %add3A_700 : vector<2048xf32>
    %swap3A_702 = arith.constant 20 : index
    %swap3A_703 = arith.constant 0 : index
    %swap3A_704 = vector.load %arg8[%swap3A_702, %swap3A_703] : memref<128x2048xf32, #tpu.memory_space<vmem>>, vector<1x2048xf32>
    %swap3A_705 = vector.shape_cast %swap3A_704 : vector<1x2048xf32> to vector<2048xf32>
    %swap3A_706 = vector.shape_cast %exp23A_701 : vector<2048xf32> to vector<1x2048xf32>
    tpu.vector_store %arg8[%swap3A_702, %swap3A_703], %swap3A_706 {strides = array<i32>} : memref<128x2048xf32, #tpu.memory_space<vmem>>, vector<1x2048xf32>,
    %add3A_707 = arith.addf %add3A_651, %exp23A_701 : vector<2048xf32>
    %sub3A_708 = arith.subf %get3A_122, %get3A_10 : vector<2048xf32>
    %sub3A_709 = arith.subf %get3A_126, %get3A_14 : vector<2048xf32>
    %mul3A_710 = arith.mulf %sub3A_708, %sub3A_708 : vector<2048xf32>
    %mul3A_711 = arith.mulf %mul3A_710, %div3A_58 : vector<2048xf32>
    %mul3A_712 = arith.mulf %sub3A_709, %sub3A_709 : vector<2048xf32>
    %mul3A_713 = arith.mulf %mul3A_712, %div3A_68 : vector<2048xf32>
    %add3A_714 = arith.addf %mul3A_711, %mul3A_713 : vector<2048xf32>
    %exp23A_715 = math.exp2 %add3A_714 : vector<2048xf32>
    %swap3A_716 = arith.constant 21 : index
    %swap3A_717 = arith.constant 0 : index
    %swap3A_718 = vector.load %arg8[%swap3A_716, %swap3A_717] : memref<128x2048xf32, #tpu.memory_space<vmem>>, vector<1x2048xf32>
    %swap3A_719 = vector.shape_cast %swap3A_718 : vector<1x2048xf32> to vector<2048xf32>
    %swap3A_720 = vector.shape_cast %exp23A_715 : vector<2048xf32> to vector<1x2048xf32>
    tpu.vector_store %arg8[%swap3A_716, %swap3A_717], %swap3A_720 {strides = array<i32>} : memref<128x2048xf32, #tpu.memory_space<vmem>>, vector<1x2048xf32>,
    %add3A_721 = arith.addf %add3A_665, %exp23A_715 : vector<2048xf32>
    %sub3A_722 = arith.subf %get3A_122, %get3A_18 : vector<2048xf32>
    %sub3A_723 = arith.subf %get3A_126, %get3A_22 : vector<2048xf32>
    %mul3A_724 = arith.mulf %sub3A_722, %sub3A_722 : vector<2048xf32>
    %mul3A_725 = arith.mulf %mul3A_724, %div3A_78 : vector<2048xf32>
    %mul3A_726 = arith.mulf %sub3A_723, %sub3A_723 : vector<2048xf32>
    %mul3A_727 = arith.mulf %mul3A_726, %div3A_88 : vector<2048xf32>
    %add3A_728 = arith.addf %mul3A_725, %mul3A_727 : vector<2048xf32>
    %exp23A_729 = math.exp2 %add3A_728 : vector<2048xf32>
    %swap3A_730 = arith.constant 22 : index
    %swap3A_731 = arith.constant 0 : index
    %swap3A_732 = vector.load %arg8[%swap3A_730, %swap3A_731] : memref<128x2048xf32, #tpu.memory_space<vmem>>, vector<1x2048xf32>
    %swap3A_733 = vector.shape_cast %swap3A_732 : vector<1x2048xf32> to vector<2048xf32>
    %swap3A_734 = vector.shape_cast %exp23A_729 : vector<2048xf32> to vector<1x2048xf32>
    tpu.vector_store %arg8[%swap3A_730, %swap3A_731], %swap3A_734 {strides = array<i32>} : memref<128x2048xf32, #tpu.memory_space<vmem>>, vector<1x2048xf32>,
    %add3A_735 = arith.addf %add3A_679, %exp23A_729 : vector<2048xf32>
    %sub3A_736 = arith.subf %get3A_122, %get3A_26 : vector<2048xf32>
    %sub3A_737 = arith.subf %get3A_126, %get3A_30 : vector<2048xf32>
    %mul3A_738 = arith.mulf %sub3A_736, %sub3A_736 : vector<2048xf32>
    %mul3A_739 = arith.mulf %mul3A_738, %div3A_98 : vector<2048xf32>
    %mul3A_740 = arith.mulf %sub3A_737, %sub3A_737 : vector<2048xf32>
    %mul3A_741 = arith.mulf %mul3A_740, %div3A_108 : vector<2048xf32>
    %add3A_742 = arith.addf %mul3A_739, %mul3A_741 : vector<2048xf32>
    %exp23A_743 = math.exp2 %add3A_742 : vector<2048xf32>
    %swap3A_744 = arith.constant 23 : index
    %swap3A_745 = arith.constant 0 : index
    %swap3A_746 = vector.load %arg8[%swap3A_744, %swap3A_745] : memref<128x2048xf32, #tpu.memory_space<vmem>>, vector<1x2048xf32>
    %swap3A_747 = vector.shape_cast %swap3A_746 : vector<1x2048xf32> to vector<2048xf32>
    %swap3A_748 = vector.shape_cast %exp23A_743 : vector<2048xf32> to vector<1x2048xf32>
    tpu.vector_store %arg8[%swap3A_744, %swap3A_745], %swap3A_748 {strides = array<i32>} : memref<128x2048xf32, #tpu.memory_space<vmem>>, vector<1x2048xf32>,
    %add3A_749 = arith.addf %add3A_693, %exp23A_743 : vector<2048xf32>
    %sub3A_750 = arith.subf %floor3A_162, %get3A_2 : vector<2048xf32>
    %sub3A_751 = arith.subf %floor3A_168, %get3A_6 : vector<2048xf32>
    %mul3A_752 = arith.mulf %sub3A_750, %sub3A_750 : vector<2048xf32>
    %mul3A_753 = arith.mulf %mul3A_752, %div3A_38 : vector<2048xf32>
    %mul3A_754 = arith.mulf %sub3A_751, %sub3A_751 : vector<2048xf32>
    %mul3A_755 = arith.mulf %mul3A_754, %div3A_48 : vector<2048xf32>
    %add3A_756 = arith.addf %mul3A_753, %mul3A_755 : vector<2048xf32>
    %exp23A_757 = math.exp2 %add3A_756 : vector<2048xf32>
    %swap3A_758 = arith.constant 24 : index
    %swap3A_759 = arith.constant 0 : index
    %swap3A_760 = vector.load %arg8[%swap3A_758, %swap3A_759] : memref<128x2048xf32, #tpu.memory_space<vmem>>, vector<1x2048xf32>
    %swap3A_761 = vector.shape_cast %swap3A_760 : vector<1x2048xf32> to vector<2048xf32>
    %swap3A_762 = vector.shape_cast %exp23A_757 : vector<2048xf32> to vector<1x2048xf32>
    tpu.vector_store %arg8[%swap3A_758, %swap3A_759], %swap3A_762 {strides = array<i32>} : memref<128x2048xf32, #tpu.memory_space<vmem>>, vector<1x2048xf32>,
    %add3A_763 = arith.addf %add3A_707, %exp23A_757 : vector<2048xf32>
    %sub3A_764 = arith.subf %floor3A_162, %get3A_10 : vector<2048xf32>
    %sub3A_765 = arith.subf %floor3A_168, %get3A_14 : vector<2048xf32>
    %mul3A_766 = arith.mulf %sub3A_764, %sub3A_764 : vector<2048xf32>
    %mul3A_767 = arith.mulf %mul3A_766, %div3A_58 : vector<2048xf32>
    %mul3A_768 = arith.mulf %sub3A_765, %sub3A_765 : vector<2048xf32>
    %mul3A_769 = arith.mulf %mul3A_768, %div3A_68 : vector<2048xf32>
    %add3A_770 = arith.addf %mul3A_767, %mul3A_769 : vector<2048xf32>
    %exp23A_771 = math.exp2 %add3A_770 : vector<2048xf32>
    %swap3A_772 = arith.constant 25 : index
    %swap3A_773 = arith.constant 0 : index
    %swap3A_774 = vector.load %arg8[%swap3A_772, %swap3A_773] : memref<128x2048xf32, #tpu.memory_space<vmem>>, vector<1x2048xf32>
    %swap3A_775 = vector.shape_cast %swap3A_774 : vector<1x2048xf32> to vector<2048xf32>
    %swap3A_776 = vector.shape_cast %exp23A_771 : vector<2048xf32> to vector<1x2048xf32>
    tpu.vector_store %arg8[%swap3A_772, %swap3A_773], %swap3A_776 {strides = array<i32>} : memref<128x2048xf32, #tpu.memory_space<vmem>>, vector<1x2048xf32>,
    %add3A_777 = arith.addf %add3A_721, %exp23A_771 : vector<2048xf32>
    %sub3A_778 = arith.subf %floor3A_162, %get3A_18 : vector<2048xf32>
    %sub3A_779 = arith.subf %floor3A_168, %get3A_22 : vector<2048xf32>
    %mul3A_780 = arith.mulf %sub3A_778, %sub3A_778 : vector<2048xf32>
    %mul3A_781 = arith.mulf %mul3A_780, %div3A_78 : vector<2048xf32>
    %mul3A_782 = arith.mulf %sub3A_779, %sub3A_779 : vector<2048xf32>
    %mul3A_783 = arith.mulf %mul3A_782, %div3A_88 : vector<2048xf32>
    %add3A_784 = arith.addf %mul3A_781, %mul3A_783 : vector<2048xf32>
    %exp23A_785 = math.exp2 %add3A_784 : vector<2048xf32>
    %swap3A_786 = arith.constant 26 : index
    %swap3A_787 = arith.constant 0 : index
    %swap3A_788 = vector.load %arg8[%swap3A_786, %swap3A_787] : memref<128x2048xf32, #tpu.memory_space<vmem>>, vector<1x2048xf32>
    %swap3A_789 = vector.shape_cast %swap3A_788 : vector<1x2048xf32> to vector<2048xf32>
    %swap3A_790 = vector.shape_cast %exp23A_785 : vector<2048xf32> to vector<1x2048xf32>
    tpu.vector_store %arg8[%swap3A_786, %swap3A_787], %swap3A_790 {strides = array<i32>} : memref<128x2048xf32, #tpu.memory_space<vmem>>, vector<1x2048xf32>,
    %add3A_791 = arith.addf %add3A_735, %exp23A_785 : vector<2048xf32>
    %sub3A_792 = arith.subf %floor3A_162, %get3A_26 : vector<2048xf32>
    %sub3A_793 = arith.subf %floor3A_168, %get3A_30 : vector<2048xf32>
    %mul3A_794 = arith.mulf %sub3A_792, %sub3A_792 : vector<2048xf32>
    %mul3A_795 = arith.mulf %mul3A_794, %div3A_98 : vector<2048xf32>
    %mul3A_796 = arith.mulf %sub3A_793, %sub3A_793 : vector<2048xf32>
    %mul3A_797 = arith.mulf %mul3A_796, %div3A_108 : vector<2048xf32>
    %add3A_798 = arith.addf %mul3A_795, %mul3A_797 : vector<2048xf32>
    %exp23A_799 = math.exp2 %add3A_798 : vector<2048xf32>
    %swap3A_800 = arith.constant 27 : index
    %swap3A_801 = arith.constant 0 : index
    %swap3A_802 = vector.load %arg8[%swap3A_800, %swap3A_801] : memref<128x2048xf32, #tpu.memory_space<vmem>>, vector<1x2048xf32>
    %swap3A_803 = vector.shape_cast %swap3A_802 : vector<1x2048xf32> to vector<2048xf32>
    %swap3A_804 = vector.shape_cast %exp23A_799 : vector<2048xf32> to vector<1x2048xf32>
    tpu.vector_store %arg8[%swap3A_800, %swap3A_801], %swap3A_804 {strides = array<i32>} : memref<128x2048xf32, #tpu.memory_space<vmem>>, vector<1x2048xf32>,
    %add3A_805 = arith.addf %add3A_749, %exp23A_799 : vector<2048xf32>
    %sub3A_806 = arith.subf %floor3A_174, %get3A_2 : vector<2048xf32>
    %sub3A_807 = arith.subf %floor3A_180, %get3A_6 : vector<2048xf32>
    %mul3A_808 = arith.mulf %sub3A_806, %sub3A_806 : vector<2048xf32>
    %mul3A_809 = arith.mulf %mul3A_808, %div3A_38 : vector<2048xf32>
    %mul3A_810 = arith.mulf %sub3A_807, %sub3A_807 : vector<2048xf32>
    %mul3A_811 = arith.mulf %mul3A_810, %div3A_48 : vector<2048xf32>
    %add3A_812 = arith.addf %mul3A_809, %mul3A_811 : vector<2048xf32>
    %exp23A_813 = math.exp2 %add3A_812 : vector<2048xf32>
    %swap3A_814 = arith.constant 28 : index
    %swap3A_815 = arith.constant 0 : index
    %swap3A_816 = vector.load %arg8[%swap3A_814, %swap3A_815] : memref<128x2048xf32, #tpu.memory_space<vmem>>, vector<1x2048xf32>
    %swap3A_817 = vector.shape_cast %swap3A_816 : vector<1x2048xf32> to vector<2048xf32>
    %swap3A_818 = vector.shape_cast %exp23A_813 : vector<2048xf32> to vector<1x2048xf32>
    tpu.vector_store %arg8[%swap3A_814, %swap3A_815], %swap3A_818 {strides = array<i32>} : memref<128x2048xf32, #tpu.memory_space<vmem>>, vector<1x2048xf32>,
    %add3A_819 = arith.addf %add3A_763, %exp23A_813 : vector<2048xf32>
    %sub3A_820 = arith.subf %floor3A_174, %get3A_10 : vector<2048xf32>
    %sub3A_821 = arith.subf %floor3A_180, %get3A_14 : vector<2048xf32>
    %mul3A_822 = arith.mulf %sub3A_820, %sub3A_820 : vector<2048xf32>
    %mul3A_823 = arith.mulf %mul3A_822, %div3A_58 : vector<2048xf32>
    %mul3A_824 = arith.mulf %sub3A_821, %sub3A_821 : vector<2048xf32>
    %mul3A_825 = arith.mulf %mul3A_824, %div3A_68 : vector<2048xf32>
    %add3A_826 = arith.addf %mul3A_823, %mul3A_825 : vector<2048xf32>
    %exp23A_827 = math.exp2 %add3A_826 : vector<2048xf32>
    %swap3A_828 = arith.constant 29 : index
    %swap3A_829 = arith.constant 0 : index
    %swap3A_830 = vector.load %arg8[%swap3A_828, %swap3A_829] : memref<128x2048xf32, #tpu.memory_space<vmem>>, vector<1x2048xf32>
    %swap3A_831 = vector.shape_cast %swap3A_830 : vector<1x2048xf32> to vector<2048xf32>
    %swap3A_832 = vector.shape_cast %exp23A_827 : vector<2048xf32> to vector<1x2048xf32>
    tpu.vector_store %arg8[%swap3A_828, %swap3A_829], %swap3A_832 {strides = array<i32>} : memref<128x2048xf32, #tpu.memory_space<vmem>>, vector<1x2048xf32>,
    %add3A_833 = arith.addf %add3A_777, %exp23A_827 : vector<2048xf32>
    %sub3A_834 = arith.subf %floor3A_174, %get3A_18 : vector<2048xf32>
    %sub3A_835 = arith.subf %floor3A_180, %get3A_22 : vector<2048xf32>
    %mul3A_836 = arith.mulf %sub3A_834, %sub3A_834 : vector<2048xf32>
    %mul3A_837 = arith.mulf %mul3A_836, %div3A_78 : vector<2048xf32>
    %mul3A_838 = arith.mulf %sub3A_835, %sub3A_835 : vector<2048xf32>
    %mul3A_839 = arith.mulf %mul3A_838, %div3A_88 : vector<2048xf32>
    %add3A_840 = arith.addf %mul3A_837, %mul3A_839 : vector<2048xf32>
    %exp23A_841 = math.exp2 %add3A_840 : vector<2048xf32>
    %swap3A_842 = arith.constant 30 : index
    %swap3A_843 = arith.constant 0 : index
    %swap3A_844 = vector.load %arg8[%swap3A_842, %swap3A_843] : memref<128x2048xf32, #tpu.memory_space<vmem>>, vector<1x2048xf32>
    %swap3A_845 = vector.shape_cast %swap3A_844 : vector<1x2048xf32> to vector<2048xf32>
    %swap3A_846 = vector.shape_cast %exp23A_841 : vector<2048xf32> to vector<1x2048xf32>
    tpu.vector_store %arg8[%swap3A_842, %swap3A_843], %swap3A_846 {strides = array<i32>} : memref<128x2048xf32, #tpu.memory_space<vmem>>, vector<1x2048xf32>,
    %add3A_847 = arith.addf %add3A_791, %exp23A_841 : vector<2048xf32>
    %sub3A_848 = arith.subf %floor3A_174, %get3A_26 : vector<2048xf32>
    %sub3A_849 = arith.subf %floor3A_180, %get3A_30 : vector<2048xf32>
    %mul3A_850 = arith.mulf %sub3A_848, %sub3A_848 : vector<2048xf32>
    %mul3A_851 = arith.mulf %mul3A_850, %div3A_98 : vector<2048xf32>
    %mul3A_852 = arith.mulf %sub3A_849, %sub3A_849 : vector<2048xf32>
    %mul3A_853 = arith.mulf %mul3A_852, %div3A_108 : vector<2048xf32>
    %add3A_854 = arith.addf %mul3A_851, %mul3A_853 : vector<2048xf32>
    %exp23A_855 = math.exp2 %add3A_854 : vector<2048xf32>
    %swap3A_856 = arith.constant 31 : index
    %swap3A_857 = arith.constant 0 : index
    %swap3A_858 = vector.load %arg8[%swap3A_856, %swap3A_857] : memref<128x2048xf32, #tpu.memory_space<vmem>>, vector<1x2048xf32>
    %swap3A_859 = vector.shape_cast %swap3A_858 : vector<1x2048xf32> to vector<2048xf32>
    %swap3A_860 = vector.shape_cast %exp23A_855 : vector<2048xf32> to vector<1x2048xf32>
    tpu.vector_store %arg8[%swap3A_856, %swap3A_857], %swap3A_860 {strides = array<i32>} : memref<128x2048xf32, #tpu.memory_space<vmem>>, vector<1x2048xf32>,
    %add3A_861 = arith.addf %add3A_805, %exp23A_855 : vector<2048xf32>
    %sub3A_862 = arith.subf %floor3A_181, %get3A_2 : vector<2048xf32>
    %sub3A_863 = arith.subf %floor3A_183, %get3A_6 : vector<2048xf32>
    %mul3A_864 = arith.mulf %sub3A_862, %sub3A_862 : vector<2048xf32>
    %mul3A_865 = arith.mulf %mul3A_864, %div3A_38 : vector<2048xf32>
    %mul3A_866 = arith.mulf %sub3A_863, %sub3A_863 : vector<2048xf32>
    %mul3A_867 = arith.mulf %mul3A_866, %div3A_48 : vector<2048xf32>
    %add3A_868 = arith.addf %mul3A_865, %mul3A_867 : vector<2048xf32>
    %exp23A_869 = math.exp2 %add3A_868 : vector<2048xf32>
    %swap3A_870 = arith.constant 32 : index
    %swap3A_871 = arith.constant 0 : index
    %swap3A_872 = vector.load %arg8[%swap3A_870, %swap3A_871] : memref<128x2048xf32, #tpu.memory_space<vmem>>, vector<1x2048xf32>
    %swap3A_873 = vector.shape_cast %swap3A_872 : vector<1x2048xf32> to vector<2048xf32>
    %swap3A_874 = vector.shape_cast %exp23A_869 : vector<2048xf32> to vector<1x2048xf32>
    tpu.vector_store %arg8[%swap3A_870, %swap3A_871], %swap3A_874 {strides = array<i32>} : memref<128x2048xf32, #tpu.memory_space<vmem>>, vector<1x2048xf32>,
    %add3A_875 = arith.addf %add3A_819, %exp23A_869 : vector<2048xf32>
    %sub3A_876 = arith.subf %floor3A_181, %get3A_10 : vector<2048xf32>
    %sub3A_877 = arith.subf %floor3A_183, %get3A_14 : vector<2048xf32>
    %mul3A_878 = arith.mulf %sub3A_876, %sub3A_876 : vector<2048xf32>
    %mul3A_879 = arith.mulf %mul3A_878, %div3A_58 : vector<2048xf32>
    %mul3A_880 = arith.mulf %sub3A_877, %sub3A_877 : vector<2048xf32>
    %mul3A_881 = arith.mulf %mul3A_880, %div3A_68 : vector<2048xf32>
    %add3A_882 = arith.addf %mul3A_879, %mul3A_881 : vector<2048xf32>
    %exp23A_883 = math.exp2 %add3A_882 : vector<2048xf32>
    %swap3A_884 = arith.constant 33 : index
    %swap3A_885 = arith.constant 0 : index
    %swap3A_886 = vector.load %arg8[%swap3A_884, %swap3A_885] : memref<128x2048xf32, #tpu.memory_space<vmem>>, vector<1x2048xf32>
    %swap3A_887 = vector.shape_cast %swap3A_886 : vector<1x2048xf32> to vector<2048xf32>
    %swap3A_888 = vector.shape_cast %exp23A_883 : vector<2048xf32> to vector<1x2048xf32>
    tpu.vector_store %arg8[%swap3A_884, %swap3A_885], %swap3A_888 {strides = array<i32>} : memref<128x2048xf32, #tpu.memory_space<vmem>>, vector<1x2048xf32>,
    %add3A_889 = arith.addf %add3A_833, %exp23A_883 : vector<2048xf32>
    %sub3A_890 = arith.subf %floor3A_181, %get3A_18 : vector<2048xf32>
    %sub3A_891 = arith.subf %floor3A_183, %get3A_22 : vector<2048xf32>
    %mul3A_892 = arith.mulf %sub3A_890, %sub3A_890 : vector<2048xf32>
    %mul3A_893 = arith.mulf %mul3A_892, %div3A_78 : vector<2048xf32>
    %mul3A_894 = arith.mulf %sub3A_891, %sub3A_891 : vector<2048xf32>
    %mul3A_895 = arith.mulf %mul3A_894, %div3A_88 : vector<2048xf32>
    %add3A_896 = arith.addf %mul3A_893, %mul3A_895 : vector<2048xf32>
    %exp23A_897 = math.exp2 %add3A_896 : vector<2048xf32>
    %swap3A_898 = arith.constant 34 : index
    %swap3A_899 = arith.constant 0 : index
    %swap3A_900 = vector.load %arg8[%swap3A_898, %swap3A_899] : memref<128x2048xf32, #tpu.memory_space<vmem>>, vector<1x2048xf32>
    %swap3A_901 = vector.shape_cast %swap3A_900 : vector<1x2048xf32> to vector<2048xf32>
    %swap3A_902 = vector.shape_cast %exp23A_897 : vector<2048xf32> to vector<1x2048xf32>
    tpu.vector_store %arg8[%swap3A_898, %swap3A_899], %swap3A_902 {strides = array<i32>} : memref<128x2048xf32, #tpu.memory_space<vmem>>, vector<1x2048xf32>,
    %add3A_903 = arith.addf %add3A_847, %exp23A_897 : vector<2048xf32>
    %sub3A_904 = arith.subf %floor3A_181, %get3A_26 : vector<2048xf32>
    %sub3A_905 = arith.subf %floor3A_183, %get3A_30 : vector<2048xf32>
    %mul3A_906 = arith.mulf %sub3A_904, %sub3A_904 : vector<2048xf32>
    %mul3A_907 = arith.mulf %mul3A_906, %div3A_98 : vector<2048xf32>
    %mul3A_908 = arith.mulf %sub3A_905, %sub3A_905 : vector<2048xf32>
    %mul3A_909 = arith.mulf %mul3A_908, %div3A_108 : vector<2048xf32>
    %add3A_910 = arith.addf %mul3A_907, %mul3A_909 : vector<2048xf32>
    %exp23A_911 = math.exp2 %add3A_910 : vector<2048xf32>
    %swap3A_912 = arith.constant 35 : index
    %swap3A_913 = arith.constant 0 : index
    %swap3A_914 = vector.load %arg8[%swap3A_912, %swap3A_913] : memref<128x2048xf32, #tpu.memory_space<vmem>>, vector<1x2048xf32>
    %swap3A_915 = vector.shape_cast %swap3A_914 : vector<1x2048xf32> to vector<2048xf32>
    %swap3A_916 = vector.shape_cast %exp23A_911 : vector<2048xf32> to vector<1x2048xf32>
    tpu.vector_store %arg8[%swap3A_912, %swap3A_913], %swap3A_916 {strides = array<i32>} : memref<128x2048xf32, #tpu.memory_space<vmem>>, vector<1x2048xf32>,
    %add3A_917 = arith.addf %add3A_861, %exp23A_911 : vector<2048xf32>
    %sub3A_918 = arith.subf %floor3A_181, %get3A_2 : vector<2048xf32>
    %sub3A_919 = arith.subf %ceil3A_184, %get3A_6 : vector<2048xf32>
    %mul3A_920 = arith.mulf %sub3A_918, %sub3A_918 : vector<2048xf32>
    %mul3A_921 = arith.mulf %mul3A_920, %div3A_38 : vector<2048xf32>
    %mul3A_922 = arith.mulf %sub3A_919, %sub3A_919 : vector<2048xf32>
    %mul3A_923 = arith.mulf %mul3A_922, %div3A_48 : vector<2048xf32>
    %add3A_924 = arith.addf %mul3A_921, %mul3A_923 : vector<2048xf32>
    %exp23A_925 = math.exp2 %add3A_924 : vector<2048xf32>
    %swap3A_926 = arith.constant 36 : index
    %swap3A_927 = arith.constant 0 : index
    %swap3A_928 = vector.load %arg8[%swap3A_926, %swap3A_927] : memref<128x2048xf32, #tpu.memory_space<vmem>>, vector<1x2048xf32>
    %swap3A_929 = vector.shape_cast %swap3A_928 : vector<1x2048xf32> to vector<2048xf32>
    %swap3A_930 = vector.shape_cast %exp23A_925 : vector<2048xf32> to vector<1x2048xf32>
    tpu.vector_store %arg8[%swap3A_926, %swap3A_927], %swap3A_930 {strides = array<i32>} : memref<128x2048xf32, #tpu.memory_space<vmem>>, vector<1x2048xf32>,
    %add3A_931 = arith.addf %add3A_875, %exp23A_925 : vector<2048xf32>
    %sub3A_932 = arith.subf %floor3A_181, %get3A_10 : vector<2048xf32>
    %sub3A_933 = arith.subf %ceil3A_184, %get3A_14 : vector<2048xf32>
    %mul3A_934 = arith.mulf %sub3A_932, %sub3A_932 : vector<2048xf32>
    %mul3A_935 = arith.mulf %mul3A_934, %div3A_58 : vector<2048xf32>
    %mul3A_936 = arith.mulf %sub3A_933, %sub3A_933 : vector<2048xf32>
    %mul3A_937 = arith.mulf %mul3A_936, %div3A_68 : vector<2048xf32>
    %add3A_938 = arith.addf %mul3A_935, %mul3A_937 : vector<2048xf32>
    %exp23A_939 = math.exp2 %add3A_938 : vector<2048xf32>
    %swap3A_940 = arith.constant 37 : index
    %swap3A_941 = arith.constant 0 : index
    %swap3A_942 = vector.load %arg8[%swap3A_940, %swap3A_941] : memref<128x2048xf32, #tpu.memory_space<vmem>>, vector<1x2048xf32>
    %swap3A_943 = vector.shape_cast %swap3A_942 : vector<1x2048xf32> to vector<2048xf32>
    %swap3A_944 = vector.shape_cast %exp23A_939 : vector<2048xf32> to vector<1x2048xf32>
    tpu.vector_store %arg8[%swap3A_940, %swap3A_941], %swap3A_944 {strides = array<i32>} : memref<128x2048xf32, #tpu.memory_space<vmem>>, vector<1x2048xf32>,
    %add3A_945 = arith.addf %add3A_889, %exp23A_939 : vector<2048xf32>
    %sub3A_946 = arith.subf %floor3A_181, %get3A_18 : vector<2048xf32>
    %sub3A_947 = arith.subf %ceil3A_184, %get3A_22 : vector<2048xf32>
    %mul3A_948 = arith.mulf %sub3A_946, %sub3A_946 : vector<2048xf32>
    %mul3A_949 = arith.mulf %mul3A_948, %div3A_78 : vector<2048xf32>
    %mul3A_950 = arith.mulf %sub3A_947, %sub3A_947 : vector<2048xf32>
    %mul3A_951 = arith.mulf %mul3A_950, %div3A_88 : vector<2048xf32>
    %add3A_952 = arith.addf %mul3A_949, %mul3A_951 : vector<2048xf32>
    %exp23A_953 = math.exp2 %add3A_952 : vector<2048xf32>
    %swap3A_954 = arith.constant 38 : index
    %swap3A_955 = arith.constant 0 : index
    %swap3A_956 = vector.load %arg8[%swap3A_954, %swap3A_955] : memref<128x2048xf32, #tpu.memory_space<vmem>>, vector<1x2048xf32>
    %swap3A_957 = vector.shape_cast %swap3A_956 : vector<1x2048xf32> to vector<2048xf32>
    %swap3A_958 = vector.shape_cast %exp23A_953 : vector<2048xf32> to vector<1x2048xf32>
    tpu.vector_store %arg8[%swap3A_954, %swap3A_955], %swap3A_958 {strides = array<i32>} : memref<128x2048xf32, #tpu.memory_space<vmem>>, vector<1x2048xf32>,
    %add3A_959 = arith.addf %add3A_903, %exp23A_953 : vector<2048xf32>
    %sub3A_960 = arith.subf %floor3A_181, %get3A_26 : vector<2048xf32>
    %sub3A_961 = arith.subf %ceil3A_184, %get3A_30 : vector<2048xf32>
    %mul3A_962 = arith.mulf %sub3A_960, %sub3A_960 : vector<2048xf32>
    %mul3A_963 = arith.mulf %mul3A_962, %div3A_98 : vector<2048xf32>
    %mul3A_964 = arith.mulf %sub3A_961, %sub3A_961 : vector<2048xf32>
    %mul3A_965 = arith.mulf %mul3A_964, %div3A_108 : vector<2048xf32>
    %add3A_966 = arith.addf %mul3A_963, %mul3A_965 : vector<2048xf32>
    %exp23A_967 = math.exp2 %add3A_966 : vector<2048xf32>
    %swap3A_968 = arith.constant 39 : index
    %swap3A_969 = arith.constant 0 : index
    %swap3A_970 = vector.load %arg8[%swap3A_968, %swap3A_969] : memref<128x2048xf32, #tpu.memory_space<vmem>>, vector<1x2048xf32>
    %swap3A_971 = vector.shape_cast %swap3A_970 : vector<1x2048xf32> to vector<2048xf32>
    %swap3A_972 = vector.shape_cast %exp23A_967 : vector<2048xf32> to vector<1x2048xf32>
    tpu.vector_store %arg8[%swap3A_968, %swap3A_969], %swap3A_972 {strides = array<i32>} : memref<128x2048xf32, #tpu.memory_space<vmem>>, vector<1x2048xf32>,
    %add3A_973 = arith.addf %add3A_917, %exp23A_967 : vector<2048xf32>
    %sub3A_974 = arith.subf %ceil3A_182, %get3A_2 : vector<2048xf32>
    %sub3A_975 = arith.subf %floor3A_183, %get3A_6 : vector<2048xf32>
    %mul3A_976 = arith.mulf %sub3A_974, %sub3A_974 : vector<2048xf32>
    %mul3A_977 = arith.mulf %mul3A_976, %div3A_38 : vector<2048xf32>
    %mul3A_978 = arith.mulf %sub3A_975, %sub3A_975 : vector<2048xf32>
    %mul3A_979 = arith.mulf %mul3A_978, %div3A_48 : vector<2048xf32>
    %add3A_980 = arith.addf %mul3A_977, %mul3A_979 : vector<2048xf32>
    %exp23A_981 = math.exp2 %add3A_980 : vector<2048xf32>
    %swap3A_982 = arith.constant 40 : index
    %swap3A_983 = arith.constant 0 : index
    %swap3A_984 = vector.load %arg8[%swap3A_982, %swap3A_983] : memref<128x2048xf32, #tpu.memory_space<vmem>>, vector<1x2048xf32>
    %swap3A_985 = vector.shape_cast %swap3A_984 : vector<1x2048xf32> to vector<2048xf32>
    %swap3A_986 = vector.shape_cast %exp23A_981 : vector<2048xf32> to vector<1x2048xf32>
    tpu.vector_store %arg8[%swap3A_982, %swap3A_983], %swap3A_986 {strides = array<i32>} : memref<128x2048xf32, #tpu.memory_space<vmem>>, vector<1x2048xf32>,
    %add3A_987 = arith.addf %add3A_931, %exp23A_981 : vector<2048xf32>
    %sub3A_988 = arith.subf %ceil3A_182, %get3A_10 : vector<2048xf32>
    %sub3A_989 = arith.subf %floor3A_183, %get3A_14 : vector<2048xf32>
    %mul3A_990 = arith.mulf %sub3A_988, %sub3A_988 : vector<2048xf32>
    %mul3A_991 = arith.mulf %mul3A_990, %div3A_58 : vector<2048xf32>
    %mul3A_992 = arith.mulf %sub3A_989, %sub3A_989 : vector<2048xf32>
    %mul3A_993 = arith.mulf %mul3A_992, %div3A_68 : vector<2048xf32>
    %add3A_994 = arith.addf %mul3A_991, %mul3A_993 : vector<2048xf32>
    %exp23A_995 = math.exp2 %add3A_994 : vector<2048xf32>
    %swap3A_996 = arith.constant 41 : index
    %swap3A_997 = arith.constant 0 : index
    %swap3A_998 = vector.load %arg8[%swap3A_996, %swap3A_997] : memref<128x2048xf32, #tpu.memory_space<vmem>>, vector<1x2048xf32>
    %swap3A_999 = vector.shape_cast %swap3A_998 : vector<1x2048xf32> to vector<2048xf32>
    %swap3A_1000 = vector.shape_cast %exp23A_995 : vector<2048xf32> to vector<1x2048xf32>
    tpu.vector_store %arg8[%swap3A_996, %swap3A_997], %swap3A_1000 {strides = array<i32>} : memref<128x2048xf32, #tpu.memory_space<vmem>>, vector<1x2048xf32>,
    %add3A_1001 = arith.addf %add3A_945, %exp23A_995 : vector<2048xf32>
    %sub3A_1002 = arith.subf %ceil3A_182, %get3A_18 : vector<2048xf32>
    %sub3A_1003 = arith.subf %floor3A_183, %get3A_22 : vector<2048xf32>
    %mul3A_1004 = arith.mulf %sub3A_1002, %sub3A_1002 : vector<2048xf32>
    %mul3A_1005 = arith.mulf %mul3A_1004, %div3A_78 : vector<2048xf32>
    %mul3A_1006 = arith.mulf %sub3A_1003, %sub3A_1003 : vector<2048xf32>
    %mul3A_1007 = arith.mulf %mul3A_1006, %div3A_88 : vector<2048xf32>
    %add3A_1008 = arith.addf %mul3A_1005, %mul3A_1007 : vector<2048xf32>
    %exp23A_1009 = math.exp2 %add3A_1008 : vector<2048xf32>
    %swap3A_1010 = arith.constant 42 : index
    %swap3A_1011 = arith.constant 0 : index
    %swap3A_1012 = vector.load %arg8[%swap3A_1010, %swap3A_1011] : memref<128x2048xf32, #tpu.memory_space<vmem>>, vector<1x2048xf32>
    %swap3A_1013 = vector.shape_cast %swap3A_1012 : vector<1x2048xf32> to vector<2048xf32>
    %swap3A_1014 = vector.shape_cast %exp23A_1009 : vector<2048xf32> to vector<1x2048xf32>
    tpu.vector_store %arg8[%swap3A_1010, %swap3A_1011], %swap3A_1014 {strides = array<i32>} : memref<128x2048xf32, #tpu.memory_space<vmem>>, vector<1x2048xf32>,
    %add3A_1015 = arith.addf %add3A_959, %exp23A_1009 : vector<2048xf32>
    %sub3A_1016 = arith.subf %ceil3A_182, %get3A_26 : vector<2048xf32>
    %sub3A_1017 = arith.subf %floor3A_183, %get3A_30 : vector<2048xf32>
    %mul3A_1018 = arith.mulf %sub3A_1016, %sub3A_1016 : vector<2048xf32>
    %mul3A_1019 = arith.mulf %mul3A_1018, %div3A_98 : vector<2048xf32>
    %mul3A_1020 = arith.mulf %sub3A_1017, %sub3A_1017 : vector<2048xf32>
    %mul3A_1021 = arith.mulf %mul3A_1020, %div3A_108 : vector<2048xf32>
    %add3A_1022 = arith.addf %mul3A_1019, %mul3A_1021 : vector<2048xf32>
    %exp23A_1023 = math.exp2 %add3A_1022 : vector<2048xf32>
    %swap3A_1024 = arith.constant 43 : index
    %swap3A_1025 = arith.constant 0 : index
    %swap3A_1026 = vector.load %arg8[%swap3A_1024, %swap3A_1025] : memref<128x2048xf32, #tpu.memory_space<vmem>>, vector<1x2048xf32>
    %swap3A_1027 = vector.shape_cast %swap3A_1026 : vector<1x2048xf32> to vector<2048xf32>
    %swap3A_1028 = vector.shape_cast %exp23A_1023 : vector<2048xf32> to vector<1x2048xf32>
    tpu.vector_store %arg8[%swap3A_1024, %swap3A_1025], %swap3A_1028 {strides = array<i32>} : memref<128x2048xf32, #tpu.memory_space<vmem>>, vector<1x2048xf32>,
    %add3A_1029 = arith.addf %add3A_973, %exp23A_1023 : vector<2048xf32>
    %sub3A_1030 = arith.subf %ceil3A_182, %get3A_2 : vector<2048xf32>
    %sub3A_1031 = arith.subf %ceil3A_184, %get3A_6 : vector<2048xf32>
    %mul3A_1032 = arith.mulf %sub3A_1030, %sub3A_1030 : vector<2048xf32>
    %mul3A_1033 = arith.mulf %mul3A_1032, %div3A_38 : vector<2048xf32>
    %mul3A_1034 = arith.mulf %sub3A_1031, %sub3A_1031 : vector<2048xf32>
    %mul3A_1035 = arith.mulf %mul3A_1034, %div3A_48 : vector<2048xf32>
    %add3A_1036 = arith.addf %mul3A_1033, %mul3A_1035 : vector<2048xf32>
    %exp23A_1037 = math.exp2 %add3A_1036 : vector<2048xf32>
    %swap3A_1038 = arith.constant 44 : index
    %swap3A_1039 = arith.constant 0 : index
    %swap3A_1040 = vector.load %arg8[%swap3A_1038, %swap3A_1039] : memref<128x2048xf32, #tpu.memory_space<vmem>>, vector<1x2048xf32>
    %swap3A_1041 = vector.shape_cast %swap3A_1040 : vector<1x2048xf32> to vector<2048xf32>
    %swap3A_1042 = vector.shape_cast %exp23A_1037 : vector<2048xf32> to vector<1x2048xf32>
    tpu.vector_store %arg8[%swap3A_1038, %swap3A_1039], %swap3A_1042 {strides = array<i32>} : memref<128x2048xf32, #tpu.memory_space<vmem>>, vector<1x2048xf32>,
    %add3A_1043 = arith.addf %add3A_987, %exp23A_1037 : vector<2048xf32>
    %sub3A_1044 = arith.subf %ceil3A_182, %get3A_10 : vector<2048xf32>
    %sub3A_1045 = arith.subf %ceil3A_184, %get3A_14 : vector<2048xf32>
    %mul3A_1046 = arith.mulf %sub3A_1044, %sub3A_1044 : vector<2048xf32>
    %mul3A_1047 = arith.mulf %mul3A_1046, %div3A_58 : vector<2048xf32>
    %mul3A_1048 = arith.mulf %sub3A_1045, %sub3A_1045 : vector<2048xf32>
    %mul3A_1049 = arith.mulf %mul3A_1048, %div3A_68 : vector<2048xf32>
    %add3A_1050 = arith.addf %mul3A_1047, %mul3A_1049 : vector<2048xf32>
    %exp23A_1051 = math.exp2 %add3A_1050 : vector<2048xf32>
    %swap3A_1052 = arith.constant 45 : index
    %swap3A_1053 = arith.constant 0 : index
    %swap3A_1054 = vector.load %arg8[%swap3A_1052, %swap3A_1053] : memref<128x2048xf32, #tpu.memory_space<vmem>>, vector<1x2048xf32>
    %swap3A_1055 = vector.shape_cast %swap3A_1054 : vector<1x2048xf32> to vector<2048xf32>
    %swap3A_1056 = vector.shape_cast %exp23A_1051 : vector<2048xf32> to vector<1x2048xf32>
    tpu.vector_store %arg8[%swap3A_1052, %swap3A_1053], %swap3A_1056 {strides = array<i32>} : memref<128x2048xf32, #tpu.memory_space<vmem>>, vector<1x2048xf32>,
    %add3A_1057 = arith.addf %add3A_1001, %exp23A_1051 : vector<2048xf32>
    %sub3A_1058 = arith.subf %ceil3A_182, %get3A_18 : vector<2048xf32>
    %sub3A_1059 = arith.subf %ceil3A_184, %get3A_22 : vector<2048xf32>
    %mul3A_1060 = arith.mulf %sub3A_1058, %sub3A_1058 : vector<2048xf32>
    %mul3A_1061 = arith.mulf %mul3A_1060, %div3A_78 : vector<2048xf32>
    %mul3A_1062 = arith.mulf %sub3A_1059, %sub3A_1059 : vector<2048xf32>
    %mul3A_1063 = arith.mulf %mul3A_1062, %div3A_88 : vector<2048xf32>
    %add3A_1064 = arith.addf %mul3A_1061, %mul3A_1063 : vector<2048xf32>
    %exp23A_1065 = math.exp2 %add3A_1064 : vector<2048xf32>
    %swap3A_1066 = arith.constant 46 : index
    %swap3A_1067 = arith.constant 0 : index
    %swap3A_1068 = vector.load %arg8[%swap3A_1066, %swap3A_1067] : memref<128x2048xf32, #tpu.memory_space<vmem>>, vector<1x2048xf32>
    %swap3A_1069 = vector.shape_cast %swap3A_1068 : vector<1x2048xf32> to vector<2048xf32>
    %swap3A_1070 = vector.shape_cast %exp23A_1065 : vector<2048xf32> to vector<1x2048xf32>
    tpu.vector_store %arg8[%swap3A_1066, %swap3A_1067], %swap3A_1070 {strides = array<i32>} : memref<128x2048xf32, #tpu.memory_space<vmem>>, vector<1x2048xf32>,
    %add3A_1071 = arith.addf %add3A_1015, %exp23A_1065 : vector<2048xf32>
    %sub3A_1072 = arith.subf %ceil3A_182, %get3A_26 : vector<2048xf32>
    %sub3A_1073 = arith.subf %ceil3A_184, %get3A_30 : vector<2048xf32>
    %mul3A_1074 = arith.mulf %sub3A_1072, %sub3A_1072 : vector<2048xf32>
    %mul3A_1075 = arith.mulf %mul3A_1074, %div3A_98 : vector<2048xf32>
    %mul3A_1076 = arith.mulf %sub3A_1073, %sub3A_1073 : vector<2048xf32>
    %mul3A_1077 = arith.mulf %mul3A_1076, %div3A_108 : vector<2048xf32>
    %add3A_1078 = arith.addf %mul3A_1075, %mul3A_1077 : vector<2048xf32>
    %exp23A_1079 = math.exp2 %add3A_1078 : vector<2048xf32>
    %swap3A_1080 = arith.constant 47 : index
    %swap3A_1081 = arith.constant 0 : index
    %swap3A_1082 = vector.load %arg8[%swap3A_1080, %swap3A_1081] : memref<128x2048xf32, #tpu.memory_space<vmem>>, vector<1x2048xf32>
    %swap3A_1083 = vector.shape_cast %swap3A_1082 : vector<1x2048xf32> to vector<2048xf32>
    %swap3A_1084 = vector.shape_cast %exp23A_1079 : vector<2048xf32> to vector<1x2048xf32>
    tpu.vector_store %arg8[%swap3A_1080, %swap3A_1081], %swap3A_1084 {strides = array<i32>} : memref<128x2048xf32, #tpu.memory_space<vmem>>, vector<1x2048xf32>,
    %add3A_1085 = arith.addf %add3A_1029, %exp23A_1079 : vector<2048xf32>
    %sub3A_1086 = arith.subf %get3A_188, %get3A_2 : vector<2048xf32>
    %sub3A_1087 = arith.subf %get3A_192, %get3A_6 : vector<2048xf32>
    %mul3A_1088 = arith.mulf %sub3A_1086, %sub3A_1086 : vector<2048xf32>
    %mul3A_1089 = arith.mulf %mul3A_1088, %div3A_38 : vector<2048xf32>
    %mul3A_1090 = arith.mulf %sub3A_1087, %sub3A_1087 : vector<2048xf32>
    %mul3A_1091 = arith.mulf %mul3A_1090, %div3A_48 : vector<2048xf32>
    %add3A_1092 = arith.addf %mul3A_1089, %mul3A_1091 : vector<2048xf32>
    %exp23A_1093 = math.exp2 %add3A_1092 : vector<2048xf32>
    %swap3A_1094 = arith.constant 48 : index
    %swap3A_1095 = arith.constant 0 : index
    %swap3A_1096 = vector.load %arg8[%swap3A_1094, %swap3A_1095] : memref<128x2048xf32, #tpu.memory_space<vmem>>, vector<1x2048xf32>
    %swap3A_1097 = vector.shape_cast %swap3A_1096 : vector<1x2048xf32> to vector<2048xf32>
    %swap3A_1098 = vector.shape_cast %exp23A_1093 : vector<2048xf32> to vector<1x2048xf32>
    tpu.vector_store %arg8[%swap3A_1094, %swap3A_1095], %swap3A_1098 {strides = array<i32>} : memref<128x2048xf32, #tpu.memory_space<vmem>>, vector<1x2048xf32>,
    %add3A_1099 = arith.addf %add3A_1043, %exp23A_1093 : vector<2048xf32>
    %sub3A_1100 = arith.subf %get3A_188, %get3A_10 : vector<2048xf32>
    %sub3A_1101 = arith.subf %get3A_192, %get3A_14 : vector<2048xf32>
    %mul3A_1102 = arith.mulf %sub3A_1100, %sub3A_1100 : vector<2048xf32>
    %mul3A_1103 = arith.mulf %mul3A_1102, %div3A_58 : vector<2048xf32>
    %mul3A_1104 = arith.mulf %sub3A_1101, %sub3A_1101 : vector<2048xf32>
    %mul3A_1105 = arith.mulf %mul3A_1104, %div3A_68 : vector<2048xf32>
    %add3A_1106 = arith.addf %mul3A_1103, %mul3A_1105 : vector<2048xf32>
    %exp23A_1107 = math.exp2 %add3A_1106 : vector<2048xf32>
    %swap3A_1108 = arith.constant 49 : index
    %swap3A_1109 = arith.constant 0 : index
    %swap3A_1110 = vector.load %arg8[%swap3A_1108, %swap3A_1109] : memref<128x2048xf32, #tpu.memory_space<vmem>>, vector<1x2048xf32>
    %swap3A_1111 = vector.shape_cast %swap3A_1110 : vector<1x2048xf32> to vector<2048xf32>
    %swap3A_1112 = vector.shape_cast %exp23A_1107 : vector<2048xf32> to vector<1x2048xf32>
    tpu.vector_store %arg8[%swap3A_1108, %swap3A_1109], %swap3A_1112 {strides = array<i32>} : memref<128x2048xf32, #tpu.memory_space<vmem>>, vector<1x2048xf32>,
    %add3A_1113 = arith.addf %add3A_1057, %exp23A_1107 : vector<2048xf32>
    %sub3A_1114 = arith.subf %get3A_188, %get3A_18 : vector<2048xf32>
    %sub3A_1115 = arith.subf %get3A_192, %get3A_22 : vector<2048xf32>
    %mul3A_1116 = arith.mulf %sub3A_1114, %sub3A_1114 : vector<2048xf32>
    %mul3A_1117 = arith.mulf %mul3A_1116, %div3A_78 : vector<2048xf32>
    %mul3A_1118 = arith.mulf %sub3A_1115, %sub3A_1115 : vector<2048xf32>
    %mul3A_1119 = arith.mulf %mul3A_1118, %div3A_88 : vector<2048xf32>
    %add3A_1120 = arith.addf %mul3A_1117, %mul3A_1119 : vector<2048xf32>
    %exp23A_1121 = math.exp2 %add3A_1120 : vector<2048xf32>
    %swap3A_1122 = arith.constant 50 : index
    %swap3A_1123 = arith.constant 0 : index
    %swap3A_1124 = vector.load %arg8[%swap3A_1122, %swap3A_1123] : memref<128x2048xf32, #tpu.memory_space<vmem>>, vector<1x2048xf32>
    %swap3A_1125 = vector.shape_cast %swap3A_1124 : vector<1x2048xf32> to vector<2048xf32>
    %swap3A_1126 = vector.shape_cast %exp23A_1121 : vector<2048xf32> to vector<1x2048xf32>
    tpu.vector_store %arg8[%swap3A_1122, %swap3A_1123], %swap3A_1126 {strides = array<i32>} : memref<128x2048xf32, #tpu.memory_space<vmem>>, vector<1x2048xf32>,
    %add3A_1127 = arith.addf %add3A_1071, %exp23A_1121 : vector<2048xf32>
    %sub3A_1128 = arith.subf %get3A_188, %get3A_26 : vector<2048xf32>
    %sub3A_1129 = arith.subf %get3A_192, %get3A_30 : vector<2048xf32>
    %mul3A_1130 = arith.mulf %sub3A_1128, %sub3A_1128 : vector<2048xf32>
    %mul3A_1131 = arith.mulf %mul3A_1130, %div3A_98 : vector<2048xf32>
    %mul3A_1132 = arith.mulf %sub3A_1129, %sub3A_1129 : vector<2048xf32>
    %mul3A_1133 = arith.mulf %mul3A_1132, %div3A_108 : vector<2048xf32>
    %add3A_1134 = arith.addf %mul3A_1131, %mul3A_1133 : vector<2048xf32>
    %exp23A_1135 = math.exp2 %add3A_1134 : vector<2048xf32>
    %swap3A_1136 = arith.constant 51 : index
    %swap3A_1137 = arith.constant 0 : index
    %swap3A_1138 = vector.load %arg8[%swap3A_1136, %swap3A_1137] : memref<128x2048xf32, #tpu.memory_space<vmem>>, vector<1x2048xf32>
    %swap3A_1139 = vector.shape_cast %swap3A_1138 : vector<1x2048xf32> to vector<2048xf32>
    %swap3A_1140 = vector.shape_cast %exp23A_1135 : vector<2048xf32> to vector<1x2048xf32>
    tpu.vector_store %arg8[%swap3A_1136, %swap3A_1137], %swap3A_1140 {strides = array<i32>} : memref<128x2048xf32, #tpu.memory_space<vmem>>, vector<1x2048xf32>,
    %add3A_1141 = arith.addf %add3A_1085, %exp23A_1135 : vector<2048xf32>
    %sub3A_1142 = arith.subf %get3A_196, %get3A_2 : vector<2048xf32>
    %sub3A_1143 = arith.subf %get3A_200, %get3A_6 : vector<2048xf32>
    %mul3A_1144 = arith.mulf %sub3A_1142, %sub3A_1142 : vector<2048xf32>
    %mul3A_1145 = arith.mulf %mul3A_1144, %div3A_38 : vector<2048xf32>
    %mul3A_1146 = arith.mulf %sub3A_1143, %sub3A_1143 : vector<2048xf32>
    %mul3A_1147 = arith.mulf %mul3A_1146, %div3A_48 : vector<2048xf32>
    %add3A_1148 = arith.addf %mul3A_1145, %mul3A_1147 : vector<2048xf32>
    %exp23A_1149 = math.exp2 %add3A_1148 : vector<2048xf32>
    %swap3A_1150 = arith.constant 52 : index
    %swap3A_1151 = arith.constant 0 : index
    %swap3A_1152 = vector.load %arg8[%swap3A_1150, %swap3A_1151] : memref<128x2048xf32, #tpu.memory_space<vmem>>, vector<1x2048xf32>
    %swap3A_1153 = vector.shape_cast %swap3A_1152 : vector<1x2048xf32> to vector<2048xf32>
    %swap3A_1154 = vector.shape_cast %exp23A_1149 : vector<2048xf32> to vector<1x2048xf32>
    tpu.vector_store %arg8[%swap3A_1150, %swap3A_1151], %swap3A_1154 {strides = array<i32>} : memref<128x2048xf32, #tpu.memory_space<vmem>>, vector<1x2048xf32>,
    %add3A_1155 = arith.addf %add3A_1099, %exp23A_1149 : vector<2048xf32>
    %sub3A_1156 = arith.subf %get3A_196, %get3A_10 : vector<2048xf32>
    %sub3A_1157 = arith.subf %get3A_200, %get3A_14 : vector<2048xf32>
    %mul3A_1158 = arith.mulf %sub3A_1156, %sub3A_1156 : vector<2048xf32>
    %mul3A_1159 = arith.mulf %mul3A_1158, %div3A_58 : vector<2048xf32>
    %mul3A_1160 = arith.mulf %sub3A_1157, %sub3A_1157 : vector<2048xf32>
    %mul3A_1161 = arith.mulf %mul3A_1160, %div3A_68 : vector<2048xf32>
    %add3A_1162 = arith.addf %mul3A_1159, %mul3A_1161 : vector<2048xf32>
    %exp23A_1163 = math.exp2 %add3A_1162 : vector<2048xf32>
    %swap3A_1164 = arith.constant 53 : index
    %swap3A_1165 = arith.constant 0 : index
    %swap3A_1166 = vector.load %arg8[%swap3A_1164, %swap3A_1165] : memref<128x2048xf32, #tpu.memory_space<vmem>>, vector<1x2048xf32>
    %swap3A_1167 = vector.shape_cast %swap3A_1166 : vector<1x2048xf32> to vector<2048xf32>
    %swap3A_1168 = vector.shape_cast %exp23A_1163 : vector<2048xf32> to vector<1x2048xf32>
    tpu.vector_store %arg8[%swap3A_1164, %swap3A_1165], %swap3A_1168 {strides = array<i32>} : memref<128x2048xf32, #tpu.memory_space<vmem>>, vector<1x2048xf32>,
    %add3A_1169 = arith.addf %add3A_1113, %exp23A_1163 : vector<2048xf32>
    %sub3A_1170 = arith.subf %get3A_196, %get3A_18 : vector<2048xf32>
    %sub3A_1171 = arith.subf %get3A_200, %get3A_22 : vector<2048xf32>
    %mul3A_1172 = arith.mulf %sub3A_1170, %sub3A_1170 : vector<2048xf32>
    %mul3A_1173 = arith.mulf %mul3A_1172, %div3A_78 : vector<2048xf32>
    %mul3A_1174 = arith.mulf %sub3A_1171, %sub3A_1171 : vector<2048xf32>
    %mul3A_1175 = arith.mulf %mul3A_1174, %div3A_88 : vector<2048xf32>
    %add3A_1176 = arith.addf %mul3A_1173, %mul3A_1175 : vector<2048xf32>
    %exp23A_1177 = math.exp2 %add3A_1176 : vector<2048xf32>
    %swap3A_1178 = arith.constant 54 : index
    %swap3A_1179 = arith.constant 0 : index
    %swap3A_1180 = vector.load %arg8[%swap3A_1178, %swap3A_1179] : memref<128x2048xf32, #tpu.memory_space<vmem>>, vector<1x2048xf32>
    %swap3A_1181 = vector.shape_cast %swap3A_1180 : vector<1x2048xf32> to vector<2048xf32>
    %swap3A_1182 = vector.shape_cast %exp23A_1177 : vector<2048xf32> to vector<1x2048xf32>
    tpu.vector_store %arg8[%swap3A_1178, %swap3A_1179], %swap3A_1182 {strides = array<i32>} : memref<128x2048xf32, #tpu.memory_space<vmem>>, vector<1x2048xf32>,
    %add3A_1183 = arith.addf %add3A_1127, %exp23A_1177 : vector<2048xf32>
    %sub3A_1184 = arith.subf %get3A_196, %get3A_26 : vector<2048xf32>
    %sub3A_1185 = arith.subf %get3A_200, %get3A_30 : vector<2048xf32>
    %mul3A_1186 = arith.mulf %sub3A_1184, %sub3A_1184 : vector<2048xf32>
    %mul3A_1187 = arith.mulf %mul3A_1186, %div3A_98 : vector<2048xf32>
    %mul3A_1188 = arith.mulf %sub3A_1185, %sub3A_1185 : vector<2048xf32>
    %mul3A_1189 = arith.mulf %mul3A_1188, %div3A_108 : vector<2048xf32>
    %add3A_1190 = arith.addf %mul3A_1187, %mul3A_1189 : vector<2048xf32>
    %exp23A_1191 = math.exp2 %add3A_1190 : vector<2048xf32>
    %swap3A_1192 = arith.constant 55 : index
    %swap3A_1193 = arith.constant 0 : index
    %swap3A_1194 = vector.load %arg8[%swap3A_1192, %swap3A_1193] : memref<128x2048xf32, #tpu.memory_space<vmem>>, vector<1x2048xf32>
    %swap3A_1195 = vector.shape_cast %swap3A_1194 : vector<1x2048xf32> to vector<2048xf32>
    %swap3A_1196 = vector.shape_cast %exp23A_1191 : vector<2048xf32> to vector<1x2048xf32>
    tpu.vector_store %arg8[%swap3A_1192, %swap3A_1193], %swap3A_1196 {strides = array<i32>} : memref<128x2048xf32, #tpu.memory_space<vmem>>, vector<1x2048xf32>,
    %add3A_1197 = arith.addf %add3A_1141, %exp23A_1191 : vector<2048xf32>
    %sub3A_1198 = arith.subf %floor3A_242, %get3A_2 : vector<2048xf32>
    %sub3A_1199 = arith.subf %floor3A_248, %get3A_6 : vector<2048xf32>
    %mul3A_1200 = arith.mulf %sub3A_1198, %sub3A_1198 : vector<2048xf32>
    %mul3A_1201 = arith.mulf %mul3A_1200, %div3A_38 : vector<2048xf32>
    %mul3A_1202 = arith.mulf %sub3A_1199, %sub3A_1199 : vector<2048xf32>
    %mul3A_1203 = arith.mulf %mul3A_1202, %div3A_48 : vector<2048xf32>
    %add3A_1204 = arith.addf %mul3A_1201, %mul3A_1203 : vector<2048xf32>
    %exp23A_1205 = math.exp2 %add3A_1204 : vector<2048xf32>
    %swap3A_1206 = arith.constant 56 : index
    %swap3A_1207 = arith.constant 0 : index
    %swap3A_1208 = vector.load %arg8[%swap3A_1206, %swap3A_1207] : memref<128x2048xf32, #tpu.memory_space<vmem>>, vector<1x2048xf32>
    %swap3A_1209 = vector.shape_cast %swap3A_1208 : vector<1x2048xf32> to vector<2048xf32>
    %swap3A_1210 = vector.shape_cast %exp23A_1205 : vector<2048xf32> to vector<1x2048xf32>
    tpu.vector_store %arg8[%swap3A_1206, %swap3A_1207], %swap3A_1210 {strides = array<i32>} : memref<128x2048xf32, #tpu.memory_space<vmem>>, vector<1x2048xf32>,
    %add3A_1211 = arith.addf %add3A_1155, %exp23A_1205 : vector<2048xf32>
    %sub3A_1212 = arith.subf %floor3A_242, %get3A_10 : vector<2048xf32>
    %sub3A_1213 = arith.subf %floor3A_248, %get3A_14 : vector<2048xf32>
    %mul3A_1214 = arith.mulf %sub3A_1212, %sub3A_1212 : vector<2048xf32>
    %mul3A_1215 = arith.mulf %mul3A_1214, %div3A_58 : vector<2048xf32>
    %mul3A_1216 = arith.mulf %sub3A_1213, %sub3A_1213 : vector<2048xf32>
    %mul3A_1217 = arith.mulf %mul3A_1216, %div3A_68 : vector<2048xf32>
    %add3A_1218 = arith.addf %mul3A_1215, %mul3A_1217 : vector<2048xf32>
    %exp23A_1219 = math.exp2 %add3A_1218 : vector<2048xf32>
    %swap3A_1220 = arith.constant 57 : index
    %swap3A_1221 = arith.constant 0 : index
    %swap3A_1222 = vector.load %arg8[%swap3A_1220, %swap3A_1221] : memref<128x2048xf32, #tpu.memory_space<vmem>>, vector<1x2048xf32>
    %swap3A_1223 = vector.shape_cast %swap3A_1222 : vector<1x2048xf32> to vector<2048xf32>
    %swap3A_1224 = vector.shape_cast %exp23A_1219 : vector<2048xf32> to vector<1x2048xf32>
    tpu.vector_store %arg8[%swap3A_1220, %swap3A_1221], %swap3A_1224 {strides = array<i32>} : memref<128x2048xf32, #tpu.memory_space<vmem>>, vector<1x2048xf32>,
    %add3A_1225 = arith.addf %add3A_1169, %exp23A_1219 : vector<2048xf32>
    %sub3A_1226 = arith.subf %floor3A_242, %get3A_18 : vector<2048xf32>
    %sub3A_1227 = arith.subf %floor3A_248, %get3A_22 : vector<2048xf32>
    %mul3A_1228 = arith.mulf %sub3A_1226, %sub3A_1226 : vector<2048xf32>
    %mul3A_1229 = arith.mulf %mul3A_1228, %div3A_78 : vector<2048xf32>
    %mul3A_1230 = arith.mulf %sub3A_1227, %sub3A_1227 : vector<2048xf32>
    %mul3A_1231 = arith.mulf %mul3A_1230, %div3A_88 : vector<2048xf32>
    %add3A_1232 = arith.addf %mul3A_1229, %mul3A_1231 : vector<2048xf32>
    %exp23A_1233 = math.exp2 %add3A_1232 : vector<2048xf32>
    %swap3A_1234 = arith.constant 58 : index
    %swap3A_1235 = arith.constant 0 : index
    %swap3A_1236 = vector.load %arg8[%swap3A_1234, %swap3A_1235] : memref<128x2048xf32, #tpu.memory_space<vmem>>, vector<1x2048xf32>
    %swap3A_1237 = vector.shape_cast %swap3A_1236 : vector<1x2048xf32> to vector<2048xf32>
    %swap3A_1238 = vector.shape_cast %exp23A_1233 : vector<2048xf32> to vector<1x2048xf32>
    tpu.vector_store %arg8[%swap3A_1234, %swap3A_1235], %swap3A_1238 {strides = array<i32>} : memref<128x2048xf32, #tpu.memory_space<vmem>>, vector<1x2048xf32>,
    %add3A_1239 = arith.addf %add3A_1183, %exp23A_1233 : vector<2048xf32>
    %sub3A_1240 = arith.subf %floor3A_242, %get3A_26 : vector<2048xf32>
    %sub3A_1241 = arith.subf %floor3A_248, %get3A_30 : vector<2048xf32>
    %mul3A_1242 = arith.mulf %sub3A_1240, %sub3A_1240 : vector<2048xf32>
    %mul3A_1243 = arith.mulf %mul3A_1242, %div3A_98 : vector<2048xf32>
    %mul3A_1244 = arith.mulf %sub3A_1241, %sub3A_1241 : vector<2048xf32>
    %mul3A_1245 = arith.mulf %mul3A_1244, %div3A_108 : vector<2048xf32>
    %add3A_1246 = arith.addf %mul3A_1243, %mul3A_1245 : vector<2048xf32>
    %exp23A_1247 = math.exp2 %add3A_1246 : vector<2048xf32>
    %swap3A_1248 = arith.constant 59 : index
    %swap3A_1249 = arith.constant 0 : index
    %swap3A_1250 = vector.load %arg8[%swap3A_1248, %swap3A_1249] : memref<128x2048xf32, #tpu.memory_space<vmem>>, vector<1x2048xf32>
    %swap3A_1251 = vector.shape_cast %swap3A_1250 : vector<1x2048xf32> to vector<2048xf32>
    %swap3A_1252 = vector.shape_cast %exp23A_1247 : vector<2048xf32> to vector<1x2048xf32>
    tpu.vector_store %arg8[%swap3A_1248, %swap3A_1249], %swap3A_1252 {strides = array<i32>} : memref<128x2048xf32, #tpu.memory_space<vmem>>, vector<1x2048xf32>,
    %add3A_1253 = arith.addf %add3A_1197, %exp23A_1247 : vector<2048xf32>
    %sub3A_1254 = arith.subf %floor3A_254, %get3A_2 : vector<2048xf32>
    %sub3A_1255 = arith.subf %floor3A_260, %get3A_6 : vector<2048xf32>
    %mul3A_1256 = arith.mulf %sub3A_1254, %sub3A_1254 : vector<2048xf32>
    %mul3A_1257 = arith.mulf %mul3A_1256, %div3A_38 : vector<2048xf32>
    %mul3A_1258 = arith.mulf %sub3A_1255, %sub3A_1255 : vector<2048xf32>
    %mul3A_1259 = arith.mulf %mul3A_1258, %div3A_48 : vector<2048xf32>
    %add3A_1260 = arith.addf %mul3A_1257, %mul3A_1259 : vector<2048xf32>
    %exp23A_1261 = math.exp2 %add3A_1260 : vector<2048xf32>
    %swap3A_1262 = arith.constant 60 : index
    %swap3A_1263 = arith.constant 0 : index
    %swap3A_1264 = vector.load %arg8[%swap3A_1262, %swap3A_1263] : memref<128x2048xf32, #tpu.memory_space<vmem>>, vector<1x2048xf32>
    %swap3A_1265 = vector.shape_cast %swap3A_1264 : vector<1x2048xf32> to vector<2048xf32>
    %swap3A_1266 = vector.shape_cast %exp23A_1261 : vector<2048xf32> to vector<1x2048xf32>
    tpu.vector_store %arg8[%swap3A_1262, %swap3A_1263], %swap3A_1266 {strides = array<i32>} : memref<128x2048xf32, #tpu.memory_space<vmem>>, vector<1x2048xf32>,
    %add3A_1267 = arith.addf %add3A_1211, %exp23A_1261 : vector<2048xf32>
    %sub3A_1268 = arith.subf %floor3A_254, %get3A_10 : vector<2048xf32>
    %sub3A_1269 = arith.subf %floor3A_260, %get3A_14 : vector<2048xf32>
    %mul3A_1270 = arith.mulf %sub3A_1268, %sub3A_1268 : vector<2048xf32>
    %mul3A_1271 = arith.mulf %mul3A_1270, %div3A_58 : vector<2048xf32>
    %mul3A_1272 = arith.mulf %sub3A_1269, %sub3A_1269 : vector<2048xf32>
    %mul3A_1273 = arith.mulf %mul3A_1272, %div3A_68 : vector<2048xf32>
    %add3A_1274 = arith.addf %mul3A_1271, %mul3A_1273 : vector<2048xf32>
    %exp23A_1275 = math.exp2 %add3A_1274 : vector<2048xf32>
    %swap3A_1276 = arith.constant 61 : index
    %swap3A_1277 = arith.constant 0 : index
    %swap3A_1278 = vector.load %arg8[%swap3A_1276, %swap3A_1277] : memref<128x2048xf32, #tpu.memory_space<vmem>>, vector<1x2048xf32>
    %swap3A_1279 = vector.shape_cast %swap3A_1278 : vector<1x2048xf32> to vector<2048xf32>
    %swap3A_1280 = vector.shape_cast %exp23A_1275 : vector<2048xf32> to vector<1x2048xf32>
    tpu.vector_store %arg8[%swap3A_1276, %swap3A_1277], %swap3A_1280 {strides = array<i32>} : memref<128x2048xf32, #tpu.memory_space<vmem>>, vector<1x2048xf32>,
    %add3A_1281 = arith.addf %add3A_1225, %exp23A_1275 : vector<2048xf32>
    %sub3A_1282 = arith.subf %floor3A_254, %get3A_18 : vector<2048xf32>
    %sub3A_1283 = arith.subf %floor3A_260, %get3A_22 : vector<2048xf32>
    %mul3A_1284 = arith.mulf %sub3A_1282, %sub3A_1282 : vector<2048xf32>
    %mul3A_1285 = arith.mulf %mul3A_1284, %div3A_78 : vector<2048xf32>
    %mul3A_1286 = arith.mulf %sub3A_1283, %sub3A_1283 : vector<2048xf32>
    %mul3A_1287 = arith.mulf %mul3A_1286, %div3A_88 : vector<2048xf32>
    %add3A_1288 = arith.addf %mul3A_1285, %mul3A_1287 : vector<2048xf32>
    %exp23A_1289 = math.exp2 %add3A_1288 : vector<2048xf32>
    %swap3A_1290 = arith.constant 62 : index
    %swap3A_1291 = arith.constant 0 : index
    %swap3A_1292 = vector.load %arg8[%swap3A_1290, %swap3A_1291] : memref<128x2048xf32, #tpu.memory_space<vmem>>, vector<1x2048xf32>
    %swap3A_1293 = vector.shape_cast %swap3A_1292 : vector<1x2048xf32> to vector<2048xf32>
    %swap3A_1294 = vector.shape_cast %exp23A_1289 : vector<2048xf32> to vector<1x2048xf32>
    tpu.vector_store %arg8[%swap3A_1290, %swap3A_1291], %swap3A_1294 {strides = array<i32>} : memref<128x2048xf32, #tpu.memory_space<vmem>>, vector<1x2048xf32>,
    %add3A_1295 = arith.addf %add3A_1239, %exp23A_1289 : vector<2048xf32>
    %sub3A_1296 = arith.subf %floor3A_254, %get3A_26 : vector<2048xf32>
    %sub3A_1297 = arith.subf %floor3A_260, %get3A_30 : vector<2048xf32>
    %mul3A_1298 = arith.mulf %sub3A_1296, %sub3A_1296 : vector<2048xf32>
    %mul3A_1299 = arith.mulf %mul3A_1298, %div3A_98 : vector<2048xf32>
    %mul3A_1300 = arith.mulf %sub3A_1297, %sub3A_1297 : vector<2048xf32>
    %mul3A_1301 = arith.mulf %mul3A_1300, %div3A_108 : vector<2048xf32>
    %add3A_1302 = arith.addf %mul3A_1299, %mul3A_1301 : vector<2048xf32>
    %exp23A_1303 = math.exp2 %add3A_1302 : vector<2048xf32>
    %swap3A_1304 = arith.constant 63 : index
    %swap3A_1305 = arith.constant 0 : index
    %swap3A_1306 = vector.load %arg8[%swap3A_1304, %swap3A_1305] : memref<128x2048xf32, #tpu.memory_space<vmem>>, vector<1x2048xf32>
    %swap3A_1307 = vector.shape_cast %swap3A_1306 : vector<1x2048xf32> to vector<2048xf32>
    %swap3A_1308 = vector.shape_cast %exp23A_1303 : vector<2048xf32> to vector<1x2048xf32>
    tpu.vector_store %arg8[%swap3A_1304, %swap3A_1305], %swap3A_1308 {strides = array<i32>} : memref<128x2048xf32, #tpu.memory_space<vmem>>, vector<1x2048xf32>,
    %add3A_1309 = arith.addf %add3A_1253, %exp23A_1303 : vector<2048xf32>
    %sub3A_1310 = arith.subf %floor3A_261, %get3A_2 : vector<2048xf32>
    %sub3A_1311 = arith.subf %floor3A_263, %get3A_6 : vector<2048xf32>
    %mul3A_1312 = arith.mulf %sub3A_1310, %sub3A_1310 : vector<2048xf32>
    %mul3A_1313 = arith.mulf %mul3A_1312, %div3A_38 : vector<2048xf32>
    %mul3A_1314 = arith.mulf %sub3A_1311, %sub3A_1311 : vector<2048xf32>
    %mul3A_1315 = arith.mulf %mul3A_1314, %div3A_48 : vector<2048xf32>
    %add3A_1316 = arith.addf %mul3A_1313, %mul3A_1315 : vector<2048xf32>
    %exp23A_1317 = math.exp2 %add3A_1316 : vector<2048xf32>
    %swap3A_1318 = arith.constant 64 : index
    %swap3A_1319 = arith.constant 0 : index
    %swap3A_1320 = vector.load %arg8[%swap3A_1318, %swap3A_1319] : memref<128x2048xf32, #tpu.memory_space<vmem>>, vector<1x2048xf32>
    %swap3A_1321 = vector.shape_cast %swap3A_1320 : vector<1x2048xf32> to vector<2048xf32>
    %swap3A_1322 = vector.shape_cast %exp23A_1317 : vector<2048xf32> to vector<1x2048xf32>
    tpu.vector_store %arg8[%swap3A_1318, %swap3A_1319], %swap3A_1322 {strides = array<i32>} : memref<128x2048xf32, #tpu.memory_space<vmem>>, vector<1x2048xf32>,
    %add3A_1323 = arith.addf %add3A_1267, %exp23A_1317 : vector<2048xf32>
    %sub3A_1324 = arith.subf %floor3A_261, %get3A_10 : vector<2048xf32>
    %sub3A_1325 = arith.subf %floor3A_263, %get3A_14 : vector<2048xf32>
    %mul3A_1326 = arith.mulf %sub3A_1324, %sub3A_1324 : vector<2048xf32>
    %mul3A_1327 = arith.mulf %mul3A_1326, %div3A_58 : vector<2048xf32>
    %mul3A_1328 = arith.mulf %sub3A_1325, %sub3A_1325 : vector<2048xf32>
    %mul3A_1329 = arith.mulf %mul3A_1328, %div3A_68 : vector<2048xf32>
    %add3A_1330 = arith.addf %mul3A_1327, %mul3A_1329 : vector<2048xf32>
    %exp23A_1331 = math.exp2 %add3A_1330 : vector<2048xf32>
    %swap3A_1332 = arith.constant 65 : index
    %swap3A_1333 = arith.constant 0 : index
    %swap3A_1334 = vector.load %arg8[%swap3A_1332, %swap3A_1333] : memref<128x2048xf32, #tpu.memory_space<vmem>>, vector<1x2048xf32>
    %swap3A_1335 = vector.shape_cast %swap3A_1334 : vector<1x2048xf32> to vector<2048xf32>
    %swap3A_1336 = vector.shape_cast %exp23A_1331 : vector<2048xf32> to vector<1x2048xf32>
    tpu.vector_store %arg8[%swap3A_1332, %swap3A_1333], %swap3A_1336 {strides = array<i32>} : memref<128x2048xf32, #tpu.memory_space<vmem>>, vector<1x2048xf32>,
    %add3A_1337 = arith.addf %add3A_1281, %exp23A_1331 : vector<2048xf32>
    %sub3A_1338 = arith.subf %floor3A_261, %get3A_18 : vector<2048xf32>
    %sub3A_1339 = arith.subf %floor3A_263, %get3A_22 : vector<2048xf32>
    %mul3A_1340 = arith.mulf %sub3A_1338, %sub3A_1338 : vector<2048xf32>
    %mul3A_1341 = arith.mulf %mul3A_1340, %div3A_78 : vector<2048xf32>
    %mul3A_1342 = arith.mulf %sub3A_1339, %sub3A_1339 : vector<2048xf32>
    %mul3A_1343 = arith.mulf %mul3A_1342, %div3A_88 : vector<2048xf32>
    %add3A_1344 = arith.addf %mul3A_1341, %mul3A_1343 : vector<2048xf32>
    %exp23A_1345 = math.exp2 %add3A_1344 : vector<2048xf32>
    %swap3A_1346 = arith.constant 66 : index
    %swap3A_1347 = arith.constant 0 : index
    %swap3A_1348 = vector.load %arg8[%swap3A_1346, %swap3A_1347] : memref<128x2048xf32, #tpu.memory_space<vmem>>, vector<1x2048xf32>
    %swap3A_1349 = vector.shape_cast %swap3A_1348 : vector<1x2048xf32> to vector<2048xf32>
    %swap3A_1350 = vector.shape_cast %exp23A_1345 : vector<2048xf32> to vector<1x2048xf32>
    tpu.vector_store %arg8[%swap3A_1346, %swap3A_1347], %swap3A_1350 {strides = array<i32>} : memref<128x2048xf32, #tpu.memory_space<vmem>>, vector<1x2048xf32>,
    %add3A_1351 = arith.addf %add3A_1295, %exp23A_1345 : vector<2048xf32>
    %sub3A_1352 = arith.subf %floor3A_261, %get3A_26 : vector<2048xf32>
    %sub3A_1353 = arith.subf %floor3A_263, %get3A_30 : vector<2048xf32>
    %mul3A_1354 = arith.mulf %sub3A_1352, %sub3A_1352 : vector<2048xf32>
    %mul3A_1355 = arith.mulf %mul3A_1354, %div3A_98 : vector<2048xf32>
    %mul3A_1356 = arith.mulf %sub3A_1353, %sub3A_1353 : vector<2048xf32>
    %mul3A_1357 = arith.mulf %mul3A_1356, %div3A_108 : vector<2048xf32>
    %add3A_1358 = arith.addf %mul3A_1355, %mul3A_1357 : vector<2048xf32>
    %exp23A_1359 = math.exp2 %add3A_1358 : vector<2048xf32>
    %swap3A_1360 = arith.constant 67 : index
    %swap3A_1361 = arith.constant 0 : index
    %swap3A_1362 = vector.load %arg8[%swap3A_1360, %swap3A_1361] : memref<128x2048xf32, #tpu.memory_space<vmem>>, vector<1x2048xf32>
    %swap3A_1363 = vector.shape_cast %swap3A_1362 : vector<1x2048xf32> to vector<2048xf32>
    %swap3A_1364 = vector.shape_cast %exp23A_1359 : vector<2048xf32> to vector<1x2048xf32>
    tpu.vector_store %arg8[%swap3A_1360, %swap3A_1361], %swap3A_1364 {strides = array<i32>} : memref<128x2048xf32, #tpu.memory_space<vmem>>, vector<1x2048xf32>,
    %add3A_1365 = arith.addf %add3A_1309, %exp23A_1359 : vector<2048xf32>
    %sub3A_1366 = arith.subf %floor3A_261, %get3A_2 : vector<2048xf32>
    %sub3A_1367 = arith.subf %ceil3A_264, %get3A_6 : vector<2048xf32>
    %mul3A_1368 = arith.mulf %sub3A_1366, %sub3A_1366 : vector<2048xf32>
    %mul3A_1369 = arith.mulf %mul3A_1368, %div3A_38 : vector<2048xf32>
    %mul3A_1370 = arith.mulf %sub3A_1367, %sub3A_1367 : vector<2048xf32>
    %mul3A_1371 = arith.mulf %mul3A_1370, %div3A_48 : vector<2048xf32>
    %add3A_1372 = arith.addf %mul3A_1369, %mul3A_1371 : vector<2048xf32>
    %exp23A_1373 = math.exp2 %add3A_1372 : vector<2048xf32>
    %swap3A_1374 = arith.constant 68 : index
    %swap3A_1375 = arith.constant 0 : index
    %swap3A_1376 = vector.load %arg8[%swap3A_1374, %swap3A_1375] : memref<128x2048xf32, #tpu.memory_space<vmem>>, vector<1x2048xf32>
    %swap3A_1377 = vector.shape_cast %swap3A_1376 : vector<1x2048xf32> to vector<2048xf32>
    %swap3A_1378 = vector.shape_cast %exp23A_1373 : vector<2048xf32> to vector<1x2048xf32>
    tpu.vector_store %arg8[%swap3A_1374, %swap3A_1375], %swap3A_1378 {strides = array<i32>} : memref<128x2048xf32, #tpu.memory_space<vmem>>, vector<1x2048xf32>,
    %add3A_1379 = arith.addf %add3A_1323, %exp23A_1373 : vector<2048xf32>
    %sub3A_1380 = arith.subf %floor3A_261, %get3A_10 : vector<2048xf32>
    %sub3A_1381 = arith.subf %ceil3A_264, %get3A_14 : vector<2048xf32>
    %mul3A_1382 = arith.mulf %sub3A_1380, %sub3A_1380 : vector<2048xf32>
    %mul3A_1383 = arith.mulf %mul3A_1382, %div3A_58 : vector<2048xf32>
    %mul3A_1384 = arith.mulf %sub3A_1381, %sub3A_1381 : vector<2048xf32>
    %mul3A_1385 = arith.mulf %mul3A_1384, %div3A_68 : vector<2048xf32>
    %add3A_1386 = arith.addf %mul3A_1383, %mul3A_1385 : vector<2048xf32>
    %exp23A_1387 = math.exp2 %add3A_1386 : vector<2048xf32>
    %swap3A_1388 = arith.constant 69 : index
    %swap3A_1389 = arith.constant 0 : index
    %swap3A_1390 = vector.load %arg8[%swap3A_1388, %swap3A_1389] : memref<128x2048xf32, #tpu.memory_space<vmem>>, vector<1x2048xf32>
    %swap3A_1391 = vector.shape_cast %swap3A_1390 : vector<1x2048xf32> to vector<2048xf32>
    %swap3A_1392 = vector.shape_cast %exp23A_1387 : vector<2048xf32> to vector<1x2048xf32>
    tpu.vector_store %arg8[%swap3A_1388, %swap3A_1389], %swap3A_1392 {strides = array<i32>} : memref<128x2048xf32, #tpu.memory_space<vmem>>, vector<1x2048xf32>,
    %add3A_1393 = arith.addf %add3A_1337, %exp23A_1387 : vector<2048xf32>
    %sub3A_1394 = arith.subf %floor3A_261, %get3A_18 : vector<2048xf32>
    %sub3A_1395 = arith.subf %ceil3A_264, %get3A_22 : vector<2048xf32>
    %mul3A_1396 = arith.mulf %sub3A_1394, %sub3A_1394 : vector<2048xf32>
    %mul3A_1397 = arith.mulf %mul3A_1396, %div3A_78 : vector<2048xf32>
    %mul3A_1398 = arith.mulf %sub3A_1395, %sub3A_1395 : vector<2048xf32>
    %mul3A_1399 = arith.mulf %mul3A_1398, %div3A_88 : vector<2048xf32>
    %add3A_1400 = arith.addf %mul3A_1397, %mul3A_1399 : vector<2048xf32>
    %exp23A_1401 = math.exp2 %add3A_1400 : vector<2048xf32>
    %swap3A_1402 = arith.constant 70 : index
    %swap3A_1403 = arith.constant 0 : index
    %swap3A_1404 = vector.load %arg8[%swap3A_1402, %swap3A_1403] : memref<128x2048xf32, #tpu.memory_space<vmem>>, vector<1x2048xf32>
    %swap3A_1405 = vector.shape_cast %swap3A_1404 : vector<1x2048xf32> to vector<2048xf32>
    %swap3A_1406 = vector.shape_cast %exp23A_1401 : vector<2048xf32> to vector<1x2048xf32>
    tpu.vector_store %arg8[%swap3A_1402, %swap3A_1403], %swap3A_1406 {strides = array<i32>} : memref<128x2048xf32, #tpu.memory_space<vmem>>, vector<1x2048xf32>,
    %add3A_1407 = arith.addf %add3A_1351, %exp23A_1401 : vector<2048xf32>
    %sub3A_1408 = arith.subf %floor3A_261, %get3A_26 : vector<2048xf32>
    %sub3A_1409 = arith.subf %ceil3A_264, %get3A_30 : vector<2048xf32>
    %mul3A_1410 = arith.mulf %sub3A_1408, %sub3A_1408 : vector<2048xf32>
    %mul3A_1411 = arith.mulf %mul3A_1410, %div3A_98 : vector<2048xf32>
    %mul3A_1412 = arith.mulf %sub3A_1409, %sub3A_1409 : vector<2048xf32>
    %mul3A_1413 = arith.mulf %mul3A_1412, %div3A_108 : vector<2048xf32>
    %add3A_1414 = arith.addf %mul3A_1411, %mul3A_1413 : vector<2048xf32>
    %exp23A_1415 = math.exp2 %add3A_1414 : vector<2048xf32>
    %swap3A_1416 = arith.constant 71 : index
    %swap3A_1417 = arith.constant 0 : index
    %swap3A_1418 = vector.load %arg8[%swap3A_1416, %swap3A_1417] : memref<128x2048xf32, #tpu.memory_space<vmem>>, vector<1x2048xf32>
    %swap3A_1419 = vector.shape_cast %swap3A_1418 : vector<1x2048xf32> to vector<2048xf32>
    %swap3A_1420 = vector.shape_cast %exp23A_1415 : vector<2048xf32> to vector<1x2048xf32>
    tpu.vector_store %arg8[%swap3A_1416, %swap3A_1417], %swap3A_1420 {strides = array<i32>} : memref<128x2048xf32, #tpu.memory_space<vmem>>, vector<1x2048xf32>,
    %add3A_1421 = arith.addf %add3A_1365, %exp23A_1415 : vector<2048xf32>
    %sub3A_1422 = arith.subf %ceil3A_262, %get3A_2 : vector<2048xf32>
    %sub3A_1423 = arith.subf %floor3A_263, %get3A_6 : vector<2048xf32>
    %mul3A_1424 = arith.mulf %sub3A_1422, %sub3A_1422 : vector<2048xf32>
    %mul3A_1425 = arith.mulf %mul3A_1424, %div3A_38 : vector<2048xf32>
    %mul3A_1426 = arith.mulf %sub3A_1423, %sub3A_1423 : vector<2048xf32>
    %mul3A_1427 = arith.mulf %mul3A_1426, %div3A_48 : vector<2048xf32>
    %add3A_1428 = arith.addf %mul3A_1425, %mul3A_1427 : vector<2048xf32>
    %exp23A_1429 = math.exp2 %add3A_1428 : vector<2048xf32>
    %swap3A_1430 = arith.constant 72 : index
    %swap3A_1431 = arith.constant 0 : index
    %swap3A_1432 = vector.load %arg8[%swap3A_1430, %swap3A_1431] : memref<128x2048xf32, #tpu.memory_space<vmem>>, vector<1x2048xf32>
    %swap3A_1433 = vector.shape_cast %swap3A_1432 : vector<1x2048xf32> to vector<2048xf32>
    %swap3A_1434 = vector.shape_cast %exp23A_1429 : vector<2048xf32> to vector<1x2048xf32>
    tpu.vector_store %arg8[%swap3A_1430, %swap3A_1431], %swap3A_1434 {strides = array<i32>} : memref<128x2048xf32, #tpu.memory_space<vmem>>, vector<1x2048xf32>,
    %add3A_1435 = arith.addf %add3A_1379, %exp23A_1429 : vector<2048xf32>
    %sub3A_1436 = arith.subf %ceil3A_262, %get3A_10 : vector<2048xf32>
    %sub3A_1437 = arith.subf %floor3A_263, %get3A_14 : vector<2048xf32>
    %mul3A_1438 = arith.mulf %sub3A_1436, %sub3A_1436 : vector<2048xf32>
    %mul3A_1439 = arith.mulf %mul3A_1438, %div3A_58 : vector<2048xf32>
    %mul3A_1440 = arith.mulf %sub3A_1437, %sub3A_1437 : vector<2048xf32>
    %mul3A_1441 = arith.mulf %mul3A_1440, %div3A_68 : vector<2048xf32>
    %add3A_1442 = arith.addf %mul3A_1439, %mul3A_1441 : vector<2048xf32>
    %exp23A_1443 = math.exp2 %add3A_1442 : vector<2048xf32>
    %swap3A_1444 = arith.constant 73 : index
    %swap3A_1445 = arith.constant 0 : index
    %swap3A_1446 = vector.load %arg8[%swap3A_1444, %swap3A_1445] : memref<128x2048xf32, #tpu.memory_space<vmem>>, vector<1x2048xf32>
    %swap3A_1447 = vector.shape_cast %swap3A_1446 : vector<1x2048xf32> to vector<2048xf32>
    %swap3A_1448 = vector.shape_cast %exp23A_1443 : vector<2048xf32> to vector<1x2048xf32>
    tpu.vector_store %arg8[%swap3A_1444, %swap3A_1445], %swap3A_1448 {strides = array<i32>} : memref<128x2048xf32, #tpu.memory_space<vmem>>, vector<1x2048xf32>,
    %add3A_1449 = arith.addf %add3A_1393, %exp23A_1443 : vector<2048xf32>
    %sub3A_1450 = arith.subf %ceil3A_262, %get3A_18 : vector<2048xf32>
    %sub3A_1451 = arith.subf %floor3A_263, %get3A_22 : vector<2048xf32>
    %mul3A_1452 = arith.mulf %sub3A_1450, %sub3A_1450 : vector<2048xf32>
    %mul3A_1453 = arith.mulf %mul3A_1452, %div3A_78 : vector<2048xf32>
    %mul3A_1454 = arith.mulf %sub3A_1451, %sub3A_1451 : vector<2048xf32>
    %mul3A_1455 = arith.mulf %mul3A_1454, %div3A_88 : vector<2048xf32>
    %add3A_1456 = arith.addf %mul3A_1453, %mul3A_1455 : vector<2048xf32>
    %exp23A_1457 = math.exp2 %add3A_1456 : vector<2048xf32>
    %swap3A_1458 = arith.constant 74 : index
    %swap3A_1459 = arith.constant 0 : index
    %swap3A_1460 = vector.load %arg8[%swap3A_1458, %swap3A_1459] : memref<128x2048xf32, #tpu.memory_space<vmem>>, vector<1x2048xf32>
    %swap3A_1461 = vector.shape_cast %swap3A_1460 : vector<1x2048xf32> to vector<2048xf32>
    %swap3A_1462 = vector.shape_cast %exp23A_1457 : vector<2048xf32> to vector<1x2048xf32>
    tpu.vector_store %arg8[%swap3A_1458, %swap3A_1459], %swap3A_1462 {strides = array<i32>} : memref<128x2048xf32, #tpu.memory_space<vmem>>, vector<1x2048xf32>,
    %add3A_1463 = arith.addf %add3A_1407, %exp23A_1457 : vector<2048xf32>
    %sub3A_1464 = arith.subf %ceil3A_262, %get3A_26 : vector<2048xf32>
    %sub3A_1465 = arith.subf %floor3A_263, %get3A_30 : vector<2048xf32>
    %mul3A_1466 = arith.mulf %sub3A_1464, %sub3A_1464 : vector<2048xf32>
    %mul3A_1467 = arith.mulf %mul3A_1466, %div3A_98 : vector<2048xf32>
    %mul3A_1468 = arith.mulf %sub3A_1465, %sub3A_1465 : vector<2048xf32>
    %mul3A_1469 = arith.mulf %mul3A_1468, %div3A_108 : vector<2048xf32>
    %add3A_1470 = arith.addf %mul3A_1467, %mul3A_1469 : vector<2048xf32>
    %exp23A_1471 = math.exp2 %add3A_1470 : vector<2048xf32>
    %swap3A_1472 = arith.constant 75 : index
    %swap3A_1473 = arith.constant 0 : index
    %swap3A_1474 = vector.load %arg8[%swap3A_1472, %swap3A_1473] : memref<128x2048xf32, #tpu.memory_space<vmem>>, vector<1x2048xf32>
    %swap3A_1475 = vector.shape_cast %swap3A_1474 : vector<1x2048xf32> to vector<2048xf32>
    %swap3A_1476 = vector.shape_cast %exp23A_1471 : vector<2048xf32> to vector<1x2048xf32>
    tpu.vector_store %arg8[%swap3A_1472, %swap3A_1473], %swap3A_1476 {strides = array<i32>} : memref<128x2048xf32, #tpu.memory_space<vmem>>, vector<1x2048xf32>,
    %add3A_1477 = arith.addf %add3A_1421, %exp23A_1471 : vector<2048xf32>
    %sub3A_1478 = arith.subf %ceil3A_262, %get3A_2 : vector<2048xf32>
    %sub3A_1479 = arith.subf %ceil3A_264, %get3A_6 : vector<2048xf32>
    %mul3A_1480 = arith.mulf %sub3A_1478, %sub3A_1478 : vector<2048xf32>
    %mul3A_1481 = arith.mulf %mul3A_1480, %div3A_38 : vector<2048xf32>
    %mul3A_1482 = arith.mulf %sub3A_1479, %sub3A_1479 : vector<2048xf32>
    %mul3A_1483 = arith.mulf %mul3A_1482, %div3A_48 : vector<2048xf32>
    %add3A_1484 = arith.addf %mul3A_1481, %mul3A_1483 : vector<2048xf32>
    %exp23A_1485 = math.exp2 %add3A_1484 : vector<2048xf32>
    %swap3A_1486 = arith.constant 76 : index
    %swap3A_1487 = arith.constant 0 : index
    %swap3A_1488 = vector.load %arg8[%swap3A_1486, %swap3A_1487] : memref<128x2048xf32, #tpu.memory_space<vmem>>, vector<1x2048xf32>
    %swap3A_1489 = vector.shape_cast %swap3A_1488 : vector<1x2048xf32> to vector<2048xf32>
    %swap3A_1490 = vector.shape_cast %exp23A_1485 : vector<2048xf32> to vector<1x2048xf32>
    tpu.vector_store %arg8[%swap3A_1486, %swap3A_1487], %swap3A_1490 {strides = array<i32>} : memref<128x2048xf32, #tpu.memory_space<vmem>>, vector<1x2048xf32>,
    %add3A_1491 = arith.addf %add3A_1435, %exp23A_1485 : vector<2048xf32>
    %sub3A_1492 = arith.subf %ceil3A_262, %get3A_10 : vector<2048xf32>
    %sub3A_1493 = arith.subf %ceil3A_264, %get3A_14 : vector<2048xf32>
    %mul3A_1494 = arith.mulf %sub3A_1492, %sub3A_1492 : vector<2048xf32>
    %mul3A_1495 = arith.mulf %mul3A_1494, %div3A_58 : vector<2048xf32>
    %mul3A_1496 = arith.mulf %sub3A_1493, %sub3A_1493 : vector<2048xf32>
    %mul3A_1497 = arith.mulf %mul3A_1496, %div3A_68 : vector<2048xf32>
    %add3A_1498 = arith.addf %mul3A_1495, %mul3A_1497 : vector<2048xf32>
    %exp23A_1499 = math.exp2 %add3A_1498 : vector<2048xf32>
    %swap3A_1500 = arith.constant 77 : index
    %swap3A_1501 = arith.constant 0 : index
    %swap3A_1502 = vector.load %arg8[%swap3A_1500, %swap3A_1501] : memref<128x2048xf32, #tpu.memory_space<vmem>>, vector<1x2048xf32>
    %swap3A_1503 = vector.shape_cast %swap3A_1502 : vector<1x2048xf32> to vector<2048xf32>
    %swap3A_1504 = vector.shape_cast %exp23A_1499 : vector<2048xf32> to vector<1x2048xf32>
    tpu.vector_store %arg8[%swap3A_1500, %swap3A_1501], %swap3A_1504 {strides = array<i32>} : memref<128x2048xf32, #tpu.memory_space<vmem>>, vector<1x2048xf32>,
    %add3A_1505 = arith.addf %add3A_1449, %exp23A_1499 : vector<2048xf32>
    %sub3A_1506 = arith.subf %ceil3A_262, %get3A_18 : vector<2048xf32>
    %sub3A_1507 = arith.subf %ceil3A_264, %get3A_22 : vector<2048xf32>
    %mul3A_1508 = arith.mulf %sub3A_1506, %sub3A_1506 : vector<2048xf32>
    %mul3A_1509 = arith.mulf %mul3A_1508, %div3A_78 : vector<2048xf32>
    %mul3A_1510 = arith.mulf %sub3A_1507, %sub3A_1507 : vector<2048xf32>
    %mul3A_1511 = arith.mulf %mul3A_1510, %div3A_88 : vector<2048xf32>
    %add3A_1512 = arith.addf %mul3A_1509, %mul3A_1511 : vector<2048xf32>
    %exp23A_1513 = math.exp2 %add3A_1512 : vector<2048xf32>
    %swap3A_1514 = arith.constant 78 : index
    %swap3A_1515 = arith.constant 0 : index
    %swap3A_1516 = vector.load %arg8[%swap3A_1514, %swap3A_1515] : memref<128x2048xf32, #tpu.memory_space<vmem>>, vector<1x2048xf32>
    %swap3A_1517 = vector.shape_cast %swap3A_1516 : vector<1x2048xf32> to vector<2048xf32>
    %swap3A_1518 = vector.shape_cast %exp23A_1513 : vector<2048xf32> to vector<1x2048xf32>
    tpu.vector_store %arg8[%swap3A_1514, %swap3A_1515], %swap3A_1518 {strides = array<i32>} : memref<128x2048xf32, #tpu.memory_space<vmem>>, vector<1x2048xf32>,
    %add3A_1519 = arith.addf %add3A_1463, %exp23A_1513 : vector<2048xf32>
    %sub3A_1520 = arith.subf %ceil3A_262, %get3A_26 : vector<2048xf32>
    %sub3A_1521 = arith.subf %ceil3A_264, %get3A_30 : vector<2048xf32>
    %mul3A_1522 = arith.mulf %sub3A_1520, %sub3A_1520 : vector<2048xf32>
    %mul3A_1523 = arith.mulf %mul3A_1522, %div3A_98 : vector<2048xf32>
    %mul3A_1524 = arith.mulf %sub3A_1521, %sub3A_1521 : vector<2048xf32>
    %mul3A_1525 = arith.mulf %mul3A_1524, %div3A_108 : vector<2048xf32>
    %add3A_1526 = arith.addf %mul3A_1523, %mul3A_1525 : vector<2048xf32>
    %exp23A_1527 = math.exp2 %add3A_1526 : vector<2048xf32>
    %swap3A_1528 = arith.constant 79 : index
    %swap3A_1529 = arith.constant 0 : index
    %swap3A_1530 = vector.load %arg8[%swap3A_1528, %swap3A_1529] : memref<128x2048xf32, #tpu.memory_space<vmem>>, vector<1x2048xf32>
    %swap3A_1531 = vector.shape_cast %swap3A_1530 : vector<1x2048xf32> to vector<2048xf32>
    %swap3A_1532 = vector.shape_cast %exp23A_1527 : vector<2048xf32> to vector<1x2048xf32>
    tpu.vector_store %arg8[%swap3A_1528, %swap3A_1529], %swap3A_1532 {strides = array<i32>} : memref<128x2048xf32, #tpu.memory_space<vmem>>, vector<1x2048xf32>,
    %add3A_1533 = arith.addf %add3A_1477, %exp23A_1527 : vector<2048xf32>
    %sub3A_1534 = arith.subf %get3A_268, %get3A_2 : vector<2048xf32>
    %sub3A_1535 = arith.subf %get3A_272, %get3A_6 : vector<2048xf32>
    %mul3A_1536 = arith.mulf %sub3A_1534, %sub3A_1534 : vector<2048xf32>
    %mul3A_1537 = arith.mulf %mul3A_1536, %div3A_38 : vector<2048xf32>
    %mul3A_1538 = arith.mulf %sub3A_1535, %sub3A_1535 : vector<2048xf32>
    %mul3A_1539 = arith.mulf %mul3A_1538, %div3A_48 : vector<2048xf32>
    %add3A_1540 = arith.addf %mul3A_1537, %mul3A_1539 : vector<2048xf32>
    %exp23A_1541 = math.exp2 %add3A_1540 : vector<2048xf32>
    %swap3A_1542 = arith.constant 80 : index
    %swap3A_1543 = arith.constant 0 : index
    %swap3A_1544 = vector.load %arg8[%swap3A_1542, %swap3A_1543] : memref<128x2048xf32, #tpu.memory_space<vmem>>, vector<1x2048xf32>
    %swap3A_1545 = vector.shape_cast %swap3A_1544 : vector<1x2048xf32> to vector<2048xf32>
    %swap3A_1546 = vector.shape_cast %exp23A_1541 : vector<2048xf32> to vector<1x2048xf32>
    tpu.vector_store %arg8[%swap3A_1542, %swap3A_1543], %swap3A_1546 {strides = array<i32>} : memref<128x2048xf32, #tpu.memory_space<vmem>>, vector<1x2048xf32>,
    %add3A_1547 = arith.addf %add3A_1491, %exp23A_1541 : vector<2048xf32>
    %sub3A_1548 = arith.subf %get3A_268, %get3A_10 : vector<2048xf32>
    %sub3A_1549 = arith.subf %get3A_272, %get3A_14 : vector<2048xf32>
    %mul3A_1550 = arith.mulf %sub3A_1548, %sub3A_1548 : vector<2048xf32>
    %mul3A_1551 = arith.mulf %mul3A_1550, %div3A_58 : vector<2048xf32>
    %mul3A_1552 = arith.mulf %sub3A_1549, %sub3A_1549 : vector<2048xf32>
    %mul3A_1553 = arith.mulf %mul3A_1552, %div3A_68 : vector<2048xf32>
    %add3A_1554 = arith.addf %mul3A_1551, %mul3A_1553 : vector<2048xf32>
    %exp23A_1555 = math.exp2 %add3A_1554 : vector<2048xf32>
    %swap3A_1556 = arith.constant 81 : index
    %swap3A_1557 = arith.constant 0 : index
    %swap3A_1558 = vector.load %arg8[%swap3A_1556, %swap3A_1557] : memref<128x2048xf32, #tpu.memory_space<vmem>>, vector<1x2048xf32>
    %swap3A_1559 = vector.shape_cast %swap3A_1558 : vector<1x2048xf32> to vector<2048xf32>
    %swap3A_1560 = vector.shape_cast %exp23A_1555 : vector<2048xf32> to vector<1x2048xf32>
    tpu.vector_store %arg8[%swap3A_1556, %swap3A_1557], %swap3A_1560 {strides = array<i32>} : memref<128x2048xf32, #tpu.memory_space<vmem>>, vector<1x2048xf32>,
    %add3A_1561 = arith.addf %add3A_1505, %exp23A_1555 : vector<2048xf32>
    %sub3A_1562 = arith.subf %get3A_268, %get3A_18 : vector<2048xf32>
    %sub3A_1563 = arith.subf %get3A_272, %get3A_22 : vector<2048xf32>
    %mul3A_1564 = arith.mulf %sub3A_1562, %sub3A_1562 : vector<2048xf32>
    %mul3A_1565 = arith.mulf %mul3A_1564, %div3A_78 : vector<2048xf32>
    %mul3A_1566 = arith.mulf %sub3A_1563, %sub3A_1563 : vector<2048xf32>
    %mul3A_1567 = arith.mulf %mul3A_1566, %div3A_88 : vector<2048xf32>
    %add3A_1568 = arith.addf %mul3A_1565, %mul3A_1567 : vector<2048xf32>
    %exp23A_1569 = math.exp2 %add3A_1568 : vector<2048xf32>
    %swap3A_1570 = arith.constant 82 : index
    %swap3A_1571 = arith.constant 0 : index
    %swap3A_1572 = vector.load %arg8[%swap3A_1570, %swap3A_1571] : memref<128x2048xf32, #tpu.memory_space<vmem>>, vector<1x2048xf32>
    %swap3A_1573 = vector.shape_cast %swap3A_1572 : vector<1x2048xf32> to vector<2048xf32>
    %swap3A_1574 = vector.shape_cast %exp23A_1569 : vector<2048xf32> to vector<1x2048xf32>
    tpu.vector_store %arg8[%swap3A_1570, %swap3A_1571], %swap3A_1574 {strides = array<i32>} : memref<128x2048xf32, #tpu.memory_space<vmem>>, vector<1x2048xf32>,
    %add3A_1575 = arith.addf %add3A_1519, %exp23A_1569 : vector<2048xf32>
    %sub3A_1576 = arith.subf %get3A_268, %get3A_26 : vector<2048xf32>
    %sub3A_1577 = arith.subf %get3A_272, %get3A_30 : vector<2048xf32>
    %mul3A_1578 = arith.mulf %sub3A_1576, %sub3A_1576 : vector<2048xf32>
    %mul3A_1579 = arith.mulf %mul3A_1578, %div3A_98 : vector<2048xf32>
    %mul3A_1580 = arith.mulf %sub3A_1577, %sub3A_1577 : vector<2048xf32>
    %mul3A_1581 = arith.mulf %mul3A_1580, %div3A_108 : vector<2048xf32>
    %add3A_1582 = arith.addf %mul3A_1579, %mul3A_1581 : vector<2048xf32>
    %exp23A_1583 = math.exp2 %add3A_1582 : vector<2048xf32>
    %swap3A_1584 = arith.constant 83 : index
    %swap3A_1585 = arith.constant 0 : index
    %swap3A_1586 = vector.load %arg8[%swap3A_1584, %swap3A_1585] : memref<128x2048xf32, #tpu.memory_space<vmem>>, vector<1x2048xf32>
    %swap3A_1587 = vector.shape_cast %swap3A_1586 : vector<1x2048xf32> to vector<2048xf32>
    %swap3A_1588 = vector.shape_cast %exp23A_1583 : vector<2048xf32> to vector<1x2048xf32>
    tpu.vector_store %arg8[%swap3A_1584, %swap3A_1585], %swap3A_1588 {strides = array<i32>} : memref<128x2048xf32, #tpu.memory_space<vmem>>, vector<1x2048xf32>,
    %add3A_1589 = arith.addf %add3A_1533, %exp23A_1583 : vector<2048xf32>
    %sub3A_1590 = arith.subf %get3A_276, %get3A_2 : vector<2048xf32>
    %sub3A_1591 = arith.subf %get3A_280, %get3A_6 : vector<2048xf32>
    %mul3A_1592 = arith.mulf %sub3A_1590, %sub3A_1590 : vector<2048xf32>
    %mul3A_1593 = arith.mulf %mul3A_1592, %div3A_38 : vector<2048xf32>
    %mul3A_1594 = arith.mulf %sub3A_1591, %sub3A_1591 : vector<2048xf32>
    %mul3A_1595 = arith.mulf %mul3A_1594, %div3A_48 : vector<2048xf32>
    %add3A_1596 = arith.addf %mul3A_1593, %mul3A_1595 : vector<2048xf32>
    %exp23A_1597 = math.exp2 %add3A_1596 : vector<2048xf32>
    %swap3A_1598 = arith.constant 84 : index
    %swap3A_1599 = arith.constant 0 : index
    %swap3A_1600 = vector.load %arg8[%swap3A_1598, %swap3A_1599] : memref<128x2048xf32, #tpu.memory_space<vmem>>, vector<1x2048xf32>
    %swap3A_1601 = vector.shape_cast %swap3A_1600 : vector<1x2048xf32> to vector<2048xf32>
    %swap3A_1602 = vector.shape_cast %exp23A_1597 : vector<2048xf32> to vector<1x2048xf32>
    tpu.vector_store %arg8[%swap3A_1598, %swap3A_1599], %swap3A_1602 {strides = array<i32>} : memref<128x2048xf32, #tpu.memory_space<vmem>>, vector<1x2048xf32>,
    %add3A_1603 = arith.addf %add3A_1547, %exp23A_1597 : vector<2048xf32>
    %sub3A_1604 = arith.subf %get3A_276, %get3A_10 : vector<2048xf32>
    %sub3A_1605 = arith.subf %get3A_280, %get3A_14 : vector<2048xf32>
    %mul3A_1606 = arith.mulf %sub3A_1604, %sub3A_1604 : vector<2048xf32>
    %mul3A_1607 = arith.mulf %mul3A_1606, %div3A_58 : vector<2048xf32>
    %mul3A_1608 = arith.mulf %sub3A_1605, %sub3A_1605 : vector<2048xf32>
    %mul3A_1609 = arith.mulf %mul3A_1608, %div3A_68 : vector<2048xf32>
    %add3A_1610 = arith.addf %mul3A_1607, %mul3A_1609 : vector<2048xf32>
    %exp23A_1611 = math.exp2 %add3A_1610 : vector<2048xf32>
    %swap3A_1612 = arith.constant 85 : index
    %swap3A_1613 = arith.constant 0 : index
    %swap3A_1614 = vector.load %arg8[%swap3A_1612, %swap3A_1613] : memref<128x2048xf32, #tpu.memory_space<vmem>>, vector<1x2048xf32>
    %swap3A_1615 = vector.shape_cast %swap3A_1614 : vector<1x2048xf32> to vector<2048xf32>
    %swap3A_1616 = vector.shape_cast %exp23A_1611 : vector<2048xf32> to vector<1x2048xf32>
    tpu.vector_store %arg8[%swap3A_1612, %swap3A_1613], %swap3A_1616 {strides = array<i32>} : memref<128x2048xf32, #tpu.memory_space<vmem>>, vector<1x2048xf32>,
    %add3A_1617 = arith.addf %add3A_1561, %exp23A_1611 : vector<2048xf32>
    %sub3A_1618 = arith.subf %get3A_276, %get3A_18 : vector<2048xf32>
    %sub3A_1619 = arith.subf %get3A_280, %get3A_22 : vector<2048xf32>
    %mul3A_1620 = arith.mulf %sub3A_1618, %sub3A_1618 : vector<2048xf32>
    %mul3A_1621 = arith.mulf %mul3A_1620, %div3A_78 : vector<2048xf32>
    %mul3A_1622 = arith.mulf %sub3A_1619, %sub3A_1619 : vector<2048xf32>
    %mul3A_1623 = arith.mulf %mul3A_1622, %div3A_88 : vector<2048xf32>
    %add3A_1624 = arith.addf %mul3A_1621, %mul3A_1623 : vector<2048xf32>
    %exp23A_1625 = math.exp2 %add3A_1624 : vector<2048xf32>
    %swap3A_1626 = arith.constant 86 : index
    %swap3A_1627 = arith.constant 0 : index
    %swap3A_1628 = vector.load %arg8[%swap3A_1626, %swap3A_1627] : memref<128x2048xf32, #tpu.memory_space<vmem>>, vector<1x2048xf32>
    %swap3A_1629 = vector.shape_cast %swap3A_1628 : vector<1x2048xf32> to vector<2048xf32>
    %swap3A_1630 = vector.shape_cast %exp23A_1625 : vector<2048xf32> to vector<1x2048xf32>
    tpu.vector_store %arg8[%swap3A_1626, %swap3A_1627], %swap3A_1630 {strides = array<i32>} : memref<128x2048xf32, #tpu.memory_space<vmem>>, vector<1x2048xf32>,
    %add3A_1631 = arith.addf %add3A_1575, %exp23A_1625 : vector<2048xf32>
    %sub3A_1632 = arith.subf %get3A_276, %get3A_26 : vector<2048xf32>
    %sub3A_1633 = arith.subf %get3A_280, %get3A_30 : vector<2048xf32>
    %mul3A_1634 = arith.mulf %sub3A_1632, %sub3A_1632 : vector<2048xf32>
    %mul3A_1635 = arith.mulf %mul3A_1634, %div3A_98 : vector<2048xf32>
    %mul3A_1636 = arith.mulf %sub3A_1633, %sub3A_1633 : vector<2048xf32>
    %mul3A_1637 = arith.mulf %mul3A_1636, %div3A_108 : vector<2048xf32>
    %add3A_1638 = arith.addf %mul3A_1635, %mul3A_1637 : vector<2048xf32>
    %exp23A_1639 = math.exp2 %add3A_1638 : vector<2048xf32>
    %swap3A_1640 = arith.constant 87 : index
    %swap3A_1641 = arith.constant 0 : index
    %swap3A_1642 = vector.load %arg8[%swap3A_1640, %swap3A_1641] : memref<128x2048xf32, #tpu.memory_space<vmem>>, vector<1x2048xf32>
    %swap3A_1643 = vector.shape_cast %swap3A_1642 : vector<1x2048xf32> to vector<2048xf32>
    %swap3A_1644 = vector.shape_cast %exp23A_1639 : vector<2048xf32> to vector<1x2048xf32>
    tpu.vector_store %arg8[%swap3A_1640, %swap3A_1641], %swap3A_1644 {strides = array<i32>} : memref<128x2048xf32, #tpu.memory_space<vmem>>, vector<1x2048xf32>,
    %add3A_1645 = arith.addf %add3A_1589, %exp23A_1639 : vector<2048xf32>
    %sub3A_1646 = arith.subf %floor3A_322, %get3A_2 : vector<2048xf32>
    %sub3A_1647 = arith.subf %floor3A_328, %get3A_6 : vector<2048xf32>
    %mul3A_1648 = arith.mulf %sub3A_1646, %sub3A_1646 : vector<2048xf32>
    %mul3A_1649 = arith.mulf %mul3A_1648, %div3A_38 : vector<2048xf32>
    %mul3A_1650 = arith.mulf %sub3A_1647, %sub3A_1647 : vector<2048xf32>
    %mul3A_1651 = arith.mulf %mul3A_1650, %div3A_48 : vector<2048xf32>
    %add3A_1652 = arith.addf %mul3A_1649, %mul3A_1651 : vector<2048xf32>
    %exp23A_1653 = math.exp2 %add3A_1652 : vector<2048xf32>
    %swap3A_1654 = arith.constant 88 : index
    %swap3A_1655 = arith.constant 0 : index
    %swap3A_1656 = vector.load %arg8[%swap3A_1654, %swap3A_1655] : memref<128x2048xf32, #tpu.memory_space<vmem>>, vector<1x2048xf32>
    %swap3A_1657 = vector.shape_cast %swap3A_1656 : vector<1x2048xf32> to vector<2048xf32>
    %swap3A_1658 = vector.shape_cast %exp23A_1653 : vector<2048xf32> to vector<1x2048xf32>
    tpu.vector_store %arg8[%swap3A_1654, %swap3A_1655], %swap3A_1658 {strides = array<i32>} : memref<128x2048xf32, #tpu.memory_space<vmem>>, vector<1x2048xf32>,
    %add3A_1659 = arith.addf %add3A_1603, %exp23A_1653 : vector<2048xf32>
    %sub3A_1660 = arith.subf %floor3A_322, %get3A_10 : vector<2048xf32>
    %sub3A_1661 = arith.subf %floor3A_328, %get3A_14 : vector<2048xf32>
    %mul3A_1662 = arith.mulf %sub3A_1660, %sub3A_1660 : vector<2048xf32>
    %mul3A_1663 = arith.mulf %mul3A_1662, %div3A_58 : vector<2048xf32>
    %mul3A_1664 = arith.mulf %sub3A_1661, %sub3A_1661 : vector<2048xf32>
    %mul3A_1665 = arith.mulf %mul3A_1664, %div3A_68 : vector<2048xf32>
    %add3A_1666 = arith.addf %mul3A_1663, %mul3A_1665 : vector<2048xf32>
    %exp23A_1667 = math.exp2 %add3A_1666 : vector<2048xf32>
    %swap3A_1668 = arith.constant 89 : index
    %swap3A_1669 = arith.constant 0 : index
    %swap3A_1670 = vector.load %arg8[%swap3A_1668, %swap3A_1669] : memref<128x2048xf32, #tpu.memory_space<vmem>>, vector<1x2048xf32>
    %swap3A_1671 = vector.shape_cast %swap3A_1670 : vector<1x2048xf32> to vector<2048xf32>
    %swap3A_1672 = vector.shape_cast %exp23A_1667 : vector<2048xf32> to vector<1x2048xf32>
    tpu.vector_store %arg8[%swap3A_1668, %swap3A_1669], %swap3A_1672 {strides = array<i32>} : memref<128x2048xf32, #tpu.memory_space<vmem>>, vector<1x2048xf32>,
    %add3A_1673 = arith.addf %add3A_1617, %exp23A_1667 : vector<2048xf32>
    %sub3A_1674 = arith.subf %floor3A_322, %get3A_18 : vector<2048xf32>
    %sub3A_1675 = arith.subf %floor3A_328, %get3A_22 : vector<2048xf32>
    %mul3A_1676 = arith.mulf %sub3A_1674, %sub3A_1674 : vector<2048xf32>
    %mul3A_1677 = arith.mulf %mul3A_1676, %div3A_78 : vector<2048xf32>
    %mul3A_1678 = arith.mulf %sub3A_1675, %sub3A_1675 : vector<2048xf32>
    %mul3A_1679 = arith.mulf %mul3A_1678, %div3A_88 : vector<2048xf32>
    %add3A_1680 = arith.addf %mul3A_1677, %mul3A_1679 : vector<2048xf32>
    %exp23A_1681 = math.exp2 %add3A_1680 : vector<2048xf32>
    %swap3A_1682 = arith.constant 90 : index
    %swap3A_1683 = arith.constant 0 : index
    %swap3A_1684 = vector.load %arg8[%swap3A_1682, %swap3A_1683] : memref<128x2048xf32, #tpu.memory_space<vmem>>, vector<1x2048xf32>
    %swap3A_1685 = vector.shape_cast %swap3A_1684 : vector<1x2048xf32> to vector<2048xf32>
    %swap3A_1686 = vector.shape_cast %exp23A_1681 : vector<2048xf32> to vector<1x2048xf32>
    tpu.vector_store %arg8[%swap3A_1682, %swap3A_1683], %swap3A_1686 {strides = array<i32>} : memref<128x2048xf32, #tpu.memory_space<vmem>>, vector<1x2048xf32>,
    %add3A_1687 = arith.addf %add3A_1631, %exp23A_1681 : vector<2048xf32>
    %sub3A_1688 = arith.subf %floor3A_322, %get3A_26 : vector<2048xf32>
    %sub3A_1689 = arith.subf %floor3A_328, %get3A_30 : vector<2048xf32>
    %mul3A_1690 = arith.mulf %sub3A_1688, %sub3A_1688 : vector<2048xf32>
    %mul3A_1691 = arith.mulf %mul3A_1690, %div3A_98 : vector<2048xf32>
    %mul3A_1692 = arith.mulf %sub3A_1689, %sub3A_1689 : vector<2048xf32>
    %mul3A_1693 = arith.mulf %mul3A_1692, %div3A_108 : vector<2048xf32>
    %add3A_1694 = arith.addf %mul3A_1691, %mul3A_1693 : vector<2048xf32>
    %exp23A_1695 = math.exp2 %add3A_1694 : vector<2048xf32>
    %swap3A_1696 = arith.constant 91 : index
    %swap3A_1697 = arith.constant 0 : index
    %swap3A_1698 = vector.load %arg8[%swap3A_1696, %swap3A_1697] : memref<128x2048xf32, #tpu.memory_space<vmem>>, vector<1x2048xf32>
    %swap3A_1699 = vector.shape_cast %swap3A_1698 : vector<1x2048xf32> to vector<2048xf32>
    %swap3A_1700 = vector.shape_cast %exp23A_1695 : vector<2048xf32> to vector<1x2048xf32>
    tpu.vector_store %arg8[%swap3A_1696, %swap3A_1697], %swap3A_1700 {strides = array<i32>} : memref<128x2048xf32, #tpu.memory_space<vmem>>, vector<1x2048xf32>,
    %add3A_1701 = arith.addf %add3A_1645, %exp23A_1695 : vector<2048xf32>
    %sub3A_1702 = arith.subf %floor3A_334, %get3A_2 : vector<2048xf32>
    %sub3A_1703 = arith.subf %floor3A_340, %get3A_6 : vector<2048xf32>
    %mul3A_1704 = arith.mulf %sub3A_1702, %sub3A_1702 : vector<2048xf32>
    %mul3A_1705 = arith.mulf %mul3A_1704, %div3A_38 : vector<2048xf32>
    %mul3A_1706 = arith.mulf %sub3A_1703, %sub3A_1703 : vector<2048xf32>
    %mul3A_1707 = arith.mulf %mul3A_1706, %div3A_48 : vector<2048xf32>
    %add3A_1708 = arith.addf %mul3A_1705, %mul3A_1707 : vector<2048xf32>
    %exp23A_1709 = math.exp2 %add3A_1708 : vector<2048xf32>
    %swap3A_1710 = arith.constant 92 : index
    %swap3A_1711 = arith.constant 0 : index
    %swap3A_1712 = vector.load %arg8[%swap3A_1710, %swap3A_1711] : memref<128x2048xf32, #tpu.memory_space<vmem>>, vector<1x2048xf32>
    %swap3A_1713 = vector.shape_cast %swap3A_1712 : vector<1x2048xf32> to vector<2048xf32>
    %swap3A_1714 = vector.shape_cast %exp23A_1709 : vector<2048xf32> to vector<1x2048xf32>
    tpu.vector_store %arg8[%swap3A_1710, %swap3A_1711], %swap3A_1714 {strides = array<i32>} : memref<128x2048xf32, #tpu.memory_space<vmem>>, vector<1x2048xf32>,
    %add3A_1715 = arith.addf %add3A_1659, %exp23A_1709 : vector<2048xf32>
    %sub3A_1716 = arith.subf %floor3A_334, %get3A_10 : vector<2048xf32>
    %sub3A_1717 = arith.subf %floor3A_340, %get3A_14 : vector<2048xf32>
    %mul3A_1718 = arith.mulf %sub3A_1716, %sub3A_1716 : vector<2048xf32>
    %mul3A_1719 = arith.mulf %mul3A_1718, %div3A_58 : vector<2048xf32>
    %mul3A_1720 = arith.mulf %sub3A_1717, %sub3A_1717 : vector<2048xf32>
    %mul3A_1721 = arith.mulf %mul3A_1720, %div3A_68 : vector<2048xf32>
    %add3A_1722 = arith.addf %mul3A_1719, %mul3A_1721 : vector<2048xf32>
    %exp23A_1723 = math.exp2 %add3A_1722 : vector<2048xf32>
    %swap3A_1724 = arith.constant 93 : index
    %swap3A_1725 = arith.constant 0 : index
    %swap3A_1726 = vector.load %arg8[%swap3A_1724, %swap3A_1725] : memref<128x2048xf32, #tpu.memory_space<vmem>>, vector<1x2048xf32>
    %swap3A_1727 = vector.shape_cast %swap3A_1726 : vector<1x2048xf32> to vector<2048xf32>
    %swap3A_1728 = vector.shape_cast %exp23A_1723 : vector<2048xf32> to vector<1x2048xf32>
    tpu.vector_store %arg8[%swap3A_1724, %swap3A_1725], %swap3A_1728 {strides = array<i32>} : memref<128x2048xf32, #tpu.memory_space<vmem>>, vector<1x2048xf32>,
    %add3A_1729 = arith.addf %add3A_1673, %exp23A_1723 : vector<2048xf32>
    %sub3A_1730 = arith.subf %floor3A_334, %get3A_18 : vector<2048xf32>
    %sub3A_1731 = arith.subf %floor3A_340, %get3A_22 : vector<2048xf32>
    %mul3A_1732 = arith.mulf %sub3A_1730, %sub3A_1730 : vector<2048xf32>
    %mul3A_1733 = arith.mulf %mul3A_1732, %div3A_78 : vector<2048xf32>
    %mul3A_1734 = arith.mulf %sub3A_1731, %sub3A_1731 : vector<2048xf32>
    %mul3A_1735 = arith.mulf %mul3A_1734, %div3A_88 : vector<2048xf32>
    %add3A_1736 = arith.addf %mul3A_1733, %mul3A_1735 : vector<2048xf32>
    %exp23A_1737 = math.exp2 %add3A_1736 : vector<2048xf32>
    %swap3A_1738 = arith.constant 94 : index
    %swap3A_1739 = arith.constant 0 : index
    %swap3A_1740 = vector.load %arg8[%swap3A_1738, %swap3A_1739] : memref<128x2048xf32, #tpu.memory_space<vmem>>, vector<1x2048xf32>
    %swap3A_1741 = vector.shape_cast %swap3A_1740 : vector<1x2048xf32> to vector<2048xf32>
    %swap3A_1742 = vector.shape_cast %exp23A_1737 : vector<2048xf32> to vector<1x2048xf32>
    tpu.vector_store %arg8[%swap3A_1738, %swap3A_1739], %swap3A_1742 {strides = array<i32>} : memref<128x2048xf32, #tpu.memory_space<vmem>>, vector<1x2048xf32>,
    %add3A_1743 = arith.addf %add3A_1687, %exp23A_1737 : vector<2048xf32>
    %sub3A_1744 = arith.subf %floor3A_334, %get3A_26 : vector<2048xf32>
    %sub3A_1745 = arith.subf %floor3A_340, %get3A_30 : vector<2048xf32>
    %mul3A_1746 = arith.mulf %sub3A_1744, %sub3A_1744 : vector<2048xf32>
    %mul3A_1747 = arith.mulf %mul3A_1746, %div3A_98 : vector<2048xf32>
    %mul3A_1748 = arith.mulf %sub3A_1745, %sub3A_1745 : vector<2048xf32>
    %mul3A_1749 = arith.mulf %mul3A_1748, %div3A_108 : vector<2048xf32>
    %add3A_1750 = arith.addf %mul3A_1747, %mul3A_1749 : vector<2048xf32>
    %exp23A_1751 = math.exp2 %add3A_1750 : vector<2048xf32>
    %swap3A_1752 = arith.constant 95 : index
    %swap3A_1753 = arith.constant 0 : index
    %swap3A_1754 = vector.load %arg8[%swap3A_1752, %swap3A_1753] : memref<128x2048xf32, #tpu.memory_space<vmem>>, vector<1x2048xf32>
    %swap3A_1755 = vector.shape_cast %swap3A_1754 : vector<1x2048xf32> to vector<2048xf32>
    %swap3A_1756 = vector.shape_cast %exp23A_1751 : vector<2048xf32> to vector<1x2048xf32>
    tpu.vector_store %arg8[%swap3A_1752, %swap3A_1753], %swap3A_1756 {strides = array<i32>} : memref<128x2048xf32, #tpu.memory_space<vmem>>, vector<1x2048xf32>,
    %add3A_1757 = arith.addf %add3A_1701, %exp23A_1751 : vector<2048xf32>
    %sub3A_1758 = arith.subf %floor3A_341, %get3A_2 : vector<2048xf32>
    %sub3A_1759 = arith.subf %floor3A_343, %get3A_6 : vector<2048xf32>
    %mul3A_1760 = arith.mulf %sub3A_1758, %sub3A_1758 : vector<2048xf32>
    %mul3A_1761 = arith.mulf %mul3A_1760, %div3A_38 : vector<2048xf32>
    %mul3A_1762 = arith.mulf %sub3A_1759, %sub3A_1759 : vector<2048xf32>
    %mul3A_1763 = arith.mulf %mul3A_1762, %div3A_48 : vector<2048xf32>
    %add3A_1764 = arith.addf %mul3A_1761, %mul3A_1763 : vector<2048xf32>
    %exp23A_1765 = math.exp2 %add3A_1764 : vector<2048xf32>
    %swap3A_1766 = arith.constant 96 : index
    %swap3A_1767 = arith.constant 0 : index
    %swap3A_1768 = vector.load %arg8[%swap3A_1766, %swap3A_1767] : memref<128x2048xf32, #tpu.memory_space<vmem>>, vector<1x2048xf32>
    %swap3A_1769 = vector.shape_cast %swap3A_1768 : vector<1x2048xf32> to vector<2048xf32>
    %swap3A_1770 = vector.shape_cast %exp23A_1765 : vector<2048xf32> to vector<1x2048xf32>
    tpu.vector_store %arg8[%swap3A_1766, %swap3A_1767], %swap3A_1770 {strides = array<i32>} : memref<128x2048xf32, #tpu.memory_space<vmem>>, vector<1x2048xf32>,
    %add3A_1771 = arith.addf %add3A_1715, %exp23A_1765 : vector<2048xf32>
    %sub3A_1772 = arith.subf %floor3A_341, %get3A_10 : vector<2048xf32>
    %sub3A_1773 = arith.subf %floor3A_343, %get3A_14 : vector<2048xf32>
    %mul3A_1774 = arith.mulf %sub3A_1772, %sub3A_1772 : vector<2048xf32>
    %mul3A_1775 = arith.mulf %mul3A_1774, %div3A_58 : vector<2048xf32>
    %mul3A_1776 = arith.mulf %sub3A_1773, %sub3A_1773 : vector<2048xf32>
    %mul3A_1777 = arith.mulf %mul3A_1776, %div3A_68 : vector<2048xf32>
    %add3A_1778 = arith.addf %mul3A_1775, %mul3A_1777 : vector<2048xf32>
    %exp23A_1779 = math.exp2 %add3A_1778 : vector<2048xf32>
    %swap3A_1780 = arith.constant 97 : index
    %swap3A_1781 = arith.constant 0 : index
    %swap3A_1782 = vector.load %arg8[%swap3A_1780, %swap3A_1781] : memref<128x2048xf32, #tpu.memory_space<vmem>>, vector<1x2048xf32>
    %swap3A_1783 = vector.shape_cast %swap3A_1782 : vector<1x2048xf32> to vector<2048xf32>
    %swap3A_1784 = vector.shape_cast %exp23A_1779 : vector<2048xf32> to vector<1x2048xf32>
    tpu.vector_store %arg8[%swap3A_1780, %swap3A_1781], %swap3A_1784 {strides = array<i32>} : memref<128x2048xf32, #tpu.memory_space<vmem>>, vector<1x2048xf32>,
    %add3A_1785 = arith.addf %add3A_1729, %exp23A_1779 : vector<2048xf32>
    %sub3A_1786 = arith.subf %floor3A_341, %get3A_18 : vector<2048xf32>
    %sub3A_1787 = arith.subf %floor3A_343, %get3A_22 : vector<2048xf32>
    %mul3A_1788 = arith.mulf %sub3A_1786, %sub3A_1786 : vector<2048xf32>
    %mul3A_1789 = arith.mulf %mul3A_1788, %div3A_78 : vector<2048xf32>
    %mul3A_1790 = arith.mulf %sub3A_1787, %sub3A_1787 : vector<2048xf32>
    %mul3A_1791 = arith.mulf %mul3A_1790, %div3A_88 : vector<2048xf32>
    %add3A_1792 = arith.addf %mul3A_1789, %mul3A_1791 : vector<2048xf32>
    %exp23A_1793 = math.exp2 %add3A_1792 : vector<2048xf32>
    %swap3A_1794 = arith.constant 98 : index
    %swap3A_1795 = arith.constant 0 : index
    %swap3A_1796 = vector.load %arg8[%swap3A_1794, %swap3A_1795] : memref<128x2048xf32, #tpu.memory_space<vmem>>, vector<1x2048xf32>
    %swap3A_1797 = vector.shape_cast %swap3A_1796 : vector<1x2048xf32> to vector<2048xf32>
    %swap3A_1798 = vector.shape_cast %exp23A_1793 : vector<2048xf32> to vector<1x2048xf32>
    tpu.vector_store %arg8[%swap3A_1794, %swap3A_1795], %swap3A_1798 {strides = array<i32>} : memref<128x2048xf32, #tpu.memory_space<vmem>>, vector<1x2048xf32>,
    %add3A_1799 = arith.addf %add3A_1743, %exp23A_1793 : vector<2048xf32>
    %sub3A_1800 = arith.subf %floor3A_341, %get3A_26 : vector<2048xf32>
    %sub3A_1801 = arith.subf %floor3A_343, %get3A_30 : vector<2048xf32>
    %mul3A_1802 = arith.mulf %sub3A_1800, %sub3A_1800 : vector<2048xf32>
    %mul3A_1803 = arith.mulf %mul3A_1802, %div3A_98 : vector<2048xf32>
    %mul3A_1804 = arith.mulf %sub3A_1801, %sub3A_1801 : vector<2048xf32>
    %mul3A_1805 = arith.mulf %mul3A_1804, %div3A_108 : vector<2048xf32>
    %add3A_1806 = arith.addf %mul3A_1803, %mul3A_1805 : vector<2048xf32>
    %exp23A_1807 = math.exp2 %add3A_1806 : vector<2048xf32>
    %swap3A_1808 = arith.constant 99 : index
    %swap3A_1809 = arith.constant 0 : index
    %swap3A_1810 = vector.load %arg8[%swap3A_1808, %swap3A_1809] : memref<128x2048xf32, #tpu.memory_space<vmem>>, vector<1x2048xf32>
    %swap3A_1811 = vector.shape_cast %swap3A_1810 : vector<1x2048xf32> to vector<2048xf32>
    %swap3A_1812 = vector.shape_cast %exp23A_1807 : vector<2048xf32> to vector<1x2048xf32>
    tpu.vector_store %arg8[%swap3A_1808, %swap3A_1809], %swap3A_1812 {strides = array<i32>} : memref<128x2048xf32, #tpu.memory_space<vmem>>, vector<1x2048xf32>,
    %add3A_1813 = arith.addf %add3A_1757, %exp23A_1807 : vector<2048xf32>
    %sub3A_1814 = arith.subf %floor3A_341, %get3A_2 : vector<2048xf32>
    %sub3A_1815 = arith.subf %ceil3A_344, %get3A_6 : vector<2048xf32>
    %mul3A_1816 = arith.mulf %sub3A_1814, %sub3A_1814 : vector<2048xf32>
    %mul3A_1817 = arith.mulf %mul3A_1816, %div3A_38 : vector<2048xf32>
    %mul3A_1818 = arith.mulf %sub3A_1815, %sub3A_1815 : vector<2048xf32>
    %mul3A_1819 = arith.mulf %mul3A_1818, %div3A_48 : vector<2048xf32>
    %add3A_1820 = arith.addf %mul3A_1817, %mul3A_1819 : vector<2048xf32>
    %exp23A_1821 = math.exp2 %add3A_1820 : vector<2048xf32>
    %swap3A_1822 = arith.constant 100 : index
    %swap3A_1823 = arith.constant 0 : index
    %swap3A_1824 = vector.load %arg8[%swap3A_1822, %swap3A_1823] : memref<128x2048xf32, #tpu.memory_space<vmem>>, vector<1x2048xf32>
    %swap3A_1825 = vector.shape_cast %swap3A_1824 : vector<1x2048xf32> to vector<2048xf32>
    %swap3A_1826 = vector.shape_cast %exp23A_1821 : vector<2048xf32> to vector<1x2048xf32>
    tpu.vector_store %arg8[%swap3A_1822, %swap3A_1823], %swap3A_1826 {strides = array<i32>} : memref<128x2048xf32, #tpu.memory_space<vmem>>, vector<1x2048xf32>,
    %add3A_1827 = arith.addf %add3A_1771, %exp23A_1821 : vector<2048xf32>
    %sub3A_1828 = arith.subf %floor3A_341, %get3A_10 : vector<2048xf32>
    %sub3A_1829 = arith.subf %ceil3A_344, %get3A_14 : vector<2048xf32>
    %mul3A_1830 = arith.mulf %sub3A_1828, %sub3A_1828 : vector<2048xf32>
    %mul3A_1831 = arith.mulf %mul3A_1830, %div3A_58 : vector<2048xf32>
    %mul3A_1832 = arith.mulf %sub3A_1829, %sub3A_1829 : vector<2048xf32>
    %mul3A_1833 = arith.mulf %mul3A_1832, %div3A_68 : vector<2048xf32>
    %add3A_1834 = arith.addf %mul3A_1831, %mul3A_1833 : vector<2048xf32>
    %exp23A_1835 = math.exp2 %add3A_1834 : vector<2048xf32>
    %swap3A_1836 = arith.constant 101 : index
    %swap3A_1837 = arith.constant 0 : index
    %swap3A_1838 = vector.load %arg8[%swap3A_1836, %swap3A_1837] : memref<128x2048xf32, #tpu.memory_space<vmem>>, vector<1x2048xf32>
    %swap3A_1839 = vector.shape_cast %swap3A_1838 : vector<1x2048xf32> to vector<2048xf32>
    %swap3A_1840 = vector.shape_cast %exp23A_1835 : vector<2048xf32> to vector<1x2048xf32>
    tpu.vector_store %arg8[%swap3A_1836, %swap3A_1837], %swap3A_1840 {strides = array<i32>} : memref<128x2048xf32, #tpu.memory_space<vmem>>, vector<1x2048xf32>,
    %add3A_1841 = arith.addf %add3A_1785, %exp23A_1835 : vector<2048xf32>
    %sub3A_1842 = arith.subf %floor3A_341, %get3A_18 : vector<2048xf32>
    %sub3A_1843 = arith.subf %ceil3A_344, %get3A_22 : vector<2048xf32>
    %mul3A_1844 = arith.mulf %sub3A_1842, %sub3A_1842 : vector<2048xf32>
    %mul3A_1845 = arith.mulf %mul3A_1844, %div3A_78 : vector<2048xf32>
    %mul3A_1846 = arith.mulf %sub3A_1843, %sub3A_1843 : vector<2048xf32>
    %mul3A_1847 = arith.mulf %mul3A_1846, %div3A_88 : vector<2048xf32>
    %add3A_1848 = arith.addf %mul3A_1845, %mul3A_1847 : vector<2048xf32>
    %exp23A_1849 = math.exp2 %add3A_1848 : vector<2048xf32>
    %swap3A_1850 = arith.constant 102 : index
    %swap3A_1851 = arith.constant 0 : index
    %swap3A_1852 = vector.load %arg8[%swap3A_1850, %swap3A_1851] : memref<128x2048xf32, #tpu.memory_space<vmem>>, vector<1x2048xf32>
    %swap3A_1853 = vector.shape_cast %swap3A_1852 : vector<1x2048xf32> to vector<2048xf32>
    %swap3A_1854 = vector.shape_cast %exp23A_1849 : vector<2048xf32> to vector<1x2048xf32>
    tpu.vector_store %arg8[%swap3A_1850, %swap3A_1851], %swap3A_1854 {strides = array<i32>} : memref<128x2048xf32, #tpu.memory_space<vmem>>, vector<1x2048xf32>,
    %add3A_1855 = arith.addf %add3A_1799, %exp23A_1849 : vector<2048xf32>
    %sub3A_1856 = arith.subf %floor3A_341, %get3A_26 : vector<2048xf32>
    %sub3A_1857 = arith.subf %ceil3A_344, %get3A_30 : vector<2048xf32>
    %mul3A_1858 = arith.mulf %sub3A_1856, %sub3A_1856 : vector<2048xf32>
    %mul3A_1859 = arith.mulf %mul3A_1858, %div3A_98 : vector<2048xf32>
    %mul3A_1860 = arith.mulf %sub3A_1857, %sub3A_1857 : vector<2048xf32>
    %mul3A_1861 = arith.mulf %mul3A_1860, %div3A_108 : vector<2048xf32>
    %add3A_1862 = arith.addf %mul3A_1859, %mul3A_1861 : vector<2048xf32>
    %exp23A_1863 = math.exp2 %add3A_1862 : vector<2048xf32>
    %swap3A_1864 = arith.constant 103 : index
    %swap3A_1865 = arith.constant 0 : index
    %swap3A_1866 = vector.load %arg8[%swap3A_1864, %swap3A_1865] : memref<128x2048xf32, #tpu.memory_space<vmem>>, vector<1x2048xf32>
    %swap3A_1867 = vector.shape_cast %swap3A_1866 : vector<1x2048xf32> to vector<2048xf32>
    %swap3A_1868 = vector.shape_cast %exp23A_1863 : vector<2048xf32> to vector<1x2048xf32>
    tpu.vector_store %arg8[%swap3A_1864, %swap3A_1865], %swap3A_1868 {strides = array<i32>} : memref<128x2048xf32, #tpu.memory_space<vmem>>, vector<1x2048xf32>,
    %add3A_1869 = arith.addf %add3A_1813, %exp23A_1863 : vector<2048xf32>
    %sub3A_1870 = arith.subf %ceil3A_342, %get3A_2 : vector<2048xf32>
    %sub3A_1871 = arith.subf %floor3A_343, %get3A_6 : vector<2048xf32>
    %mul3A_1872 = arith.mulf %sub3A_1870, %sub3A_1870 : vector<2048xf32>
    %mul3A_1873 = arith.mulf %mul3A_1872, %div3A_38 : vector<2048xf32>
    %mul3A_1874 = arith.mulf %sub3A_1871, %sub3A_1871 : vector<2048xf32>
    %mul3A_1875 = arith.mulf %mul3A_1874, %div3A_48 : vector<2048xf32>
    %add3A_1876 = arith.addf %mul3A_1873, %mul3A_1875 : vector<2048xf32>
    %exp23A_1877 = math.exp2 %add3A_1876 : vector<2048xf32>
    %swap3A_1878 = arith.constant 104 : index
    %swap3A_1879 = arith.constant 0 : index
    %swap3A_1880 = vector.load %arg8[%swap3A_1878, %swap3A_1879] : memref<128x2048xf32, #tpu.memory_space<vmem>>, vector<1x2048xf32>
    %swap3A_1881 = vector.shape_cast %swap3A_1880 : vector<1x2048xf32> to vector<2048xf32>
    %swap3A_1882 = vector.shape_cast %exp23A_1877 : vector<2048xf32> to vector<1x2048xf32>
    tpu.vector_store %arg8[%swap3A_1878, %swap3A_1879], %swap3A_1882 {strides = array<i32>} : memref<128x2048xf32, #tpu.memory_space<vmem>>, vector<1x2048xf32>,
    %add3A_1883 = arith.addf %add3A_1827, %exp23A_1877 : vector<2048xf32>
    %sub3A_1884 = arith.subf %ceil3A_342, %get3A_10 : vector<2048xf32>
    %sub3A_1885 = arith.subf %floor3A_343, %get3A_14 : vector<2048xf32>
    %mul3A_1886 = arith.mulf %sub3A_1884, %sub3A_1884 : vector<2048xf32>
    %mul3A_1887 = arith.mulf %mul3A_1886, %div3A_58 : vector<2048xf32>
    %mul3A_1888 = arith.mulf %sub3A_1885, %sub3A_1885 : vector<2048xf32>
    %mul3A_1889 = arith.mulf %mul3A_1888, %div3A_68 : vector<2048xf32>
    %add3A_1890 = arith.addf %mul3A_1887, %mul3A_1889 : vector<2048xf32>
    %exp23A_1891 = math.exp2 %add3A_1890 : vector<2048xf32>
    %swap3A_1892 = arith.constant 105 : index
    %swap3A_1893 = arith.constant 0 : index
    %swap3A_1894 = vector.load %arg8[%swap3A_1892, %swap3A_1893] : memref<128x2048xf32, #tpu.memory_space<vmem>>, vector<1x2048xf32>
    %swap3A_1895 = vector.shape_cast %swap3A_1894 : vector<1x2048xf32> to vector<2048xf32>
    %swap3A_1896 = vector.shape_cast %exp23A_1891 : vector<2048xf32> to vector<1x2048xf32>
    tpu.vector_store %arg8[%swap3A_1892, %swap3A_1893], %swap3A_1896 {strides = array<i32>} : memref<128x2048xf32, #tpu.memory_space<vmem>>, vector<1x2048xf32>,
    %add3A_1897 = arith.addf %add3A_1841, %exp23A_1891 : vector<2048xf32>
    %sub3A_1898 = arith.subf %ceil3A_342, %get3A_18 : vector<2048xf32>
    %sub3A_1899 = arith.subf %floor3A_343, %get3A_22 : vector<2048xf32>
    %mul3A_1900 = arith.mulf %sub3A_1898, %sub3A_1898 : vector<2048xf32>
    %mul3A_1901 = arith.mulf %mul3A_1900, %div3A_78 : vector<2048xf32>
    %mul3A_1902 = arith.mulf %sub3A_1899, %sub3A_1899 : vector<2048xf32>
    %mul3A_1903 = arith.mulf %mul3A_1902, %div3A_88 : vector<2048xf32>
    %add3A_1904 = arith.addf %mul3A_1901, %mul3A_1903 : vector<2048xf32>
    %exp23A_1905 = math.exp2 %add3A_1904 : vector<2048xf32>
    %swap3A_1906 = arith.constant 106 : index
    %swap3A_1907 = arith.constant 0 : index
    %swap3A_1908 = vector.load %arg8[%swap3A_1906, %swap3A_1907] : memref<128x2048xf32, #tpu.memory_space<vmem>>, vector<1x2048xf32>
    %swap3A_1909 = vector.shape_cast %swap3A_1908 : vector<1x2048xf32> to vector<2048xf32>
    %swap3A_1910 = vector.shape_cast %exp23A_1905 : vector<2048xf32> to vector<1x2048xf32>
    tpu.vector_store %arg8[%swap3A_1906, %swap3A_1907], %swap3A_1910 {strides = array<i32>} : memref<128x2048xf32, #tpu.memory_space<vmem>>, vector<1x2048xf32>,
    %add3A_1911 = arith.addf %add3A_1855, %exp23A_1905 : vector<2048xf32>
    %sub3A_1912 = arith.subf %ceil3A_342, %get3A_26 : vector<2048xf32>
    %sub3A_1913 = arith.subf %floor3A_343, %get3A_30 : vector<2048xf32>
    %mul3A_1914 = arith.mulf %sub3A_1912, %sub3A_1912 : vector<2048xf32>
    %mul3A_1915 = arith.mulf %mul3A_1914, %div3A_98 : vector<2048xf32>
    %mul3A_1916 = arith.mulf %sub3A_1913, %sub3A_1913 : vector<2048xf32>
    %mul3A_1917 = arith.mulf %mul3A_1916, %div3A_108 : vector<2048xf32>
    %add3A_1918 = arith.addf %mul3A_1915, %mul3A_1917 : vector<2048xf32>
    %exp23A_1919 = math.exp2 %add3A_1918 : vector<2048xf32>
    %swap3A_1920 = arith.constant 107 : index
    %swap3A_1921 = arith.constant 0 : index
    %swap3A_1922 = vector.load %arg8[%swap3A_1920, %swap3A_1921] : memref<128x2048xf32, #tpu.memory_space<vmem>>, vector<1x2048xf32>
    %swap3A_1923 = vector.shape_cast %swap3A_1922 : vector<1x2048xf32> to vector<2048xf32>
    %swap3A_1924 = vector.shape_cast %exp23A_1919 : vector<2048xf32> to vector<1x2048xf32>
    tpu.vector_store %arg8[%swap3A_1920, %swap3A_1921], %swap3A_1924 {strides = array<i32>} : memref<128x2048xf32, #tpu.memory_space<vmem>>, vector<1x2048xf32>,
    %add3A_1925 = arith.addf %add3A_1869, %exp23A_1919 : vector<2048xf32>
    %sub3A_1926 = arith.subf %ceil3A_342, %get3A_2 : vector<2048xf32>
    %sub3A_1927 = arith.subf %ceil3A_344, %get3A_6 : vector<2048xf32>
    %mul3A_1928 = arith.mulf %sub3A_1926, %sub3A_1926 : vector<2048xf32>
    %mul3A_1929 = arith.mulf %mul3A_1928, %div3A_38 : vector<2048xf32>
    %mul3A_1930 = arith.mulf %sub3A_1927, %sub3A_1927 : vector<2048xf32>
    %mul3A_1931 = arith.mulf %mul3A_1930, %div3A_48 : vector<2048xf32>
    %add3A_1932 = arith.addf %mul3A_1929, %mul3A_1931 : vector<2048xf32>
    %exp23A_1933 = math.exp2 %add3A_1932 : vector<2048xf32>
    %swap3A_1934 = arith.constant 108 : index
    %swap3A_1935 = arith.constant 0 : index
    %swap3A_1936 = vector.load %arg8[%swap3A_1934, %swap3A_1935] : memref<128x2048xf32, #tpu.memory_space<vmem>>, vector<1x2048xf32>
    %swap3A_1937 = vector.shape_cast %swap3A_1936 : vector<1x2048xf32> to vector<2048xf32>
    %swap3A_1938 = vector.shape_cast %exp23A_1933 : vector<2048xf32> to vector<1x2048xf32>
    tpu.vector_store %arg8[%swap3A_1934, %swap3A_1935], %swap3A_1938 {strides = array<i32>} : memref<128x2048xf32, #tpu.memory_space<vmem>>, vector<1x2048xf32>,
    %add3A_1939 = arith.addf %add3A_1883, %exp23A_1933 : vector<2048xf32>
    %sub3A_1940 = arith.subf %ceil3A_342, %get3A_10 : vector<2048xf32>
    %sub3A_1941 = arith.subf %ceil3A_344, %get3A_14 : vector<2048xf32>
    %mul3A_1942 = arith.mulf %sub3A_1940, %sub3A_1940 : vector<2048xf32>
    %mul3A_1943 = arith.mulf %mul3A_1942, %div3A_58 : vector<2048xf32>
    %mul3A_1944 = arith.mulf %sub3A_1941, %sub3A_1941 : vector<2048xf32>
    %mul3A_1945 = arith.mulf %mul3A_1944, %div3A_68 : vector<2048xf32>
    %add3A_1946 = arith.addf %mul3A_1943, %mul3A_1945 : vector<2048xf32>
    %exp23A_1947 = math.exp2 %add3A_1946 : vector<2048xf32>
    %swap3A_1948 = arith.constant 109 : index
    %swap3A_1949 = arith.constant 0 : index
    %swap3A_1950 = vector.load %arg8[%swap3A_1948, %swap3A_1949] : memref<128x2048xf32, #tpu.memory_space<vmem>>, vector<1x2048xf32>
    %swap3A_1951 = vector.shape_cast %swap3A_1950 : vector<1x2048xf32> to vector<2048xf32>
    %swap3A_1952 = vector.shape_cast %exp23A_1947 : vector<2048xf32> to vector<1x2048xf32>
    tpu.vector_store %arg8[%swap3A_1948, %swap3A_1949], %swap3A_1952 {strides = array<i32>} : memref<128x2048xf32, #tpu.memory_space<vmem>>, vector<1x2048xf32>,
    %add3A_1953 = arith.addf %add3A_1897, %exp23A_1947 : vector<2048xf32>
    %sub3A_1954 = arith.subf %ceil3A_342, %get3A_18 : vector<2048xf32>
    %sub3A_1955 = arith.subf %ceil3A_344, %get3A_22 : vector<2048xf32>
    %mul3A_1956 = arith.mulf %sub3A_1954, %sub3A_1954 : vector<2048xf32>
    %mul3A_1957 = arith.mulf %mul3A_1956, %div3A_78 : vector<2048xf32>
    %mul3A_1958 = arith.mulf %sub3A_1955, %sub3A_1955 : vector<2048xf32>
    %mul3A_1959 = arith.mulf %mul3A_1958, %div3A_88 : vector<2048xf32>
    %add3A_1960 = arith.addf %mul3A_1957, %mul3A_1959 : vector<2048xf32>
    %exp23A_1961 = math.exp2 %add3A_1960 : vector<2048xf32>
    %swap3A_1962 = arith.constant 110 : index
    %swap3A_1963 = arith.constant 0 : index
    %swap3A_1964 = vector.load %arg8[%swap3A_1962, %swap3A_1963] : memref<128x2048xf32, #tpu.memory_space<vmem>>, vector<1x2048xf32>
    %swap3A_1965 = vector.shape_cast %swap3A_1964 : vector<1x2048xf32> to vector<2048xf32>
    %swap3A_1966 = vector.shape_cast %exp23A_1961 : vector<2048xf32> to vector<1x2048xf32>
    tpu.vector_store %arg8[%swap3A_1962, %swap3A_1963], %swap3A_1966 {strides = array<i32>} : memref<128x2048xf32, #tpu.memory_space<vmem>>, vector<1x2048xf32>,
    %add3A_1967 = arith.addf %add3A_1911, %exp23A_1961 : vector<2048xf32>
    %sub3A_1968 = arith.subf %ceil3A_342, %get3A_26 : vector<2048xf32>
    %sub3A_1969 = arith.subf %ceil3A_344, %get3A_30 : vector<2048xf32>
    %mul3A_1970 = arith.mulf %sub3A_1968, %sub3A_1968 : vector<2048xf32>
    %mul3A_1971 = arith.mulf %mul3A_1970, %div3A_98 : vector<2048xf32>
    %mul3A_1972 = arith.mulf %sub3A_1969, %sub3A_1969 : vector<2048xf32>
    %mul3A_1973 = arith.mulf %mul3A_1972, %div3A_108 : vector<2048xf32>
    %add3A_1974 = arith.addf %mul3A_1971, %mul3A_1973 : vector<2048xf32>
    %exp23A_1975 = math.exp2 %add3A_1974 : vector<2048xf32>
    %swap3A_1976 = arith.constant 111 : index
    %swap3A_1977 = arith.constant 0 : index
    %swap3A_1978 = vector.load %arg8[%swap3A_1976, %swap3A_1977] : memref<128x2048xf32, #tpu.memory_space<vmem>>, vector<1x2048xf32>
    %swap3A_1979 = vector.shape_cast %swap3A_1978 : vector<1x2048xf32> to vector<2048xf32>
    %swap3A_1980 = vector.shape_cast %exp23A_1975 : vector<2048xf32> to vector<1x2048xf32>
    tpu.vector_store %arg8[%swap3A_1976, %swap3A_1977], %swap3A_1980 {strides = array<i32>} : memref<128x2048xf32, #tpu.memory_space<vmem>>, vector<1x2048xf32>,
    %add3A_1981 = arith.addf %add3A_1925, %exp23A_1975 : vector<2048xf32>
    %sub3A_1982 = arith.subf %get3A_348, %get3A_2 : vector<2048xf32>
    %sub3A_1983 = arith.subf %get3A_352, %get3A_6 : vector<2048xf32>
    %mul3A_1984 = arith.mulf %sub3A_1982, %sub3A_1982 : vector<2048xf32>
    %mul3A_1985 = arith.mulf %mul3A_1984, %div3A_38 : vector<2048xf32>
    %mul3A_1986 = arith.mulf %sub3A_1983, %sub3A_1983 : vector<2048xf32>
    %mul3A_1987 = arith.mulf %mul3A_1986, %div3A_48 : vector<2048xf32>
    %add3A_1988 = arith.addf %mul3A_1985, %mul3A_1987 : vector<2048xf32>
    %exp23A_1989 = math.exp2 %add3A_1988 : vector<2048xf32>
    %swap3A_1990 = arith.constant 112 : index
    %swap3A_1991 = arith.constant 0 : index
    %swap3A_1992 = vector.load %arg8[%swap3A_1990, %swap3A_1991] : memref<128x2048xf32, #tpu.memory_space<vmem>>, vector<1x2048xf32>
    %swap3A_1993 = vector.shape_cast %swap3A_1992 : vector<1x2048xf32> to vector<2048xf32>
    %swap3A_1994 = vector.shape_cast %exp23A_1989 : vector<2048xf32> to vector<1x2048xf32>
    tpu.vector_store %arg8[%swap3A_1990, %swap3A_1991], %swap3A_1994 {strides = array<i32>} : memref<128x2048xf32, #tpu.memory_space<vmem>>, vector<1x2048xf32>,
    %add3A_1995 = arith.addf %add3A_1939, %exp23A_1989 : vector<2048xf32>
    %sub3A_1996 = arith.subf %get3A_348, %get3A_10 : vector<2048xf32>
    %sub3A_1997 = arith.subf %get3A_352, %get3A_14 : vector<2048xf32>
    %mul3A_1998 = arith.mulf %sub3A_1996, %sub3A_1996 : vector<2048xf32>
    %mul3A_1999 = arith.mulf %mul3A_1998, %div3A_58 : vector<2048xf32>
    %mul3A_2000 = arith.mulf %sub3A_1997, %sub3A_1997 : vector<2048xf32>
    %mul3A_2001 = arith.mulf %mul3A_2000, %div3A_68 : vector<2048xf32>
    %add3A_2002 = arith.addf %mul3A_1999, %mul3A_2001 : vector<2048xf32>
    %exp23A_2003 = math.exp2 %add3A_2002 : vector<2048xf32>
    %swap3A_2004 = arith.constant 113 : index
    %swap3A_2005 = arith.constant 0 : index
    %swap3A_2006 = vector.load %arg8[%swap3A_2004, %swap3A_2005] : memref<128x2048xf32, #tpu.memory_space<vmem>>, vector<1x2048xf32>
    %swap3A_2007 = vector.shape_cast %swap3A_2006 : vector<1x2048xf32> to vector<2048xf32>
    %swap3A_2008 = vector.shape_cast %exp23A_2003 : vector<2048xf32> to vector<1x2048xf32>
    tpu.vector_store %arg8[%swap3A_2004, %swap3A_2005], %swap3A_2008 {strides = array<i32>} : memref<128x2048xf32, #tpu.memory_space<vmem>>, vector<1x2048xf32>,
    %add3A_2009 = arith.addf %add3A_1953, %exp23A_2003 : vector<2048xf32>
    %sub3A_2010 = arith.subf %get3A_348, %get3A_18 : vector<2048xf32>
    %sub3A_2011 = arith.subf %get3A_352, %get3A_22 : vector<2048xf32>
    %mul3A_2012 = arith.mulf %sub3A_2010, %sub3A_2010 : vector<2048xf32>
    %mul3A_2013 = arith.mulf %mul3A_2012, %div3A_78 : vector<2048xf32>
    %mul3A_2014 = arith.mulf %sub3A_2011, %sub3A_2011 : vector<2048xf32>
    %mul3A_2015 = arith.mulf %mul3A_2014, %div3A_88 : vector<2048xf32>
    %add3A_2016 = arith.addf %mul3A_2013, %mul3A_2015 : vector<2048xf32>
    %exp23A_2017 = math.exp2 %add3A_2016 : vector<2048xf32>
    %swap3A_2018 = arith.constant 114 : index
    %swap3A_2019 = arith.constant 0 : index
    %swap3A_2020 = vector.load %arg8[%swap3A_2018, %swap3A_2019] : memref<128x2048xf32, #tpu.memory_space<vmem>>, vector<1x2048xf32>
    %swap3A_2021 = vector.shape_cast %swap3A_2020 : vector<1x2048xf32> to vector<2048xf32>
    %swap3A_2022 = vector.shape_cast %exp23A_2017 : vector<2048xf32> to vector<1x2048xf32>
    tpu.vector_store %arg8[%swap3A_2018, %swap3A_2019], %swap3A_2022 {strides = array<i32>} : memref<128x2048xf32, #tpu.memory_space<vmem>>, vector<1x2048xf32>,
    %add3A_2023 = arith.addf %add3A_1967, %exp23A_2017 : vector<2048xf32>
    %sub3A_2024 = arith.subf %get3A_348, %get3A_26 : vector<2048xf32>
    %sub3A_2025 = arith.subf %get3A_352, %get3A_30 : vector<2048xf32>
    %mul3A_2026 = arith.mulf %sub3A_2024, %sub3A_2024 : vector<2048xf32>
    %mul3A_2027 = arith.mulf %mul3A_2026, %div3A_98 : vector<2048xf32>
    %mul3A_2028 = arith.mulf %sub3A_2025, %sub3A_2025 : vector<2048xf32>
    %mul3A_2029 = arith.mulf %mul3A_2028, %div3A_108 : vector<2048xf32>
    %add3A_2030 = arith.addf %mul3A_2027, %mul3A_2029 : vector<2048xf32>
    %exp23A_2031 = math.exp2 %add3A_2030 : vector<2048xf32>
    %swap3A_2032 = arith.constant 115 : index
    %swap3A_2033 = arith.constant 0 : index
    %swap3A_2034 = vector.load %arg8[%swap3A_2032, %swap3A_2033] : memref<128x2048xf32, #tpu.memory_space<vmem>>, vector<1x2048xf32>
    %swap3A_2035 = vector.shape_cast %swap3A_2034 : vector<1x2048xf32> to vector<2048xf32>
    %swap3A_2036 = vector.shape_cast %exp23A_2031 : vector<2048xf32> to vector<1x2048xf32>
    tpu.vector_store %arg8[%swap3A_2032, %swap3A_2033], %swap3A_2036 {strides = array<i32>} : memref<128x2048xf32, #tpu.memory_space<vmem>>, vector<1x2048xf32>,
    %add3A_2037 = arith.addf %add3A_1981, %exp23A_2031 : vector<2048xf32>
    %sub3A_2038 = arith.subf %get3A_356, %get3A_2 : vector<2048xf32>
    %sub3A_2039 = arith.subf %get3A_360, %get3A_6 : vector<2048xf32>
    %mul3A_2040 = arith.mulf %sub3A_2038, %sub3A_2038 : vector<2048xf32>
    %mul3A_2041 = arith.mulf %mul3A_2040, %div3A_38 : vector<2048xf32>
    %mul3A_2042 = arith.mulf %sub3A_2039, %sub3A_2039 : vector<2048xf32>
    %mul3A_2043 = arith.mulf %mul3A_2042, %div3A_48 : vector<2048xf32>
    %add3A_2044 = arith.addf %mul3A_2041, %mul3A_2043 : vector<2048xf32>
    %exp23A_2045 = math.exp2 %add3A_2044 : vector<2048xf32>
    %swap3A_2046 = arith.constant 116 : index
    %swap3A_2047 = arith.constant 0 : index
    %swap3A_2048 = vector.load %arg8[%swap3A_2046, %swap3A_2047] : memref<128x2048xf32, #tpu.memory_space<vmem>>, vector<1x2048xf32>
    %swap3A_2049 = vector.shape_cast %swap3A_2048 : vector<1x2048xf32> to vector<2048xf32>
    %swap3A_2050 = vector.shape_cast %exp23A_2045 : vector<2048xf32> to vector<1x2048xf32>
    tpu.vector_store %arg8[%swap3A_2046, %swap3A_2047], %swap3A_2050 {strides = array<i32>} : memref<128x2048xf32, #tpu.memory_space<vmem>>, vector<1x2048xf32>,
    %add3A_2051 = arith.addf %add3A_1995, %exp23A_2045 : vector<2048xf32>
    %sub3A_2052 = arith.subf %get3A_356, %get3A_10 : vector<2048xf32>
    %sub3A_2053 = arith.subf %get3A_360, %get3A_14 : vector<2048xf32>
    %mul3A_2054 = arith.mulf %sub3A_2052, %sub3A_2052 : vector<2048xf32>
    %mul3A_2055 = arith.mulf %mul3A_2054, %div3A_58 : vector<2048xf32>
    %mul3A_2056 = arith.mulf %sub3A_2053, %sub3A_2053 : vector<2048xf32>
    %mul3A_2057 = arith.mulf %mul3A_2056, %div3A_68 : vector<2048xf32>
    %add3A_2058 = arith.addf %mul3A_2055, %mul3A_2057 : vector<2048xf32>
    %exp23A_2059 = math.exp2 %add3A_2058 : vector<2048xf32>
    %swap3A_2060 = arith.constant 117 : index
    %swap3A_2061 = arith.constant 0 : index
    %swap3A_2062 = vector.load %arg8[%swap3A_2060, %swap3A_2061] : memref<128x2048xf32, #tpu.memory_space<vmem>>, vector<1x2048xf32>
    %swap3A_2063 = vector.shape_cast %swap3A_2062 : vector<1x2048xf32> to vector<2048xf32>
    %swap3A_2064 = vector.shape_cast %exp23A_2059 : vector<2048xf32> to vector<1x2048xf32>
    tpu.vector_store %arg8[%swap3A_2060, %swap3A_2061], %swap3A_2064 {strides = array<i32>} : memref<128x2048xf32, #tpu.memory_space<vmem>>, vector<1x2048xf32>,
    %add3A_2065 = arith.addf %add3A_2009, %exp23A_2059 : vector<2048xf32>
    %sub3A_2066 = arith.subf %get3A_356, %get3A_18 : vector<2048xf32>
    %sub3A_2067 = arith.subf %get3A_360, %get3A_22 : vector<2048xf32>
    %mul3A_2068 = arith.mulf %sub3A_2066, %sub3A_2066 : vector<2048xf32>
    %mul3A_2069 = arith.mulf %mul3A_2068, %div3A_78 : vector<2048xf32>
    %mul3A_2070 = arith.mulf %sub3A_2067, %sub3A_2067 : vector<2048xf32>
    %mul3A_2071 = arith.mulf %mul3A_2070, %div3A_88 : vector<2048xf32>
    %add3A_2072 = arith.addf %mul3A_2069, %mul3A_2071 : vector<2048xf32>
    %exp23A_2073 = math.exp2 %add3A_2072 : vector<2048xf32>
    %swap3A_2074 = arith.constant 118 : index
    %swap3A_2075 = arith.constant 0 : index
    %swap3A_2076 = vector.load %arg8[%swap3A_2074, %swap3A_2075] : memref<128x2048xf32, #tpu.memory_space<vmem>>, vector<1x2048xf32>
    %swap3A_2077 = vector.shape_cast %swap3A_2076 : vector<1x2048xf32> to vector<2048xf32>
    %swap3A_2078 = vector.shape_cast %exp23A_2073 : vector<2048xf32> to vector<1x2048xf32>
    tpu.vector_store %arg8[%swap3A_2074, %swap3A_2075], %swap3A_2078 {strides = array<i32>} : memref<128x2048xf32, #tpu.memory_space<vmem>>, vector<1x2048xf32>,
    %add3A_2079 = arith.addf %add3A_2023, %exp23A_2073 : vector<2048xf32>
    %sub3A_2080 = arith.subf %get3A_356, %get3A_26 : vector<2048xf32>
    %sub3A_2081 = arith.subf %get3A_360, %get3A_30 : vector<2048xf32>
    %mul3A_2082 = arith.mulf %sub3A_2080, %sub3A_2080 : vector<2048xf32>
    %mul3A_2083 = arith.mulf %mul3A_2082, %div3A_98 : vector<2048xf32>
    %mul3A_2084 = arith.mulf %sub3A_2081, %sub3A_2081 : vector<2048xf32>
    %mul3A_2085 = arith.mulf %mul3A_2084, %div3A_108 : vector<2048xf32>
    %add3A_2086 = arith.addf %mul3A_2083, %mul3A_2085 : vector<2048xf32>
    %exp23A_2087 = math.exp2 %add3A_2086 : vector<2048xf32>
    %swap3A_2088 = arith.constant 119 : index
    %swap3A_2089 = arith.constant 0 : index
    %swap3A_2090 = vector.load %arg8[%swap3A_2088, %swap3A_2089] : memref<128x2048xf32, #tpu.memory_space<vmem>>, vector<1x2048xf32>
    %swap3A_2091 = vector.shape_cast %swap3A_2090 : vector<1x2048xf32> to vector<2048xf32>
    %swap3A_2092 = vector.shape_cast %exp23A_2087 : vector<2048xf32> to vector<1x2048xf32>
    tpu.vector_store %arg8[%swap3A_2088, %swap3A_2089], %swap3A_2092 {strides = array<i32>} : memref<128x2048xf32, #tpu.memory_space<vmem>>, vector<1x2048xf32>,
    %add3A_2093 = arith.addf %add3A_2037, %exp23A_2087 : vector<2048xf32>
    %sub3A_2094 = arith.subf %floor3A_402, %get3A_2 : vector<2048xf32>
    %sub3A_2095 = arith.subf %floor3A_408, %get3A_6 : vector<2048xf32>
    %mul3A_2096 = arith.mulf %sub3A_2094, %sub3A_2094 : vector<2048xf32>
    %mul3A_2097 = arith.mulf %mul3A_2096, %div3A_38 : vector<2048xf32>
    %mul3A_2098 = arith.mulf %sub3A_2095, %sub3A_2095 : vector<2048xf32>
    %mul3A_2099 = arith.mulf %mul3A_2098, %div3A_48 : vector<2048xf32>
    %add3A_2100 = arith.addf %mul3A_2097, %mul3A_2099 : vector<2048xf32>
    %exp23A_2101 = math.exp2 %add3A_2100 : vector<2048xf32>
    %swap3A_2102 = arith.constant 120 : index
    %swap3A_2103 = arith.constant 0 : index
    %swap3A_2104 = vector.load %arg8[%swap3A_2102, %swap3A_2103] : memref<128x2048xf32, #tpu.memory_space<vmem>>, vector<1x2048xf32>
    %swap3A_2105 = vector.shape_cast %swap3A_2104 : vector<1x2048xf32> to vector<2048xf32>
    %swap3A_2106 = vector.shape_cast %exp23A_2101 : vector<2048xf32> to vector<1x2048xf32>
    tpu.vector_store %arg8[%swap3A_2102, %swap3A_2103], %swap3A_2106 {strides = array<i32>} : memref<128x2048xf32, #tpu.memory_space<vmem>>, vector<1x2048xf32>,
    %add3A_2107 = arith.addf %add3A_2051, %exp23A_2101 : vector<2048xf32>
    %sub3A_2108 = arith.subf %floor3A_402, %get3A_10 : vector<2048xf32>
    %sub3A_2109 = arith.subf %floor3A_408, %get3A_14 : vector<2048xf32>
    %mul3A_2110 = arith.mulf %sub3A_2108, %sub3A_2108 : vector<2048xf32>
    %mul3A_2111 = arith.mulf %mul3A_2110, %div3A_58 : vector<2048xf32>
    %mul3A_2112 = arith.mulf %sub3A_2109, %sub3A_2109 : vector<2048xf32>
    %mul3A_2113 = arith.mulf %mul3A_2112, %div3A_68 : vector<2048xf32>
    %add3A_2114 = arith.addf %mul3A_2111, %mul3A_2113 : vector<2048xf32>
    %exp23A_2115 = math.exp2 %add3A_2114 : vector<2048xf32>
    %swap3A_2116 = arith.constant 121 : index
    %swap3A_2117 = arith.constant 0 : index
    %swap3A_2118 = vector.load %arg8[%swap3A_2116, %swap3A_2117] : memref<128x2048xf32, #tpu.memory_space<vmem>>, vector<1x2048xf32>
    %swap3A_2119 = vector.shape_cast %swap3A_2118 : vector<1x2048xf32> to vector<2048xf32>
    %swap3A_2120 = vector.shape_cast %exp23A_2115 : vector<2048xf32> to vector<1x2048xf32>
    tpu.vector_store %arg8[%swap3A_2116, %swap3A_2117], %swap3A_2120 {strides = array<i32>} : memref<128x2048xf32, #tpu.memory_space<vmem>>, vector<1x2048xf32>,
    %add3A_2121 = arith.addf %add3A_2065, %exp23A_2115 : vector<2048xf32>
    %sub3A_2122 = arith.subf %floor3A_402, %get3A_18 : vector<2048xf32>
    %sub3A_2123 = arith.subf %floor3A_408, %get3A_22 : vector<2048xf32>
    %mul3A_2124 = arith.mulf %sub3A_2122, %sub3A_2122 : vector<2048xf32>
    %mul3A_2125 = arith.mulf %mul3A_2124, %div3A_78 : vector<2048xf32>
    %mul3A_2126 = arith.mulf %sub3A_2123, %sub3A_2123 : vector<2048xf32>
    %mul3A_2127 = arith.mulf %mul3A_2126, %div3A_88 : vector<2048xf32>
    %add3A_2128 = arith.addf %mul3A_2125, %mul3A_2127 : vector<2048xf32>
    %exp23A_2129 = math.exp2 %add3A_2128 : vector<2048xf32>
    %swap3A_2130 = arith.constant 122 : index
    %swap3A_2131 = arith.constant 0 : index
    %swap3A_2132 = vector.load %arg8[%swap3A_2130, %swap3A_2131] : memref<128x2048xf32, #tpu.memory_space<vmem>>, vector<1x2048xf32>
    %swap3A_2133 = vector.shape_cast %swap3A_2132 : vector<1x2048xf32> to vector<2048xf32>
    %swap3A_2134 = vector.shape_cast %exp23A_2129 : vector<2048xf32> to vector<1x2048xf32>
    tpu.vector_store %arg8[%swap3A_2130, %swap3A_2131], %swap3A_2134 {strides = array<i32>} : memref<128x2048xf32, #tpu.memory_space<vmem>>, vector<1x2048xf32>,
    %add3A_2135 = arith.addf %add3A_2079, %exp23A_2129 : vector<2048xf32>
    %sub3A_2136 = arith.subf %floor3A_402, %get3A_26 : vector<2048xf32>
    %sub3A_2137 = arith.subf %floor3A_408, %get3A_30 : vector<2048xf32>
    %mul3A_2138 = arith.mulf %sub3A_2136, %sub3A_2136 : vector<2048xf32>
    %mul3A_2139 = arith.mulf %mul3A_2138, %div3A_98 : vector<2048xf32>
    %mul3A_2140 = arith.mulf %sub3A_2137, %sub3A_2137 : vector<2048xf32>
    %mul3A_2141 = arith.mulf %mul3A_2140, %div3A_108 : vector<2048xf32>
    %add3A_2142 = arith.addf %mul3A_2139, %mul3A_2141 : vector<2048xf32>
    %exp23A_2143 = math.exp2 %add3A_2142 : vector<2048xf32>
    %swap3A_2144 = arith.constant 123 : index
    %swap3A_2145 = arith.constant 0 : index
    %swap3A_2146 = vector.load %arg8[%swap3A_2144, %swap3A_2145] : memref<128x2048xf32, #tpu.memory_space<vmem>>, vector<1x2048xf32>
    %swap3A_2147 = vector.shape_cast %swap3A_2146 : vector<1x2048xf32> to vector<2048xf32>
    %swap3A_2148 = vector.shape_cast %exp23A_2143 : vector<2048xf32> to vector<1x2048xf32>
    tpu.vector_store %arg8[%swap3A_2144, %swap3A_2145], %swap3A_2148 {strides = array<i32>} : memref<128x2048xf32, #tpu.memory_space<vmem>>, vector<1x2048xf32>,
    %add3A_2149 = arith.addf %add3A_2093, %exp23A_2143 : vector<2048xf32>
    %sub3A_2150 = arith.subf %floor3A_414, %get3A_2 : vector<2048xf32>
    %sub3A_2151 = arith.subf %floor3A_420, %get3A_6 : vector<2048xf32>
    %mul3A_2152 = arith.mulf %sub3A_2150, %sub3A_2150 : vector<2048xf32>
    %mul3A_2153 = arith.mulf %mul3A_2152, %div3A_38 : vector<2048xf32>
    %mul3A_2154 = arith.mulf %sub3A_2151, %sub3A_2151 : vector<2048xf32>
    %mul3A_2155 = arith.mulf %mul3A_2154, %div3A_48 : vector<2048xf32>
    %add3A_2156 = arith.addf %mul3A_2153, %mul3A_2155 : vector<2048xf32>
    %exp23A_2157 = math.exp2 %add3A_2156 : vector<2048xf32>
    %swap3A_2158 = arith.constant 124 : index
    %swap3A_2159 = arith.constant 0 : index
    %swap3A_2160 = vector.load %arg8[%swap3A_2158, %swap3A_2159] : memref<128x2048xf32, #tpu.memory_space<vmem>>, vector<1x2048xf32>
    %swap3A_2161 = vector.shape_cast %swap3A_2160 : vector<1x2048xf32> to vector<2048xf32>
    %swap3A_2162 = vector.shape_cast %exp23A_2157 : vector<2048xf32> to vector<1x2048xf32>
    tpu.vector_store %arg8[%swap3A_2158, %swap3A_2159], %swap3A_2162 {strides = array<i32>} : memref<128x2048xf32, #tpu.memory_space<vmem>>, vector<1x2048xf32>,
    %add3A_2163 = arith.addf %add3A_2107, %exp23A_2157 : vector<2048xf32>
    %sub3A_2164 = arith.subf %floor3A_414, %get3A_10 : vector<2048xf32>
    %sub3A_2165 = arith.subf %floor3A_420, %get3A_14 : vector<2048xf32>
    %mul3A_2166 = arith.mulf %sub3A_2164, %sub3A_2164 : vector<2048xf32>
    %mul3A_2167 = arith.mulf %mul3A_2166, %div3A_58 : vector<2048xf32>
    %mul3A_2168 = arith.mulf %sub3A_2165, %sub3A_2165 : vector<2048xf32>
    %mul3A_2169 = arith.mulf %mul3A_2168, %div3A_68 : vector<2048xf32>
    %add3A_2170 = arith.addf %mul3A_2167, %mul3A_2169 : vector<2048xf32>
    %exp23A_2171 = math.exp2 %add3A_2170 : vector<2048xf32>
    %swap3A_2172 = arith.constant 125 : index
    %swap3A_2173 = arith.constant 0 : index
    %swap3A_2174 = vector.load %arg8[%swap3A_2172, %swap3A_2173] : memref<128x2048xf32, #tpu.memory_space<vmem>>, vector<1x2048xf32>
    %swap3A_2175 = vector.shape_cast %swap3A_2174 : vector<1x2048xf32> to vector<2048xf32>
    %swap3A_2176 = vector.shape_cast %exp23A_2171 : vector<2048xf32> to vector<1x2048xf32>
    tpu.vector_store %arg8[%swap3A_2172, %swap3A_2173], %swap3A_2176 {strides = array<i32>} : memref<128x2048xf32, #tpu.memory_space<vmem>>, vector<1x2048xf32>,
    %add3A_2177 = arith.addf %add3A_2121, %exp23A_2171 : vector<2048xf32>
    %sub3A_2178 = arith.subf %floor3A_414, %get3A_18 : vector<2048xf32>
    %sub3A_2179 = arith.subf %floor3A_420, %get3A_22 : vector<2048xf32>
    %mul3A_2180 = arith.mulf %sub3A_2178, %sub3A_2178 : vector<2048xf32>
    %mul3A_2181 = arith.mulf %mul3A_2180, %div3A_78 : vector<2048xf32>
    %mul3A_2182 = arith.mulf %sub3A_2179, %sub3A_2179 : vector<2048xf32>
    %mul3A_2183 = arith.mulf %mul3A_2182, %div3A_88 : vector<2048xf32>
    %add3A_2184 = arith.addf %mul3A_2181, %mul3A_2183 : vector<2048xf32>
    %exp23A_2185 = math.exp2 %add3A_2184 : vector<2048xf32>
    %swap3A_2186 = arith.constant 126 : index
    %swap3A_2187 = arith.constant 0 : index
    %swap3A_2188 = vector.load %arg8[%swap3A_2186, %swap3A_2187] : memref<128x2048xf32, #tpu.memory_space<vmem>>, vector<1x2048xf32>
    %swap3A_2189 = vector.shape_cast %swap3A_2188 : vector<1x2048xf32> to vector<2048xf32>
    %swap3A_2190 = vector.shape_cast %exp23A_2185 : vector<2048xf32> to vector<1x2048xf32>
    tpu.vector_store %arg8[%swap3A_2186, %swap3A_2187], %swap3A_2190 {strides = array<i32>} : memref<128x2048xf32, #tpu.memory_space<vmem>>, vector<1x2048xf32>,
    %add3A_2191 = arith.addf %add3A_2135, %exp23A_2185 : vector<2048xf32>
    %sub3A_2192 = arith.subf %floor3A_414, %get3A_26 : vector<2048xf32>
    %sub3A_2193 = arith.subf %floor3A_420, %get3A_30 : vector<2048xf32>
    %mul3A_2194 = arith.mulf %sub3A_2192, %sub3A_2192 : vector<2048xf32>
    %mul3A_2195 = arith.mulf %mul3A_2194, %div3A_98 : vector<2048xf32>
    %mul3A_2196 = arith.mulf %sub3A_2193, %sub3A_2193 : vector<2048xf32>
    %mul3A_2197 = arith.mulf %mul3A_2196, %div3A_108 : vector<2048xf32>
    %add3A_2198 = arith.addf %mul3A_2195, %mul3A_2197 : vector<2048xf32>
    %exp23A_2199 = math.exp2 %add3A_2198 : vector<2048xf32>
    %swap3A_2200 = arith.constant 127 : index
    %swap3A_2201 = arith.constant 0 : index
    %swap3A_2202 = vector.load %arg8[%swap3A_2200, %swap3A_2201] : memref<128x2048xf32, #tpu.memory_space<vmem>>, vector<1x2048xf32>
    %swap3A_2203 = vector.shape_cast %swap3A_2202 : vector<1x2048xf32> to vector<2048xf32>
    %swap3A_2204 = vector.shape_cast %exp23A_2199 : vector<2048xf32> to vector<1x2048xf32>
    tpu.vector_store %arg8[%swap3A_2200, %swap3A_2201], %swap3A_2204 {strides = array<i32>} : memref<128x2048xf32, #tpu.memory_space<vmem>>, vector<1x2048xf32>,
    %add3A_2205 = arith.addf %add3A_2149, %exp23A_2199 : vector<2048xf32>
    %get3A_2206 = arith.constant 0 : index
    %get3A_2207 = arith.constant 0 : index
    %get3A_2208 = vector.load %arg3[%get3A_2206, %get3A_2207] : memref<4x2048xf32, #tpu.memory_space<vmem>>, vector<1x2048xf32>
    %get3A_2209 = vector.shape_cast %get3A_2208 : vector<1x2048xf32> to vector<2048xf32>
    %div3A_2210 = arith.divf %get3A_2209, %add3A_2163 : vector<2048xf32>
    %get3A_2211 = arith.constant 1 : index
    %get3A_2212 = arith.constant 0 : index
    %get3A_2213 = vector.load %arg3[%get3A_2211, %get3A_2212] : memref<4x2048xf32, #tpu.memory_space<vmem>>, vector<1x2048xf32>
    %get3A_2214 = vector.shape_cast %get3A_2213 : vector<1x2048xf32> to vector<2048xf32>
    %div3A_2215 = arith.divf %get3A_2214, %add3A_2177 : vector<2048xf32>
    %get3A_2216 = arith.constant 2 : index
    %get3A_2217 = arith.constant 0 : index
    %get3A_2218 = vector.load %arg3[%get3A_2216, %get3A_2217] : memref<4x2048xf32, #tpu.memory_space<vmem>>, vector<1x2048xf32>
    %get3A_2219 = vector.shape_cast %get3A_2218 : vector<1x2048xf32> to vector<2048xf32>
    %div3A_2220 = arith.divf %get3A_2219, %add3A_2191 : vector<2048xf32>
    %get3A_2221 = arith.constant 3 : index
    %get3A_2222 = arith.constant 0 : index
    %get3A_2223 = vector.load %arg3[%get3A_2221, %get3A_2222] : memref<4x2048xf32, #tpu.memory_space<vmem>>, vector<1x2048xf32>
    %get3A_2224 = vector.shape_cast %get3A_2223 : vector<1x2048xf32> to vector<2048xf32>
    %div3A_2225 = arith.divf %get3A_2224, %add3A_2205 : vector<2048xf32>
    %get3A_2226 = arith.constant 0 : index
    %get3A_2227 = arith.constant 0 : index
    %get3A_2228 = vector.load %arg8[%get3A_2226, %get3A_2227] : memref<128x2048xf32, #tpu.memory_space<vmem>>, vector<1x2048xf32>
    %get3A_2229 = vector.shape_cast %get3A_2228 : vector<1x2048xf32> to vector<2048xf32>
    %mul3A_2230 = arith.mulf %get3A_2229, %div3A_2210 : vector<2048xf32>
    %get3A_2231 = arith.constant 1 : index
    %get3A_2232 = arith.constant 0 : index
    %get3A_2233 = vector.load %arg8[%get3A_2231, %get3A_2232] : memref<128x2048xf32, #tpu.memory_space<vmem>>, vector<1x2048xf32>
    %get3A_2234 = vector.shape_cast %get3A_2233 : vector<1x2048xf32> to vector<2048xf32>
    %mul3A_2235 = arith.mulf %get3A_2234, %div3A_2215 : vector<2048xf32>
    %add3A_2236 = arith.addf %mul3A_2230, %mul3A_2235 : vector<2048xf32>
    %get3A_2237 = arith.constant 2 : index
    %get3A_2238 = arith.constant 0 : index
    %get3A_2239 = vector.load %arg8[%get3A_2237, %get3A_2238] : memref<128x2048xf32, #tpu.memory_space<vmem>>, vector<1x2048xf32>
    %get3A_2240 = vector.shape_cast %get3A_2239 : vector<1x2048xf32> to vector<2048xf32>
    %mul3A_2241 = arith.mulf %get3A_2240, %div3A_2220 : vector<2048xf32>
    %add3A_2242 = arith.addf %add3A_2236, %mul3A_2241 : vector<2048xf32>
    %get3A_2243 = arith.constant 3 : index
    %get3A_2244 = arith.constant 0 : index
    %get3A_2245 = vector.load %arg8[%get3A_2243, %get3A_2244] : memref<128x2048xf32, #tpu.memory_space<vmem>>, vector<1x2048xf32>
    %get3A_2246 = vector.shape_cast %get3A_2245 : vector<1x2048xf32> to vector<2048xf32>
    %mul3A_2247 = arith.mulf %get3A_2246, %div3A_2225 : vector<2048xf32>
    %add3A_2248 = arith.addf %add3A_2242, %mul3A_2247 : vector<2048xf32>
    %swap3A_2249 = arith.constant 0 : index
    %swap3A_2250 = arith.constant 0 : index
    %swap3A_2251 = vector.load %arg6[%swap3A_2249, %swap3A_2250] : memref<32x2048xf32, #tpu.memory_space<vmem>>, vector<1x2048xf32>
    %swap3A_2252 = vector.shape_cast %swap3A_2251 : vector<1x2048xf32> to vector<2048xf32>
    %swap3A_2253 = vector.shape_cast %add3A_2248 : vector<2048xf32> to vector<1x2048xf32>
    tpu.vector_store %arg6[%swap3A_2249, %swap3A_2250], %swap3A_2253 {strides = array<i32>} : memref<32x2048xf32, #tpu.memory_space<vmem>>, vector<1x2048xf32>,
    %convert_element_type3A = arith.fptosi %floor3A : vector<2048xf32> to vector<2048xi32>
    %jit3A = arith.constant 0 : i32
    %jit3A_2254 = arith.constant 4095 : i32
    %max3A_2255 = vector.broadcast %jit3A : i32 to vector<2048xi32>
    %max3A_2256 = arith.maxsi %max3A_2255, %convert_element_type3A : vector<2048xi32>
    %min3A = vector.broadcast %jit3A_2254 : i32 to vector<2048xi32>
    %min3A_2257 = arith.minsi %min3A, %max3A_2256 : vector<2048xi32>
    %convert_element_type3A_2258 = arith.fptosi %floor3A_109 : vector<2048xf32> to vector<2048xi32>
    %jit3A_2259 = arith.constant 0 : i32
    %jit3A_2260 = arith.constant 4095 : i32
    %max3A_2261 = vector.broadcast %jit3A_2259 : i32 to vector<2048xi32>
    %max3A_2262 = arith.maxsi %max3A_2261, %convert_element_type3A_2258 : vector<2048xi32>
    %min3A_2263 = vector.broadcast %jit3A_2260 : i32 to vector<2048xi32>
    %min3A_2264 = arith.minsi %min3A_2263, %max3A_2262 : vector<2048xi32>
    %shift_left3A = arith.constant 12 : i32
    %shift_left3A_2265 = vector.broadcast %shift_left3A : i32 to vector<2048xi32>
    %shift_left3A_2266 = arith.shli %min3A_2257, %shift_left3A_2265 : vector<2048xi32>
    %or3A = arith.ori %shift_left3A_2266, %min3A_2264 : vector<2048xi32>
    %swap3A_2267 = arith.constant 0 : index
    %swap3A_2268 = arith.constant 0 : index
    %swap3A_2269 = vector.load %arg7[%swap3A_2267, %swap3A_2268] : memref<32x2048xi32, #tpu.memory_space<vmem>>, vector<1x2048xi32>
    %swap3A_2270 = vector.shape_cast %swap3A_2269 : vector<1x2048xi32> to vector<2048xi32>
    %swap3A_2271 = vector.shape_cast %or3A : vector<2048xi32> to vector<1x2048xi32>
    tpu.vector_store %arg7[%swap3A_2267, %swap3A_2268], %swap3A_2271 {strides = array<i32>} : memref<32x2048xi32, #tpu.memory_space<vmem>>, vector<1x2048xi32>,
    %get3A_2272 = arith.constant 4 : index
    %get3A_2273 = arith.constant 0 : index
    %get3A_2274 = vector.load %arg8[%get3A_2272, %get3A_2273] : memref<128x2048xf32, #tpu.memory_space<vmem>>, vector<1x2048xf32>
    %get3A_2275 = vector.shape_cast %get3A_2274 : vector<1x2048xf32> to vector<2048xf32>
    %mul3A_2276 = arith.mulf %get3A_2275, %div3A_2210 : vector<2048xf32>
    %get3A_2277 = arith.constant 5 : index
    %get3A_2278 = arith.constant 0 : index
    %get3A_2279 = vector.load %arg8[%get3A_2277, %get3A_2278] : memref<128x2048xf32, #tpu.memory_space<vmem>>, vector<1x2048xf32>
    %get3A_2280 = vector.shape_cast %get3A_2279 : vector<1x2048xf32> to vector<2048xf32>
    %mul3A_2281 = arith.mulf %get3A_2280, %div3A_2215 : vector<2048xf32>
    %add3A_2282 = arith.addf %mul3A_2276, %mul3A_2281 : vector<2048xf32>
    %get3A_2283 = arith.constant 6 : index
    %get3A_2284 = arith.constant 0 : index
    %get3A_2285 = vector.load %arg8[%get3A_2283, %get3A_2284] : memref<128x2048xf32, #tpu.memory_space<vmem>>, vector<1x2048xf32>
    %get3A_2286 = vector.shape_cast %get3A_2285 : vector<1x2048xf32> to vector<2048xf32>
    %mul3A_2287 = arith.mulf %get3A_2286, %div3A_2220 : vector<2048xf32>
    %add3A_2288 = arith.addf %add3A_2282, %mul3A_2287 : vector<2048xf32>
    %get3A_2289 = arith.constant 7 : index
    %get3A_2290 = arith.constant 0 : index
    %get3A_2291 = vector.load %arg8[%get3A_2289, %get3A_2290] : memref<128x2048xf32, #tpu.memory_space<vmem>>, vector<1x2048xf32>
    %get3A_2292 = vector.shape_cast %get3A_2291 : vector<1x2048xf32> to vector<2048xf32>
    %mul3A_2293 = arith.mulf %get3A_2292, %div3A_2225 : vector<2048xf32>
    %add3A_2294 = arith.addf %add3A_2288, %mul3A_2293 : vector<2048xf32>
    %swap3A_2295 = arith.constant 1 : index
    %swap3A_2296 = arith.constant 0 : index
    %swap3A_2297 = vector.load %arg6[%swap3A_2295, %swap3A_2296] : memref<32x2048xf32, #tpu.memory_space<vmem>>, vector<1x2048xf32>
    %swap3A_2298 = vector.shape_cast %swap3A_2297 : vector<1x2048xf32> to vector<2048xf32>
    %swap3A_2299 = vector.shape_cast %add3A_2294 : vector<2048xf32> to vector<1x2048xf32>
    tpu.vector_store %arg6[%swap3A_2295, %swap3A_2296], %swap3A_2299 {strides = array<i32>} : memref<32x2048xf32, #tpu.memory_space<vmem>>, vector<1x2048xf32>,
    %convert_element_type3A_2300 = arith.fptosi %floor3A : vector<2048xf32> to vector<2048xi32>
    %jit3A_2301 = arith.constant 0 : i32
    %jit3A_2302 = arith.constant 4095 : i32
    %max3A_2303 = vector.broadcast %jit3A_2301 : i32 to vector<2048xi32>
    %max3A_2304 = arith.maxsi %max3A_2303, %convert_element_type3A_2300 : vector<2048xi32>
    %min3A_2305 = vector.broadcast %jit3A_2302 : i32 to vector<2048xi32>
    %min3A_2306 = arith.minsi %min3A_2305, %max3A_2304 : vector<2048xi32>
    %convert_element_type3A_2307 = arith.fptosi %ceil3A_110 : vector<2048xf32> to vector<2048xi32>
    %jit3A_2308 = arith.constant 0 : i32
    %jit3A_2309 = arith.constant 4095 : i32
    %max3A_2310 = vector.broadcast %jit3A_2308 : i32 to vector<2048xi32>
    %max3A_2311 = arith.maxsi %max3A_2310, %convert_element_type3A_2307 : vector<2048xi32>
    %min3A_2312 = vector.broadcast %jit3A_2309 : i32 to vector<2048xi32>
    %min3A_2313 = arith.minsi %min3A_2312, %max3A_2311 : vector<2048xi32>
    %shift_left3A_2314 = arith.constant 12 : i32
    %shift_left3A_2315 = vector.broadcast %shift_left3A_2314 : i32 to vector<2048xi32>
    %shift_left3A_2316 = arith.shli %min3A_2306, %shift_left3A_2315 : vector<2048xi32>
    %or3A_2317 = arith.ori %shift_left3A_2316, %min3A_2313 : vector<2048xi32>
    %swap3A_2318 = arith.constant 1 : index
    %swap3A_2319 = arith.constant 0 : index
    %swap3A_2320 = vector.load %arg7[%swap3A_2318, %swap3A_2319] : memref<32x2048xi32, #tpu.memory_space<vmem>>, vector<1x2048xi32>
    %swap3A_2321 = vector.shape_cast %swap3A_2320 : vector<1x2048xi32> to vector<2048xi32>
    %swap3A_2322 = vector.shape_cast %or3A_2317 : vector<2048xi32> to vector<1x2048xi32>
    tpu.vector_store %arg7[%swap3A_2318, %swap3A_2319], %swap3A_2322 {strides = array<i32>} : memref<32x2048xi32, #tpu.memory_space<vmem>>, vector<1x2048xi32>,
    %get3A_2323 = arith.constant 8 : index
    %get3A_2324 = arith.constant 0 : index
    %get3A_2325 = vector.load %arg8[%get3A_2323, %get3A_2324] : memref<128x2048xf32, #tpu.memory_space<vmem>>, vector<1x2048xf32>
    %get3A_2326 = vector.shape_cast %get3A_2325 : vector<1x2048xf32> to vector<2048xf32>
    %mul3A_2327 = arith.mulf %get3A_2326, %div3A_2210 : vector<2048xf32>
    %get3A_2328 = arith.constant 9 : index
    %get3A_2329 = arith.constant 0 : index
    %get3A_2330 = vector.load %arg8[%get3A_2328, %get3A_2329] : memref<128x2048xf32, #tpu.memory_space<vmem>>, vector<1x2048xf32>
    %get3A_2331 = vector.shape_cast %get3A_2330 : vector<1x2048xf32> to vector<2048xf32>
    %mul3A_2332 = arith.mulf %get3A_2331, %div3A_2215 : vector<2048xf32>
    %add3A_2333 = arith.addf %mul3A_2327, %mul3A_2332 : vector<2048xf32>
    %get3A_2334 = arith.constant 10 : index
    %get3A_2335 = arith.constant 0 : index
    %get3A_2336 = vector.load %arg8[%get3A_2334, %get3A_2335] : memref<128x2048xf32, #tpu.memory_space<vmem>>, vector<1x2048xf32>
    %get3A_2337 = vector.shape_cast %get3A_2336 : vector<1x2048xf32> to vector<2048xf32>
    %mul3A_2338 = arith.mulf %get3A_2337, %div3A_2220 : vector<2048xf32>
    %add3A_2339 = arith.addf %add3A_2333, %mul3A_2338 : vector<2048xf32>
    %get3A_2340 = arith.constant 11 : index
    %get3A_2341 = arith.constant 0 : index
    %get3A_2342 = vector.load %arg8[%get3A_2340, %get3A_2341] : memref<128x2048xf32, #tpu.memory_space<vmem>>, vector<1x2048xf32>
    %get3A_2343 = vector.shape_cast %get3A_2342 : vector<1x2048xf32> to vector<2048xf32>
    %mul3A_2344 = arith.mulf %get3A_2343, %div3A_2225 : vector<2048xf32>
    %add3A_2345 = arith.addf %add3A_2339, %mul3A_2344 : vector<2048xf32>
    %swap3A_2346 = arith.constant 2 : index
    %swap3A_2347 = arith.constant 0 : index
    %swap3A_2348 = vector.load %arg6[%swap3A_2346, %swap3A_2347] : memref<32x2048xf32, #tpu.memory_space<vmem>>, vector<1x2048xf32>
    %swap3A_2349 = vector.shape_cast %swap3A_2348 : vector<1x2048xf32> to vector<2048xf32>
    %swap3A_2350 = vector.shape_cast %add3A_2345 : vector<2048xf32> to vector<1x2048xf32>
    tpu.vector_store %arg6[%swap3A_2346, %swap3A_2347], %swap3A_2350 {strides = array<i32>} : memref<32x2048xf32, #tpu.memory_space<vmem>>, vector<1x2048xf32>,
    %convert_element_type3A_2351 = arith.fptosi %ceil3A : vector<2048xf32> to vector<2048xi32>
    %jit3A_2352 = arith.constant 0 : i32
    %jit3A_2353 = arith.constant 4095 : i32
    %max3A_2354 = vector.broadcast %jit3A_2352 : i32 to vector<2048xi32>
    %max3A_2355 = arith.maxsi %max3A_2354, %convert_element_type3A_2351 : vector<2048xi32>
    %min3A_2356 = vector.broadcast %jit3A_2353 : i32 to vector<2048xi32>
    %min3A_2357 = arith.minsi %min3A_2356, %max3A_2355 : vector<2048xi32>
    %convert_element_type3A_2358 = arith.fptosi %floor3A_109 : vector<2048xf32> to vector<2048xi32>
    %jit3A_2359 = arith.constant 0 : i32
    %jit3A_2360 = arith.constant 4095 : i32
    %max3A_2361 = vector.broadcast %jit3A_2359 : i32 to vector<2048xi32>
    %max3A_2362 = arith.maxsi %max3A_2361, %convert_element_type3A_2358 : vector<2048xi32>
    %min3A_2363 = vector.broadcast %jit3A_2360 : i32 to vector<2048xi32>
    %min3A_2364 = arith.minsi %min3A_2363, %max3A_2362 : vector<2048xi32>
    %shift_left3A_2365 = arith.constant 12 : i32
    %shift_left3A_2366 = vector.broadcast %shift_left3A_2365 : i32 to vector<2048xi32>
    %shift_left3A_2367 = arith.shli %min3A_2357, %shift_left3A_2366 : vector<2048xi32>
    %or3A_2368 = arith.ori %shift_left3A_2367, %min3A_2364 : vector<2048xi32>
    %swap3A_2369 = arith.constant 2 : index
    %swap3A_2370 = arith.constant 0 : index
    %swap3A_2371 = vector.load %arg7[%swap3A_2369, %swap3A_2370] : memref<32x2048xi32, #tpu.memory_space<vmem>>, vector<1x2048xi32>
    %swap3A_2372 = vector.shape_cast %swap3A_2371 : vector<1x2048xi32> to vector<2048xi32>
    %swap3A_2373 = vector.shape_cast %or3A_2368 : vector<2048xi32> to vector<1x2048xi32>
    tpu.vector_store %arg7[%swap3A_2369, %swap3A_2370], %swap3A_2373 {strides = array<i32>} : memref<32x2048xi32, #tpu.memory_space<vmem>>, vector<1x2048xi32>,
    %get3A_2374 = arith.constant 12 : index
    %get3A_2375 = arith.constant 0 : index
    %get3A_2376 = vector.load %arg8[%get3A_2374, %get3A_2375] : memref<128x2048xf32, #tpu.memory_space<vmem>>, vector<1x2048xf32>
    %get3A_2377 = vector.shape_cast %get3A_2376 : vector<1x2048xf32> to vector<2048xf32>
    %mul3A_2378 = arith.mulf %get3A_2377, %div3A_2210 : vector<2048xf32>
    %get3A_2379 = arith.constant 13 : index
    %get3A_2380 = arith.constant 0 : index
    %get3A_2381 = vector.load %arg8[%get3A_2379, %get3A_2380] : memref<128x2048xf32, #tpu.memory_space<vmem>>, vector<1x2048xf32>
    %get3A_2382 = vector.shape_cast %get3A_2381 : vector<1x2048xf32> to vector<2048xf32>
    %mul3A_2383 = arith.mulf %get3A_2382, %div3A_2215 : vector<2048xf32>
    %add3A_2384 = arith.addf %mul3A_2378, %mul3A_2383 : vector<2048xf32>
    %get3A_2385 = arith.constant 14 : index
    %get3A_2386 = arith.constant 0 : index
    %get3A_2387 = vector.load %arg8[%get3A_2385, %get3A_2386] : memref<128x2048xf32, #tpu.memory_space<vmem>>, vector<1x2048xf32>
    %get3A_2388 = vector.shape_cast %get3A_2387 : vector<1x2048xf32> to vector<2048xf32>
    %mul3A_2389 = arith.mulf %get3A_2388, %div3A_2220 : vector<2048xf32>
    %add3A_2390 = arith.addf %add3A_2384, %mul3A_2389 : vector<2048xf32>
    %get3A_2391 = arith.constant 15 : index
    %get3A_2392 = arith.constant 0 : index
    %get3A_2393 = vector.load %arg8[%get3A_2391, %get3A_2392] : memref<128x2048xf32, #tpu.memory_space<vmem>>, vector<1x2048xf32>
    %get3A_2394 = vector.shape_cast %get3A_2393 : vector<1x2048xf32> to vector<2048xf32>
    %mul3A_2395 = arith.mulf %get3A_2394, %div3A_2225 : vector<2048xf32>
    %add3A_2396 = arith.addf %add3A_2390, %mul3A_2395 : vector<2048xf32>
    %swap3A_2397 = arith.constant 3 : index
    %swap3A_2398 = arith.constant 0 : index
    %swap3A_2399 = vector.load %arg6[%swap3A_2397, %swap3A_2398] : memref<32x2048xf32, #tpu.memory_space<vmem>>, vector<1x2048xf32>
    %swap3A_2400 = vector.shape_cast %swap3A_2399 : vector<1x2048xf32> to vector<2048xf32>
    %swap3A_2401 = vector.shape_cast %add3A_2396 : vector<2048xf32> to vector<1x2048xf32>
    tpu.vector_store %arg6[%swap3A_2397, %swap3A_2398], %swap3A_2401 {strides = array<i32>} : memref<32x2048xf32, #tpu.memory_space<vmem>>, vector<1x2048xf32>,
    %convert_element_type3A_2402 = arith.fptosi %ceil3A : vector<2048xf32> to vector<2048xi32>
    %jit3A_2403 = arith.constant 0 : i32
    %jit3A_2404 = arith.constant 4095 : i32
    %max3A_2405 = vector.broadcast %jit3A_2403 : i32 to vector<2048xi32>
    %max3A_2406 = arith.maxsi %max3A_2405, %convert_element_type3A_2402 : vector<2048xi32>
    %min3A_2407 = vector.broadcast %jit3A_2404 : i32 to vector<2048xi32>
    %min3A_2408 = arith.minsi %min3A_2407, %max3A_2406 : vector<2048xi32>
    %convert_element_type3A_2409 = arith.fptosi %ceil3A_110 : vector<2048xf32> to vector<2048xi32>
    %jit3A_2410 = arith.constant 0 : i32
    %jit3A_2411 = arith.constant 4095 : i32
    %max3A_2412 = vector.broadcast %jit3A_2410 : i32 to vector<2048xi32>
    %max3A_2413 = arith.maxsi %max3A_2412, %convert_element_type3A_2409 : vector<2048xi32>
    %min3A_2414 = vector.broadcast %jit3A_2411 : i32 to vector<2048xi32>
    %min3A_2415 = arith.minsi %min3A_2414, %max3A_2413 : vector<2048xi32>
    %shift_left3A_2416 = arith.constant 12 : i32
    %shift_left3A_2417 = vector.broadcast %shift_left3A_2416 : i32 to vector<2048xi32>
    %shift_left3A_2418 = arith.shli %min3A_2408, %shift_left3A_2417 : vector<2048xi32>
    %or3A_2419 = arith.ori %shift_left3A_2418, %min3A_2415 : vector<2048xi32>
    %swap3A_2420 = arith.constant 3 : index
    %swap3A_2421 = arith.constant 0 : index
    %swap3A_2422 = vector.load %arg7[%swap3A_2420, %swap3A_2421] : memref<32x2048xi32, #tpu.memory_space<vmem>>, vector<1x2048xi32>
    %swap3A_2423 = vector.shape_cast %swap3A_2422 : vector<1x2048xi32> to vector<2048xi32>
    %swap3A_2424 = vector.shape_cast %or3A_2419 : vector<2048xi32> to vector<1x2048xi32>
    tpu.vector_store %arg7[%swap3A_2420, %swap3A_2421], %swap3A_2424 {strides = array<i32>} : memref<32x2048xi32, #tpu.memory_space<vmem>>, vector<1x2048xi32>,
    %get3A_2425 = arith.constant 16 : index
    %get3A_2426 = arith.constant 0 : index
    %get3A_2427 = vector.load %arg8[%get3A_2425, %get3A_2426] : memref<128x2048xf32, #tpu.memory_space<vmem>>, vector<1x2048xf32>
    %get3A_2428 = vector.shape_cast %get3A_2427 : vector<1x2048xf32> to vector<2048xf32>
    %mul3A_2429 = arith.mulf %get3A_2428, %div3A_2210 : vector<2048xf32>
    %get3A_2430 = arith.constant 17 : index
    %get3A_2431 = arith.constant 0 : index
    %get3A_2432 = vector.load %arg8[%get3A_2430, %get3A_2431] : memref<128x2048xf32, #tpu.memory_space<vmem>>, vector<1x2048xf32>
    %get3A_2433 = vector.shape_cast %get3A_2432 : vector<1x2048xf32> to vector<2048xf32>
    %mul3A_2434 = arith.mulf %get3A_2433, %div3A_2215 : vector<2048xf32>
    %add3A_2435 = arith.addf %mul3A_2429, %mul3A_2434 : vector<2048xf32>
    %get3A_2436 = arith.constant 18 : index
    %get3A_2437 = arith.constant 0 : index
    %get3A_2438 = vector.load %arg8[%get3A_2436, %get3A_2437] : memref<128x2048xf32, #tpu.memory_space<vmem>>, vector<1x2048xf32>
    %get3A_2439 = vector.shape_cast %get3A_2438 : vector<1x2048xf32> to vector<2048xf32>
    %mul3A_2440 = arith.mulf %get3A_2439, %div3A_2220 : vector<2048xf32>
    %add3A_2441 = arith.addf %add3A_2435, %mul3A_2440 : vector<2048xf32>
    %get3A_2442 = arith.constant 19 : index
    %get3A_2443 = arith.constant 0 : index
    %get3A_2444 = vector.load %arg8[%get3A_2442, %get3A_2443] : memref<128x2048xf32, #tpu.memory_space<vmem>>, vector<1x2048xf32>
    %get3A_2445 = vector.shape_cast %get3A_2444 : vector<1x2048xf32> to vector<2048xf32>
    %mul3A_2446 = arith.mulf %get3A_2445, %div3A_2225 : vector<2048xf32>
    %add3A_2447 = arith.addf %add3A_2441, %mul3A_2446 : vector<2048xf32>
    %swap3A_2448 = arith.constant 4 : index
    %swap3A_2449 = arith.constant 0 : index
    %swap3A_2450 = vector.load %arg6[%swap3A_2448, %swap3A_2449] : memref<32x2048xf32, #tpu.memory_space<vmem>>, vector<1x2048xf32>
    %swap3A_2451 = vector.shape_cast %swap3A_2450 : vector<1x2048xf32> to vector<2048xf32>
    %swap3A_2452 = vector.shape_cast %add3A_2447 : vector<2048xf32> to vector<1x2048xf32>
    tpu.vector_store %arg6[%swap3A_2448, %swap3A_2449], %swap3A_2452 {strides = array<i32>} : memref<32x2048xf32, #tpu.memory_space<vmem>>, vector<1x2048xf32>,
    %convert_element_type3A_2453 = arith.fptosi %get3A_114 : vector<2048xf32> to vector<2048xi32>
    %jit3A_2454 = arith.constant 0 : i32
    %jit3A_2455 = arith.constant 4095 : i32
    %max3A_2456 = vector.broadcast %jit3A_2454 : i32 to vector<2048xi32>
    %max3A_2457 = arith.maxsi %max3A_2456, %convert_element_type3A_2453 : vector<2048xi32>
    %min3A_2458 = vector.broadcast %jit3A_2455 : i32 to vector<2048xi32>
    %min3A_2459 = arith.minsi %min3A_2458, %max3A_2457 : vector<2048xi32>
    %convert_element_type3A_2460 = arith.fptosi %get3A_118 : vector<2048xf32> to vector<2048xi32>
    %jit3A_2461 = arith.constant 0 : i32
    %jit3A_2462 = arith.constant 4095 : i32
    %max3A_2463 = vector.broadcast %jit3A_2461 : i32 to vector<2048xi32>
    %max3A_2464 = arith.maxsi %max3A_2463, %convert_element_type3A_2460 : vector<2048xi32>
    %min3A_2465 = vector.broadcast %jit3A_2462 : i32 to vector<2048xi32>
    %min3A_2466 = arith.minsi %min3A_2465, %max3A_2464 : vector<2048xi32>
    %shift_left3A_2467 = arith.constant 12 : i32
    %shift_left3A_2468 = vector.broadcast %shift_left3A_2467 : i32 to vector<2048xi32>
    %shift_left3A_2469 = arith.shli %min3A_2459, %shift_left3A_2468 : vector<2048xi32>
    %or3A_2470 = arith.ori %shift_left3A_2469, %min3A_2466 : vector<2048xi32>
    %swap3A_2471 = arith.constant 4 : index
    %swap3A_2472 = arith.constant 0 : index
    %swap3A_2473 = vector.load %arg7[%swap3A_2471, %swap3A_2472] : memref<32x2048xi32, #tpu.memory_space<vmem>>, vector<1x2048xi32>
    %swap3A_2474 = vector.shape_cast %swap3A_2473 : vector<1x2048xi32> to vector<2048xi32>
    %swap3A_2475 = vector.shape_cast %or3A_2470 : vector<2048xi32> to vector<1x2048xi32>
    tpu.vector_store %arg7[%swap3A_2471, %swap3A_2472], %swap3A_2475 {strides = array<i32>} : memref<32x2048xi32, #tpu.memory_space<vmem>>, vector<1x2048xi32>,
    %get3A_2476 = arith.constant 20 : index
    %get3A_2477 = arith.constant 0 : index
    %get3A_2478 = vector.load %arg8[%get3A_2476, %get3A_2477] : memref<128x2048xf32, #tpu.memory_space<vmem>>, vector<1x2048xf32>
    %get3A_2479 = vector.shape_cast %get3A_2478 : vector<1x2048xf32> to vector<2048xf32>
    %mul3A_2480 = arith.mulf %get3A_2479, %div3A_2210 : vector<2048xf32>
    %get3A_2481 = arith.constant 21 : index
    %get3A_2482 = arith.constant 0 : index
    %get3A_2483 = vector.load %arg8[%get3A_2481, %get3A_2482] : memref<128x2048xf32, #tpu.memory_space<vmem>>, vector<1x2048xf32>
    %get3A_2484 = vector.shape_cast %get3A_2483 : vector<1x2048xf32> to vector<2048xf32>
    %mul3A_2485 = arith.mulf %get3A_2484, %div3A_2215 : vector<2048xf32>
    %add3A_2486 = arith.addf %mul3A_2480, %mul3A_2485 : vector<2048xf32>
    %get3A_2487 = arith.constant 22 : index
    %get3A_2488 = arith.constant 0 : index
    %get3A_2489 = vector.load %arg8[%get3A_2487, %get3A_2488] : memref<128x2048xf32, #tpu.memory_space<vmem>>, vector<1x2048xf32>
    %get3A_2490 = vector.shape_cast %get3A_2489 : vector<1x2048xf32> to vector<2048xf32>
    %mul3A_2491 = arith.mulf %get3A_2490, %div3A_2220 : vector<2048xf32>
    %add3A_2492 = arith.addf %add3A_2486, %mul3A_2491 : vector<2048xf32>
    %get3A_2493 = arith.constant 23 : index
    %get3A_2494 = arith.constant 0 : index
    %get3A_2495 = vector.load %arg8[%get3A_2493, %get3A_2494] : memref<128x2048xf32, #tpu.memory_space<vmem>>, vector<1x2048xf32>
    %get3A_2496 = vector.shape_cast %get3A_2495 : vector<1x2048xf32> to vector<2048xf32>
    %mul3A_2497 = arith.mulf %get3A_2496, %div3A_2225 : vector<2048xf32>
    %add3A_2498 = arith.addf %add3A_2492, %mul3A_2497 : vector<2048xf32>
    %swap3A_2499 = arith.constant 5 : index
    %swap3A_2500 = arith.constant 0 : index
    %swap3A_2501 = vector.load %arg6[%swap3A_2499, %swap3A_2500] : memref<32x2048xf32, #tpu.memory_space<vmem>>, vector<1x2048xf32>
    %swap3A_2502 = vector.shape_cast %swap3A_2501 : vector<1x2048xf32> to vector<2048xf32>
    %swap3A_2503 = vector.shape_cast %add3A_2498 : vector<2048xf32> to vector<1x2048xf32>
    tpu.vector_store %arg6[%swap3A_2499, %swap3A_2500], %swap3A_2503 {strides = array<i32>} : memref<32x2048xf32, #tpu.memory_space<vmem>>, vector<1x2048xf32>,
    %convert_element_type3A_2504 = arith.fptosi %get3A_122 : vector<2048xf32> to vector<2048xi32>
    %jit3A_2505 = arith.constant 0 : i32
    %jit3A_2506 = arith.constant 4095 : i32
    %max3A_2507 = vector.broadcast %jit3A_2505 : i32 to vector<2048xi32>
    %max3A_2508 = arith.maxsi %max3A_2507, %convert_element_type3A_2504 : vector<2048xi32>
    %min3A_2509 = vector.broadcast %jit3A_2506 : i32 to vector<2048xi32>
    %min3A_2510 = arith.minsi %min3A_2509, %max3A_2508 : vector<2048xi32>
    %convert_element_type3A_2511 = arith.fptosi %get3A_126 : vector<2048xf32> to vector<2048xi32>
    %jit3A_2512 = arith.constant 0 : i32
    %jit3A_2513 = arith.constant 4095 : i32
    %max3A_2514 = vector.broadcast %jit3A_2512 : i32 to vector<2048xi32>
    %max3A_2515 = arith.maxsi %max3A_2514, %convert_element_type3A_2511 : vector<2048xi32>
    %min3A_2516 = vector.broadcast %jit3A_2513 : i32 to vector<2048xi32>
    %min3A_2517 = arith.minsi %min3A_2516, %max3A_2515 : vector<2048xi32>
    %shift_left3A_2518 = arith.constant 12 : i32
    %shift_left3A_2519 = vector.broadcast %shift_left3A_2518 : i32 to vector<2048xi32>
    %shift_left3A_2520 = arith.shli %min3A_2510, %shift_left3A_2519 : vector<2048xi32>
    %or3A_2521 = arith.ori %shift_left3A_2520, %min3A_2517 : vector<2048xi32>
    %swap3A_2522 = arith.constant 5 : index
    %swap3A_2523 = arith.constant 0 : index
    %swap3A_2524 = vector.load %arg7[%swap3A_2522, %swap3A_2523] : memref<32x2048xi32, #tpu.memory_space<vmem>>, vector<1x2048xi32>
    %swap3A_2525 = vector.shape_cast %swap3A_2524 : vector<1x2048xi32> to vector<2048xi32>
    %swap3A_2526 = vector.shape_cast %or3A_2521 : vector<2048xi32> to vector<1x2048xi32>
    tpu.vector_store %arg7[%swap3A_2522, %swap3A_2523], %swap3A_2526 {strides = array<i32>} : memref<32x2048xi32, #tpu.memory_space<vmem>>, vector<1x2048xi32>,
    %get3A_2527 = arith.constant 24 : index
    %get3A_2528 = arith.constant 0 : index
    %get3A_2529 = vector.load %arg8[%get3A_2527, %get3A_2528] : memref<128x2048xf32, #tpu.memory_space<vmem>>, vector<1x2048xf32>
    %get3A_2530 = vector.shape_cast %get3A_2529 : vector<1x2048xf32> to vector<2048xf32>
    %mul3A_2531 = arith.mulf %get3A_2530, %div3A_2210 : vector<2048xf32>
    %get3A_2532 = arith.constant 25 : index
    %get3A_2533 = arith.constant 0 : index
    %get3A_2534 = vector.load %arg8[%get3A_2532, %get3A_2533] : memref<128x2048xf32, #tpu.memory_space<vmem>>, vector<1x2048xf32>
    %get3A_2535 = vector.shape_cast %get3A_2534 : vector<1x2048xf32> to vector<2048xf32>
    %mul3A_2536 = arith.mulf %get3A_2535, %div3A_2215 : vector<2048xf32>
    %add3A_2537 = arith.addf %mul3A_2531, %mul3A_2536 : vector<2048xf32>
    %get3A_2538 = arith.constant 26 : index
    %get3A_2539 = arith.constant 0 : index
    %get3A_2540 = vector.load %arg8[%get3A_2538, %get3A_2539] : memref<128x2048xf32, #tpu.memory_space<vmem>>, vector<1x2048xf32>
    %get3A_2541 = vector.shape_cast %get3A_2540 : vector<1x2048xf32> to vector<2048xf32>
    %mul3A_2542 = arith.mulf %get3A_2541, %div3A_2220 : vector<2048xf32>
    %add3A_2543 = arith.addf %add3A_2537, %mul3A_2542 : vector<2048xf32>
    %get3A_2544 = arith.constant 27 : index
    %get3A_2545 = arith.constant 0 : index
    %get3A_2546 = vector.load %arg8[%get3A_2544, %get3A_2545] : memref<128x2048xf32, #tpu.memory_space<vmem>>, vector<1x2048xf32>
    %get3A_2547 = vector.shape_cast %get3A_2546 : vector<1x2048xf32> to vector<2048xf32>
    %mul3A_2548 = arith.mulf %get3A_2547, %div3A_2225 : vector<2048xf32>
    %add3A_2549 = arith.addf %add3A_2543, %mul3A_2548 : vector<2048xf32>
    %swap3A_2550 = arith.constant 6 : index
    %swap3A_2551 = arith.constant 0 : index
    %swap3A_2552 = vector.load %arg6[%swap3A_2550, %swap3A_2551] : memref<32x2048xf32, #tpu.memory_space<vmem>>, vector<1x2048xf32>
    %swap3A_2553 = vector.shape_cast %swap3A_2552 : vector<1x2048xf32> to vector<2048xf32>
    %swap3A_2554 = vector.shape_cast %add3A_2549 : vector<2048xf32> to vector<1x2048xf32>
    tpu.vector_store %arg6[%swap3A_2550, %swap3A_2551], %swap3A_2554 {strides = array<i32>} : memref<32x2048xf32, #tpu.memory_space<vmem>>, vector<1x2048xf32>,
    %convert_element_type3A_2555 = arith.fptosi %floor3A_162 : vector<2048xf32> to vector<2048xi32>
    %jit3A_2556 = arith.constant 0 : i32
    %jit3A_2557 = arith.constant 4095 : i32
    %max3A_2558 = vector.broadcast %jit3A_2556 : i32 to vector<2048xi32>
    %max3A_2559 = arith.maxsi %max3A_2558, %convert_element_type3A_2555 : vector<2048xi32>
    %min3A_2560 = vector.broadcast %jit3A_2557 : i32 to vector<2048xi32>
    %min3A_2561 = arith.minsi %min3A_2560, %max3A_2559 : vector<2048xi32>
    %convert_element_type3A_2562 = arith.fptosi %floor3A_168 : vector<2048xf32> to vector<2048xi32>
    %jit3A_2563 = arith.constant 0 : i32
    %jit3A_2564 = arith.constant 4095 : i32
    %max3A_2565 = vector.broadcast %jit3A_2563 : i32 to vector<2048xi32>
    %max3A_2566 = arith.maxsi %max3A_2565, %convert_element_type3A_2562 : vector<2048xi32>
    %min3A_2567 = vector.broadcast %jit3A_2564 : i32 to vector<2048xi32>
    %min3A_2568 = arith.minsi %min3A_2567, %max3A_2566 : vector<2048xi32>
    %shift_left3A_2569 = arith.constant 12 : i32
    %shift_left3A_2570 = vector.broadcast %shift_left3A_2569 : i32 to vector<2048xi32>
    %shift_left3A_2571 = arith.shli %min3A_2561, %shift_left3A_2570 : vector<2048xi32>
    %or3A_2572 = arith.ori %shift_left3A_2571, %min3A_2568 : vector<2048xi32>
    %swap3A_2573 = arith.constant 6 : index
    %swap3A_2574 = arith.constant 0 : index
    %swap3A_2575 = vector.load %arg7[%swap3A_2573, %swap3A_2574] : memref<32x2048xi32, #tpu.memory_space<vmem>>, vector<1x2048xi32>
    %swap3A_2576 = vector.shape_cast %swap3A_2575 : vector<1x2048xi32> to vector<2048xi32>
    %swap3A_2577 = vector.shape_cast %or3A_2572 : vector<2048xi32> to vector<1x2048xi32>
    tpu.vector_store %arg7[%swap3A_2573, %swap3A_2574], %swap3A_2577 {strides = array<i32>} : memref<32x2048xi32, #tpu.memory_space<vmem>>, vector<1x2048xi32>,
    %get3A_2578 = arith.constant 28 : index
    %get3A_2579 = arith.constant 0 : index
    %get3A_2580 = vector.load %arg8[%get3A_2578, %get3A_2579] : memref<128x2048xf32, #tpu.memory_space<vmem>>, vector<1x2048xf32>
    %get3A_2581 = vector.shape_cast %get3A_2580 : vector<1x2048xf32> to vector<2048xf32>
    %mul3A_2582 = arith.mulf %get3A_2581, %div3A_2210 : vector<2048xf32>
    %get3A_2583 = arith.constant 29 : index
    %get3A_2584 = arith.constant 0 : index
    %get3A_2585 = vector.load %arg8[%get3A_2583, %get3A_2584] : memref<128x2048xf32, #tpu.memory_space<vmem>>, vector<1x2048xf32>
    %get3A_2586 = vector.shape_cast %get3A_2585 : vector<1x2048xf32> to vector<2048xf32>
    %mul3A_2587 = arith.mulf %get3A_2586, %div3A_2215 : vector<2048xf32>
    %add3A_2588 = arith.addf %mul3A_2582, %mul3A_2587 : vector<2048xf32>
    %get3A_2589 = arith.constant 30 : index
    %get3A_2590 = arith.constant 0 : index
    %get3A_2591 = vector.load %arg8[%get3A_2589, %get3A_2590] : memref<128x2048xf32, #tpu.memory_space<vmem>>, vector<1x2048xf32>
    %get3A_2592 = vector.shape_cast %get3A_2591 : vector<1x2048xf32> to vector<2048xf32>
    %mul3A_2593 = arith.mulf %get3A_2592, %div3A_2220 : vector<2048xf32>
    %add3A_2594 = arith.addf %add3A_2588, %mul3A_2593 : vector<2048xf32>
    %get3A_2595 = arith.constant 31 : index
    %get3A_2596 = arith.constant 0 : index
    %get3A_2597 = vector.load %arg8[%get3A_2595, %get3A_2596] : memref<128x2048xf32, #tpu.memory_space<vmem>>, vector<1x2048xf32>
    %get3A_2598 = vector.shape_cast %get3A_2597 : vector<1x2048xf32> to vector<2048xf32>
    %mul3A_2599 = arith.mulf %get3A_2598, %div3A_2225 : vector<2048xf32>
    %add3A_2600 = arith.addf %add3A_2594, %mul3A_2599 : vector<2048xf32>
    %swap3A_2601 = arith.constant 7 : index
    %swap3A_2602 = arith.constant 0 : index
    %swap3A_2603 = vector.load %arg6[%swap3A_2601, %swap3A_2602] : memref<32x2048xf32, #tpu.memory_space<vmem>>, vector<1x2048xf32>
    %swap3A_2604 = vector.shape_cast %swap3A_2603 : vector<1x2048xf32> to vector<2048xf32>
    %swap3A_2605 = vector.shape_cast %add3A_2600 : vector<2048xf32> to vector<1x2048xf32>
    tpu.vector_store %arg6[%swap3A_2601, %swap3A_2602], %swap3A_2605 {strides = array<i32>} : memref<32x2048xf32, #tpu.memory_space<vmem>>, vector<1x2048xf32>,
    %convert_element_type3A_2606 = arith.fptosi %floor3A_174 : vector<2048xf32> to vector<2048xi32>
    %jit3A_2607 = arith.constant 0 : i32
    %jit3A_2608 = arith.constant 4095 : i32
    %max3A_2609 = vector.broadcast %jit3A_2607 : i32 to vector<2048xi32>
    %max3A_2610 = arith.maxsi %max3A_2609, %convert_element_type3A_2606 : vector<2048xi32>
    %min3A_2611 = vector.broadcast %jit3A_2608 : i32 to vector<2048xi32>
    %min3A_2612 = arith.minsi %min3A_2611, %max3A_2610 : vector<2048xi32>
    %convert_element_type3A_2613 = arith.fptosi %floor3A_180 : vector<2048xf32> to vector<2048xi32>
    %jit3A_2614 = arith.constant 0 : i32
    %jit3A_2615 = arith.constant 4095 : i32
    %max3A_2616 = vector.broadcast %jit3A_2614 : i32 to vector<2048xi32>
    %max3A_2617 = arith.maxsi %max3A_2616, %convert_element_type3A_2613 : vector<2048xi32>
    %min3A_2618 = vector.broadcast %jit3A_2615 : i32 to vector<2048xi32>
    %min3A_2619 = arith.minsi %min3A_2618, %max3A_2617 : vector<2048xi32>
    %shift_left3A_2620 = arith.constant 12 : i32
    %shift_left3A_2621 = vector.broadcast %shift_left3A_2620 : i32 to vector<2048xi32>
    %shift_left3A_2622 = arith.shli %min3A_2612, %shift_left3A_2621 : vector<2048xi32>
    %or3A_2623 = arith.ori %shift_left3A_2622, %min3A_2619 : vector<2048xi32>
    %swap3A_2624 = arith.constant 7 : index
    %swap3A_2625 = arith.constant 0 : index
    %swap3A_2626 = vector.load %arg7[%swap3A_2624, %swap3A_2625] : memref<32x2048xi32, #tpu.memory_space<vmem>>, vector<1x2048xi32>
    %swap3A_2627 = vector.shape_cast %swap3A_2626 : vector<1x2048xi32> to vector<2048xi32>
    %swap3A_2628 = vector.shape_cast %or3A_2623 : vector<2048xi32> to vector<1x2048xi32>
    tpu.vector_store %arg7[%swap3A_2624, %swap3A_2625], %swap3A_2628 {strides = array<i32>} : memref<32x2048xi32, #tpu.memory_space<vmem>>, vector<1x2048xi32>,
    %get3A_2629 = arith.constant 32 : index
    %get3A_2630 = arith.constant 0 : index
    %get3A_2631 = vector.load %arg8[%get3A_2629, %get3A_2630] : memref<128x2048xf32, #tpu.memory_space<vmem>>, vector<1x2048xf32>
    %get3A_2632 = vector.shape_cast %get3A_2631 : vector<1x2048xf32> to vector<2048xf32>
    %mul3A_2633 = arith.mulf %get3A_2632, %div3A_2210 : vector<2048xf32>
    %get3A_2634 = arith.constant 33 : index
    %get3A_2635 = arith.constant 0 : index
    %get3A_2636 = vector.load %arg8[%get3A_2634, %get3A_2635] : memref<128x2048xf32, #tpu.memory_space<vmem>>, vector<1x2048xf32>
    %get3A_2637 = vector.shape_cast %get3A_2636 : vector<1x2048xf32> to vector<2048xf32>
    %mul3A_2638 = arith.mulf %get3A_2637, %div3A_2215 : vector<2048xf32>
    %add3A_2639 = arith.addf %mul3A_2633, %mul3A_2638 : vector<2048xf32>
    %get3A_2640 = arith.constant 34 : index
    %get3A_2641 = arith.constant 0 : index
    %get3A_2642 = vector.load %arg8[%get3A_2640, %get3A_2641] : memref<128x2048xf32, #tpu.memory_space<vmem>>, vector<1x2048xf32>
    %get3A_2643 = vector.shape_cast %get3A_2642 : vector<1x2048xf32> to vector<2048xf32>
    %mul3A_2644 = arith.mulf %get3A_2643, %div3A_2220 : vector<2048xf32>
    %add3A_2645 = arith.addf %add3A_2639, %mul3A_2644 : vector<2048xf32>
    %get3A_2646 = arith.constant 35 : index
    %get3A_2647 = arith.constant 0 : index
    %get3A_2648 = vector.load %arg8[%get3A_2646, %get3A_2647] : memref<128x2048xf32, #tpu.memory_space<vmem>>, vector<1x2048xf32>
    %get3A_2649 = vector.shape_cast %get3A_2648 : vector<1x2048xf32> to vector<2048xf32>
    %mul3A_2650 = arith.mulf %get3A_2649, %div3A_2225 : vector<2048xf32>
    %add3A_2651 = arith.addf %add3A_2645, %mul3A_2650 : vector<2048xf32>
    %swap3A_2652 = arith.constant 8 : index
    %swap3A_2653 = arith.constant 0 : index
    %swap3A_2654 = vector.load %arg6[%swap3A_2652, %swap3A_2653] : memref<32x2048xf32, #tpu.memory_space<vmem>>, vector<1x2048xf32>
    %swap3A_2655 = vector.shape_cast %swap3A_2654 : vector<1x2048xf32> to vector<2048xf32>
    %swap3A_2656 = vector.shape_cast %add3A_2651 : vector<2048xf32> to vector<1x2048xf32>
    tpu.vector_store %arg6[%swap3A_2652, %swap3A_2653], %swap3A_2656 {strides = array<i32>} : memref<32x2048xf32, #tpu.memory_space<vmem>>, vector<1x2048xf32>,
    %convert_element_type3A_2657 = arith.fptosi %floor3A_181 : vector<2048xf32> to vector<2048xi32>
    %jit3A_2658 = arith.constant 0 : i32
    %jit3A_2659 = arith.constant 4095 : i32
    %max3A_2660 = vector.broadcast %jit3A_2658 : i32 to vector<2048xi32>
    %max3A_2661 = arith.maxsi %max3A_2660, %convert_element_type3A_2657 : vector<2048xi32>
    %min3A_2662 = vector.broadcast %jit3A_2659 : i32 to vector<2048xi32>
    %min3A_2663 = arith.minsi %min3A_2662, %max3A_2661 : vector<2048xi32>
    %convert_element_type3A_2664 = arith.fptosi %floor3A_183 : vector<2048xf32> to vector<2048xi32>
    %jit3A_2665 = arith.constant 0 : i32
    %jit3A_2666 = arith.constant 4095 : i32
    %max3A_2667 = vector.broadcast %jit3A_2665 : i32 to vector<2048xi32>
    %max3A_2668 = arith.maxsi %max3A_2667, %convert_element_type3A_2664 : vector<2048xi32>
    %min3A_2669 = vector.broadcast %jit3A_2666 : i32 to vector<2048xi32>
    %min3A_2670 = arith.minsi %min3A_2669, %max3A_2668 : vector<2048xi32>
    %shift_left3A_2671 = arith.constant 12 : i32
    %shift_left3A_2672 = vector.broadcast %shift_left3A_2671 : i32 to vector<2048xi32>
    %shift_left3A_2673 = arith.shli %min3A_2663, %shift_left3A_2672 : vector<2048xi32>
    %or3A_2674 = arith.ori %shift_left3A_2673, %min3A_2670 : vector<2048xi32>
    %swap3A_2675 = arith.constant 8 : index
    %swap3A_2676 = arith.constant 0 : index
    %swap3A_2677 = vector.load %arg7[%swap3A_2675, %swap3A_2676] : memref<32x2048xi32, #tpu.memory_space<vmem>>, vector<1x2048xi32>
    %swap3A_2678 = vector.shape_cast %swap3A_2677 : vector<1x2048xi32> to vector<2048xi32>
    %swap3A_2679 = vector.shape_cast %or3A_2674 : vector<2048xi32> to vector<1x2048xi32>
    tpu.vector_store %arg7[%swap3A_2675, %swap3A_2676], %swap3A_2679 {strides = array<i32>} : memref<32x2048xi32, #tpu.memory_space<vmem>>, vector<1x2048xi32>,
    %get3A_2680 = arith.constant 36 : index
    %get3A_2681 = arith.constant 0 : index
    %get3A_2682 = vector.load %arg8[%get3A_2680, %get3A_2681] : memref<128x2048xf32, #tpu.memory_space<vmem>>, vector<1x2048xf32>
    %get3A_2683 = vector.shape_cast %get3A_2682 : vector<1x2048xf32> to vector<2048xf32>
    %mul3A_2684 = arith.mulf %get3A_2683, %div3A_2210 : vector<2048xf32>
    %get3A_2685 = arith.constant 37 : index
    %get3A_2686 = arith.constant 0 : index
    %get3A_2687 = vector.load %arg8[%get3A_2685, %get3A_2686] : memref<128x2048xf32, #tpu.memory_space<vmem>>, vector<1x2048xf32>
    %get3A_2688 = vector.shape_cast %get3A_2687 : vector<1x2048xf32> to vector<2048xf32>
    %mul3A_2689 = arith.mulf %get3A_2688, %div3A_2215 : vector<2048xf32>
    %add3A_2690 = arith.addf %mul3A_2684, %mul3A_2689 : vector<2048xf32>
    %get3A_2691 = arith.constant 38 : index
    %get3A_2692 = arith.constant 0 : index
    %get3A_2693 = vector.load %arg8[%get3A_2691, %get3A_2692] : memref<128x2048xf32, #tpu.memory_space<vmem>>, vector<1x2048xf32>
    %get3A_2694 = vector.shape_cast %get3A_2693 : vector<1x2048xf32> to vector<2048xf32>
    %mul3A_2695 = arith.mulf %get3A_2694, %div3A_2220 : vector<2048xf32>
    %add3A_2696 = arith.addf %add3A_2690, %mul3A_2695 : vector<2048xf32>
    %get3A_2697 = arith.constant 39 : index
    %get3A_2698 = arith.constant 0 : index
    %get3A_2699 = vector.load %arg8[%get3A_2697, %get3A_2698] : memref<128x2048xf32, #tpu.memory_space<vmem>>, vector<1x2048xf32>
    %get3A_2700 = vector.shape_cast %get3A_2699 : vector<1x2048xf32> to vector<2048xf32>
    %mul3A_2701 = arith.mulf %get3A_2700, %div3A_2225 : vector<2048xf32>
    %add3A_2702 = arith.addf %add3A_2696, %mul3A_2701 : vector<2048xf32>
    %swap3A_2703 = arith.constant 9 : index
    %swap3A_2704 = arith.constant 0 : index
    %swap3A_2705 = vector.load %arg6[%swap3A_2703, %swap3A_2704] : memref<32x2048xf32, #tpu.memory_space<vmem>>, vector<1x2048xf32>
    %swap3A_2706 = vector.shape_cast %swap3A_2705 : vector<1x2048xf32> to vector<2048xf32>
    %swap3A_2707 = vector.shape_cast %add3A_2702 : vector<2048xf32> to vector<1x2048xf32>
    tpu.vector_store %arg6[%swap3A_2703, %swap3A_2704], %swap3A_2707 {strides = array<i32>} : memref<32x2048xf32, #tpu.memory_space<vmem>>, vector<1x2048xf32>,
    %convert_element_type3A_2708 = arith.fptosi %floor3A_181 : vector<2048xf32> to vector<2048xi32>
    %jit3A_2709 = arith.constant 0 : i32
    %jit3A_2710 = arith.constant 4095 : i32
    %max3A_2711 = vector.broadcast %jit3A_2709 : i32 to vector<2048xi32>
    %max3A_2712 = arith.maxsi %max3A_2711, %convert_element_type3A_2708 : vector<2048xi32>
    %min3A_2713 = vector.broadcast %jit3A_2710 : i32 to vector<2048xi32>
    %min3A_2714 = arith.minsi %min3A_2713, %max3A_2712 : vector<2048xi32>
    %convert_element_type3A_2715 = arith.fptosi %ceil3A_184 : vector<2048xf32> to vector<2048xi32>
    %jit3A_2716 = arith.constant 0 : i32
    %jit3A_2717 = arith.constant 4095 : i32
    %max3A_2718 = vector.broadcast %jit3A_2716 : i32 to vector<2048xi32>
    %max3A_2719 = arith.maxsi %max3A_2718, %convert_element_type3A_2715 : vector<2048xi32>
    %min3A_2720 = vector.broadcast %jit3A_2717 : i32 to vector<2048xi32>
    %min3A_2721 = arith.minsi %min3A_2720, %max3A_2719 : vector<2048xi32>
    %shift_left3A_2722 = arith.constant 12 : i32
    %shift_left3A_2723 = vector.broadcast %shift_left3A_2722 : i32 to vector<2048xi32>
    %shift_left3A_2724 = arith.shli %min3A_2714, %shift_left3A_2723 : vector<2048xi32>
    %or3A_2725 = arith.ori %shift_left3A_2724, %min3A_2721 : vector<2048xi32>
    %swap3A_2726 = arith.constant 9 : index
    %swap3A_2727 = arith.constant 0 : index
    %swap3A_2728 = vector.load %arg7[%swap3A_2726, %swap3A_2727] : memref<32x2048xi32, #tpu.memory_space<vmem>>, vector<1x2048xi32>
    %swap3A_2729 = vector.shape_cast %swap3A_2728 : vector<1x2048xi32> to vector<2048xi32>
    %swap3A_2730 = vector.shape_cast %or3A_2725 : vector<2048xi32> to vector<1x2048xi32>
    tpu.vector_store %arg7[%swap3A_2726, %swap3A_2727], %swap3A_2730 {strides = array<i32>} : memref<32x2048xi32, #tpu.memory_space<vmem>>, vector<1x2048xi32>,
    %get3A_2731 = arith.constant 40 : index
    %get3A_2732 = arith.constant 0 : index
    %get3A_2733 = vector.load %arg8[%get3A_2731, %get3A_2732] : memref<128x2048xf32, #tpu.memory_space<vmem>>, vector<1x2048xf32>
    %get3A_2734 = vector.shape_cast %get3A_2733 : vector<1x2048xf32> to vector<2048xf32>
    %mul3A_2735 = arith.mulf %get3A_2734, %div3A_2210 : vector<2048xf32>
    %get3A_2736 = arith.constant 41 : index
    %get3A_2737 = arith.constant 0 : index
    %get3A_2738 = vector.load %arg8[%get3A_2736, %get3A_2737] : memref<128x2048xf32, #tpu.memory_space<vmem>>, vector<1x2048xf32>
    %get3A_2739 = vector.shape_cast %get3A_2738 : vector<1x2048xf32> to vector<2048xf32>
    %mul3A_2740 = arith.mulf %get3A_2739, %div3A_2215 : vector<2048xf32>
    %add3A_2741 = arith.addf %mul3A_2735, %mul3A_2740 : vector<2048xf32>
    %get3A_2742 = arith.constant 42 : index
    %get3A_2743 = arith.constant 0 : index
    %get3A_2744 = vector.load %arg8[%get3A_2742, %get3A_2743] : memref<128x2048xf32, #tpu.memory_space<vmem>>, vector<1x2048xf32>
    %get3A_2745 = vector.shape_cast %get3A_2744 : vector<1x2048xf32> to vector<2048xf32>
    %mul3A_2746 = arith.mulf %get3A_2745, %div3A_2220 : vector<2048xf32>
    %add3A_2747 = arith.addf %add3A_2741, %mul3A_2746 : vector<2048xf32>
    %get3A_2748 = arith.constant 43 : index
    %get3A_2749 = arith.constant 0 : index
    %get3A_2750 = vector.load %arg8[%get3A_2748, %get3A_2749] : memref<128x2048xf32, #tpu.memory_space<vmem>>, vector<1x2048xf32>
    %get3A_2751 = vector.shape_cast %get3A_2750 : vector<1x2048xf32> to vector<2048xf32>
    %mul3A_2752 = arith.mulf %get3A_2751, %div3A_2225 : vector<2048xf32>
    %add3A_2753 = arith.addf %add3A_2747, %mul3A_2752 : vector<2048xf32>
    %swap3A_2754 = arith.constant 10 : index
    %swap3A_2755 = arith.constant 0 : index
    %swap3A_2756 = vector.load %arg6[%swap3A_2754, %swap3A_2755] : memref<32x2048xf32, #tpu.memory_space<vmem>>, vector<1x2048xf32>
    %swap3A_2757 = vector.shape_cast %swap3A_2756 : vector<1x2048xf32> to vector<2048xf32>
    %swap3A_2758 = vector.shape_cast %add3A_2753 : vector<2048xf32> to vector<1x2048xf32>
    tpu.vector_store %arg6[%swap3A_2754, %swap3A_2755], %swap3A_2758 {strides = array<i32>} : memref<32x2048xf32, #tpu.memory_space<vmem>>, vector<1x2048xf32>,
    %convert_element_type3A_2759 = arith.fptosi %ceil3A_182 : vector<2048xf32> to vector<2048xi32>
    %jit3A_2760 = arith.constant 0 : i32
    %jit3A_2761 = arith.constant 4095 : i32
    %max3A_2762 = vector.broadcast %jit3A_2760 : i32 to vector<2048xi32>
    %max3A_2763 = arith.maxsi %max3A_2762, %convert_element_type3A_2759 : vector<2048xi32>
    %min3A_2764 = vector.broadcast %jit3A_2761 : i32 to vector<2048xi32>
    %min3A_2765 = arith.minsi %min3A_2764, %max3A_2763 : vector<2048xi32>
    %convert_element_type3A_2766 = arith.fptosi %floor3A_183 : vector<2048xf32> to vector<2048xi32>
    %jit3A_2767 = arith.constant 0 : i32
    %jit3A_2768 = arith.constant 4095 : i32
    %max3A_2769 = vector.broadcast %jit3A_2767 : i32 to vector<2048xi32>
    %max3A_2770 = arith.maxsi %max3A_2769, %convert_element_type3A_2766 : vector<2048xi32>
    %min3A_2771 = vector.broadcast %jit3A_2768 : i32 to vector<2048xi32>
    %min3A_2772 = arith.minsi %min3A_2771, %max3A_2770 : vector<2048xi32>
    %shift_left3A_2773 = arith.constant 12 : i32
    %shift_left3A_2774 = vector.broadcast %shift_left3A_2773 : i32 to vector<2048xi32>
    %shift_left3A_2775 = arith.shli %min3A_2765, %shift_left3A_2774 : vector<2048xi32>
    %or3A_2776 = arith.ori %shift_left3A_2775, %min3A_2772 : vector<2048xi32>
    %swap3A_2777 = arith.constant 10 : index
    %swap3A_2778 = arith.constant 0 : index
    %swap3A_2779 = vector.load %arg7[%swap3A_2777, %swap3A_2778] : memref<32x2048xi32, #tpu.memory_space<vmem>>, vector<1x2048xi32>
    %swap3A_2780 = vector.shape_cast %swap3A_2779 : vector<1x2048xi32> to vector<2048xi32>
    %swap3A_2781 = vector.shape_cast %or3A_2776 : vector<2048xi32> to vector<1x2048xi32>
    tpu.vector_store %arg7[%swap3A_2777, %swap3A_2778], %swap3A_2781 {strides = array<i32>} : memref<32x2048xi32, #tpu.memory_space<vmem>>, vector<1x2048xi32>,
    %get3A_2782 = arith.constant 44 : index
    %get3A_2783 = arith.constant 0 : index
    %get3A_2784 = vector.load %arg8[%get3A_2782, %get3A_2783] : memref<128x2048xf32, #tpu.memory_space<vmem>>, vector<1x2048xf32>
    %get3A_2785 = vector.shape_cast %get3A_2784 : vector<1x2048xf32> to vector<2048xf32>
    %mul3A_2786 = arith.mulf %get3A_2785, %div3A_2210 : vector<2048xf32>
    %get3A_2787 = arith.constant 45 : index
    %get3A_2788 = arith.constant 0 : index
    %get3A_2789 = vector.load %arg8[%get3A_2787, %get3A_2788] : memref<128x2048xf32, #tpu.memory_space<vmem>>, vector<1x2048xf32>
    %get3A_2790 = vector.shape_cast %get3A_2789 : vector<1x2048xf32> to vector<2048xf32>
    %mul3A_2791 = arith.mulf %get3A_2790, %div3A_2215 : vector<2048xf32>
    %add3A_2792 = arith.addf %mul3A_2786, %mul3A_2791 : vector<2048xf32>
    %get3A_2793 = arith.constant 46 : index
    %get3A_2794 = arith.constant 0 : index
    %get3A_2795 = vector.load %arg8[%get3A_2793, %get3A_2794] : memref<128x2048xf32, #tpu.memory_space<vmem>>, vector<1x2048xf32>
    %get3A_2796 = vector.shape_cast %get3A_2795 : vector<1x2048xf32> to vector<2048xf32>
    %mul3A_2797 = arith.mulf %get3A_2796, %div3A_2220 : vector<2048xf32>
    %add3A_2798 = arith.addf %add3A_2792, %mul3A_2797 : vector<2048xf32>
    %get3A_2799 = arith.constant 47 : index
    %get3A_2800 = arith.constant 0 : index
    %get3A_2801 = vector.load %arg8[%get3A_2799, %get3A_2800] : memref<128x2048xf32, #tpu.memory_space<vmem>>, vector<1x2048xf32>
    %get3A_2802 = vector.shape_cast %get3A_2801 : vector<1x2048xf32> to vector<2048xf32>
    %mul3A_2803 = arith.mulf %get3A_2802, %div3A_2225 : vector<2048xf32>
    %add3A_2804 = arith.addf %add3A_2798, %mul3A_2803 : vector<2048xf32>
    %swap3A_2805 = arith.constant 11 : index
    %swap3A_2806 = arith.constant 0 : index
    %swap3A_2807 = vector.load %arg6[%swap3A_2805, %swap3A_2806] : memref<32x2048xf32, #tpu.memory_space<vmem>>, vector<1x2048xf32>
    %swap3A_2808 = vector.shape_cast %swap3A_2807 : vector<1x2048xf32> to vector<2048xf32>
    %swap3A_2809 = vector.shape_cast %add3A_2804 : vector<2048xf32> to vector<1x2048xf32>
    tpu.vector_store %arg6[%swap3A_2805, %swap3A_2806], %swap3A_2809 {strides = array<i32>} : memref<32x2048xf32, #tpu.memory_space<vmem>>, vector<1x2048xf32>,
    %convert_element_type3A_2810 = arith.fptosi %ceil3A_182 : vector<2048xf32> to vector<2048xi32>
    %jit3A_2811 = arith.constant 0 : i32
    %jit3A_2812 = arith.constant 4095 : i32
    %max3A_2813 = vector.broadcast %jit3A_2811 : i32 to vector<2048xi32>
    %max3A_2814 = arith.maxsi %max3A_2813, %convert_element_type3A_2810 : vector<2048xi32>
    %min3A_2815 = vector.broadcast %jit3A_2812 : i32 to vector<2048xi32>
    %min3A_2816 = arith.minsi %min3A_2815, %max3A_2814 : vector<2048xi32>
    %convert_element_type3A_2817 = arith.fptosi %ceil3A_184 : vector<2048xf32> to vector<2048xi32>
    %jit3A_2818 = arith.constant 0 : i32
    %jit3A_2819 = arith.constant 4095 : i32
    %max3A_2820 = vector.broadcast %jit3A_2818 : i32 to vector<2048xi32>
    %max3A_2821 = arith.maxsi %max3A_2820, %convert_element_type3A_2817 : vector<2048xi32>
    %min3A_2822 = vector.broadcast %jit3A_2819 : i32 to vector<2048xi32>
    %min3A_2823 = arith.minsi %min3A_2822, %max3A_2821 : vector<2048xi32>
    %shift_left3A_2824 = arith.constant 12 : i32
    %shift_left3A_2825 = vector.broadcast %shift_left3A_2824 : i32 to vector<2048xi32>
    %shift_left3A_2826 = arith.shli %min3A_2816, %shift_left3A_2825 : vector<2048xi32>
    %or3A_2827 = arith.ori %shift_left3A_2826, %min3A_2823 : vector<2048xi32>
    %swap3A_2828 = arith.constant 11 : index
    %swap3A_2829 = arith.constant 0 : index
    %swap3A_2830 = vector.load %arg7[%swap3A_2828, %swap3A_2829] : memref<32x2048xi32, #tpu.memory_space<vmem>>, vector<1x2048xi32>
    %swap3A_2831 = vector.shape_cast %swap3A_2830 : vector<1x2048xi32> to vector<2048xi32>
    %swap3A_2832 = vector.shape_cast %or3A_2827 : vector<2048xi32> to vector<1x2048xi32>
    tpu.vector_store %arg7[%swap3A_2828, %swap3A_2829], %swap3A_2832 {strides = array<i32>} : memref<32x2048xi32, #tpu.memory_space<vmem>>, vector<1x2048xi32>,
    %get3A_2833 = arith.constant 48 : index
    %get3A_2834 = arith.constant 0 : index
    %get3A_2835 = vector.load %arg8[%get3A_2833, %get3A_2834] : memref<128x2048xf32, #tpu.memory_space<vmem>>, vector<1x2048xf32>
    %get3A_2836 = vector.shape_cast %get3A_2835 : vector<1x2048xf32> to vector<2048xf32>
    %mul3A_2837 = arith.mulf %get3A_2836, %div3A_2210 : vector<2048xf32>
    %get3A_2838 = arith.constant 49 : index
    %get3A_2839 = arith.constant 0 : index
    %get3A_2840 = vector.load %arg8[%get3A_2838, %get3A_2839] : memref<128x2048xf32, #tpu.memory_space<vmem>>, vector<1x2048xf32>
    %get3A_2841 = vector.shape_cast %get3A_2840 : vector<1x2048xf32> to vector<2048xf32>
    %mul3A_2842 = arith.mulf %get3A_2841, %div3A_2215 : vector<2048xf32>
    %add3A_2843 = arith.addf %mul3A_2837, %mul3A_2842 : vector<2048xf32>
    %get3A_2844 = arith.constant 50 : index
    %get3A_2845 = arith.constant 0 : index
    %get3A_2846 = vector.load %arg8[%get3A_2844, %get3A_2845] : memref<128x2048xf32, #tpu.memory_space<vmem>>, vector<1x2048xf32>
    %get3A_2847 = vector.shape_cast %get3A_2846 : vector<1x2048xf32> to vector<2048xf32>
    %mul3A_2848 = arith.mulf %get3A_2847, %div3A_2220 : vector<2048xf32>
    %add3A_2849 = arith.addf %add3A_2843, %mul3A_2848 : vector<2048xf32>
    %get3A_2850 = arith.constant 51 : index
    %get3A_2851 = arith.constant 0 : index
    %get3A_2852 = vector.load %arg8[%get3A_2850, %get3A_2851] : memref<128x2048xf32, #tpu.memory_space<vmem>>, vector<1x2048xf32>
    %get3A_2853 = vector.shape_cast %get3A_2852 : vector<1x2048xf32> to vector<2048xf32>
    %mul3A_2854 = arith.mulf %get3A_2853, %div3A_2225 : vector<2048xf32>
    %add3A_2855 = arith.addf %add3A_2849, %mul3A_2854 : vector<2048xf32>
    %swap3A_2856 = arith.constant 12 : index
    %swap3A_2857 = arith.constant 0 : index
    %swap3A_2858 = vector.load %arg6[%swap3A_2856, %swap3A_2857] : memref<32x2048xf32, #tpu.memory_space<vmem>>, vector<1x2048xf32>
    %swap3A_2859 = vector.shape_cast %swap3A_2858 : vector<1x2048xf32> to vector<2048xf32>
    %swap3A_2860 = vector.shape_cast %add3A_2855 : vector<2048xf32> to vector<1x2048xf32>
    tpu.vector_store %arg6[%swap3A_2856, %swap3A_2857], %swap3A_2860 {strides = array<i32>} : memref<32x2048xf32, #tpu.memory_space<vmem>>, vector<1x2048xf32>,
    %convert_element_type3A_2861 = arith.fptosi %get3A_188 : vector<2048xf32> to vector<2048xi32>
    %jit3A_2862 = arith.constant 0 : i32
    %jit3A_2863 = arith.constant 4095 : i32
    %max3A_2864 = vector.broadcast %jit3A_2862 : i32 to vector<2048xi32>
    %max3A_2865 = arith.maxsi %max3A_2864, %convert_element_type3A_2861 : vector<2048xi32>
    %min3A_2866 = vector.broadcast %jit3A_2863 : i32 to vector<2048xi32>
    %min3A_2867 = arith.minsi %min3A_2866, %max3A_2865 : vector<2048xi32>
    %convert_element_type3A_2868 = arith.fptosi %get3A_192 : vector<2048xf32> to vector<2048xi32>
    %jit3A_2869 = arith.constant 0 : i32
    %jit3A_2870 = arith.constant 4095 : i32
    %max3A_2871 = vector.broadcast %jit3A_2869 : i32 to vector<2048xi32>
    %max3A_2872 = arith.maxsi %max3A_2871, %convert_element_type3A_2868 : vector<2048xi32>
    %min3A_2873 = vector.broadcast %jit3A_2870 : i32 to vector<2048xi32>
    %min3A_2874 = arith.minsi %min3A_2873, %max3A_2872 : vector<2048xi32>
    %shift_left3A_2875 = arith.constant 12 : i32
    %shift_left3A_2876 = vector.broadcast %shift_left3A_2875 : i32 to vector<2048xi32>
    %shift_left3A_2877 = arith.shli %min3A_2867, %shift_left3A_2876 : vector<2048xi32>
    %or3A_2878 = arith.ori %shift_left3A_2877, %min3A_2874 : vector<2048xi32>
    %swap3A_2879 = arith.constant 12 : index
    %swap3A_2880 = arith.constant 0 : index
    %swap3A_2881 = vector.load %arg7[%swap3A_2879, %swap3A_2880] : memref<32x2048xi32, #tpu.memory_space<vmem>>, vector<1x2048xi32>
    %swap3A_2882 = vector.shape_cast %swap3A_2881 : vector<1x2048xi32> to vector<2048xi32>
    %swap3A_2883 = vector.shape_cast %or3A_2878 : vector<2048xi32> to vector<1x2048xi32>
    tpu.vector_store %arg7[%swap3A_2879, %swap3A_2880], %swap3A_2883 {strides = array<i32>} : memref<32x2048xi32, #tpu.memory_space<vmem>>, vector<1x2048xi32>,
    %get3A_2884 = arith.constant 52 : index
    %get3A_2885 = arith.constant 0 : index
    %get3A_2886 = vector.load %arg8[%get3A_2884, %get3A_2885] : memref<128x2048xf32, #tpu.memory_space<vmem>>, vector<1x2048xf32>
    %get3A_2887 = vector.shape_cast %get3A_2886 : vector<1x2048xf32> to vector<2048xf32>
    %mul3A_2888 = arith.mulf %get3A_2887, %div3A_2210 : vector<2048xf32>
    %get3A_2889 = arith.constant 53 : index
    %get3A_2890 = arith.constant 0 : index
    %get3A_2891 = vector.load %arg8[%get3A_2889, %get3A_2890] : memref<128x2048xf32, #tpu.memory_space<vmem>>, vector<1x2048xf32>
    %get3A_2892 = vector.shape_cast %get3A_2891 : vector<1x2048xf32> to vector<2048xf32>
    %mul3A_2893 = arith.mulf %get3A_2892, %div3A_2215 : vector<2048xf32>
    %add3A_2894 = arith.addf %mul3A_2888, %mul3A_2893 : vector<2048xf32>
    %get3A_2895 = arith.constant 54 : index
    %get3A_2896 = arith.constant 0 : index
    %get3A_2897 = vector.load %arg8[%get3A_2895, %get3A_2896] : memref<128x2048xf32, #tpu.memory_space<vmem>>, vector<1x2048xf32>
    %get3A_2898 = vector.shape_cast %get3A_2897 : vector<1x2048xf32> to vector<2048xf32>
    %mul3A_2899 = arith.mulf %get3A_2898, %div3A_2220 : vector<2048xf32>
    %add3A_2900 = arith.addf %add3A_2894, %mul3A_2899 : vector<2048xf32>
    %get3A_2901 = arith.constant 55 : index
    %get3A_2902 = arith.constant 0 : index
    %get3A_2903 = vector.load %arg8[%get3A_2901, %get3A_2902] : memref<128x2048xf32, #tpu.memory_space<vmem>>, vector<1x2048xf32>
    %get3A_2904 = vector.shape_cast %get3A_2903 : vector<1x2048xf32> to vector<2048xf32>
    %mul3A_2905 = arith.mulf %get3A_2904, %div3A_2225 : vector<2048xf32>
    %add3A_2906 = arith.addf %add3A_2900, %mul3A_2905 : vector<2048xf32>
    %swap3A_2907 = arith.constant 13 : index
    %swap3A_2908 = arith.constant 0 : index
    %swap3A_2909 = vector.load %arg6[%swap3A_2907, %swap3A_2908] : memref<32x2048xf32, #tpu.memory_space<vmem>>, vector<1x2048xf32>
    %swap3A_2910 = vector.shape_cast %swap3A_2909 : vector<1x2048xf32> to vector<2048xf32>
    %swap3A_2911 = vector.shape_cast %add3A_2906 : vector<2048xf32> to vector<1x2048xf32>
    tpu.vector_store %arg6[%swap3A_2907, %swap3A_2908], %swap3A_2911 {strides = array<i32>} : memref<32x2048xf32, #tpu.memory_space<vmem>>, vector<1x2048xf32>,
    %convert_element_type3A_2912 = arith.fptosi %get3A_196 : vector<2048xf32> to vector<2048xi32>
    %jit3A_2913 = arith.constant 0 : i32
    %jit3A_2914 = arith.constant 4095 : i32
    %max3A_2915 = vector.broadcast %jit3A_2913 : i32 to vector<2048xi32>
    %max3A_2916 = arith.maxsi %max3A_2915, %convert_element_type3A_2912 : vector<2048xi32>
    %min3A_2917 = vector.broadcast %jit3A_2914 : i32 to vector<2048xi32>
    %min3A_2918 = arith.minsi %min3A_2917, %max3A_2916 : vector<2048xi32>
    %convert_element_type3A_2919 = arith.fptosi %get3A_200 : vector<2048xf32> to vector<2048xi32>
    %jit3A_2920 = arith.constant 0 : i32
    %jit3A_2921 = arith.constant 4095 : i32
    %max3A_2922 = vector.broadcast %jit3A_2920 : i32 to vector<2048xi32>
    %max3A_2923 = arith.maxsi %max3A_2922, %convert_element_type3A_2919 : vector<2048xi32>
    %min3A_2924 = vector.broadcast %jit3A_2921 : i32 to vector<2048xi32>
    %min3A_2925 = arith.minsi %min3A_2924, %max3A_2923 : vector<2048xi32>
    %shift_left3A_2926 = arith.constant 12 : i32
    %shift_left3A_2927 = vector.broadcast %shift_left3A_2926 : i32 to vector<2048xi32>
    %shift_left3A_2928 = arith.shli %min3A_2918, %shift_left3A_2927 : vector<2048xi32>
    %or3A_2929 = arith.ori %shift_left3A_2928, %min3A_2925 : vector<2048xi32>
    %swap3A_2930 = arith.constant 13 : index
    %swap3A_2931 = arith.constant 0 : index
    %swap3A_2932 = vector.load %arg7[%swap3A_2930, %swap3A_2931] : memref<32x2048xi32, #tpu.memory_space<vmem>>, vector<1x2048xi32>
    %swap3A_2933 = vector.shape_cast %swap3A_2932 : vector<1x2048xi32> to vector<2048xi32>
    %swap3A_2934 = vector.shape_cast %or3A_2929 : vector<2048xi32> to vector<1x2048xi32>
    tpu.vector_store %arg7[%swap3A_2930, %swap3A_2931], %swap3A_2934 {strides = array<i32>} : memref<32x2048xi32, #tpu.memory_space<vmem>>, vector<1x2048xi32>,
    %get3A_2935 = arith.constant 56 : index
    %get3A_2936 = arith.constant 0 : index
    %get3A_2937 = vector.load %arg8[%get3A_2935, %get3A_2936] : memref<128x2048xf32, #tpu.memory_space<vmem>>, vector<1x2048xf32>
    %get3A_2938 = vector.shape_cast %get3A_2937 : vector<1x2048xf32> to vector<2048xf32>
    %mul3A_2939 = arith.mulf %get3A_2938, %div3A_2210 : vector<2048xf32>
    %get3A_2940 = arith.constant 57 : index
    %get3A_2941 = arith.constant 0 : index
    %get3A_2942 = vector.load %arg8[%get3A_2940, %get3A_2941] : memref<128x2048xf32, #tpu.memory_space<vmem>>, vector<1x2048xf32>
    %get3A_2943 = vector.shape_cast %get3A_2942 : vector<1x2048xf32> to vector<2048xf32>
    %mul3A_2944 = arith.mulf %get3A_2943, %div3A_2215 : vector<2048xf32>
    %add3A_2945 = arith.addf %mul3A_2939, %mul3A_2944 : vector<2048xf32>
    %get3A_2946 = arith.constant 58 : index
    %get3A_2947 = arith.constant 0 : index
    %get3A_2948 = vector.load %arg8[%get3A_2946, %get3A_2947] : memref<128x2048xf32, #tpu.memory_space<vmem>>, vector<1x2048xf32>
    %get3A_2949 = vector.shape_cast %get3A_2948 : vector<1x2048xf32> to vector<2048xf32>
    %mul3A_2950 = arith.mulf %get3A_2949, %div3A_2220 : vector<2048xf32>
    %add3A_2951 = arith.addf %add3A_2945, %mul3A_2950 : vector<2048xf32>
    %get3A_2952 = arith.constant 59 : index
    %get3A_2953 = arith.constant 0 : index
    %get3A_2954 = vector.load %arg8[%get3A_2952, %get3A_2953] : memref<128x2048xf32, #tpu.memory_space<vmem>>, vector<1x2048xf32>
    %get3A_2955 = vector.shape_cast %get3A_2954 : vector<1x2048xf32> to vector<2048xf32>
    %mul3A_2956 = arith.mulf %get3A_2955, %div3A_2225 : vector<2048xf32>
    %add3A_2957 = arith.addf %add3A_2951, %mul3A_2956 : vector<2048xf32>
    %swap3A_2958 = arith.constant 14 : index
    %swap3A_2959 = arith.constant 0 : index
    %swap3A_2960 = vector.load %arg6[%swap3A_2958, %swap3A_2959] : memref<32x2048xf32, #tpu.memory_space<vmem>>, vector<1x2048xf32>
    %swap3A_2961 = vector.shape_cast %swap3A_2960 : vector<1x2048xf32> to vector<2048xf32>
    %swap3A_2962 = vector.shape_cast %add3A_2957 : vector<2048xf32> to vector<1x2048xf32>
    tpu.vector_store %arg6[%swap3A_2958, %swap3A_2959], %swap3A_2962 {strides = array<i32>} : memref<32x2048xf32, #tpu.memory_space<vmem>>, vector<1x2048xf32>,
    %convert_element_type3A_2963 = arith.fptosi %floor3A_242 : vector<2048xf32> to vector<2048xi32>
    %jit3A_2964 = arith.constant 0 : i32
    %jit3A_2965 = arith.constant 4095 : i32
    %max3A_2966 = vector.broadcast %jit3A_2964 : i32 to vector<2048xi32>
    %max3A_2967 = arith.maxsi %max3A_2966, %convert_element_type3A_2963 : vector<2048xi32>
    %min3A_2968 = vector.broadcast %jit3A_2965 : i32 to vector<2048xi32>
    %min3A_2969 = arith.minsi %min3A_2968, %max3A_2967 : vector<2048xi32>
    %convert_element_type3A_2970 = arith.fptosi %floor3A_248 : vector<2048xf32> to vector<2048xi32>
    %jit3A_2971 = arith.constant 0 : i32
    %jit3A_2972 = arith.constant 4095 : i32
    %max3A_2973 = vector.broadcast %jit3A_2971 : i32 to vector<2048xi32>
    %max3A_2974 = arith.maxsi %max3A_2973, %convert_element_type3A_2970 : vector<2048xi32>
    %min3A_2975 = vector.broadcast %jit3A_2972 : i32 to vector<2048xi32>
    %min3A_2976 = arith.minsi %min3A_2975, %max3A_2974 : vector<2048xi32>
    %shift_left3A_2977 = arith.constant 12 : i32
    %shift_left3A_2978 = vector.broadcast %shift_left3A_2977 : i32 to vector<2048xi32>
    %shift_left3A_2979 = arith.shli %min3A_2969, %shift_left3A_2978 : vector<2048xi32>
    %or3A_2980 = arith.ori %shift_left3A_2979, %min3A_2976 : vector<2048xi32>
    %swap3A_2981 = arith.constant 14 : index
    %swap3A_2982 = arith.constant 0 : index
    %swap3A_2983 = vector.load %arg7[%swap3A_2981, %swap3A_2982] : memref<32x2048xi32, #tpu.memory_space<vmem>>, vector<1x2048xi32>
    %swap3A_2984 = vector.shape_cast %swap3A_2983 : vector<1x2048xi32> to vector<2048xi32>
    %swap3A_2985 = vector.shape_cast %or3A_2980 : vector<2048xi32> to vector<1x2048xi32>
    tpu.vector_store %arg7[%swap3A_2981, %swap3A_2982], %swap3A_2985 {strides = array<i32>} : memref<32x2048xi32, #tpu.memory_space<vmem>>, vector<1x2048xi32>,
    %get3A_2986 = arith.constant 60 : index
    %get3A_2987 = arith.constant 0 : index
    %get3A_2988 = vector.load %arg8[%get3A_2986, %get3A_2987] : memref<128x2048xf32, #tpu.memory_space<vmem>>, vector<1x2048xf32>
    %get3A_2989 = vector.shape_cast %get3A_2988 : vector<1x2048xf32> to vector<2048xf32>
    %mul3A_2990 = arith.mulf %get3A_2989, %div3A_2210 : vector<2048xf32>
    %get3A_2991 = arith.constant 61 : index
    %get3A_2992 = arith.constant 0 : index
    %get3A_2993 = vector.load %arg8[%get3A_2991, %get3A_2992] : memref<128x2048xf32, #tpu.memory_space<vmem>>, vector<1x2048xf32>
    %get3A_2994 = vector.shape_cast %get3A_2993 : vector<1x2048xf32> to vector<2048xf32>
    %mul3A_2995 = arith.mulf %get3A_2994, %div3A_2215 : vector<2048xf32>
    %add3A_2996 = arith.addf %mul3A_2990, %mul3A_2995 : vector<2048xf32>
    %get3A_2997 = arith.constant 62 : index
    %get3A_2998 = arith.constant 0 : index
    %get3A_2999 = vector.load %arg8[%get3A_2997, %get3A_2998] : memref<128x2048xf32, #tpu.memory_space<vmem>>, vector<1x2048xf32>
    %get3A_3000 = vector.shape_cast %get3A_2999 : vector<1x2048xf32> to vector<2048xf32>
    %mul3A_3001 = arith.mulf %get3A_3000, %div3A_2220 : vector<2048xf32>
    %add3A_3002 = arith.addf %add3A_2996, %mul3A_3001 : vector<2048xf32>
    %get3A_3003 = arith.constant 63 : index
    %get3A_3004 = arith.constant 0 : index
    %get3A_3005 = vector.load %arg8[%get3A_3003, %get3A_3004] : memref<128x2048xf32, #tpu.memory_space<vmem>>, vector<1x2048xf32>
    %get3A_3006 = vector.shape_cast %get3A_3005 : vector<1x2048xf32> to vector<2048xf32>
    %mul3A_3007 = arith.mulf %get3A_3006, %div3A_2225 : vector<2048xf32>
    %add3A_3008 = arith.addf %add3A_3002, %mul3A_3007 : vector<2048xf32>
    %swap3A_3009 = arith.constant 15 : index
    %swap3A_3010 = arith.constant 0 : index
    %swap3A_3011 = vector.load %arg6[%swap3A_3009, %swap3A_3010] : memref<32x2048xf32, #tpu.memory_space<vmem>>, vector<1x2048xf32>
    %swap3A_3012 = vector.shape_cast %swap3A_3011 : vector<1x2048xf32> to vector<2048xf32>
    %swap3A_3013 = vector.shape_cast %add3A_3008 : vector<2048xf32> to vector<1x2048xf32>
    tpu.vector_store %arg6[%swap3A_3009, %swap3A_3010], %swap3A_3013 {strides = array<i32>} : memref<32x2048xf32, #tpu.memory_space<vmem>>, vector<1x2048xf32>,
    %convert_element_type3A_3014 = arith.fptosi %floor3A_254 : vector<2048xf32> to vector<2048xi32>
    %jit3A_3015 = arith.constant 0 : i32
    %jit3A_3016 = arith.constant 4095 : i32
    %max3A_3017 = vector.broadcast %jit3A_3015 : i32 to vector<2048xi32>
    %max3A_3018 = arith.maxsi %max3A_3017, %convert_element_type3A_3014 : vector<2048xi32>
    %min3A_3019 = vector.broadcast %jit3A_3016 : i32 to vector<2048xi32>
    %min3A_3020 = arith.minsi %min3A_3019, %max3A_3018 : vector<2048xi32>
    %convert_element_type3A_3021 = arith.fptosi %floor3A_260 : vector<2048xf32> to vector<2048xi32>
    %jit3A_3022 = arith.constant 0 : i32
    %jit3A_3023 = arith.constant 4095 : i32
    %max3A_3024 = vector.broadcast %jit3A_3022 : i32 to vector<2048xi32>
    %max3A_3025 = arith.maxsi %max3A_3024, %convert_element_type3A_3021 : vector<2048xi32>
    %min3A_3026 = vector.broadcast %jit3A_3023 : i32 to vector<2048xi32>
    %min3A_3027 = arith.minsi %min3A_3026, %max3A_3025 : vector<2048xi32>
    %shift_left3A_3028 = arith.constant 12 : i32
    %shift_left3A_3029 = vector.broadcast %shift_left3A_3028 : i32 to vector<2048xi32>
    %shift_left3A_3030 = arith.shli %min3A_3020, %shift_left3A_3029 : vector<2048xi32>
    %or3A_3031 = arith.ori %shift_left3A_3030, %min3A_3027 : vector<2048xi32>
    %swap3A_3032 = arith.constant 15 : index
    %swap3A_3033 = arith.constant 0 : index
    %swap3A_3034 = vector.load %arg7[%swap3A_3032, %swap3A_3033] : memref<32x2048xi32, #tpu.memory_space<vmem>>, vector<1x2048xi32>
    %swap3A_3035 = vector.shape_cast %swap3A_3034 : vector<1x2048xi32> to vector<2048xi32>
    %swap3A_3036 = vector.shape_cast %or3A_3031 : vector<2048xi32> to vector<1x2048xi32>
    tpu.vector_store %arg7[%swap3A_3032, %swap3A_3033], %swap3A_3036 {strides = array<i32>} : memref<32x2048xi32, #tpu.memory_space<vmem>>, vector<1x2048xi32>,
    %get3A_3037 = arith.constant 64 : index
    %get3A_3038 = arith.constant 0 : index
    %get3A_3039 = vector.load %arg8[%get3A_3037, %get3A_3038] : memref<128x2048xf32, #tpu.memory_space<vmem>>, vector<1x2048xf32>
    %get3A_3040 = vector.shape_cast %get3A_3039 : vector<1x2048xf32> to vector<2048xf32>
    %mul3A_3041 = arith.mulf %get3A_3040, %div3A_2210 : vector<2048xf32>
    %get3A_3042 = arith.constant 65 : index
    %get3A_3043 = arith.constant 0 : index
    %get3A_3044 = vector.load %arg8[%get3A_3042, %get3A_3043] : memref<128x2048xf32, #tpu.memory_space<vmem>>, vector<1x2048xf32>
    %get3A_3045 = vector.shape_cast %get3A_3044 : vector<1x2048xf32> to vector<2048xf32>
    %mul3A_3046 = arith.mulf %get3A_3045, %div3A_2215 : vector<2048xf32>
    %add3A_3047 = arith.addf %mul3A_3041, %mul3A_3046 : vector<2048xf32>
    %get3A_3048 = arith.constant 66 : index
    %get3A_3049 = arith.constant 0 : index
    %get3A_3050 = vector.load %arg8[%get3A_3048, %get3A_3049] : memref<128x2048xf32, #tpu.memory_space<vmem>>, vector<1x2048xf32>
    %get3A_3051 = vector.shape_cast %get3A_3050 : vector<1x2048xf32> to vector<2048xf32>
    %mul3A_3052 = arith.mulf %get3A_3051, %div3A_2220 : vector<2048xf32>
    %add3A_3053 = arith.addf %add3A_3047, %mul3A_3052 : vector<2048xf32>
    %get3A_3054 = arith.constant 67 : index
    %get3A_3055 = arith.constant 0 : index
    %get3A_3056 = vector.load %arg8[%get3A_3054, %get3A_3055] : memref<128x2048xf32, #tpu.memory_space<vmem>>, vector<1x2048xf32>
    %get3A_3057 = vector.shape_cast %get3A_3056 : vector<1x2048xf32> to vector<2048xf32>
    %mul3A_3058 = arith.mulf %get3A_3057, %div3A_2225 : vector<2048xf32>
    %add3A_3059 = arith.addf %add3A_3053, %mul3A_3058 : vector<2048xf32>
    %swap3A_3060 = arith.constant 16 : index
    %swap3A_3061 = arith.constant 0 : index
    %swap3A_3062 = vector.load %arg6[%swap3A_3060, %swap3A_3061] : memref<32x2048xf32, #tpu.memory_space<vmem>>, vector<1x2048xf32>
    %swap3A_3063 = vector.shape_cast %swap3A_3062 : vector<1x2048xf32> to vector<2048xf32>
    %swap3A_3064 = vector.shape_cast %add3A_3059 : vector<2048xf32> to vector<1x2048xf32>
    tpu.vector_store %arg6[%swap3A_3060, %swap3A_3061], %swap3A_3064 {strides = array<i32>} : memref<32x2048xf32, #tpu.memory_space<vmem>>, vector<1x2048xf32>,
    %convert_element_type3A_3065 = arith.fptosi %floor3A_261 : vector<2048xf32> to vector<2048xi32>
    %jit3A_3066 = arith.constant 0 : i32
    %jit3A_3067 = arith.constant 4095 : i32
    %max3A_3068 = vector.broadcast %jit3A_3066 : i32 to vector<2048xi32>
    %max3A_3069 = arith.maxsi %max3A_3068, %convert_element_type3A_3065 : vector<2048xi32>
    %min3A_3070 = vector.broadcast %jit3A_3067 : i32 to vector<2048xi32>
    %min3A_3071 = arith.minsi %min3A_3070, %max3A_3069 : vector<2048xi32>
    %convert_element_type3A_3072 = arith.fptosi %floor3A_263 : vector<2048xf32> to vector<2048xi32>
    %jit3A_3073 = arith.constant 0 : i32
    %jit3A_3074 = arith.constant 4095 : i32
    %max3A_3075 = vector.broadcast %jit3A_3073 : i32 to vector<2048xi32>
    %max3A_3076 = arith.maxsi %max3A_3075, %convert_element_type3A_3072 : vector<2048xi32>
    %min3A_3077 = vector.broadcast %jit3A_3074 : i32 to vector<2048xi32>
    %min3A_3078 = arith.minsi %min3A_3077, %max3A_3076 : vector<2048xi32>
    %shift_left3A_3079 = arith.constant 12 : i32
    %shift_left3A_3080 = vector.broadcast %shift_left3A_3079 : i32 to vector<2048xi32>
    %shift_left3A_3081 = arith.shli %min3A_3071, %shift_left3A_3080 : vector<2048xi32>
    %or3A_3082 = arith.ori %shift_left3A_3081, %min3A_3078 : vector<2048xi32>
    %swap3A_3083 = arith.constant 16 : index
    %swap3A_3084 = arith.constant 0 : index
    %swap3A_3085 = vector.load %arg7[%swap3A_3083, %swap3A_3084] : memref<32x2048xi32, #tpu.memory_space<vmem>>, vector<1x2048xi32>
    %swap3A_3086 = vector.shape_cast %swap3A_3085 : vector<1x2048xi32> to vector<2048xi32>
    %swap3A_3087 = vector.shape_cast %or3A_3082 : vector<2048xi32> to vector<1x2048xi32>
    tpu.vector_store %arg7[%swap3A_3083, %swap3A_3084], %swap3A_3087 {strides = array<i32>} : memref<32x2048xi32, #tpu.memory_space<vmem>>, vector<1x2048xi32>,
    %get3A_3088 = arith.constant 68 : index
    %get3A_3089 = arith.constant 0 : index
    %get3A_3090 = vector.load %arg8[%get3A_3088, %get3A_3089] : memref<128x2048xf32, #tpu.memory_space<vmem>>, vector<1x2048xf32>
    %get3A_3091 = vector.shape_cast %get3A_3090 : vector<1x2048xf32> to vector<2048xf32>
    %mul3A_3092 = arith.mulf %get3A_3091, %div3A_2210 : vector<2048xf32>
    %get3A_3093 = arith.constant 69 : index
    %get3A_3094 = arith.constant 0 : index
    %get3A_3095 = vector.load %arg8[%get3A_3093, %get3A_3094] : memref<128x2048xf32, #tpu.memory_space<vmem>>, vector<1x2048xf32>
    %get3A_3096 = vector.shape_cast %get3A_3095 : vector<1x2048xf32> to vector<2048xf32>
    %mul3A_3097 = arith.mulf %get3A_3096, %div3A_2215 : vector<2048xf32>
    %add3A_3098 = arith.addf %mul3A_3092, %mul3A_3097 : vector<2048xf32>
    %get3A_3099 = arith.constant 70 : index
    %get3A_3100 = arith.constant 0 : index
    %get3A_3101 = vector.load %arg8[%get3A_3099, %get3A_3100] : memref<128x2048xf32, #tpu.memory_space<vmem>>, vector<1x2048xf32>
    %get3A_3102 = vector.shape_cast %get3A_3101 : vector<1x2048xf32> to vector<2048xf32>
    %mul3A_3103 = arith.mulf %get3A_3102, %div3A_2220 : vector<2048xf32>
    %add3A_3104 = arith.addf %add3A_3098, %mul3A_3103 : vector<2048xf32>
    %get3A_3105 = arith.constant 71 : index
    %get3A_3106 = arith.constant 0 : index
    %get3A_3107 = vector.load %arg8[%get3A_3105, %get3A_3106] : memref<128x2048xf32, #tpu.memory_space<vmem>>, vector<1x2048xf32>
    %get3A_3108 = vector.shape_cast %get3A_3107 : vector<1x2048xf32> to vector<2048xf32>
    %mul3A_3109 = arith.mulf %get3A_3108, %div3A_2225 : vector<2048xf32>
    %add3A_3110 = arith.addf %add3A_3104, %mul3A_3109 : vector<2048xf32>
    %swap3A_3111 = arith.constant 17 : index
    %swap3A_3112 = arith.constant 0 : index
    %swap3A_3113 = vector.load %arg6[%swap3A_3111, %swap3A_3112] : memref<32x2048xf32, #tpu.memory_space<vmem>>, vector<1x2048xf32>
    %swap3A_3114 = vector.shape_cast %swap3A_3113 : vector<1x2048xf32> to vector<2048xf32>
    %swap3A_3115 = vector.shape_cast %add3A_3110 : vector<2048xf32> to vector<1x2048xf32>
    tpu.vector_store %arg6[%swap3A_3111, %swap3A_3112], %swap3A_3115 {strides = array<i32>} : memref<32x2048xf32, #tpu.memory_space<vmem>>, vector<1x2048xf32>,
    %convert_element_type3A_3116 = arith.fptosi %floor3A_261 : vector<2048xf32> to vector<2048xi32>
    %jit3A_3117 = arith.constant 0 : i32
    %jit3A_3118 = arith.constant 4095 : i32
    %max3A_3119 = vector.broadcast %jit3A_3117 : i32 to vector<2048xi32>
    %max3A_3120 = arith.maxsi %max3A_3119, %convert_element_type3A_3116 : vector<2048xi32>
    %min3A_3121 = vector.broadcast %jit3A_3118 : i32 to vector<2048xi32>
    %min3A_3122 = arith.minsi %min3A_3121, %max3A_3120 : vector<2048xi32>
    %convert_element_type3A_3123 = arith.fptosi %ceil3A_264 : vector<2048xf32> to vector<2048xi32>
    %jit3A_3124 = arith.constant 0 : i32
    %jit3A_3125 = arith.constant 4095 : i32
    %max3A_3126 = vector.broadcast %jit3A_3124 : i32 to vector<2048xi32>
    %max3A_3127 = arith.maxsi %max3A_3126, %convert_element_type3A_3123 : vector<2048xi32>
    %min3A_3128 = vector.broadcast %jit3A_3125 : i32 to vector<2048xi32>
    %min3A_3129 = arith.minsi %min3A_3128, %max3A_3127 : vector<2048xi32>
    %shift_left3A_3130 = arith.constant 12 : i32
    %shift_left3A_3131 = vector.broadcast %shift_left3A_3130 : i32 to vector<2048xi32>
    %shift_left3A_3132 = arith.shli %min3A_3122, %shift_left3A_3131 : vector<2048xi32>
    %or3A_3133 = arith.ori %shift_left3A_3132, %min3A_3129 : vector<2048xi32>
    %swap3A_3134 = arith.constant 17 : index
    %swap3A_3135 = arith.constant 0 : index
    %swap3A_3136 = vector.load %arg7[%swap3A_3134, %swap3A_3135] : memref<32x2048xi32, #tpu.memory_space<vmem>>, vector<1x2048xi32>
    %swap3A_3137 = vector.shape_cast %swap3A_3136 : vector<1x2048xi32> to vector<2048xi32>
    %swap3A_3138 = vector.shape_cast %or3A_3133 : vector<2048xi32> to vector<1x2048xi32>
    tpu.vector_store %arg7[%swap3A_3134, %swap3A_3135], %swap3A_3138 {strides = array<i32>} : memref<32x2048xi32, #tpu.memory_space<vmem>>, vector<1x2048xi32>,
    %get3A_3139 = arith.constant 72 : index
    %get3A_3140 = arith.constant 0 : index
    %get3A_3141 = vector.load %arg8[%get3A_3139, %get3A_3140] : memref<128x2048xf32, #tpu.memory_space<vmem>>, vector<1x2048xf32>
    %get3A_3142 = vector.shape_cast %get3A_3141 : vector<1x2048xf32> to vector<2048xf32>
    %mul3A_3143 = arith.mulf %get3A_3142, %div3A_2210 : vector<2048xf32>
    %get3A_3144 = arith.constant 73 : index
    %get3A_3145 = arith.constant 0 : index
    %get3A_3146 = vector.load %arg8[%get3A_3144, %get3A_3145] : memref<128x2048xf32, #tpu.memory_space<vmem>>, vector<1x2048xf32>
    %get3A_3147 = vector.shape_cast %get3A_3146 : vector<1x2048xf32> to vector<2048xf32>
    %mul3A_3148 = arith.mulf %get3A_3147, %div3A_2215 : vector<2048xf32>
    %add3A_3149 = arith.addf %mul3A_3143, %mul3A_3148 : vector<2048xf32>
    %get3A_3150 = arith.constant 74 : index
    %get3A_3151 = arith.constant 0 : index
    %get3A_3152 = vector.load %arg8[%get3A_3150, %get3A_3151] : memref<128x2048xf32, #tpu.memory_space<vmem>>, vector<1x2048xf32>
    %get3A_3153 = vector.shape_cast %get3A_3152 : vector<1x2048xf32> to vector<2048xf32>
    %mul3A_3154 = arith.mulf %get3A_3153, %div3A_2220 : vector<2048xf32>
    %add3A_3155 = arith.addf %add3A_3149, %mul3A_3154 : vector<2048xf32>
    %get3A_3156 = arith.constant 75 : index
    %get3A_3157 = arith.constant 0 : index
    %get3A_3158 = vector.load %arg8[%get3A_3156, %get3A_3157] : memref<128x2048xf32, #tpu.memory_space<vmem>>, vector<1x2048xf32>
    %get3A_3159 = vector.shape_cast %get3A_3158 : vector<1x2048xf32> to vector<2048xf32>
    %mul3A_3160 = arith.mulf %get3A_3159, %div3A_2225 : vector<2048xf32>
    %add3A_3161 = arith.addf %add3A_3155, %mul3A_3160 : vector<2048xf32>
    %swap3A_3162 = arith.constant 18 : index
    %swap3A_3163 = arith.constant 0 : index
    %swap3A_3164 = vector.load %arg6[%swap3A_3162, %swap3A_3163] : memref<32x2048xf32, #tpu.memory_space<vmem>>, vector<1x2048xf32>
    %swap3A_3165 = vector.shape_cast %swap3A_3164 : vector<1x2048xf32> to vector<2048xf32>
    %swap3A_3166 = vector.shape_cast %add3A_3161 : vector<2048xf32> to vector<1x2048xf32>
    tpu.vector_store %arg6[%swap3A_3162, %swap3A_3163], %swap3A_3166 {strides = array<i32>} : memref<32x2048xf32, #tpu.memory_space<vmem>>, vector<1x2048xf32>,
    %convert_element_type3A_3167 = arith.fptosi %ceil3A_262 : vector<2048xf32> to vector<2048xi32>
    %jit3A_3168 = arith.constant 0 : i32
    %jit3A_3169 = arith.constant 4095 : i32
    %max3A_3170 = vector.broadcast %jit3A_3168 : i32 to vector<2048xi32>
    %max3A_3171 = arith.maxsi %max3A_3170, %convert_element_type3A_3167 : vector<2048xi32>
    %min3A_3172 = vector.broadcast %jit3A_3169 : i32 to vector<2048xi32>
    %min3A_3173 = arith.minsi %min3A_3172, %max3A_3171 : vector<2048xi32>
    %convert_element_type3A_3174 = arith.fptosi %floor3A_263 : vector<2048xf32> to vector<2048xi32>
    %jit3A_3175 = arith.constant 0 : i32
    %jit3A_3176 = arith.constant 4095 : i32
    %max3A_3177 = vector.broadcast %jit3A_3175 : i32 to vector<2048xi32>
    %max3A_3178 = arith.maxsi %max3A_3177, %convert_element_type3A_3174 : vector<2048xi32>
    %min3A_3179 = vector.broadcast %jit3A_3176 : i32 to vector<2048xi32>
    %min3A_3180 = arith.minsi %min3A_3179, %max3A_3178 : vector<2048xi32>
    %shift_left3A_3181 = arith.constant 12 : i32
    %shift_left3A_3182 = vector.broadcast %shift_left3A_3181 : i32 to vector<2048xi32>
    %shift_left3A_3183 = arith.shli %min3A_3173, %shift_left3A_3182 : vector<2048xi32>
    %or3A_3184 = arith.ori %shift_left3A_3183, %min3A_3180 : vector<2048xi32>
    %swap3A_3185 = arith.constant 18 : index
    %swap3A_3186 = arith.constant 0 : index
    %swap3A_3187 = vector.load %arg7[%swap3A_3185, %swap3A_3186] : memref<32x2048xi32, #tpu.memory_space<vmem>>, vector<1x2048xi32>
    %swap3A_3188 = vector.shape_cast %swap3A_3187 : vector<1x2048xi32> to vector<2048xi32>
    %swap3A_3189 = vector.shape_cast %or3A_3184 : vector<2048xi32> to vector<1x2048xi32>
    tpu.vector_store %arg7[%swap3A_3185, %swap3A_3186], %swap3A_3189 {strides = array<i32>} : memref<32x2048xi32, #tpu.memory_space<vmem>>, vector<1x2048xi32>,
    %get3A_3190 = arith.constant 76 : index
    %get3A_3191 = arith.constant 0 : index
    %get3A_3192 = vector.load %arg8[%get3A_3190, %get3A_3191] : memref<128x2048xf32, #tpu.memory_space<vmem>>, vector<1x2048xf32>
    %get3A_3193 = vector.shape_cast %get3A_3192 : vector<1x2048xf32> to vector<2048xf32>
    %mul3A_3194 = arith.mulf %get3A_3193, %div3A_2210 : vector<2048xf32>
    %get3A_3195 = arith.constant 77 : index
    %get3A_3196 = arith.constant 0 : index
    %get3A_3197 = vector.load %arg8[%get3A_3195, %get3A_3196] : memref<128x2048xf32, #tpu.memory_space<vmem>>, vector<1x2048xf32>
    %get3A_3198 = vector.shape_cast %get3A_3197 : vector<1x2048xf32> to vector<2048xf32>
    %mul3A_3199 = arith.mulf %get3A_3198, %div3A_2215 : vector<2048xf32>
    %add3A_3200 = arith.addf %mul3A_3194, %mul3A_3199 : vector<2048xf32>
    %get3A_3201 = arith.constant 78 : index
    %get3A_3202 = arith.constant 0 : index
    %get3A_3203 = vector.load %arg8[%get3A_3201, %get3A_3202] : memref<128x2048xf32, #tpu.memory_space<vmem>>, vector<1x2048xf32>
    %get3A_3204 = vector.shape_cast %get3A_3203 : vector<1x2048xf32> to vector<2048xf32>
    %mul3A_3205 = arith.mulf %get3A_3204, %div3A_2220 : vector<2048xf32>
    %add3A_3206 = arith.addf %add3A_3200, %mul3A_3205 : vector<2048xf32>
    %get3A_3207 = arith.constant 79 : index
    %get3A_3208 = arith.constant 0 : index
    %get3A_3209 = vector.load %arg8[%get3A_3207, %get3A_3208] : memref<128x2048xf32, #tpu.memory_space<vmem>>, vector<1x2048xf32>
    %get3A_3210 = vector.shape_cast %get3A_3209 : vector<1x2048xf32> to vector<2048xf32>
    %mul3A_3211 = arith.mulf %get3A_3210, %div3A_2225 : vector<2048xf32>
    %add3A_3212 = arith.addf %add3A_3206, %mul3A_3211 : vector<2048xf32>
    %swap3A_3213 = arith.constant 19 : index
    %swap3A_3214 = arith.constant 0 : index
    %swap3A_3215 = vector.load %arg6[%swap3A_3213, %swap3A_3214] : memref<32x2048xf32, #tpu.memory_space<vmem>>, vector<1x2048xf32>
    %swap3A_3216 = vector.shape_cast %swap3A_3215 : vector<1x2048xf32> to vector<2048xf32>
    %swap3A_3217 = vector.shape_cast %add3A_3212 : vector<2048xf32> to vector<1x2048xf32>
    tpu.vector_store %arg6[%swap3A_3213, %swap3A_3214], %swap3A_3217 {strides = array<i32>} : memref<32x2048xf32, #tpu.memory_space<vmem>>, vector<1x2048xf32>,
    %convert_element_type3A_3218 = arith.fptosi %ceil3A_262 : vector<2048xf32> to vector<2048xi32>
    %jit3A_3219 = arith.constant 0 : i32
    %jit3A_3220 = arith.constant 4095 : i32
    %max3A_3221 = vector.broadcast %jit3A_3219 : i32 to vector<2048xi32>
    %max3A_3222 = arith.maxsi %max3A_3221, %convert_element_type3A_3218 : vector<2048xi32>
    %min3A_3223 = vector.broadcast %jit3A_3220 : i32 to vector<2048xi32>
    %min3A_3224 = arith.minsi %min3A_3223, %max3A_3222 : vector<2048xi32>
    %convert_element_type3A_3225 = arith.fptosi %ceil3A_264 : vector<2048xf32> to vector<2048xi32>
    %jit3A_3226 = arith.constant 0 : i32
    %jit3A_3227 = arith.constant 4095 : i32
    %max3A_3228 = vector.broadcast %jit3A_3226 : i32 to vector<2048xi32>
    %max3A_3229 = arith.maxsi %max3A_3228, %convert_element_type3A_3225 : vector<2048xi32>
    %min3A_3230 = vector.broadcast %jit3A_3227 : i32 to vector<2048xi32>
    %min3A_3231 = arith.minsi %min3A_3230, %max3A_3229 : vector<2048xi32>
    %shift_left3A_3232 = arith.constant 12 : i32
    %shift_left3A_3233 = vector.broadcast %shift_left3A_3232 : i32 to vector<2048xi32>
    %shift_left3A_3234 = arith.shli %min3A_3224, %shift_left3A_3233 : vector<2048xi32>
    %or3A_3235 = arith.ori %shift_left3A_3234, %min3A_3231 : vector<2048xi32>
    %swap3A_3236 = arith.constant 19 : index
    %swap3A_3237 = arith.constant 0 : index
    %swap3A_3238 = vector.load %arg7[%swap3A_3236, %swap3A_3237] : memref<32x2048xi32, #tpu.memory_space<vmem>>, vector<1x2048xi32>
    %swap3A_3239 = vector.shape_cast %swap3A_3238 : vector<1x2048xi32> to vector<2048xi32>
    %swap3A_3240 = vector.shape_cast %or3A_3235 : vector<2048xi32> to vector<1x2048xi32>
    tpu.vector_store %arg7[%swap3A_3236, %swap3A_3237], %swap3A_3240 {strides = array<i32>} : memref<32x2048xi32, #tpu.memory_space<vmem>>, vector<1x2048xi32>,
    %get3A_3241 = arith.constant 80 : index
    %get3A_3242 = arith.constant 0 : index
    %get3A_3243 = vector.load %arg8[%get3A_3241, %get3A_3242] : memref<128x2048xf32, #tpu.memory_space<vmem>>, vector<1x2048xf32>
    %get3A_3244 = vector.shape_cast %get3A_3243 : vector<1x2048xf32> to vector<2048xf32>
    %mul3A_3245 = arith.mulf %get3A_3244, %div3A_2210 : vector<2048xf32>
    %get3A_3246 = arith.constant 81 : index
    %get3A_3247 = arith.constant 0 : index
    %get3A_3248 = vector.load %arg8[%get3A_3246, %get3A_3247] : memref<128x2048xf32, #tpu.memory_space<vmem>>, vector<1x2048xf32>
    %get3A_3249 = vector.shape_cast %get3A_3248 : vector<1x2048xf32> to vector<2048xf32>
    %mul3A_3250 = arith.mulf %get3A_3249, %div3A_2215 : vector<2048xf32>
    %add3A_3251 = arith.addf %mul3A_3245, %mul3A_3250 : vector<2048xf32>
    %get3A_3252 = arith.constant 82 : index
    %get3A_3253 = arith.constant 0 : index
    %get3A_3254 = vector.load %arg8[%get3A_3252, %get3A_3253] : memref<128x2048xf32, #tpu.memory_space<vmem>>, vector<1x2048xf32>
    %get3A_3255 = vector.shape_cast %get3A_3254 : vector<1x2048xf32> to vector<2048xf32>
    %mul3A_3256 = arith.mulf %get3A_3255, %div3A_2220 : vector<2048xf32>
    %add3A_3257 = arith.addf %add3A_3251, %mul3A_3256 : vector<2048xf32>
    %get3A_3258 = arith.constant 83 : index
    %get3A_3259 = arith.constant 0 : index
    %get3A_3260 = vector.load %arg8[%get3A_3258, %get3A_3259] : memref<128x2048xf32, #tpu.memory_space<vmem>>, vector<1x2048xf32>
    %get3A_3261 = vector.shape_cast %get3A_3260 : vector<1x2048xf32> to vector<2048xf32>
    %mul3A_3262 = arith.mulf %get3A_3261, %div3A_2225 : vector<2048xf32>
    %add3A_3263 = arith.addf %add3A_3257, %mul3A_3262 : vector<2048xf32>
    %swap3A_3264 = arith.constant 20 : index
    %swap3A_3265 = arith.constant 0 : index
    %swap3A_3266 = vector.load %arg6[%swap3A_3264, %swap3A_3265] : memref<32x2048xf32, #tpu.memory_space<vmem>>, vector<1x2048xf32>
    %swap3A_3267 = vector.shape_cast %swap3A_3266 : vector<1x2048xf32> to vector<2048xf32>
    %swap3A_3268 = vector.shape_cast %add3A_3263 : vector<2048xf32> to vector<1x2048xf32>
    tpu.vector_store %arg6[%swap3A_3264, %swap3A_3265], %swap3A_3268 {strides = array<i32>} : memref<32x2048xf32, #tpu.memory_space<vmem>>, vector<1x2048xf32>,
    %convert_element_type3A_3269 = arith.fptosi %get3A_268 : vector<2048xf32> to vector<2048xi32>
    %jit3A_3270 = arith.constant 0 : i32
    %jit3A_3271 = arith.constant 4095 : i32
    %max3A_3272 = vector.broadcast %jit3A_3270 : i32 to vector<2048xi32>
    %max3A_3273 = arith.maxsi %max3A_3272, %convert_element_type3A_3269 : vector<2048xi32>
    %min3A_3274 = vector.broadcast %jit3A_3271 : i32 to vector<2048xi32>
    %min3A_3275 = arith.minsi %min3A_3274, %max3A_3273 : vector<2048xi32>
    %convert_element_type3A_3276 = arith.fptosi %get3A_272 : vector<2048xf32> to vector<2048xi32>
    %jit3A_3277 = arith.constant 0 : i32
    %jit3A_3278 = arith.constant 4095 : i32
    %max3A_3279 = vector.broadcast %jit3A_3277 : i32 to vector<2048xi32>
    %max3A_3280 = arith.maxsi %max3A_3279, %convert_element_type3A_3276 : vector<2048xi32>
    %min3A_3281 = vector.broadcast %jit3A_3278 : i32 to vector<2048xi32>
    %min3A_3282 = arith.minsi %min3A_3281, %max3A_3280 : vector<2048xi32>
    %shift_left3A_3283 = arith.constant 12 : i32
    %shift_left3A_3284 = vector.broadcast %shift_left3A_3283 : i32 to vector<2048xi32>
    %shift_left3A_3285 = arith.shli %min3A_3275, %shift_left3A_3284 : vector<2048xi32>
    %or3A_3286 = arith.ori %shift_left3A_3285, %min3A_3282 : vector<2048xi32>
    %swap3A_3287 = arith.constant 20 : index
    %swap3A_3288 = arith.constant 0 : index
    %swap3A_3289 = vector.load %arg7[%swap3A_3287, %swap3A_3288] : memref<32x2048xi32, #tpu.memory_space<vmem>>, vector<1x2048xi32>
    %swap3A_3290 = vector.shape_cast %swap3A_3289 : vector<1x2048xi32> to vector<2048xi32>
    %swap3A_3291 = vector.shape_cast %or3A_3286 : vector<2048xi32> to vector<1x2048xi32>
    tpu.vector_store %arg7[%swap3A_3287, %swap3A_3288], %swap3A_3291 {strides = array<i32>} : memref<32x2048xi32, #tpu.memory_space<vmem>>, vector<1x2048xi32>,
    %get3A_3292 = arith.constant 84 : index
    %get3A_3293 = arith.constant 0 : index
    %get3A_3294 = vector.load %arg8[%get3A_3292, %get3A_3293] : memref<128x2048xf32, #tpu.memory_space<vmem>>, vector<1x2048xf32>
    %get3A_3295 = vector.shape_cast %get3A_3294 : vector<1x2048xf32> to vector<2048xf32>
    %mul3A_3296 = arith.mulf %get3A_3295, %div3A_2210 : vector<2048xf32>
    %get3A_3297 = arith.constant 85 : index
    %get3A_3298 = arith.constant 0 : index
    %get3A_3299 = vector.load %arg8[%get3A_3297, %get3A_3298] : memref<128x2048xf32, #tpu.memory_space<vmem>>, vector<1x2048xf32>
    %get3A_3300 = vector.shape_cast %get3A_3299 : vector<1x2048xf32> to vector<2048xf32>
    %mul3A_3301 = arith.mulf %get3A_3300, %div3A_2215 : vector<2048xf32>
    %add3A_3302 = arith.addf %mul3A_3296, %mul3A_3301 : vector<2048xf32>
    %get3A_3303 = arith.constant 86 : index
    %get3A_3304 = arith.constant 0 : index
    %get3A_3305 = vector.load %arg8[%get3A_3303, %get3A_3304] : memref<128x2048xf32, #tpu.memory_space<vmem>>, vector<1x2048xf32>
    %get3A_3306 = vector.shape_cast %get3A_3305 : vector<1x2048xf32> to vector<2048xf32>
    %mul3A_3307 = arith.mulf %get3A_3306, %div3A_2220 : vector<2048xf32>
    %add3A_3308 = arith.addf %add3A_3302, %mul3A_3307 : vector<2048xf32>
    %get3A_3309 = arith.constant 87 : index
    %get3A_3310 = arith.constant 0 : index
    %get3A_3311 = vector.load %arg8[%get3A_3309, %get3A_3310] : memref<128x2048xf32, #tpu.memory_space<vmem>>, vector<1x2048xf32>
    %get3A_3312 = vector.shape_cast %get3A_3311 : vector<1x2048xf32> to vector<2048xf32>
    %mul3A_3313 = arith.mulf %get3A_3312, %div3A_2225 : vector<2048xf32>
    %add3A_3314 = arith.addf %add3A_3308, %mul3A_3313 : vector<2048xf32>
    %swap3A_3315 = arith.constant 21 : index
    %swap3A_3316 = arith.constant 0 : index
    %swap3A_3317 = vector.load %arg6[%swap3A_3315, %swap3A_3316] : memref<32x2048xf32, #tpu.memory_space<vmem>>, vector<1x2048xf32>
    %swap3A_3318 = vector.shape_cast %swap3A_3317 : vector<1x2048xf32> to vector<2048xf32>
    %swap3A_3319 = vector.shape_cast %add3A_3314 : vector<2048xf32> to vector<1x2048xf32>
    tpu.vector_store %arg6[%swap3A_3315, %swap3A_3316], %swap3A_3319 {strides = array<i32>} : memref<32x2048xf32, #tpu.memory_space<vmem>>, vector<1x2048xf32>,
    %convert_element_type3A_3320 = arith.fptosi %get3A_276 : vector<2048xf32> to vector<2048xi32>
    %jit3A_3321 = arith.constant 0 : i32
    %jit3A_3322 = arith.constant 4095 : i32
    %max3A_3323 = vector.broadcast %jit3A_3321 : i32 to vector<2048xi32>
    %max3A_3324 = arith.maxsi %max3A_3323, %convert_element_type3A_3320 : vector<2048xi32>
    %min3A_3325 = vector.broadcast %jit3A_3322 : i32 to vector<2048xi32>
    %min3A_3326 = arith.minsi %min3A_3325, %max3A_3324 : vector<2048xi32>
    %convert_element_type3A_3327 = arith.fptosi %get3A_280 : vector<2048xf32> to vector<2048xi32>
    %jit3A_3328 = arith.constant 0 : i32
    %jit3A_3329 = arith.constant 4095 : i32
    %max3A_3330 = vector.broadcast %jit3A_3328 : i32 to vector<2048xi32>
    %max3A_3331 = arith.maxsi %max3A_3330, %convert_element_type3A_3327 : vector<2048xi32>
    %min3A_3332 = vector.broadcast %jit3A_3329 : i32 to vector<2048xi32>
    %min3A_3333 = arith.minsi %min3A_3332, %max3A_3331 : vector<2048xi32>
    %shift_left3A_3334 = arith.constant 12 : i32
    %shift_left3A_3335 = vector.broadcast %shift_left3A_3334 : i32 to vector<2048xi32>
    %shift_left3A_3336 = arith.shli %min3A_3326, %shift_left3A_3335 : vector<2048xi32>
    %or3A_3337 = arith.ori %shift_left3A_3336, %min3A_3333 : vector<2048xi32>
    %swap3A_3338 = arith.constant 21 : index
    %swap3A_3339 = arith.constant 0 : index
    %swap3A_3340 = vector.load %arg7[%swap3A_3338, %swap3A_3339] : memref<32x2048xi32, #tpu.memory_space<vmem>>, vector<1x2048xi32>
    %swap3A_3341 = vector.shape_cast %swap3A_3340 : vector<1x2048xi32> to vector<2048xi32>
    %swap3A_3342 = vector.shape_cast %or3A_3337 : vector<2048xi32> to vector<1x2048xi32>
    tpu.vector_store %arg7[%swap3A_3338, %swap3A_3339], %swap3A_3342 {strides = array<i32>} : memref<32x2048xi32, #tpu.memory_space<vmem>>, vector<1x2048xi32>,
    %get3A_3343 = arith.constant 88 : index
    %get3A_3344 = arith.constant 0 : index
    %get3A_3345 = vector.load %arg8[%get3A_3343, %get3A_3344] : memref<128x2048xf32, #tpu.memory_space<vmem>>, vector<1x2048xf32>
    %get3A_3346 = vector.shape_cast %get3A_3345 : vector<1x2048xf32> to vector<2048xf32>
    %mul3A_3347 = arith.mulf %get3A_3346, %div3A_2210 : vector<2048xf32>
    %get3A_3348 = arith.constant 89 : index
    %get3A_3349 = arith.constant 0 : index
    %get3A_3350 = vector.load %arg8[%get3A_3348, %get3A_3349] : memref<128x2048xf32, #tpu.memory_space<vmem>>, vector<1x2048xf32>
    %get3A_3351 = vector.shape_cast %get3A_3350 : vector<1x2048xf32> to vector<2048xf32>
    %mul3A_3352 = arith.mulf %get3A_3351, %div3A_2215 : vector<2048xf32>
    %add3A_3353 = arith.addf %mul3A_3347, %mul3A_3352 : vector<2048xf32>
    %get3A_3354 = arith.constant 90 : index
    %get3A_3355 = arith.constant 0 : index
    %get3A_3356 = vector.load %arg8[%get3A_3354, %get3A_3355] : memref<128x2048xf32, #tpu.memory_space<vmem>>, vector<1x2048xf32>
    %get3A_3357 = vector.shape_cast %get3A_3356 : vector<1x2048xf32> to vector<2048xf32>
    %mul3A_3358 = arith.mulf %get3A_3357, %div3A_2220 : vector<2048xf32>
    %add3A_3359 = arith.addf %add3A_3353, %mul3A_3358 : vector<2048xf32>
    %get3A_3360 = arith.constant 91 : index
    %get3A_3361 = arith.constant 0 : index
    %get3A_3362 = vector.load %arg8[%get3A_3360, %get3A_3361] : memref<128x2048xf32, #tpu.memory_space<vmem>>, vector<1x2048xf32>
    %get3A_3363 = vector.shape_cast %get3A_3362 : vector<1x2048xf32> to vector<2048xf32>
    %mul3A_3364 = arith.mulf %get3A_3363, %div3A_2225 : vector<2048xf32>
    %add3A_3365 = arith.addf %add3A_3359, %mul3A_3364 : vector<2048xf32>
    %swap3A_3366 = arith.constant 22 : index
    %swap3A_3367 = arith.constant 0 : index
    %swap3A_3368 = vector.load %arg6[%swap3A_3366, %swap3A_3367] : memref<32x2048xf32, #tpu.memory_space<vmem>>, vector<1x2048xf32>
    %swap3A_3369 = vector.shape_cast %swap3A_3368 : vector<1x2048xf32> to vector<2048xf32>
    %swap3A_3370 = vector.shape_cast %add3A_3365 : vector<2048xf32> to vector<1x2048xf32>
    tpu.vector_store %arg6[%swap3A_3366, %swap3A_3367], %swap3A_3370 {strides = array<i32>} : memref<32x2048xf32, #tpu.memory_space<vmem>>, vector<1x2048xf32>,
    %convert_element_type3A_3371 = arith.fptosi %floor3A_322 : vector<2048xf32> to vector<2048xi32>
    %jit3A_3372 = arith.constant 0 : i32
    %jit3A_3373 = arith.constant 4095 : i32
    %max3A_3374 = vector.broadcast %jit3A_3372 : i32 to vector<2048xi32>
    %max3A_3375 = arith.maxsi %max3A_3374, %convert_element_type3A_3371 : vector<2048xi32>
    %min3A_3376 = vector.broadcast %jit3A_3373 : i32 to vector<2048xi32>
    %min3A_3377 = arith.minsi %min3A_3376, %max3A_3375 : vector<2048xi32>
    %convert_element_type3A_3378 = arith.fptosi %floor3A_328 : vector<2048xf32> to vector<2048xi32>
    %jit3A_3379 = arith.constant 0 : i32
    %jit3A_3380 = arith.constant 4095 : i32
    %max3A_3381 = vector.broadcast %jit3A_3379 : i32 to vector<2048xi32>
    %max3A_3382 = arith.maxsi %max3A_3381, %convert_element_type3A_3378 : vector<2048xi32>
    %min3A_3383 = vector.broadcast %jit3A_3380 : i32 to vector<2048xi32>
    %min3A_3384 = arith.minsi %min3A_3383, %max3A_3382 : vector<2048xi32>
    %shift_left3A_3385 = arith.constant 12 : i32
    %shift_left3A_3386 = vector.broadcast %shift_left3A_3385 : i32 to vector<2048xi32>
    %shift_left3A_3387 = arith.shli %min3A_3377, %shift_left3A_3386 : vector<2048xi32>
    %or3A_3388 = arith.ori %shift_left3A_3387, %min3A_3384 : vector<2048xi32>
    %swap3A_3389 = arith.constant 22 : index
    %swap3A_3390 = arith.constant 0 : index
    %swap3A_3391 = vector.load %arg7[%swap3A_3389, %swap3A_3390] : memref<32x2048xi32, #tpu.memory_space<vmem>>, vector<1x2048xi32>
    %swap3A_3392 = vector.shape_cast %swap3A_3391 : vector<1x2048xi32> to vector<2048xi32>
    %swap3A_3393 = vector.shape_cast %or3A_3388 : vector<2048xi32> to vector<1x2048xi32>
    tpu.vector_store %arg7[%swap3A_3389, %swap3A_3390], %swap3A_3393 {strides = array<i32>} : memref<32x2048xi32, #tpu.memory_space<vmem>>, vector<1x2048xi32>,
    %get3A_3394 = arith.constant 92 : index
    %get3A_3395 = arith.constant 0 : index
    %get3A_3396 = vector.load %arg8[%get3A_3394, %get3A_3395] : memref<128x2048xf32, #tpu.memory_space<vmem>>, vector<1x2048xf32>
    %get3A_3397 = vector.shape_cast %get3A_3396 : vector<1x2048xf32> to vector<2048xf32>
    %mul3A_3398 = arith.mulf %get3A_3397, %div3A_2210 : vector<2048xf32>
    %get3A_3399 = arith.constant 93 : index
    %get3A_3400 = arith.constant 0 : index
    %get3A_3401 = vector.load %arg8[%get3A_3399, %get3A_3400] : memref<128x2048xf32, #tpu.memory_space<vmem>>, vector<1x2048xf32>
    %get3A_3402 = vector.shape_cast %get3A_3401 : vector<1x2048xf32> to vector<2048xf32>
    %mul3A_3403 = arith.mulf %get3A_3402, %div3A_2215 : vector<2048xf32>
    %add3A_3404 = arith.addf %mul3A_3398, %mul3A_3403 : vector<2048xf32>
    %get3A_3405 = arith.constant 94 : index
    %get3A_3406 = arith.constant 0 : index
    %get3A_3407 = vector.load %arg8[%get3A_3405, %get3A_3406] : memref<128x2048xf32, #tpu.memory_space<vmem>>, vector<1x2048xf32>
    %get3A_3408 = vector.shape_cast %get3A_3407 : vector<1x2048xf32> to vector<2048xf32>
    %mul3A_3409 = arith.mulf %get3A_3408, %div3A_2220 : vector<2048xf32>
    %add3A_3410 = arith.addf %add3A_3404, %mul3A_3409 : vector<2048xf32>
    %get3A_3411 = arith.constant 95 : index
    %get3A_3412 = arith.constant 0 : index
    %get3A_3413 = vector.load %arg8[%get3A_3411, %get3A_3412] : memref<128x2048xf32, #tpu.memory_space<vmem>>, vector<1x2048xf32>
    %get3A_3414 = vector.shape_cast %get3A_3413 : vector<1x2048xf32> to vector<2048xf32>
    %mul3A_3415 = arith.mulf %get3A_3414, %div3A_2225 : vector<2048xf32>
    %add3A_3416 = arith.addf %add3A_3410, %mul3A_3415 : vector<2048xf32>
    %swap3A_3417 = arith.constant 23 : index
    %swap3A_3418 = arith.constant 0 : index
    %swap3A_3419 = vector.load %arg6[%swap3A_3417, %swap3A_3418] : memref<32x2048xf32, #tpu.memory_space<vmem>>, vector<1x2048xf32>
    %swap3A_3420 = vector.shape_cast %swap3A_3419 : vector<1x2048xf32> to vector<2048xf32>
    %swap3A_3421 = vector.shape_cast %add3A_3416 : vector<2048xf32> to vector<1x2048xf32>
    tpu.vector_store %arg6[%swap3A_3417, %swap3A_3418], %swap3A_3421 {strides = array<i32>} : memref<32x2048xf32, #tpu.memory_space<vmem>>, vector<1x2048xf32>,
    %convert_element_type3A_3422 = arith.fptosi %floor3A_334 : vector<2048xf32> to vector<2048xi32>
    %jit3A_3423 = arith.constant 0 : i32
    %jit3A_3424 = arith.constant 4095 : i32
    %max3A_3425 = vector.broadcast %jit3A_3423 : i32 to vector<2048xi32>
    %max3A_3426 = arith.maxsi %max3A_3425, %convert_element_type3A_3422 : vector<2048xi32>
    %min3A_3427 = vector.broadcast %jit3A_3424 : i32 to vector<2048xi32>
    %min3A_3428 = arith.minsi %min3A_3427, %max3A_3426 : vector<2048xi32>
    %convert_element_type3A_3429 = arith.fptosi %floor3A_340 : vector<2048xf32> to vector<2048xi32>
    %jit3A_3430 = arith.constant 0 : i32
    %jit3A_3431 = arith.constant 4095 : i32
    %max3A_3432 = vector.broadcast %jit3A_3430 : i32 to vector<2048xi32>
    %max3A_3433 = arith.maxsi %max3A_3432, %convert_element_type3A_3429 : vector<2048xi32>
    %min3A_3434 = vector.broadcast %jit3A_3431 : i32 to vector<2048xi32>
    %min3A_3435 = arith.minsi %min3A_3434, %max3A_3433 : vector<2048xi32>
    %shift_left3A_3436 = arith.constant 12 : i32
    %shift_left3A_3437 = vector.broadcast %shift_left3A_3436 : i32 to vector<2048xi32>
    %shift_left3A_3438 = arith.shli %min3A_3428, %shift_left3A_3437 : vector<2048xi32>
    %or3A_3439 = arith.ori %shift_left3A_3438, %min3A_3435 : vector<2048xi32>
    %swap3A_3440 = arith.constant 23 : index
    %swap3A_3441 = arith.constant 0 : index
    %swap3A_3442 = vector.load %arg7[%swap3A_3440, %swap3A_3441] : memref<32x2048xi32, #tpu.memory_space<vmem>>, vector<1x2048xi32>
    %swap3A_3443 = vector.shape_cast %swap3A_3442 : vector<1x2048xi32> to vector<2048xi32>
    %swap3A_3444 = vector.shape_cast %or3A_3439 : vector<2048xi32> to vector<1x2048xi32>
    tpu.vector_store %arg7[%swap3A_3440, %swap3A_3441], %swap3A_3444 {strides = array<i32>} : memref<32x2048xi32, #tpu.memory_space<vmem>>, vector<1x2048xi32>,
    %get3A_3445 = arith.constant 96 : index
    %get3A_3446 = arith.constant 0 : index
    %get3A_3447 = vector.load %arg8[%get3A_3445, %get3A_3446] : memref<128x2048xf32, #tpu.memory_space<vmem>>, vector<1x2048xf32>
    %get3A_3448 = vector.shape_cast %get3A_3447 : vector<1x2048xf32> to vector<2048xf32>
    %mul3A_3449 = arith.mulf %get3A_3448, %div3A_2210 : vector<2048xf32>
    %get3A_3450 = arith.constant 97 : index
    %get3A_3451 = arith.constant 0 : index
    %get3A_3452 = vector.load %arg8[%get3A_3450, %get3A_3451] : memref<128x2048xf32, #tpu.memory_space<vmem>>, vector<1x2048xf32>
    %get3A_3453 = vector.shape_cast %get3A_3452 : vector<1x2048xf32> to vector<2048xf32>
    %mul3A_3454 = arith.mulf %get3A_3453, %div3A_2215 : vector<2048xf32>
    %add3A_3455 = arith.addf %mul3A_3449, %mul3A_3454 : vector<2048xf32>
    %get3A_3456 = arith.constant 98 : index
    %get3A_3457 = arith.constant 0 : index
    %get3A_3458 = vector.load %arg8[%get3A_3456, %get3A_3457] : memref<128x2048xf32, #tpu.memory_space<vmem>>, vector<1x2048xf32>
    %get3A_3459 = vector.shape_cast %get3A_3458 : vector<1x2048xf32> to vector<2048xf32>
    %mul3A_3460 = arith.mulf %get3A_3459, %div3A_2220 : vector<2048xf32>
    %add3A_3461 = arith.addf %add3A_3455, %mul3A_3460 : vector<2048xf32>
    %get3A_3462 = arith.constant 99 : index
    %get3A_3463 = arith.constant 0 : index
    %get3A_3464 = vector.load %arg8[%get3A_3462, %get3A_3463] : memref<128x2048xf32, #tpu.memory_space<vmem>>, vector<1x2048xf32>
    %get3A_3465 = vector.shape_cast %get3A_3464 : vector<1x2048xf32> to vector<2048xf32>
    %mul3A_3466 = arith.mulf %get3A_3465, %div3A_2225 : vector<2048xf32>
    %add3A_3467 = arith.addf %add3A_3461, %mul3A_3466 : vector<2048xf32>
    %swap3A_3468 = arith.constant 24 : index
    %swap3A_3469 = arith.constant 0 : index
    %swap3A_3470 = vector.load %arg6[%swap3A_3468, %swap3A_3469] : memref<32x2048xf32, #tpu.memory_space<vmem>>, vector<1x2048xf32>
    %swap3A_3471 = vector.shape_cast %swap3A_3470 : vector<1x2048xf32> to vector<2048xf32>
    %swap3A_3472 = vector.shape_cast %add3A_3467 : vector<2048xf32> to vector<1x2048xf32>
    tpu.vector_store %arg6[%swap3A_3468, %swap3A_3469], %swap3A_3472 {strides = array<i32>} : memref<32x2048xf32, #tpu.memory_space<vmem>>, vector<1x2048xf32>,
    %convert_element_type3A_3473 = arith.fptosi %floor3A_341 : vector<2048xf32> to vector<2048xi32>
    %jit3A_3474 = arith.constant 0 : i32
    %jit3A_3475 = arith.constant 4095 : i32
    %max3A_3476 = vector.broadcast %jit3A_3474 : i32 to vector<2048xi32>
    %max3A_3477 = arith.maxsi %max3A_3476, %convert_element_type3A_3473 : vector<2048xi32>
    %min3A_3478 = vector.broadcast %jit3A_3475 : i32 to vector<2048xi32>
    %min3A_3479 = arith.minsi %min3A_3478, %max3A_3477 : vector<2048xi32>
    %convert_element_type3A_3480 = arith.fptosi %floor3A_343 : vector<2048xf32> to vector<2048xi32>
    %jit3A_3481 = arith.constant 0 : i32
    %jit3A_3482 = arith.constant 4095 : i32
    %max3A_3483 = vector.broadcast %jit3A_3481 : i32 to vector<2048xi32>
    %max3A_3484 = arith.maxsi %max3A_3483, %convert_element_type3A_3480 : vector<2048xi32>
    %min3A_3485 = vector.broadcast %jit3A_3482 : i32 to vector<2048xi32>
    %min3A_3486 = arith.minsi %min3A_3485, %max3A_3484 : vector<2048xi32>
    %shift_left3A_3487 = arith.constant 12 : i32
    %shift_left3A_3488 = vector.broadcast %shift_left3A_3487 : i32 to vector<2048xi32>
    %shift_left3A_3489 = arith.shli %min3A_3479, %shift_left3A_3488 : vector<2048xi32>
    %or3A_3490 = arith.ori %shift_left3A_3489, %min3A_3486 : vector<2048xi32>
    %swap3A_3491 = arith.constant 24 : index
    %swap3A_3492 = arith.constant 0 : index
    %swap3A_3493 = vector.load %arg7[%swap3A_3491, %swap3A_3492] : memref<32x2048xi32, #tpu.memory_space<vmem>>, vector<1x2048xi32>
    %swap3A_3494 = vector.shape_cast %swap3A_3493 : vector<1x2048xi32> to vector<2048xi32>
    %swap3A_3495 = vector.shape_cast %or3A_3490 : vector<2048xi32> to vector<1x2048xi32>
    tpu.vector_store %arg7[%swap3A_3491, %swap3A_3492], %swap3A_3495 {strides = array<i32>} : memref<32x2048xi32, #tpu.memory_space<vmem>>, vector<1x2048xi32>,
    %get3A_3496 = arith.constant 100 : index
    %get3A_3497 = arith.constant 0 : index
    %get3A_3498 = vector.load %arg8[%get3A_3496, %get3A_3497] : memref<128x2048xf32, #tpu.memory_space<vmem>>, vector<1x2048xf32>
    %get3A_3499 = vector.shape_cast %get3A_3498 : vector<1x2048xf32> to vector<2048xf32>
    %mul3A_3500 = arith.mulf %get3A_3499, %div3A_2210 : vector<2048xf32>
    %get3A_3501 = arith.constant 101 : index
    %get3A_3502 = arith.constant 0 : index
    %get3A_3503 = vector.load %arg8[%get3A_3501, %get3A_3502] : memref<128x2048xf32, #tpu.memory_space<vmem>>, vector<1x2048xf32>
    %get3A_3504 = vector.shape_cast %get3A_3503 : vector<1x2048xf32> to vector<2048xf32>
    %mul3A_3505 = arith.mulf %get3A_3504, %div3A_2215 : vector<2048xf32>
    %add3A_3506 = arith.addf %mul3A_3500, %mul3A_3505 : vector<2048xf32>
    %get3A_3507 = arith.constant 102 : index
    %get3A_3508 = arith.constant 0 : index
    %get3A_3509 = vector.load %arg8[%get3A_3507, %get3A_3508] : memref<128x2048xf32, #tpu.memory_space<vmem>>, vector<1x2048xf32>
    %get3A_3510 = vector.shape_cast %get3A_3509 : vector<1x2048xf32> to vector<2048xf32>
    %mul3A_3511 = arith.mulf %get3A_3510, %div3A_2220 : vector<2048xf32>
    %add3A_3512 = arith.addf %add3A_3506, %mul3A_3511 : vector<2048xf32>
    %get3A_3513 = arith.constant 103 : index
    %get3A_3514 = arith.constant 0 : index
    %get3A_3515 = vector.load %arg8[%get3A_3513, %get3A_3514] : memref<128x2048xf32, #tpu.memory_space<vmem>>, vector<1x2048xf32>
    %get3A_3516 = vector.shape_cast %get3A_3515 : vector<1x2048xf32> to vector<2048xf32>
    %mul3A_3517 = arith.mulf %get3A_3516, %div3A_2225 : vector<2048xf32>
    %add3A_3518 = arith.addf %add3A_3512, %mul3A_3517 : vector<2048xf32>
    %swap3A_3519 = arith.constant 25 : index
    %swap3A_3520 = arith.constant 0 : index
    %swap3A_3521 = vector.load %arg6[%swap3A_3519, %swap3A_3520] : memref<32x2048xf32, #tpu.memory_space<vmem>>, vector<1x2048xf32>
    %swap3A_3522 = vector.shape_cast %swap3A_3521 : vector<1x2048xf32> to vector<2048xf32>
    %swap3A_3523 = vector.shape_cast %add3A_3518 : vector<2048xf32> to vector<1x2048xf32>
    tpu.vector_store %arg6[%swap3A_3519, %swap3A_3520], %swap3A_3523 {strides = array<i32>} : memref<32x2048xf32, #tpu.memory_space<vmem>>, vector<1x2048xf32>,
    %convert_element_type3A_3524 = arith.fptosi %floor3A_341 : vector<2048xf32> to vector<2048xi32>
    %jit3A_3525 = arith.constant 0 : i32
    %jit3A_3526 = arith.constant 4095 : i32
    %max3A_3527 = vector.broadcast %jit3A_3525 : i32 to vector<2048xi32>
    %max3A_3528 = arith.maxsi %max3A_3527, %convert_element_type3A_3524 : vector<2048xi32>
    %min3A_3529 = vector.broadcast %jit3A_3526 : i32 to vector<2048xi32>
    %min3A_3530 = arith.minsi %min3A_3529, %max3A_3528 : vector<2048xi32>
    %convert_element_type3A_3531 = arith.fptosi %ceil3A_344 : vector<2048xf32> to vector<2048xi32>
    %jit3A_3532 = arith.constant 0 : i32
    %jit3A_3533 = arith.constant 4095 : i32
    %max3A_3534 = vector.broadcast %jit3A_3532 : i32 to vector<2048xi32>
    %max3A_3535 = arith.maxsi %max3A_3534, %convert_element_type3A_3531 : vector<2048xi32>
    %min3A_3536 = vector.broadcast %jit3A_3533 : i32 to vector<2048xi32>
    %min3A_3537 = arith.minsi %min3A_3536, %max3A_3535 : vector<2048xi32>
    %shift_left3A_3538 = arith.constant 12 : i32
    %shift_left3A_3539 = vector.broadcast %shift_left3A_3538 : i32 to vector<2048xi32>
    %shift_left3A_3540 = arith.shli %min3A_3530, %shift_left3A_3539 : vector<2048xi32>
    %or3A_3541 = arith.ori %shift_left3A_3540, %min3A_3537 : vector<2048xi32>
    %swap3A_3542 = arith.constant 25 : index
    %swap3A_3543 = arith.constant 0 : index
    %swap3A_3544 = vector.load %arg7[%swap3A_3542, %swap3A_3543] : memref<32x2048xi32, #tpu.memory_space<vmem>>, vector<1x2048xi32>
    %swap3A_3545 = vector.shape_cast %swap3A_3544 : vector<1x2048xi32> to vector<2048xi32>
    %swap3A_3546 = vector.shape_cast %or3A_3541 : vector<2048xi32> to vector<1x2048xi32>
    tpu.vector_store %arg7[%swap3A_3542, %swap3A_3543], %swap3A_3546 {strides = array<i32>} : memref<32x2048xi32, #tpu.memory_space<vmem>>, vector<1x2048xi32>,
    %get3A_3547 = arith.constant 104 : index
    %get3A_3548 = arith.constant 0 : index
    %get3A_3549 = vector.load %arg8[%get3A_3547, %get3A_3548] : memref<128x2048xf32, #tpu.memory_space<vmem>>, vector<1x2048xf32>
    %get3A_3550 = vector.shape_cast %get3A_3549 : vector<1x2048xf32> to vector<2048xf32>
    %mul3A_3551 = arith.mulf %get3A_3550, %div3A_2210 : vector<2048xf32>
    %get3A_3552 = arith.constant 105 : index
    %get3A_3553 = arith.constant 0 : index
    %get3A_3554 = vector.load %arg8[%get3A_3552, %get3A_3553] : memref<128x2048xf32, #tpu.memory_space<vmem>>, vector<1x2048xf32>
    %get3A_3555 = vector.shape_cast %get3A_3554 : vector<1x2048xf32> to vector<2048xf32>
    %mul3A_3556 = arith.mulf %get3A_3555, %div3A_2215 : vector<2048xf32>
    %add3A_3557 = arith.addf %mul3A_3551, %mul3A_3556 : vector<2048xf32>
    %get3A_3558 = arith.constant 106 : index
    %get3A_3559 = arith.constant 0 : index
    %get3A_3560 = vector.load %arg8[%get3A_3558, %get3A_3559] : memref<128x2048xf32, #tpu.memory_space<vmem>>, vector<1x2048xf32>
    %get3A_3561 = vector.shape_cast %get3A_3560 : vector<1x2048xf32> to vector<2048xf32>
    %mul3A_3562 = arith.mulf %get3A_3561, %div3A_2220 : vector<2048xf32>
    %add3A_3563 = arith.addf %add3A_3557, %mul3A_3562 : vector<2048xf32>
    %get3A_3564 = arith.constant 107 : index
    %get3A_3565 = arith.constant 0 : index
    %get3A_3566 = vector.load %arg8[%get3A_3564, %get3A_3565] : memref<128x2048xf32, #tpu.memory_space<vmem>>, vector<1x2048xf32>
    %get3A_3567 = vector.shape_cast %get3A_3566 : vector<1x2048xf32> to vector<2048xf32>
    %mul3A_3568 = arith.mulf %get3A_3567, %div3A_2225 : vector<2048xf32>
    %add3A_3569 = arith.addf %add3A_3563, %mul3A_3568 : vector<2048xf32>
    %swap3A_3570 = arith.constant 26 : index
    %swap3A_3571 = arith.constant 0 : index
    %swap3A_3572 = vector.load %arg6[%swap3A_3570, %swap3A_3571] : memref<32x2048xf32, #tpu.memory_space<vmem>>, vector<1x2048xf32>
    %swap3A_3573 = vector.shape_cast %swap3A_3572 : vector<1x2048xf32> to vector<2048xf32>
    %swap3A_3574 = vector.shape_cast %add3A_3569 : vector<2048xf32> to vector<1x2048xf32>
    tpu.vector_store %arg6[%swap3A_3570, %swap3A_3571], %swap3A_3574 {strides = array<i32>} : memref<32x2048xf32, #tpu.memory_space<vmem>>, vector<1x2048xf32>,
    %convert_element_type3A_3575 = arith.fptosi %ceil3A_342 : vector<2048xf32> to vector<2048xi32>
    %jit3A_3576 = arith.constant 0 : i32
    %jit3A_3577 = arith.constant 4095 : i32
    %max3A_3578 = vector.broadcast %jit3A_3576 : i32 to vector<2048xi32>
    %max3A_3579 = arith.maxsi %max3A_3578, %convert_element_type3A_3575 : vector<2048xi32>
    %min3A_3580 = vector.broadcast %jit3A_3577 : i32 to vector<2048xi32>
    %min3A_3581 = arith.minsi %min3A_3580, %max3A_3579 : vector<2048xi32>
    %convert_element_type3A_3582 = arith.fptosi %floor3A_343 : vector<2048xf32> to vector<2048xi32>
    %jit3A_3583 = arith.constant 0 : i32
    %jit3A_3584 = arith.constant 4095 : i32
    %max3A_3585 = vector.broadcast %jit3A_3583 : i32 to vector<2048xi32>
    %max3A_3586 = arith.maxsi %max3A_3585, %convert_element_type3A_3582 : vector<2048xi32>
    %min3A_3587 = vector.broadcast %jit3A_3584 : i32 to vector<2048xi32>
    %min3A_3588 = arith.minsi %min3A_3587, %max3A_3586 : vector<2048xi32>
    %shift_left3A_3589 = arith.constant 12 : i32
    %shift_left3A_3590 = vector.broadcast %shift_left3A_3589 : i32 to vector<2048xi32>
    %shift_left3A_3591 = arith.shli %min3A_3581, %shift_left3A_3590 : vector<2048xi32>
    %or3A_3592 = arith.ori %shift_left3A_3591, %min3A_3588 : vector<2048xi32>
    %swap3A_3593 = arith.constant 26 : index
    %swap3A_3594 = arith.constant 0 : index
    %swap3A_3595 = vector.load %arg7[%swap3A_3593, %swap3A_3594] : memref<32x2048xi32, #tpu.memory_space<vmem>>, vector<1x2048xi32>
    %swap3A_3596 = vector.shape_cast %swap3A_3595 : vector<1x2048xi32> to vector<2048xi32>
    %swap3A_3597 = vector.shape_cast %or3A_3592 : vector<2048xi32> to vector<1x2048xi32>
    tpu.vector_store %arg7[%swap3A_3593, %swap3A_3594], %swap3A_3597 {strides = array<i32>} : memref<32x2048xi32, #tpu.memory_space<vmem>>, vector<1x2048xi32>,
    %get3A_3598 = arith.constant 108 : index
    %get3A_3599 = arith.constant 0 : index
    %get3A_3600 = vector.load %arg8[%get3A_3598, %get3A_3599] : memref<128x2048xf32, #tpu.memory_space<vmem>>, vector<1x2048xf32>
    %get3A_3601 = vector.shape_cast %get3A_3600 : vector<1x2048xf32> to vector<2048xf32>
    %mul3A_3602 = arith.mulf %get3A_3601, %div3A_2210 : vector<2048xf32>
    %get3A_3603 = arith.constant 109 : index
    %get3A_3604 = arith.constant 0 : index
    %get3A_3605 = vector.load %arg8[%get3A_3603, %get3A_3604] : memref<128x2048xf32, #tpu.memory_space<vmem>>, vector<1x2048xf32>
    %get3A_3606 = vector.shape_cast %get3A_3605 : vector<1x2048xf32> to vector<2048xf32>
    %mul3A_3607 = arith.mulf %get3A_3606, %div3A_2215 : vector<2048xf32>
    %add3A_3608 = arith.addf %mul3A_3602, %mul3A_3607 : vector<2048xf32>
    %get3A_3609 = arith.constant 110 : index
    %get3A_3610 = arith.constant 0 : index
    %get3A_3611 = vector.load %arg8[%get3A_3609, %get3A_3610] : memref<128x2048xf32, #tpu.memory_space<vmem>>, vector<1x2048xf32>
    %get3A_3612 = vector.shape_cast %get3A_3611 : vector<1x2048xf32> to vector<2048xf32>
    %mul3A_3613 = arith.mulf %get3A_3612, %div3A_2220 : vector<2048xf32>
    %add3A_3614 = arith.addf %add3A_3608, %mul3A_3613 : vector<2048xf32>
    %get3A_3615 = arith.constant 111 : index
    %get3A_3616 = arith.constant 0 : index
    %get3A_3617 = vector.load %arg8[%get3A_3615, %get3A_3616] : memref<128x2048xf32, #tpu.memory_space<vmem>>, vector<1x2048xf32>
    %get3A_3618 = vector.shape_cast %get3A_3617 : vector<1x2048xf32> to vector<2048xf32>
    %mul3A_3619 = arith.mulf %get3A_3618, %div3A_2225 : vector<2048xf32>
    %add3A_3620 = arith.addf %add3A_3614, %mul3A_3619 : vector<2048xf32>
    %swap3A_3621 = arith.constant 27 : index
    %swap3A_3622 = arith.constant 0 : index
    %swap3A_3623 = vector.load %arg6[%swap3A_3621, %swap3A_3622] : memref<32x2048xf32, #tpu.memory_space<vmem>>, vector<1x2048xf32>
    %swap3A_3624 = vector.shape_cast %swap3A_3623 : vector<1x2048xf32> to vector<2048xf32>
    %swap3A_3625 = vector.shape_cast %add3A_3620 : vector<2048xf32> to vector<1x2048xf32>
    tpu.vector_store %arg6[%swap3A_3621, %swap3A_3622], %swap3A_3625 {strides = array<i32>} : memref<32x2048xf32, #tpu.memory_space<vmem>>, vector<1x2048xf32>,
    %convert_element_type3A_3626 = arith.fptosi %ceil3A_342 : vector<2048xf32> to vector<2048xi32>
    %jit3A_3627 = arith.constant 0 : i32
    %jit3A_3628 = arith.constant 4095 : i32
    %max3A_3629 = vector.broadcast %jit3A_3627 : i32 to vector<2048xi32>
    %max3A_3630 = arith.maxsi %max3A_3629, %convert_element_type3A_3626 : vector<2048xi32>
    %min3A_3631 = vector.broadcast %jit3A_3628 : i32 to vector<2048xi32>
    %min3A_3632 = arith.minsi %min3A_3631, %max3A_3630 : vector<2048xi32>
    %convert_element_type3A_3633 = arith.fptosi %ceil3A_344 : vector<2048xf32> to vector<2048xi32>
    %jit3A_3634 = arith.constant 0 : i32
    %jit3A_3635 = arith.constant 4095 : i32
    %max3A_3636 = vector.broadcast %jit3A_3634 : i32 to vector<2048xi32>
    %max3A_3637 = arith.maxsi %max3A_3636, %convert_element_type3A_3633 : vector<2048xi32>
    %min3A_3638 = vector.broadcast %jit3A_3635 : i32 to vector<2048xi32>
    %min3A_3639 = arith.minsi %min3A_3638, %max3A_3637 : vector<2048xi32>
    %shift_left3A_3640 = arith.constant 12 : i32
    %shift_left3A_3641 = vector.broadcast %shift_left3A_3640 : i32 to vector<2048xi32>
    %shift_left3A_3642 = arith.shli %min3A_3632, %shift_left3A_3641 : vector<2048xi32>
    %or3A_3643 = arith.ori %shift_left3A_3642, %min3A_3639 : vector<2048xi32>
    %swap3A_3644 = arith.constant 27 : index
    %swap3A_3645 = arith.constant 0 : index
    %swap3A_3646 = vector.load %arg7[%swap3A_3644, %swap3A_3645] : memref<32x2048xi32, #tpu.memory_space<vmem>>, vector<1x2048xi32>
    %swap3A_3647 = vector.shape_cast %swap3A_3646 : vector<1x2048xi32> to vector<2048xi32>
    %swap3A_3648 = vector.shape_cast %or3A_3643 : vector<2048xi32> to vector<1x2048xi32>
    tpu.vector_store %arg7[%swap3A_3644, %swap3A_3645], %swap3A_3648 {strides = array<i32>} : memref<32x2048xi32, #tpu.memory_space<vmem>>, vector<1x2048xi32>,
    %get3A_3649 = arith.constant 112 : index
    %get3A_3650 = arith.constant 0 : index
    %get3A_3651 = vector.load %arg8[%get3A_3649, %get3A_3650] : memref<128x2048xf32, #tpu.memory_space<vmem>>, vector<1x2048xf32>
    %get3A_3652 = vector.shape_cast %get3A_3651 : vector<1x2048xf32> to vector<2048xf32>
    %mul3A_3653 = arith.mulf %get3A_3652, %div3A_2210 : vector<2048xf32>
    %get3A_3654 = arith.constant 113 : index
    %get3A_3655 = arith.constant 0 : index
    %get3A_3656 = vector.load %arg8[%get3A_3654, %get3A_3655] : memref<128x2048xf32, #tpu.memory_space<vmem>>, vector<1x2048xf32>
    %get3A_3657 = vector.shape_cast %get3A_3656 : vector<1x2048xf32> to vector<2048xf32>
    %mul3A_3658 = arith.mulf %get3A_3657, %div3A_2215 : vector<2048xf32>
    %add3A_3659 = arith.addf %mul3A_3653, %mul3A_3658 : vector<2048xf32>
    %get3A_3660 = arith.constant 114 : index
    %get3A_3661 = arith.constant 0 : index
    %get3A_3662 = vector.load %arg8[%get3A_3660, %get3A_3661] : memref<128x2048xf32, #tpu.memory_space<vmem>>, vector<1x2048xf32>
    %get3A_3663 = vector.shape_cast %get3A_3662 : vector<1x2048xf32> to vector<2048xf32>
    %mul3A_3664 = arith.mulf %get3A_3663, %div3A_2220 : vector<2048xf32>
    %add3A_3665 = arith.addf %add3A_3659, %mul3A_3664 : vector<2048xf32>
    %get3A_3666 = arith.constant 115 : index
    %get3A_3667 = arith.constant 0 : index
    %get3A_3668 = vector.load %arg8[%get3A_3666, %get3A_3667] : memref<128x2048xf32, #tpu.memory_space<vmem>>, vector<1x2048xf32>
    %get3A_3669 = vector.shape_cast %get3A_3668 : vector<1x2048xf32> to vector<2048xf32>
    %mul3A_3670 = arith.mulf %get3A_3669, %div3A_2225 : vector<2048xf32>
    %add3A_3671 = arith.addf %add3A_3665, %mul3A_3670 : vector<2048xf32>
    %swap3A_3672 = arith.constant 28 : index
    %swap3A_3673 = arith.constant 0 : index
    %swap3A_3674 = vector.load %arg6[%swap3A_3672, %swap3A_3673] : memref<32x2048xf32, #tpu.memory_space<vmem>>, vector<1x2048xf32>
    %swap3A_3675 = vector.shape_cast %swap3A_3674 : vector<1x2048xf32> to vector<2048xf32>
    %swap3A_3676 = vector.shape_cast %add3A_3671 : vector<2048xf32> to vector<1x2048xf32>
    tpu.vector_store %arg6[%swap3A_3672, %swap3A_3673], %swap3A_3676 {strides = array<i32>} : memref<32x2048xf32, #tpu.memory_space<vmem>>, vector<1x2048xf32>,
    %convert_element_type3A_3677 = arith.fptosi %get3A_348 : vector<2048xf32> to vector<2048xi32>
    %jit3A_3678 = arith.constant 0 : i32
    %jit3A_3679 = arith.constant 4095 : i32
    %max3A_3680 = vector.broadcast %jit3A_3678 : i32 to vector<2048xi32>
    %max3A_3681 = arith.maxsi %max3A_3680, %convert_element_type3A_3677 : vector<2048xi32>
    %min3A_3682 = vector.broadcast %jit3A_3679 : i32 to vector<2048xi32>
    %min3A_3683 = arith.minsi %min3A_3682, %max3A_3681 : vector<2048xi32>
    %convert_element_type3A_3684 = arith.fptosi %get3A_352 : vector<2048xf32> to vector<2048xi32>
    %jit3A_3685 = arith.constant 0 : i32
    %jit3A_3686 = arith.constant 4095 : i32
    %max3A_3687 = vector.broadcast %jit3A_3685 : i32 to vector<2048xi32>
    %max3A_3688 = arith.maxsi %max3A_3687, %convert_element_type3A_3684 : vector<2048xi32>
    %min3A_3689 = vector.broadcast %jit3A_3686 : i32 to vector<2048xi32>
    %min3A_3690 = arith.minsi %min3A_3689, %max3A_3688 : vector<2048xi32>
    %shift_left3A_3691 = arith.constant 12 : i32
    %shift_left3A_3692 = vector.broadcast %shift_left3A_3691 : i32 to vector<2048xi32>
    %shift_left3A_3693 = arith.shli %min3A_3683, %shift_left3A_3692 : vector<2048xi32>
    %or3A_3694 = arith.ori %shift_left3A_3693, %min3A_3690 : vector<2048xi32>
    %swap3A_3695 = arith.constant 28 : index
    %swap3A_3696 = arith.constant 0 : index
    %swap3A_3697 = vector.load %arg7[%swap3A_3695, %swap3A_3696] : memref<32x2048xi32, #tpu.memory_space<vmem>>, vector<1x2048xi32>
    %swap3A_3698 = vector.shape_cast %swap3A_3697 : vector<1x2048xi32> to vector<2048xi32>
    %swap3A_3699 = vector.shape_cast %or3A_3694 : vector<2048xi32> to vector<1x2048xi32>
    tpu.vector_store %arg7[%swap3A_3695, %swap3A_3696], %swap3A_3699 {strides = array<i32>} : memref<32x2048xi32, #tpu.memory_space<vmem>>, vector<1x2048xi32>,
    %get3A_3700 = arith.constant 116 : index
    %get3A_3701 = arith.constant 0 : index
    %get3A_3702 = vector.load %arg8[%get3A_3700, %get3A_3701] : memref<128x2048xf32, #tpu.memory_space<vmem>>, vector<1x2048xf32>
    %get3A_3703 = vector.shape_cast %get3A_3702 : vector<1x2048xf32> to vector<2048xf32>
    %mul3A_3704 = arith.mulf %get3A_3703, %div3A_2210 : vector<2048xf32>
    %get3A_3705 = arith.constant 117 : index
    %get3A_3706 = arith.constant 0 : index
    %get3A_3707 = vector.load %arg8[%get3A_3705, %get3A_3706] : memref<128x2048xf32, #tpu.memory_space<vmem>>, vector<1x2048xf32>
    %get3A_3708 = vector.shape_cast %get3A_3707 : vector<1x2048xf32> to vector<2048xf32>
    %mul3A_3709 = arith.mulf %get3A_3708, %div3A_2215 : vector<2048xf32>
    %add3A_3710 = arith.addf %mul3A_3704, %mul3A_3709 : vector<2048xf32>
    %get3A_3711 = arith.constant 118 : index
    %get3A_3712 = arith.constant 0 : index
    %get3A_3713 = vector.load %arg8[%get3A_3711, %get3A_3712] : memref<128x2048xf32, #tpu.memory_space<vmem>>, vector<1x2048xf32>
    %get3A_3714 = vector.shape_cast %get3A_3713 : vector<1x2048xf32> to vector<2048xf32>
    %mul3A_3715 = arith.mulf %get3A_3714, %div3A_2220 : vector<2048xf32>
    %add3A_3716 = arith.addf %add3A_3710, %mul3A_3715 : vector<2048xf32>
    %get3A_3717 = arith.constant 119 : index
    %get3A_3718 = arith.constant 0 : index
    %get3A_3719 = vector.load %arg8[%get3A_3717, %get3A_3718] : memref<128x2048xf32, #tpu.memory_space<vmem>>, vector<1x2048xf32>
    %get3A_3720 = vector.shape_cast %get3A_3719 : vector<1x2048xf32> to vector<2048xf32>
    %mul3A_3721 = arith.mulf %get3A_3720, %div3A_2225 : vector<2048xf32>
    %add3A_3722 = arith.addf %add3A_3716, %mul3A_3721 : vector<2048xf32>
    %swap3A_3723 = arith.constant 29 : index
    %swap3A_3724 = arith.constant 0 : index
    %swap3A_3725 = vector.load %arg6[%swap3A_3723, %swap3A_3724] : memref<32x2048xf32, #tpu.memory_space<vmem>>, vector<1x2048xf32>
    %swap3A_3726 = vector.shape_cast %swap3A_3725 : vector<1x2048xf32> to vector<2048xf32>
    %swap3A_3727 = vector.shape_cast %add3A_3722 : vector<2048xf32> to vector<1x2048xf32>
    tpu.vector_store %arg6[%swap3A_3723, %swap3A_3724], %swap3A_3727 {strides = array<i32>} : memref<32x2048xf32, #tpu.memory_space<vmem>>, vector<1x2048xf32>,
    %convert_element_type3A_3728 = arith.fptosi %get3A_356 : vector<2048xf32> to vector<2048xi32>
    %jit3A_3729 = arith.constant 0 : i32
    %jit3A_3730 = arith.constant 4095 : i32
    %max3A_3731 = vector.broadcast %jit3A_3729 : i32 to vector<2048xi32>
    %max3A_3732 = arith.maxsi %max3A_3731, %convert_element_type3A_3728 : vector<2048xi32>
    %min3A_3733 = vector.broadcast %jit3A_3730 : i32 to vector<2048xi32>
    %min3A_3734 = arith.minsi %min3A_3733, %max3A_3732 : vector<2048xi32>
    %convert_element_type3A_3735 = arith.fptosi %get3A_360 : vector<2048xf32> to vector<2048xi32>
    %jit3A_3736 = arith.constant 0 : i32
    %jit3A_3737 = arith.constant 4095 : i32
    %max3A_3738 = vector.broadcast %jit3A_3736 : i32 to vector<2048xi32>
    %max3A_3739 = arith.maxsi %max3A_3738, %convert_element_type3A_3735 : vector<2048xi32>
    %min3A_3740 = vector.broadcast %jit3A_3737 : i32 to vector<2048xi32>
    %min3A_3741 = arith.minsi %min3A_3740, %max3A_3739 : vector<2048xi32>
    %shift_left3A_3742 = arith.constant 12 : i32
    %shift_left3A_3743 = vector.broadcast %shift_left3A_3742 : i32 to vector<2048xi32>
    %shift_left3A_3744 = arith.shli %min3A_3734, %shift_left3A_3743 : vector<2048xi32>
    %or3A_3745 = arith.ori %shift_left3A_3744, %min3A_3741 : vector<2048xi32>
    %swap3A_3746 = arith.constant 29 : index
    %swap3A_3747 = arith.constant 0 : index
    %swap3A_3748 = vector.load %arg7[%swap3A_3746, %swap3A_3747] : memref<32x2048xi32, #tpu.memory_space<vmem>>, vector<1x2048xi32>
    %swap3A_3749 = vector.shape_cast %swap3A_3748 : vector<1x2048xi32> to vector<2048xi32>
    %swap3A_3750 = vector.shape_cast %or3A_3745 : vector<2048xi32> to vector<1x2048xi32>
    tpu.vector_store %arg7[%swap3A_3746, %swap3A_3747], %swap3A_3750 {strides = array<i32>} : memref<32x2048xi32, #tpu.memory_space<vmem>>, vector<1x2048xi32>,
    %get3A_3751 = arith.constant 120 : index
    %get3A_3752 = arith.constant 0 : index
    %get3A_3753 = vector.load %arg8[%get3A_3751, %get3A_3752] : memref<128x2048xf32, #tpu.memory_space<vmem>>, vector<1x2048xf32>
    %get3A_3754 = vector.shape_cast %get3A_3753 : vector<1x2048xf32> to vector<2048xf32>
    %mul3A_3755 = arith.mulf %get3A_3754, %div3A_2210 : vector<2048xf32>
    %get3A_3756 = arith.constant 121 : index
    %get3A_3757 = arith.constant 0 : index
    %get3A_3758 = vector.load %arg8[%get3A_3756, %get3A_3757] : memref<128x2048xf32, #tpu.memory_space<vmem>>, vector<1x2048xf32>
    %get3A_3759 = vector.shape_cast %get3A_3758 : vector<1x2048xf32> to vector<2048xf32>
    %mul3A_3760 = arith.mulf %get3A_3759, %div3A_2215 : vector<2048xf32>
    %add3A_3761 = arith.addf %mul3A_3755, %mul3A_3760 : vector<2048xf32>
    %get3A_3762 = arith.constant 122 : index
    %get3A_3763 = arith.constant 0 : index
    %get3A_3764 = vector.load %arg8[%get3A_3762, %get3A_3763] : memref<128x2048xf32, #tpu.memory_space<vmem>>, vector<1x2048xf32>
    %get3A_3765 = vector.shape_cast %get3A_3764 : vector<1x2048xf32> to vector<2048xf32>
    %mul3A_3766 = arith.mulf %get3A_3765, %div3A_2220 : vector<2048xf32>
    %add3A_3767 = arith.addf %add3A_3761, %mul3A_3766 : vector<2048xf32>
    %get3A_3768 = arith.constant 123 : index
    %get3A_3769 = arith.constant 0 : index
    %get3A_3770 = vector.load %arg8[%get3A_3768, %get3A_3769] : memref<128x2048xf32, #tpu.memory_space<vmem>>, vector<1x2048xf32>
    %get3A_3771 = vector.shape_cast %get3A_3770 : vector<1x2048xf32> to vector<2048xf32>
    %mul3A_3772 = arith.mulf %get3A_3771, %div3A_2225 : vector<2048xf32>
    %add3A_3773 = arith.addf %add3A_3767, %mul3A_3772 : vector<2048xf32>
    %swap3A_3774 = arith.constant 30 : index
    %swap3A_3775 = arith.constant 0 : index
    %swap3A_3776 = vector.load %arg6[%swap3A_3774, %swap3A_3775] : memref<32x2048xf32, #tpu.memory_space<vmem>>, vector<1x2048xf32>
    %swap3A_3777 = vector.shape_cast %swap3A_3776 : vector<1x2048xf32> to vector<2048xf32>
    %swap3A_3778 = vector.shape_cast %add3A_3773 : vector<2048xf32> to vector<1x2048xf32>
    tpu.vector_store %arg6[%swap3A_3774, %swap3A_3775], %swap3A_3778 {strides = array<i32>} : memref<32x2048xf32, #tpu.memory_space<vmem>>, vector<1x2048xf32>,
    %convert_element_type3A_3779 = arith.fptosi %floor3A_402 : vector<2048xf32> to vector<2048xi32>
    %jit3A_3780 = arith.constant 0 : i32
    %jit3A_3781 = arith.constant 4095 : i32
    %max3A_3782 = vector.broadcast %jit3A_3780 : i32 to vector<2048xi32>
    %max3A_3783 = arith.maxsi %max3A_3782, %convert_element_type3A_3779 : vector<2048xi32>
    %min3A_3784 = vector.broadcast %jit3A_3781 : i32 to vector<2048xi32>
    %min3A_3785 = arith.minsi %min3A_3784, %max3A_3783 : vector<2048xi32>
    %convert_element_type3A_3786 = arith.fptosi %floor3A_408 : vector<2048xf32> to vector<2048xi32>
    %jit3A_3787 = arith.constant 0 : i32
    %jit3A_3788 = arith.constant 4095 : i32
    %max3A_3789 = vector.broadcast %jit3A_3787 : i32 to vector<2048xi32>
    %max3A_3790 = arith.maxsi %max3A_3789, %convert_element_type3A_3786 : vector<2048xi32>
    %min3A_3791 = vector.broadcast %jit3A_3788 : i32 to vector<2048xi32>
    %min3A_3792 = arith.minsi %min3A_3791, %max3A_3790 : vector<2048xi32>
    %shift_left3A_3793 = arith.constant 12 : i32
    %shift_left3A_3794 = vector.broadcast %shift_left3A_3793 : i32 to vector<2048xi32>
    %shift_left3A_3795 = arith.shli %min3A_3785, %shift_left3A_3794 : vector<2048xi32>
    %or3A_3796 = arith.ori %shift_left3A_3795, %min3A_3792 : vector<2048xi32>
    %swap3A_3797 = arith.constant 30 : index
    %swap3A_3798 = arith.constant 0 : index
    %swap3A_3799 = vector.load %arg7[%swap3A_3797, %swap3A_3798] : memref<32x2048xi32, #tpu.memory_space<vmem>>, vector<1x2048xi32>
    %swap3A_3800 = vector.shape_cast %swap3A_3799 : vector<1x2048xi32> to vector<2048xi32>
    %swap3A_3801 = vector.shape_cast %or3A_3796 : vector<2048xi32> to vector<1x2048xi32>
    tpu.vector_store %arg7[%swap3A_3797, %swap3A_3798], %swap3A_3801 {strides = array<i32>} : memref<32x2048xi32, #tpu.memory_space<vmem>>, vector<1x2048xi32>,
    %get3A_3802 = arith.constant 124 : index
    %get3A_3803 = arith.constant 0 : index
    %get3A_3804 = vector.load %arg8[%get3A_3802, %get3A_3803] : memref<128x2048xf32, #tpu.memory_space<vmem>>, vector<1x2048xf32>
    %get3A_3805 = vector.shape_cast %get3A_3804 : vector<1x2048xf32> to vector<2048xf32>
    %mul3A_3806 = arith.mulf %get3A_3805, %div3A_2210 : vector<2048xf32>
    %get3A_3807 = arith.constant 125 : index
    %get3A_3808 = arith.constant 0 : index
    %get3A_3809 = vector.load %arg8[%get3A_3807, %get3A_3808] : memref<128x2048xf32, #tpu.memory_space<vmem>>, vector<1x2048xf32>
    %get3A_3810 = vector.shape_cast %get3A_3809 : vector<1x2048xf32> to vector<2048xf32>
    %mul3A_3811 = arith.mulf %get3A_3810, %div3A_2215 : vector<2048xf32>
    %add3A_3812 = arith.addf %mul3A_3806, %mul3A_3811 : vector<2048xf32>
    %get3A_3813 = arith.constant 126 : index
    %get3A_3814 = arith.constant 0 : index
    %get3A_3815 = vector.load %arg8[%get3A_3813, %get3A_3814] : memref<128x2048xf32, #tpu.memory_space<vmem>>, vector<1x2048xf32>
    %get3A_3816 = vector.shape_cast %get3A_3815 : vector<1x2048xf32> to vector<2048xf32>
    %mul3A_3817 = arith.mulf %get3A_3816, %div3A_2220 : vector<2048xf32>
    %add3A_3818 = arith.addf %add3A_3812, %mul3A_3817 : vector<2048xf32>
    %get3A_3819 = arith.constant 127 : index
    %get3A_3820 = arith.constant 0 : index
    %get3A_3821 = vector.load %arg8[%get3A_3819, %get3A_3820] : memref<128x2048xf32, #tpu.memory_space<vmem>>, vector<1x2048xf32>
    %get3A_3822 = vector.shape_cast %get3A_3821 : vector<1x2048xf32> to vector<2048xf32>
    %mul3A_3823 = arith.mulf %get3A_3822, %div3A_2225 : vector<2048xf32>
    %add3A_3824 = arith.addf %add3A_3818, %mul3A_3823 : vector<2048xf32>
    %swap3A_3825 = arith.constant 31 : index
    %swap3A_3826 = arith.constant 0 : index
    %swap3A_3827 = vector.load %arg6[%swap3A_3825, %swap3A_3826] : memref<32x2048xf32, #tpu.memory_space<vmem>>, vector<1x2048xf32>
    %swap3A_3828 = vector.shape_cast %swap3A_3827 : vector<1x2048xf32> to vector<2048xf32>
    %swap3A_3829 = vector.shape_cast %add3A_3824 : vector<2048xf32> to vector<1x2048xf32>
    tpu.vector_store %arg6[%swap3A_3825, %swap3A_3826], %swap3A_3829 {strides = array<i32>} : memref<32x2048xf32, #tpu.memory_space<vmem>>, vector<1x2048xf32>,
    %convert_element_type3A_3830 = arith.fptosi %floor3A_414 : vector<2048xf32> to vector<2048xi32>
    %jit3A_3831 = arith.constant 0 : i32
    %jit3A_3832 = arith.constant 4095 : i32
    %max3A_3833 = vector.broadcast %jit3A_3831 : i32 to vector<2048xi32>
    %max3A_3834 = arith.maxsi %max3A_3833, %convert_element_type3A_3830 : vector<2048xi32>
    %min3A_3835 = vector.broadcast %jit3A_3832 : i32 to vector<2048xi32>
    %min3A_3836 = arith.minsi %min3A_3835, %max3A_3834 : vector<2048xi32>
    %convert_element_type3A_3837 = arith.fptosi %floor3A_420 : vector<2048xf32> to vector<2048xi32>
    %jit3A_3838 = arith.constant 0 : i32
    %jit3A_3839 = arith.constant 4095 : i32
    %max3A_3840 = vector.broadcast %jit3A_3838 : i32 to vector<2048xi32>
    %max3A_3841 = arith.maxsi %max3A_3840, %convert_element_type3A_3837 : vector<2048xi32>
    %min3A_3842 = vector.broadcast %jit3A_3839 : i32 to vector<2048xi32>
    %min3A_3843 = arith.minsi %min3A_3842, %max3A_3841 : vector<2048xi32>
    %shift_left3A_3844 = arith.constant 12 : i32
    %shift_left3A_3845 = vector.broadcast %shift_left3A_3844 : i32 to vector<2048xi32>
    %shift_left3A_3846 = arith.shli %min3A_3836, %shift_left3A_3845 : vector<2048xi32>
    %or3A_3847 = arith.ori %shift_left3A_3846, %min3A_3843 : vector<2048xi32>
    %swap3A_3848 = arith.constant 31 : index
    %swap3A_3849 = arith.constant 0 : index
    %swap3A_3850 = vector.load %arg7[%swap3A_3848, %swap3A_3849] : memref<32x2048xi32, #tpu.memory_space<vmem>>, vector<1x2048xi32>
    %swap3A_3851 = vector.shape_cast %swap3A_3850 : vector<1x2048xi32> to vector<2048xi32>
    %swap3A_3852 = vector.shape_cast %or3A_3847 : vector<2048xi32> to vector<1x2048xi32>
    tpu.vector_store %arg7[%swap3A_3848, %swap3A_3849], %swap3A_3852 {strides = array<i32>} : memref<32x2048xi32, #tpu.memory_space<vmem>>, vector<1x2048xi32>,
    return
  }
  func.func @transform_0(%arg0: i32) -> (i32, i32) {
    %c0_i32 = arith.constant 0 : i32
    %c0_i32_0 = arith.constant 0 : i32
    return %c0_i32, %arg0 : i32, i32
  }
  func.func @transform_1(%arg0: i32) -> (i32, i32) {
    %c0_i32 = arith.constant 0 : i32
    %c0_i32_0 = arith.constant 0 : i32
    return %c0_i32, %arg0 : i32, i32
  }
  func.func @transform_2(%arg0: i32) -> (i32, i32) {
    %c0_i32 = arith.constant 0 : i32
    %c0_i32_0 = arith.constant 0 : i32
    return %c0_i32, %arg0 : i32, i32
  }
  func.func @transform_3(%arg0: i32) -> (i32, i32) {
    %c0_i32 = arith.constant 0 : i32
    %c0_i32_0 = arith.constant 0 : i32
    return %c0_i32, %arg0 : i32, i32
  }
  func.func @transform_4(%arg0: i32) -> (i32, i32) {
    %c0_i32 = arith.constant 0 : i32
    %c0_i32_0 = arith.constant 0 : i32
    return %c0_i32, %arg0 : i32, i32
  }
  func.func @transform_5(%arg0: i32) -> (i32, i32) {
    %c0_i32 = arith.constant 0 : i32
    %c0_i32_0 = arith.constant 0 : i32
    return %c0_i32, %arg0 : i32, i32
  }
  func.func @transform_6(%arg0: i32) -> (i32, i32) {
    %c0_i32 = arith.constant 0 : i32
    %c0_i32_0 = arith.constant 0 : i32
    return %c0_i32, %arg0 : i32, i32
  }
}

</mosaic_0001>

<sc_bundles>
// kernel: kernel.4.cloned.1.call-start
scs
__scs_entry_jumppad:
0x0: {  	(pc) =	sbr.rel $0x88, $3  }
0x1: {  	(tag) =	ssettag $0x0;
	lr =	simm.s32 $0x1  }
0x2: {  	[smem:$0x3F9C] =	sst lr;
	_ =	strace $0xD0000000  }
0x3: {  	_ = 	snop  }
0x4: {  	_ = 	snop  }
0x5: {  	_ = 	snop  }
0x6: {  	_ = 	snop  }
0x7: {  	_ = 	snop  }
__scs_overlays_trampoline_lowered:
0x8: {  	[smem:$0x3FAB] =	sst s0  }
0x9: {  	[smem:$0x3FAC] =	sst s1  }
0xa: {  	[smem:$0x3FAD] =	sst s2  }
0xb: {  	[smem:$0x3FAE] =	sst s3  }
0xc: {  	[smem:$0x3FAF] =	sst s4  }
0xd: {  	[smem:$0x3FB0] =	sst s5  }
0xe: {  	[smem:$0x3FB1] =	sst s6  }
0xf: {  	[smem:$0x3FB2] =	sst s7  }
0x10: {  	[smem:$0x3FB3] =	sst s8  }
0x11: {  	[smem:$0x3FB4] =	sst s9;
	s0 =	simm.s32 @!p0 $0x0  }
0x12: {  	s1 =	sld [smem:$0x3F9A];
	s0 =	simm.s32 @p0 $0x1  }
0x13: {  	[smem:$0x3FB5] =	sst s0;
	s0 =	simm.s32 @!p1 $0x0  }
0x14: {  	s2 =	sld [smem:$0x3F99];
	s0 =	simm.s32 @p1 $0x1  }
0x15: {  	[smem:$0x3FB6] =	sst s0;
	s0 =	simm.s32 @!p2 $0x0  }
0x16: {  	s3 =	sld [smem:$0x3FDB];
	s0 =	simm.s32 @p2 $0x1  }
0x17: {  	s4 =	simm.s32 $0x1BF5;
	[smem:$0x3FB8] =	sst s0  }
0x18: {  	s0 =	sld [smem:$0x3F9B];
	_ =	swait.ge [sflag:s4], $0x0  }
0x19: {  	s7 =	sld [smem:$0x3F9C]  }
0x1a: {  	s8 =	sadd.s32 $0xFFFFE003, lr  }
0x1b: {  	s9 =	sadd.s32 $0xFFFFFEF7, lr;
	s5 =	simm.s32 $0xFFFFFFFF;
	p2 =	slt.u32 s8, $0xFFFFF086  }
0x1c: {  	p1 =	slt.u32 s9, $0xF7A;
	s5 =	simm.s32 @!p2 $0x0  }
0x1d: {  	s5 =	simm.s32 @p1 $0x1;
	p0 =	seq.s32 s7, s2  }
0x1e: {  	s7 =	smul.u32 @!p0 $0xF7A, s2;
	p2 =	seq.s32 @!p0 s5, $0x0  }
0x1f: {  	s9 =	smul.u32 $0xF7A, s1;
	s8 =	simm.s32 @!p0 $0x1BF5;
	p2 =	por !p2, p0  }
0x20: {  	[sflag:s8] =	ssyncset.s32 @!p0 $0xFFFFF086;
	s6 =	sadd.s32 @!p0 s3, s7;
	s7 =	simm.s32 @!p0 $0x108  }
0x21: {  	s3 =	sadd.s32 s3, s9;
	s6 =	sadd.s32 @!p0 $0x88, s6;
	s7 =	simm.s32 @p2 $0x1082  }
0x22: {  	[simem:s7], [sflag:s8] =	dma.local @!p0 [hbm:s6], $0xF7A  }
0x23: {  	s9 =	sor.u32 $0xD0000000, s2;
	s6 =	simm.s32 $0x108;
	_ =	swait.ge @!p0 [sflag:s8], $0x0  }
0x24: {  	s3 =	sadd.s32 $0x88, s3;
	s6 =	simm.s32 @!p1 $0x1082;
	[sflag:s4] =	ssyncset.s32 $0xFFFFF086  }
0x25: {  	[simem:s6], [sflag:s4] =	dma.local [hbm:s3], $0xF7A  }
0x26: {  	[smem:$0x3F9C] =	sst s1;
	(tag) =	ssettag s2;
	_ =	strace s9  }
0x27: {  	s1 =	sld [smem:$0x3FAC]  }
0x28: {  	s2 =	sld [smem:$0x3FAD]  }
0x29: {  	s4 =	sld [smem:$0x3FAF]  }
0x2a: {  	p0 =	seq.s32 s5, $0x0;
	s5 =	sld [smem:$0x3FB0]  }
0x2b: {  	s6 =	sld [smem:$0x3FB1]  }
0x2c: {  	s7 =	sld [smem:$0x3FB2]  }
0x2d: {  	s3 =	simm.s32 $0x108;
	s8 =	sld [smem:$0x3FB3]  }
0x2e: {  	s3 =	simm.s32 @!p0 $0x1082;
	s9 =	sld [smem:$0x3FB4]  }
0x2f: {  	lr =	sadd.s32 s0, s3;
	s0 =	sld [smem:$0x3FAB]  }
0x30: {  	s3 =	sld [smem:$0x3FAE]  }
0x31: {  	[smem:$0x3FB7] =	sst s10  }
0x32: {  	s10 =	sld [smem:$0x3FB5];
	_ =	sdelay $0x3  }
0x33: {  	p0 =	seq.s32 s10, $0x1;
	s10 =	sld [smem:$0x3FB7];
	_ =	sdelay $0x3  }
0x34: {  	[smem:$0x3FB7] =	sst s10  }
0x35: {  	s10 =	sld [smem:$0x3FB6];
	_ =	sdelay $0x3  }
0x36: {  	p1 =	seq.s32 s10, $0x1;
	s10 =	sld [smem:$0x3FB7];
	_ =	sdelay $0x3  }
0x37: {  	[smem:$0x3FB7] =	sst s10  }
0x38: {  	s10 =	sld [smem:$0x3FB8]  }
0x39: {  	_ = 	snop;
	(pc) =	sbr.ind lr, $3  }
0x3a: {  	_ = 	snop  }
0x3b: {  	_ = 	snop  }
0x3c: {  	p2 =	seq.s32 s10, $0x1;
	s10 =	sld [smem:$0x3FB7]  }
0x3d: {  	_ =	shalt  }
0x3e: {  	_ =	shalt  }
0x3f: {  	_ =	shalt  }
0x40: {  	_ =	shalt  }
0x41: {  	_ =	shalt  }
0x42: {  	_ =	shalt  }
0x43: {  	_ =	shalt  }
0x44: {  	_ =	shalt  }
0x45: {  	_ =	shalt  }
0x46: {  	_ =	shalt  }
0x47: {  	_ =	shalt  }
0x48: {  	_ =	shalt  }
0x49: {  	_ =	shalt  }
0x4a: {  	_ =	shalt  }
0x4b: {  	_ =	shalt  }
0x4c: {  	_ =	shalt  }
0x4d: {  	_ =	shalt  }
0x4e: {  	_ =	shalt  }
0x4f: {  	_ =	shalt  }
0x50: {  	_ =	shalt  }
0x51: {  	_ =	shalt  }
0x52: {  	_ =	shalt  }
0x53: {  	_ =	shalt  }
0x54: {  	_ =	shalt  }
0x55: {  	_ =	shalt  }
0x56: {  	_ =	shalt  }
0x57: {  	_ =	shalt  }
0x58: {  	_ =	shalt  }
0x59: {  	_ =	shalt  }
0x5a: {  	_ =	shalt  }
0x5b: {  	_ =	shalt  }
0x5c: {  	_ =	shalt  }
0x5d: {  	_ =	shalt  }
0x5e: {  	_ =	shalt  }
0x5f: {  	_ =	shalt  }
0x60: {  	_ =	shalt  }
0x61: {  	_ =	shalt  }
0x62: {  	_ =	shalt  }
0x63: {  	_ =	shalt  }
0x64: {  	_ =	shalt  }
0x65: {  	_ =	shalt  }
0x66: {  	_ =	shalt  }
0x67: {  	_ =	shalt  }
0x68: {  	_ =	shalt  }
0x69: {  	_ =	shalt  }
0x6a: {  	_ =	shalt  }
0x6b: {  	_ =	shalt  }
0x6c: {  	_ =	shalt  }
0x6d: {  	_ =	shalt  }
0x6e: {  	_ =	shalt  }
0x6f: {  	_ =	shalt  }
0x70: {  	_ =	shalt  }
0x71: {  	_ =	shalt  }
0x72: {  	_ =	shalt  }
0x73: {  	_ =	shalt  }
0x74: {  	_ =	shalt  }
0x75: {  	_ =	shalt  }
0x76: {  	_ =	shalt  }
0x77: {  	_ =	shalt  }
0x78: {  	_ =	shalt  }
0x79: {  	_ =	shalt  }
0x7a: {  	_ =	shalt  }
0x7b: {  	_ =	shalt  }
0x7c: {  	_ =	shalt  }
0x7d: {  	_ =	shalt  }
0x7e: {  	_ =	shalt  }
0x7f: {  	_ =	shalt  }
0x80: {  	_ =	shalt  }
0x81: {  	_ =	shalt  }
0x82: {  	_ =	shalt  }
0x83: {  	_ =	shalt  }
0x84: {  	_ =	shalt  }
0x85: {  	_ =	shalt  }
0x86: {  	_ =	shalt  }
0x87: {  	_ =	shalt  }
.Lfunc_end0:
.L_simem_size_0:
called_computation_lowered:
.L_overlay_start_0:
0x88: {  	s2 =	sld [smem:$0x3FD9]  }
0x89: {  	s3 =	sld [smem:$0x3FFE];
	_ =	sdelay $0x1  }
0x8a: {  	s1 =	srdreg.scid  }
0x8b: {  	s0 =	sand.u32 $0x1, s1  }
0x8c: {  	s17 =	sshll.u32 s0, $0xA;
	s2 =	sadd.s32 s3, s2  }
0x8d: {  	s2 =	sadd.s32 s2, s17  }
0x8e: {  	[smem:$0x3FC3] =	sst s2  }
0x8f: {  	_ = 	snop  }
0x90: {  	s2 =	sld [smem:$0x3FC9]  }
0x91: {  	s18 =	sld [smem:$0x3FD0];
	(tm) =	ssettm $0x1  }
0x92: {  	s4 =	sld [smem:$0x3FFB];
	_ =	sdelay $0x3  }
0x93: {  	_ =	strace s4  }
0x94: {  	s4 =	sld [smem:$0x3FFC];
	_ =	sdelay $0x3  }
0x95: {  	_ =	strace s4  }
0x96: {  	s4 =	sld [smem:$0x3FFD];
	_ =	sdelay $0x3  }
0x97: {  	_ =	strace s4  }
0x98: {  	_ =	strace $0x8FFFFFFF  }
0x99: {  	s19 =	sld [smem:$0x3FDB];
	_ =	sdelay $0x1  }
0x9a: {  	s5 =	simm.s32 $_scs_section_size  }
0x9b: {  	s6 =	simm.s32 $_size__tile_overlayer_lowered;
	s7 =	simm.s32 $_tile_overlayer_lowered  }
0x9c: {  	s22 =	simm.s32 $0x1BFF;
	s21 =	sshll.u32 s7, $0x1;
	s4 =	sadd.s32 s5, s19  }
0x9d: {  	s8 =	simm.s32 $0x0;
	s20 =	sshll.u32 s6, $0x1;
	s6 =	sadd.s32 s21, s4  }
0x9e: {  	[timem:s8], [sflag:s22] =	dma.local [hbm:s6], s20  }
0x9f: {  	_ =	swait.ge [sflag:s22], s20  }
0xa0: {  	s5 =	ssub.s32 $0x0, s20;
	[sflag:s22] =	ssyncset.done $0x0  }
0xa1: {  	[sflag:s22] =	ssyncadd.s32 s5;
	_ =	sdelay $0x1  }
0xa2: {  	s23 =	simm.s32 $0x1B8B  }
0xa3: {  	_ =	swait.ge [sflag:s23], $0x1  }
0xa4: {  	[sflag:s23] =	ssyncset.done $0x0  }
0xa5: {  	s25 =	simm.s32 $0x1B8E;
	s24 =	sld [smem:$0x3FFE];
	[sflag:s23] =	ssyncadd.s32 $0xFFFFFFFF  }
0xa6: {  	s26 =	simm.s32 $execute0_lowered;
	[smem:$0x3FD2] =	sst s25  }
0xa7: {  	s6 =	sshll.u32 s26, $0x1;
	_ =	strace $0x80000046;
	[dreg:$0x1] =	wrdreg $0xFFFFFFFF  }
0xa8: {  	s28 =	simm.s32 $_size_execute0_lowered;
	s4 =	sadd.s32 s4, s6;
	[dreg:$0x0] =	wrdreg $0x0  }
0xa9: {  	s6 =	sshll.u32 s28, $0x1;
	[dreg:$0x2] =	wrdreg s4  }
0xaa: {  	[dreg:$0x3] =	wrdreg s6  }
0xab: {  	[dreg:$0x4] =	wrdreg $0xC0  }
0xac: {  	_ =	task [dreg:s8], $0x5FFFF  }
0xad: {  	[dreg:$0x1] =	wrdreg $0xFFFFFFFF  }
0xae: {  	[dreg:$0x0] =	wrdreg $0x60  }
0xaf: {  	[dreg:$0x2] =	wrdreg s2  }
0xb0: {  	[dreg:$0x3] =	wrdreg s24  }
0xb1: {  	[dreg:$0x4] =	wrdreg s18  }
0xb2: {  	[dreg:$0x5] =	wrdreg $0x120800  }
0xb3: {  	[dreg:$0x6] =	wrdreg $0x9  }
0xb4: {  	_ =	task.clear_ibuf [dreg:s8], $0x7FFFF;
	_ =	strace $0x90000046  }
0xb5: {  	s29 =	simm.s32 $0x9;
	_ =	strace $0x80000048  }
0xb6: {  	_ =	swait.ge [sflag:s29], $0x1  }
0xb7: {  	[sflag:s29] =	ssyncadd.s32 $0xFFFFFFFF  }
0xb8: {  	_ =	strace $0x90000048  }
0xb9: {  	_ =	sfence  }
0xba: {  	s30 =	sld [smem:$0x0];
	_ =	sdelay $0x2  }
0xbb: {  	s31 =	sshll.u32 s1, $0xD;
	s1 =	sshrl.u32 s1, $0x2  }
0xbc: {  	s3 =	sand.u32 $0x4000, s31;
	s1 =	sadd.s32 s1, s30  }
0xbd: {  	s0 =	sor.u32 s3, s0;
	s1 =	sshll.u32 s1, $0x11  }
0xbe: {  	s0 =	sor.u32 s1, s0  }
0xbf: {  	s0 =	sadd.s32 $0x8F2B, s0  }
0xc0: {  	[sflag:s0] =	ssyncadd.remote.s32 $0x1  }
0xc1: {  	_ =	sfence.sel $0xFFFF  }
0xc2: {  	[dreg:$0x0] =	wrdreg $0xFFFFFFFF;
	(pc) =	sbr.abs _section_cstart, $3  }
0xc3: {  	[dreg:$0x1] =	wrdreg $0xFFFFFFFF  }
0xc4: {  	_ =	task.clear_ibuf [dreg:s8], $0x2FFFF;
	_ =	strace $0x9FFFFFFF  }
0xc5: {  	(tm) =	ssettm $0x7FFFFFFF  }
tec
execute0_lowered:
.L_overlay_start_1:
0x0: {  	(tag) =	ssettag $0x1  }
0x1: {  	s5 =	rddreg [dreg:$0x0]  }
0x2: {  	s4 =	rddreg [dreg:$0x1]  }
0x3: {  	s1 =	rddreg [dreg:$0x2];
	s0 =	srdreg.scid  }
0x4: {  	s2 =	rddreg [dreg:$0x3];
	s26 =	stileid.u32  }
0x5: {  	s3 =	simm.s32 $0x0;
	s28 =	simm.s32 $0x6000;
	s29 =	simm.s32 $0xE000  }
0x6: {  	s30 =	simm.s32 $0x8000;
	s31 =	simm.s32 $0x10000;
	s6 =	sand.u32 $0x1, s0  }
0x7: {  	s8 =	sand.u32 $0x7, s26;
	[smem:$0x7FF] =	sst s3;
	s12 =	sadd.s32 $0x21400, s4  }
0x8: {  	s13 =	sadd.s32 $0x1400, s4;
	s17 =	sshll.u32 s26, $0x11;
	s11 =	sshll.u32 s26, $0x9  }
0x9: {  	p2 =	seq.s32 s26, $0x0;
	p3 =	seq.s32 s26, $0x1;
	p4 =	seq.s32 s26, $0x2  }
0xa: {  	p5 =	seq.s32 s26, $0x3;
	s0 =	simm.s32 $0x2;
	s7 =	sshll.u32 s6, $0x4  }
0xb: {  	p1 =	sne.s32 s8, $0x0;
	_ =	strace $0x80000047;
	s7 =	sor.u32 s26, s7  }
0xc: {  	s8 =	simm.s32 $0x1;
	s9 =	sshll.u32 s6, $0xB;
	p0 =	seq.s32 s7, $0x0  }
0xd: {  	s6 =	ssub.s32 $0x2, s6;
	s19 =	sand.u32 $0x200, s11;
	p0 =	por !p1, !p0  }
0xe: {  	s15 =	sadd.s32 s9, s4;
	s16 =	sshrl.u32 s6, $0x1;
	p0 =	por !p0, !p0  }
0xf: {  	s4 =	simm.s32 $0x1;
	s7 =	sshrl.u32 s7, $0x3;
	s8 =	simm.s32 @!p0 $0x0  }
0x10: {  	s16 =	ssub.s32 s6, s16;
	p1 =	sgt.s32 s26, $0x1;
	s14 =	ssub.s32 s7, s8  }
0x11: {  	s8 =	sand.u32 $0xC0000, s17;
	s7 =	sshll.u32 s14, $0xC;
	s18 =	sshll.u32 s14, $0x7  }
0x12: {  	s10 =	sshll.u32 s14, $0x10;
	s7 =	sand.u32 $0xFFFFC000, s7;
	s9 =	sand.u32 $0x180, s18  }
0x13: {  	p0 =	sne.s32 s26, $0x0;
	s8 =	sadd.s32 s8, s10;
	s20 =	sor.u32 s9, s7  }
0x14: {  	s21 =	sor.u32 s19, s8;
	s19 =	simm.s32 $0x400;
	s6 =	sshrl.u32 s20, $0x3  }
0x15: {  	s22 =	sshrl.u32 s21, $0x3;
	s21 =	sadd.s32 $0x3000, s2;
	s5 =	sadd.s32 s5, s6  }
0x16: {  	s6 =	sadd.s32 s12, s22;
	s23 =	sor.u32 $0x10, s22;
	s7 =	sadd.s32 s13, s22  }
0x17: {  	s17 =	sor.u32 $0x20, s22;
	s18 =	sor.u32 $0x30, s22;
	s22 =	sadd.s32 $0x2000, s2  }
0x18: {  	s26 =	sshrl.u32 s21, $0x3;
	s21 =	simm.s32 $0x20;
	s8 =	sadd.s32 s12, s23  }
0x19: {  	s9 =	sadd.s32 s13, s23;
	s10 =	sadd.s32 s12, s17;
	s11 =	sadd.s32 s13, s17  }
0x1a: {  	s12 =	sadd.s32 s12, s18;
	s17 =	sshll.u32 s14, $0x5;
	s13 =	sadd.s32 s13, s18  }
0x1b: {  	s23 =	sadd.s32 $0x1000, s2;
	s14 =	sadd.s32 $0x41400, s15;
	s15 =	smax.u32 s16, $0x1  }
0x1c: {  	s16 =	simm.s32 $0x80;
	s18 =	simm.s32 $0x1000;
	s25 =	sshrl.u32 s22, $0x3  }
0x1d: {  	[dreg:$0x7] =	wrdreg s26;
	s26 =	simm.s32 $0xC000;
	s22 =	simm.s32 $0x12000  }
0x1e: {  	v1 =	vlaneseq.u32;
	s20 =	sor.u32 $0x10, s17;
	s24 =	sshrl.u32 s23, $0x3;
	[dreg:$0x6] =	wrdreg s25  }
0x1f: {  	s25 =	simm.s32 $0x4000;
	v0 =	vor.u32 s17, v1;
	s23 =	simm.s32 $0x0;
	[dreg:$0x5] =	wrdreg s24;
	v1 =	vor.u32 s20, v1  }
.LBB2_1:
0x20: {  	s17 =	simm.s32 $0x200  }
0x21: {  	[tilespmem:s3], [sflag:$0x1] =	stream.strided.gather [hbm4b:s5+s16], $0x1000, s17, s16, $0x38;
	[tilespmem:$0x12480] =	vst v63  }
0x22: {  	_ = 	snop  }
0x23: {  	[tilespmem:s18], [sflag:$0x1] =	stream.linear.gather [hbm4b:s1+s3], $0x1000, $0x38;
	[tilespmem:$0x12480] =	vst v63  }
0x24: {  	s20 =	simm.s32 $0x2000  }
0x25: {  	[tilespmem:s20], [sflag:$0x1] =	stream.strided.gather [hbm4b:s6+s16], $0x2000, s19, s16, $0x38;
	[tilespmem:$0x12480] =	vst v63  }
0x26: {  	s24 =	simm.s32 $0xA000  }
0x27: {  	[tilespmem:s24], [sflag:$0x1] =	stream.strided.gather [hbm4b:s7+s16], $0x2000, s19, s16, $0x38;
	[tilespmem:$0x12480] =	vst v63  }
0x28: {  	_ = 	snop  }
0x29: {  	[tilespmem:s25], [sflag:$0x1] =	stream.strided.gather [hbm4b:s8+s16], $0x2000, s19, s16, $0x38;
	[tilespmem:$0x12480] =	vst v63  }
0x2a: {  	_ = 	snop  }
0x2b: {  	[tilespmem:s26], [sflag:$0x1] =	stream.strided.gather [hbm4b:s9+s16], $0x2000, s19, s16, $0x38;
	[tilespmem:$0x12480] =	vst v63  }
0x2c: {  	_ = 	snop  }
0x2d: {  	[tilespmem:s28], [sflag:$0x1] =	stream.strided.gather [hbm4b:s10+s16], $0x2000, s19, s16, $0x38;
	[tilespmem:$0x12480] =	vst v63  }
0x2e: {  	_ = 	snop  }
0x2f: {  	[tilespmem:s29], [sflag:$0x1] =	stream.strided.gather [hbm4b:s11+s16], $0x2000, s19, s16, $0x38;
	[tilespmem:$0x12480] =	vst v63  }
0x30: {  	_ = 	snop  }
0x31: {  	[tilespmem:s30], [sflag:$0x1] =	stream.strided.gather [hbm4b:s12+s16], $0x2000, s19, s16, $0x38;
	[tilespmem:$0x12480] =	vst v63  }
.Ltmp0:
0x32: {  	_ = 	snop;
	(pc) =	sbr.rel @p1 .LBB2_5-.Ltmp0, $4  }
0x33: {  	_ = 	snop  }
0x34: {  	[tilespmem:s31], [sflag:$0x1] =	stream.strided.gather [hbm4b:s13+s16], $0x2000, s19, s16, $0x38;
	[tilespmem:$0x12480] =	vst v63  }
0x35: {  	[tilespmem:$0x12000] =	vst v0  }
0x36: {  	[tilespmem:$0x12010] =	vst v1  }
.Ltmp1:
0x37: {  	(pc) =	sbr.rel @p2 .LBB2_8-.Ltmp1, $1  }
0x38: {  	_ =	sdelay $0x3  }
.Ltmp2:
0x39: {  	(pc) =	sbr.rel @!p3 .LBB2_11-.Ltmp2, $1  }
0x3a: {  	_ =	sdelay $0x3  }
.Ltmp3:
0x3b: {  	(pc) =	sbr.rel .LBB2_10-.Ltmp3, $3  }
0x3c: {  	_ =	sdelay $0x1  }
0x3d: {  	s17 =	rddreg [dreg:$0x5];
	s20 =	simm.s32 $0x1C42  }
0x3e: {  	[spmem:s17], [sflag:s20] =	dma.local [hbm:s1], $0x200  }
.LBB2_5:
.Ltmp4:
0x3f: {  	(pc) =	sbr.rel @p4 .LBB2_9-.Ltmp4, $1  }
0x40: {  	_ =	sdelay $0x3  }
.Ltmp5:
0x41: {  	(pc) =	sbr.rel @!p5 .LBB2_11-.Ltmp5, $1  }
0x42: {  	_ =	sdelay $0x3  }
.Ltmp6:
0x43: {  	(pc) =	sbr.rel .LBB2_10-.Ltmp6, $3  }
0x44: {  	_ =	sdelay $0x1  }
0x45: {  	s17 =	rddreg [dreg:$0x7];
	s20 =	simm.s32 $0x1CC2  }
0x46: {  	[spmem:s17], [sflag:s20] =	dma.local [hbm:s1], $0x200  }
.LBB2_8:
.Ltmp7:
0x47: {  	(pc) =	sbr.rel .LBB2_10-.Ltmp7, $3  }
0x48: {  	_ =	sdelay $0x1  }
0x49: {  	s17 =	sshrl.u32 s2, $0x3;
	s20 =	simm.s32 $0x1C02  }
0x4a: {  	[spmem:s17], [sflag:s20] =	dma.local [hbm:s1], $0x200  }
.LBB2_9:
0x4b: {  	s17 =	rddreg [dreg:$0x6];
	s20 =	simm.s32 $0x1C82  }
0x4c: {  	[spmem:s17], [sflag:s20] =	dma.local [hbm:s1], $0x200  }
.LBB2_10:
0x4d: {  	_ =	swait.ge [sflag:s0], $0x200  }
0x4e: {  	[sflag:s0] =	ssyncset.done $0x0  }
0x4f: {  	[sflag:s0] =	ssyncadd.s32 $0xFFFFFE00  }
.LBB2_11:
0x50: {  	_ =	swait.ge [sflag:s4], $0x1000  }
0x51: {  	[sflag:s4] =	ssyncset.done $0x0  }
0x52: {  	[sflag:s4] =	ssyncadd.s32 $0xFFFFF000  }
0x53: {  	_ =	swait.ge [sflag:s4], $0x1000  }
0x54: {  	[sflag:s4] =	ssyncset.done $0x0  }
0x55: {  	[sflag:s4] =	ssyncadd.s32 $0xFFFFF000  }
0x56: {  	_ =	swait.ge [sflag:s4], $0x2000  }
0x57: {  	[sflag:s4] =	ssyncset.done $0x0  }
0x58: {  	[sflag:s4] =	ssyncadd.s32 $0xFFFFE000  }
0x59: {  	_ =	swait.ge [sflag:s4], $0x2000  }
0x5a: {  	[sflag:s4] =	ssyncset.done $0x0  }
0x5b: {  	[sflag:s4] =	ssyncadd.s32 $0xFFFFE000  }
0x5c: {  	_ =	swait.ge [sflag:s4], $0x2000  }
0x5d: {  	[sflag:s4] =	ssyncset.done $0x0  }
0x5e: {  	[sflag:s4] =	ssyncadd.s32 $0xFFFFE000  }
0x5f: {  	_ =	swait.ge [sflag:s4], $0x2000  }
0x60: {  	[sflag:s4] =	ssyncset.done $0x0  }
0x61: {  	[sflag:s4] =	ssyncadd.s32 $0xFFFFE000  }
0x62: {  	_ =	swait.ge [sflag:s4], $0x2000  }
0x63: {  	[sflag:s4] =	ssyncset.done $0x0  }
0x64: {  	[sflag:s4] =	ssyncadd.s32 $0xFFFFE000  }
0x65: {  	_ =	swait.ge [sflag:s4], $0x2000  }
0x66: {  	[sflag:s4] =	ssyncset.done $0x0  }
0x67: {  	[sflag:s4] =	ssyncadd.s32 $0xFFFFE000  }
0x68: {  	_ =	swait.ge [sflag:s4], $0x2000  }
0x69: {  	[sflag:s4] =	ssyncset.done $0x0  }
0x6a: {  	[sflag:s4] =	ssyncadd.s32 $0xFFFFE000  }
0x6b: {  	_ =	swait.ge [sflag:s4], $0x2000  }
0x6c: {  	[sflag:s4] =	ssyncset.done $0x0  }
0x6d: {  	[sflag:s4] =	ssyncadd.s32 $0xFFFFE000  }
0x6e: {  	s17 =	simm.s32 $0x0;
	[bflag:$0x0] =	sbarrier.arrive $0xFFFF  }
0x6f: {  	v2 =	vld [tilespmem:s17+$0x2000];
	_ =	sdelay $0x1  }
0x70: {  	v3 =	vld [tilespmem:s17+$0x2010]  }
0x71: {  	v4 =	vld [tilespmem:s17+$0x2020];
	_ =	sdelay $0x1  }
0x72: {  	v5 =	vld [tilespmem:s17+$0x2030];
	v6 =	vand.u32 $0xFFF, v2;
	_ =	sdelay $0x1  }
0x73: {  	v7 =	vand.u32 $0xFFF, v3  }
0x74: {  	v8 =	vld [tilespmem:s17+$0xA020];
	v9 =	vand.u32 $0xFFF, v4  }
0x75: {  	v12 =	vld [tilespmem:s17+$0xA000]  }
0x76: {  	v11 =	vand.u32 $0xFFF, v5;
	v6 =	vld.idx.msk [tilespmem:v6+s3+$0x0], $0xffff  }
0x77: {  	v10 =	vld [tilespmem:s17+$0xA010]  }
0x78: {  	v2 =	vshrl.u32 v2, $0xC;
	v7 =	vld.idx.msk [tilespmem:v7+s3+$0x0], $0xffff  }
0x79: {  	v9 =	vld.idx.msk [tilespmem:v9+s3+$0x0], $0xffff  }
0x7a: {  	v13 =	vld [tilespmem:s17+$0xA030];
	v3 =	vshrl.u32 v3, $0xC  }
0x7b: {  	v4 =	vshrl.u32 v4, $0xC;
	v11 =	vld.idx.msk [tilespmem:v11+s3+$0x0], $0xffff;
	v6 =	vmul.f32 v6, v12;
	_ =	sdelay $0x1  }
0x7c: {  	v7 =	vmul.f32 v7, v10;
	[tilespmem:v2+s18+$0x0] =	vst.idx.add.f32.msk $0xffff, v6;
	v2 =	vshrl.u32 v5, $0xC  }
0x7d: {  	v63 =	vmul.f32 v9, v8  }
0x7e: {  	[tilespmem:v3+s18+$0x0] =	vst.idx.add.f32.msk $0xffff, v7  }
0x7f: {  	s20 =	simm.s32 $0x200;
	s17 =	simm.s32 $0x100;
	v3 =	vmul.f32 v11, v13;
	[tilespmem:v4+s18+$0x0] =	vst.idx.add.f32.msk $0xffff, v63  }
.LBB2_12:
0x80: {  	p6 =	sne.s32 s20, $0x1FF00  }
0x81: {  	s24 =	sshra.s32 s17, $0x2;
	[tilespmem:v2+s18+$0x0] =	vst.idx.add.f32.msk $0xffff, v3;
	s17 =	smov.u32 s20;
	s20 =	sadd.s32 $0x100, s20  }
0x82: {  	v2 =	vld [tilespmem:s24+$0x2000]  }
0x83: {  	v3 =	vld [tilespmem:s24+$0x2010]  }
0x84: {  	v4 =	vld [tilespmem:s24+$0x2020]  }
0x85: {  	v5 =	vld [tilespmem:s24+$0x2030];
	_ =	sdelay $0x1  }
0x86: {  	v6 =	vand.u32 $0xFFF, v2  }
0x87: {  	v7 =	vand.u32 $0xFFF, v3  }
0x88: {  	v8 =	vld [tilespmem:s24+$0xA020];
	v9 =	vand.u32 $0xFFF, v4  }
0x89: {  	v10 =	vld [tilespmem:s24+$0xA010];
	v11 =	vand.u32 $0xFFF, v5  }
0x8a: {  	v12 =	vld [tilespmem:s24+$0xA000]  }
0x8b: {  	v6 =	vld.idx.msk [tilespmem:v6+s3+$0x0], $0xffff  }
0x8c: {  	v7 =	vld.idx.msk [tilespmem:v7+s3+$0x0], $0xffff  }
0x8d: {  	v9 =	vld.idx.msk [tilespmem:v9+s3+$0x0], $0xffff  }
0x8e: {  	v13 =	vshrl.u32 v2, $0xC;
	v11 =	vld.idx.msk [tilespmem:v11+s3+$0x0], $0xffff  }
0x8f: {  	v3 =	vshrl.u32 v3, $0xC;
	v14 =	vld [tilespmem:s24+$0xA030]  }
0x90: {  	v4 =	vshrl.u32 v4, $0xC  }
.Ltmp8:
0x91: {  	v2 =	vshrl.u32 v5, $0xC;
	v6 =	vmul.f32 v6, v12;
	(pc) =	sbr.rel @p6 .LBB2_12-.Ltmp8, $4  }
0x92: {  	v5 =	vmul.f32 v7, v10  }
0x93: {  	[tilespmem:v13+s18+$0x0] =	vst.idx.add.f32.msk $0xffff, v6;
	v6 =	vmul.f32 v9, v8  }
0x94: {  	[tilespmem:v3+s18+$0x0] =	vst.idx.add.f32.msk $0xffff, v5;
	v3 =	vmul.f32 v11, v14  }
0x95: {  	[tilespmem:v4+s18+$0x0] =	vst.idx.add.f32.msk $0xffff, v6  }
0x96: {  	_ =	sdelay $0x3  }
0x97: {  	s17 =	sshra.s32 s17, $0x2;
	[tilespmem:v2+s18+$0x0] =	vst.idx.add.f32.msk $0xffff, v3  }
0x98: {  	v2 =	vld [tilespmem:s17+$0x2000]  }
0x99: {  	v3 =	vld [tilespmem:s17+$0x2010]  }
0x9a: {  	v4 =	vld [tilespmem:s17+$0x2020]  }
0x9b: {  	v5 =	vld [tilespmem:s17+$0x2030];
	_ =	sdelay $0x1  }
0x9c: {  	v6 =	vand.u32 $0xFFF, v2  }
0x9d: {  	v8 =	vld [tilespmem:s17+$0xA020];
	v7 =	vand.u32 $0xFFF, v3  }
0x9e: {  	v10 =	vld [tilespmem:s17+$0xA010];
	v9 =	vand.u32 $0xFFF, v4  }
0x9f: {  	v12 =	vld [tilespmem:s17+$0xA000];
	v11 =	vand.u32 $0xFFF, v5  }
0xa0: {  	v13 =	vld [tilespmem:s17+$0xA030]  }
0xa1: {  	v6 =	vld.idx.msk [tilespmem:v6+s3+$0x0], $0xffff  }
0xa2: {  	v7 =	vld.idx.msk [tilespmem:v7+s3+$0x0], $0xffff  }
0xa3: {  	v2 =	vshrl.u32 v2, $0xC;
	v9 =	vld.idx.msk [tilespmem:v9+s3+$0x0], $0xffff  }
0xa4: {  	v3 =	vshrl.u32 v3, $0xC;
	v11 =	vld.idx.msk [tilespmem:v11+s3+$0x0], $0xffff  }
0xa5: {  	v4 =	vshrl.u32 v4, $0xC  }
0xa6: {  	v5 =	vshrl.u32 v5, $0xC;
	v6 =	vmul.f32 v6, v12  }
0xa7: {  	v7 =	vmul.f32 v7, v10  }
0xa8: {  	[tilespmem:v2+s18+$0x0] =	vst.idx.add.f32.msk $0xffff, v6;
	v2 =	vmul.f32 v9, v8  }
0xa9: {  	[tilespmem:v3+s18+$0x0] =	vst.idx.add.f32.msk $0xffff, v7;
	v3 =	vmul.f32 v11, v13  }
0xaa: {  	[tilespmem:v4+s18+$0x0] =	vst.idx.add.f32.msk $0xffff, v2  }
0xab: {  	[tilespmem:v5+s18+$0x0] =	vst.idx.add.f32.msk $0xffff, v3  }
0xac: {  	[spmem:s2] =	stream.indirect.scatter.add.f32 [tilespmem:s18], [sflag:$0x2], $0x80, s22, s21, $0xb8;
	[tilespmem:$0x12480] =	vst v63  }
0xad: {  	_ =	swait.ge [sflag:s0], $0x1000  }
0xae: {  	[sflag:s0] =	ssyncset.done $0x0  }
0xaf: {  	s20 =	simm.s32 @!p0 $0x1C02;
	s23 =	sadd.s32 $0x1, s23;
	[sflag:s0] =	ssyncadd.s32 $0xFFFFF000  }
0xb0: {  	s17 =	sshrl.u32 @!p0 s2, $0x3;
	p6 =	sne.s32 s23, s15;
	[bflag:$0x0] =	sbarrier.arrive $0xFFFF  }
0xb1: {  	[hbm:s14], [sflag:s20] =	dma.local @!p0 [spmem:s17], $0x800  }
.Ltmp9:
0xb2: {  	_ = 	snop;
	(pc) =	sbr.rel @p6 .LBB2_1-.Ltmp9, $4  }
0xb3: {  	s17 =	simm.s32 @!p0 $0x2  }
0xb4: {  	_ =	swait.ge @!p0 [sflag:s17], $0x800  }
0xb5: {  	[sflag:s17] =	ssyncset.done @!p0 $0x0  }
0xb6: {  	[sflag:s17] =	ssyncadd.s32 @!p0 $0xFFFFF800  }
0xb7: {  	_ =	sfence.sel $0x180000  }
0xb8: {  	[bflag:$0x0] =	sbarrier.arrive $0xFFFF  }
0xb9: {  	_ =	strace $0x90000047  }
0xba: {  	[bflag:$0x2] =	sbarrier.arrive $0xFFFF  }
0xbb: {  	s0 =	rddreg [dreg:$0x4]  }
0xbc: {  	s0 =	sadd.s32 @!p0 $0x100000, s0  }
0xbd: {  	[sflag:s0] =	ssyncadd.tile.s32 @!p0 $0x1;
	_ =	shalt  }
.Lfunc_end2:
_tile_overlayer_lowered:
.L_overlay_start_2:
0xbe: {  	(tag) =	ssettag $0x2  }
0xbf: {  	s0 =	rddreg [dreg:$0x0];
	s2 =	stileid.u32  }
0xc0: {  	s1 =	rddreg [dreg:$0x1];
	p0 =	sne.s32 s2, $0x0  }
0xc1: {  	s3 =	rddreg [dreg:$0x2];
	[bflag:$0x3] =	sbarrier.arrive $0xFFFF;
	s2 =	simm.s32 @!p0 $0x1C02  }
0xc2: {  	[timem:s3], [sflag:s2] =	dma.local @!p0 [hbm:s0], s1  }
0xc3: {  	s0 =	simm.s32 @!p0 $0x2  }
0xc4: {  	_ =	swait.ge @!p0 [sflag:s0], s1  }
0xc5: {  	s1 =	ssub.s32 @!p0 $0x0, s1;
	[sflag:s0] =	ssyncset.done @!p0 $0x0  }
0xc6: {  	[sflag:s0] =	ssyncadd.s32 @!p0 s1  }
0xc7: {  	[bflag:$0x3] =	sbarrier.arrive $0xFFFF  }
0xc8: {  	_ =	shalt  }

</sc_bundles>
